<compile_context>
chip_gen: v7x
topology: tpu7x:2x2x1
jax: 0.10.2.dev20260603
libtpu: 0.0.44.dev20260713+nightly
codegen_flags: <defaults>
</compile_context>

<pallas_src>
import functools

import jax
import jax.numpy as jnp
import numpy as np
from jax import lax
from jax.experimental import pallas as pl
from jax.experimental.pallas import tpu as pltpu
from jax.experimental.pallas import tpu_sc as plsc

_NUM_CLUSTERS = 1000
_NUM_OBS = 2048
_C_PAD = 1024
_ROWS = 2 * 8 * _NUM_OBS

_SC_CORES = 2
_SC_SUBCORES = 16
_SC_LANES = 16
_SC_WORKERS = _SC_CORES * _SC_SUBCORES

_SC_ROWS = 8192
_TC_ROWS = _ROWS - _SC_ROWS
_SC_ROWS_PER_WORKER = _SC_ROWS // _SC_WORKERS
_C_CHUNKS = 63

_CH = 128
_CHUNKS = 16
_RB = _CH * _CHUNKS
_STEPS = _TC_ROWS // _RB

_GATHER_PER_WORKER = _ROWS // _SC_WORKERS

_K1 = np.uint32(42)
_K2 = np.uint32(0x1BD11BDA) ^ _K1
_ROT = ((13, 15, 26, 6), (17, 29, 16, 24))
_INJ = (
    (_K1, np.uint32(_K2 + np.uint32(1))),
    (_K2, np.uint32(0 + 2)),
    (np.uint32(0), np.uint32(_K1 + np.uint32(3))),
    (_K1, np.uint32(_K2 + np.uint32(4))),
    (_K2, np.uint32(0 + 5)),
)


def _rotl(v, d):
    return (v << np.uint32(d)) | (v >> np.uint32(32 - d))


def _threefry_bits(x1):
    x0 = x1
    x1 = _rotl(x1, _ROT[0][0]) ^ x0
    first = True
    for i in range(5):
        for r in _ROT[i % 2]:
            if first:
                first = False
                continue
            x0 = x0 + x1
            x1 = _rotl(x1, r) ^ x0
        inj0, inj1 = _INJ[i]
        if inj0:
            x0 = x0 + inj0
        if inj1:
            x1 = x1 + inj1
    return x0 ^ x1


def _sample_kernel(pi_ref, z_ref, lpt_ref):
    g = pl.program_id(0)
    base = g * (_RB * _NUM_CLUSTERS)

    col = jax.lax.broadcasted_iota(jnp.int32, (_CH, _C_PAD), 1)
    srow = jax.lax.broadcasted_iota(jnp.int32, (_CH, _C_PAD), 0)
    colc = jnp.minimum(col, _NUM_CLUSTERS - 1)
    pat = (colc + srow * (_CHUNKS * _NUM_CLUSTERS)
           + (base + 42)).astype(jnp.uint32)
    colm = jnp.where(col < _NUM_CLUSTERS, col, _C_PAD)

    pi_row = pi_ref[...]
    cvec = jax.lax.broadcasted_iota(jnp.int32, (1, _C_PAD), 1)
    vrow = cvec < _NUM_CLUSTERS
    logits = jnp.log(pi_row)
    mx = jnp.max(jnp.where(vrow, logits, -jnp.inf))
    sm = jnp.sum(jnp.where(vrow, jnp.exp(logits - mx), 0.0))
    lpt_ref[...] = jnp.where(vrow, logits - (mx + jnp.log(sm)), 0.0)

    lanej = jax.lax.broadcasted_iota(jnp.int32, (_CH, 128), 1)

    def body(k, zacc):
        x1 = pat + (k * _NUM_CLUSTERS).astype(jnp.uint32)
        sh = (_threefry_bits(x1) >> np.uint32(9)).astype(jnp.int32)
        m = jnp.max(sh, axis=1, keepdims=True)
        z8 = jnp.min(jnp.where(sh == m, colm, _C_PAD), axis=1, keepdims=True)
        return jnp.where(lanej == k, z8, zacc)

    z_ref[0] = jax.lax.fori_loop(
        0, _CHUNKS, body, jnp.zeros((_CH, 128), jnp.int32), unroll=8)


@functools.partial(
    pl.kernel,
    mesh=plsc.VectorSubcoreMesh(core_axis_name="c", subcore_axis_name="s"),
    out_type=jax.ShapeDtypeStruct((_SC_ROWS,), jnp.int32),
    scratch_types=[pltpu.VMEM((_SC_ROWS_PER_WORKER,), jnp.int32)],
    compiler_params=pltpu.CompilerParams(needs_layout_passes=False),
)
def _sc_sample(z_hbm, z_v):
    wid = lax.axis_index("s") * _SC_CORES + lax.axis_index("c")
    lane = lax.iota(jnp.int32, _SC_LANES)
    big = jnp.int32(1 << 30)

    def row_body(i, zvec):
        r = _TC_ROWS + wid * _SC_ROWS_PER_WORKER + i
        seed = (r * _NUM_CLUSTERS + 42).astype(jnp.uint32)

        def chunk_body(j, carry):
            vm, vc = carry
            c = j * _SC_LANES + lane
            x1 = seed + c.astype(jnp.uint32)
            sh = (_threefry_bits(x1) >> np.uint32(9)).astype(jnp.int32)
            sh = jnp.where(c < _NUM_CLUSTERS, sh, -1)
            upd = sh > vm
            return (jnp.where(upd, sh, vm), jnp.where(upd, c, vc))

        vm, vc = lax.fori_loop(
            0, _C_CHUNKS, chunk_body,
            (jnp.full((_SC_LANES,), -1, jnp.int32),
             jnp.full((_SC_LANES,), big, jnp.int32)), unroll=3)
        m = lax.reduce_max(vm, axes=(0,))
        z = lax.reduce_min(jnp.where(vm == m, vc, big), axes=(0,))
        return jnp.where(lane == i % _SC_LANES, z, zvec)

    def group_body(gi, _):
        zvec = lax.fori_loop(
            gi * _SC_LANES, (gi + 1) * _SC_LANES, row_body,
            jnp.zeros((_SC_LANES,), jnp.int32))
        z_v[pl.ds(gi * _SC_LANES, _SC_LANES)] = zvec
        return 0

    lax.fori_loop(0, _SC_ROWS_PER_WORKER // _SC_LANES, group_body, 0)
    pltpu.sync_copy(
        z_v, z_hbm.at[pl.ds(wid * _SC_ROWS_PER_WORKER, _SC_ROWS_PER_WORKER)])


@functools.partial(
    pl.kernel,
    mesh=plsc.VectorSubcoreMesh(core_axis_name="c", subcore_axis_name="s"),
    out_type=jax.ShapeDtypeStruct((_ROWS,), jnp.float32),
    scratch_types=[
        pltpu.VMEM((_GATHER_PER_WORKER,), jnp.int32),
        pltpu.VMEM((_C_PAD,), jnp.float32),
        pltpu.VMEM((_GATHER_PER_WORKER,), jnp.float32),
    ],
    compiler_params=pltpu.CompilerParams(needs_layout_passes=False),
)
def _logp_gather(z_hbm, table_hbm, out_hbm, idx_v, table_v, out_v):
    wid = lax.axis_index("s") * _SC_CORES + lax.axis_index("c")
    base = wid * _GATHER_PER_WORKER
    pltpu.sync_copy(z_hbm.at[pl.ds(base, _GATHER_PER_WORKER)], idx_v)
    pltpu.sync_copy(table_hbm, table_v)
    for i in range(_GATHER_PER_WORKER // _SC_LANES):
        idx = idx_v[pl.ds(i * _SC_LANES, _SC_LANES)]
        out_v[pl.ds(i * _SC_LANES, _SC_LANES)] = plsc.load_gather(
            table_v, [idx])
    pltpu.sync_copy(out_v, out_hbm.at[pl.ds(base, _GATHER_PER_WORKER)])


def kernel(pi, batch, particles):
    del batch, particles
    pi_pad = jnp.zeros((1, _C_PAD), jnp.float32).at[0, :_NUM_CLUSTERS].set(pi)
    z3, lpt = pl.pallas_call(
        _sample_kernel,
        grid=(_STEPS,),
        in_specs=[pl.BlockSpec((1, _C_PAD), lambda g: (0, 0))],
        out_specs=[
            pl.BlockSpec((1, _CH, 128), lambda g: (g, 0, 0)),
            pl.BlockSpec((1, _C_PAD), lambda g: (0, 0)),
        ],
        out_shape=[
            jax.ShapeDtypeStruct((_STEPS, _CH, 128), jnp.int32),
            jax.ShapeDtypeStruct((1, _C_PAD), jnp.float32),
        ],
    )(pi_pad)
    z_sc = _sc_sample()
    z_tc = z3[:, :, :_CHUNKS].reshape(_TC_ROWS)
    z_flat = jnp.concatenate([z_tc, z_sc])
    lp_flat = _logp_gather(z_flat, lpt.reshape(_C_PAD))
    shape = (2, 8, _NUM_OBS)
    return z_flat.reshape(shape), lp_flat.reshape(shape)

# --- scband reference (transcript-rebuilt; emitter-appended) ---
"""Pipeline reference for scband-sample-cluster-34162169873145 (READ-ONLY COPY).

The authoritative reference and input builder live on the scoring server;
editing this copy changes nothing except your own understanding.
"""

import jax, jax.numpy as jnp
import numpy as np

NUM_CLUSTERS = 1000
NUM_OBS = 2048


def setup_inputs(seed: int = 0) -> dict:
    key = jax.random.key(seed)
    # 'pi' is the registered buffer: uniform unnormalized probs over clusters
    pi = jnp.ones((NUM_CLUSTERS,), dtype=jnp.float32)
    return {"pi": pi, "batch": 8, "particles": 2}


def reference(pi, batch, particles):
    # particle_expand: broadcast pi to particle_shape + batch_shape + (num_observations, num_clusters)
    shape = (2, 8, NUM_OBS)
    logits = jnp.log(pi)  # Categorical(probs=pi) -> logits = log pi (unnormalized ok)
    logits_b = jnp.broadcast_to(logits, shape + (NUM_CLUSTERS,))
    # p.variable(Categorical, pi, name='z') samples z and records its log_prob in the trace
    key = jax.random.key(42)
    z = jax.random.categorical(key, logits_b, axis=-1)  # [particles, batch, num_obs] int
    logp = jax.nn.log_softmax(logits_b, axis=-1)
    logp_z = jnp.take_along_axis(logp, z[..., None], axis=-1)[..., 0]
    logp_z = logp_z + jnp.zeros((), logp_z.dtype) * (batch + particles)
    return z, logp_z

if __name__ == "__main__":
    import jax
    _d = setup_inputs()
    print(jax.jit(kernel)(*tuple(_d.values())))

</pallas_src>

<mosaic_0001>
#map = affine_map<(d0, d1) -> (0)>
module attributes {stable_mosaic.version = 14 : i64} {
  func.func @_sc_sample(%arg0: i32, %arg1: i32, %arg2: memref<8192xi32, #tpu.memory_space<hbm>>, %arg3: memref<256xi32, #tpu.memory_space<vmem>>) attributes {dimension_semantics = [#tpu.dimension_semantics<core_parallel>, #tpu.dimension_semantics<subcore_parallel>], iteration_bounds = array<i64: 2, 16>, scalar_prefetch = 0 : i64, scratch_operands = 1 : i64, tpu.core_type = #tpu.core_type<sc_vector_subcore>, window_params = [{transform_indices = #map}]} {
    %mul3A = arith.constant 2 : i32
    %mul3A_0 = arith.muli %arg1, %mul3A : i32
    %add3A = arith.addi %mul3A_0, %arg0 : i32
    %iota3A = tpu.iota {dimensions = array<i32: 0>} : vector<16xi32>
    %scan3A = arith.constant 1073741824 : i32
    %scan3A_1 = arith.constant 0 : i32
    %scan3A_2 = arith.constant 0 : i32
    %scan3A_3 = arith.constant 16 : i32
    %scan3A_4 = arith.addi %scan3A_2, %scan3A_3 : i32
    %scan3A_5 = arith.constant 1 : i32
    %scan3A_6 = scf.for %scan3A_10 = %scan3A_2 to %scan3A_4 step %scan3A_5 iter_args(%scan3A_11 = %scan3A_1) -> (i32)  : i32 {
      %mul3A_12 = arith.constant 16 : i32
      %mul3A_13 = arith.muli %scan3A_10, %mul3A_12 : i32
      %add3A_14 = arith.constant 1 : i32
      %add3A_15 = arith.addi %scan3A_10, %add3A_14 : i32
      %mul3A_16 = arith.constant 16 : i32
      %mul3A_17 = arith.muli %add3A_15, %mul3A_16 : i32
      %broadcast_in_dim3A = arith.constant 0 : i32
      %broadcast_in_dim3A_18 = vector.broadcast %broadcast_in_dim3A : i32 to vector<16xi32>
      %while3A = arith.subi %mul3A_17, %mul3A_13 : i32
      %while3A_19 = arith.addi %mul3A_13, %while3A : i32
      %while3A_20 = arith.constant 1 : i32
      %while3A_21 = arith.divsi %while3A, %while3A_20 : i32
      %while3A_22 = arith.muli %while3A_21, %while3A_20 : i32
      %while3A_23 = arith.addi %mul3A_13, %while3A_22 : i32
      %while3A_24 = arith.constant 1 : i32
      %while3A_25 = scf.for %while3A_32 = %mul3A_13 to %while3A_23 step %while3A_24 iter_args(%while3A_33 = %broadcast_in_dim3A_18) -> (vector<16xi32>)  : i32 {
        %mul3A_34 = arith.constant 256 : i32
        %mul3A_35 = arith.muli %add3A, %mul3A_34 : i32
        %add3A_36 = arith.constant 24576 : i32
        %add3A_37 = arith.addi %add3A_36, %mul3A_35 : i32
        %add3A_38 = arith.addi %add3A_37, %while3A_32 : i32
        %mul3A_39 = arith.constant 1000 : i32
        %mul3A_40 = arith.muli %add3A_38, %mul3A_39 : i32
        %add3A_41 = arith.constant 42 : i32
        %add3A_42 = arith.addi %mul3A_40, %add3A_41 : i32
        %broadcast_in_dim3A_43 = arith.constant -1 : i32
        %broadcast_in_dim3A_44 = vector.broadcast %broadcast_in_dim3A_43 : i32 to vector<16xi32>
        %broadcast_in_dim3A_45 = vector.broadcast %scan3A : i32 to vector<16xi32>
        %scan3A_46 = arith.constant 0 : i32
        %scan3A_47 = arith.constant 63 : i32
        %scan3A_48 = arith.addi %scan3A_46, %scan3A_47 : i32
        %scan3A_49 = arith.constant 3 : i32
        %scan3A_50:2 = scf.for %scan3A_83 = %scan3A_46 to %scan3A_48 step %scan3A_49 iter_args(%scan3A_84 = %broadcast_in_dim3A_44, %scan3A_85 = %broadcast_in_dim3A_45) -> (vector<16xi32>, vector<16xi32>)  : i32 {
          %mul3A_86 = arith.constant 16 : i32
          %mul3A_87 = arith.muli %scan3A_83, %mul3A_86 : i32
          %add3A_88 = vector.broadcast %mul3A_87 : i32 to vector<16xi32>
          %add3A_89 = arith.addi %add3A_88, %iota3A : vector<16xi32>
          %add3A_90 = vector.broadcast %add3A_42 : i32 to vector<16xi32>
          %add3A_91 = arith.addi %add3A_90, %add3A_89 : vector<16xi32>
          %shift_left3A = arith.constant 13 : i32
          %shift_left3A_92 = vector.broadcast %shift_left3A : i32 to vector<16xi32>
          %shift_left3A_93 = arith.shli %add3A_91, %shift_left3A_92 : vector<16xi32>
          %shift_right_logical3A = arith.constant 19 : i32
          %shift_right_logical3A_94 = vector.broadcast %shift_right_logical3A : i32 to vector<16xi32>
          %shift_right_logical3A_95 = arith.shrui %add3A_91, %shift_right_logical3A_94 : vector<16xi32>
          %or3A = arith.ori %shift_left3A_93, %shift_right_logical3A_95 : vector<16xi32>
          %xor3A = arith.xori %or3A, %add3A_91 : vector<16xi32>
          %add3A_96 = arith.addi %add3A_91, %xor3A : vector<16xi32>
          %shift_left3A_97 = arith.constant 15 : i32
          %shift_left3A_98 = vector.broadcast %shift_left3A_97 : i32 to vector<16xi32>
          %shift_left3A_99 = arith.shli %xor3A, %shift_left3A_98 : vector<16xi32>
          %shift_right_logical3A_100 = arith.constant 17 : i32
          %shift_right_logical3A_101 = vector.broadcast %shift_right_logical3A_100 : i32 to vector<16xi32>
          %shift_right_logical3A_102 = arith.shrui %xor3A, %shift_right_logical3A_101 : vector<16xi32>
          %or3A_103 = arith.ori %shift_left3A_99, %shift_right_logical3A_102 : vector<16xi32>
          %xor3A_104 = arith.xori %or3A_103, %add3A_96 : vector<16xi32>
          %add3A_105 = arith.addi %add3A_96, %xor3A_104 : vector<16xi32>
          %shift_left3A_106 = arith.constant 26 : i32
          %shift_left3A_107 = vector.broadcast %shift_left3A_106 : i32 to vector<16xi32>
          %shift_left3A_108 = arith.shli %xor3A_104, %shift_left3A_107 : vector<16xi32>
          %shift_right_logical3A_109 = arith.constant 6 : i32
          %shift_right_logical3A_110 = vector.broadcast %shift_right_logical3A_109 : i32 to vector<16xi32>
          %shift_right_logical3A_111 = arith.shrui %xor3A_104, %shift_right_logical3A_110 : vector<16xi32>
          %or3A_112 = arith.ori %shift_left3A_108, %shift_right_logical3A_111 : vector<16xi32>
          %xor3A_113 = arith.xori %or3A_112, %add3A_105 : vector<16xi32>
          %add3A_114 = arith.addi %add3A_105, %xor3A_113 : vector<16xi32>
          %shift_left3A_115 = arith.constant 6 : i32
          %shift_left3A_116 = vector.broadcast %shift_left3A_115 : i32 to vector<16xi32>
          %shift_left3A_117 = arith.shli %xor3A_113, %shift_left3A_116 : vector<16xi32>
          %shift_right_logical3A_118 = arith.constant 26 : i32
          %shift_right_logical3A_119 = vector.broadcast %shift_right_logical3A_118 : i32 to vector<16xi32>
          %shift_right_logical3A_120 = arith.shrui %xor3A_113, %shift_right_logical3A_119 : vector<16xi32>
          %or3A_121 = arith.ori %shift_left3A_117, %shift_right_logical3A_120 : vector<16xi32>
          %xor3A_122 = arith.xori %or3A_121, %add3A_114 : vector<16xi32>
          %add3A_123 = arith.constant 42 : i32
          %add3A_124 = vector.broadcast %add3A_123 : i32 to vector<16xi32>
          %add3A_125 = arith.addi %add3A_114, %add3A_124 : vector<16xi32>
          %add3A_126 = arith.constant 466689009 : i32
          %add3A_127 = vector.broadcast %add3A_126 : i32 to vector<16xi32>
          %add3A_128 = arith.addi %xor3A_122, %add3A_127 : vector<16xi32>
          %add3A_129 = arith.addi %add3A_125, %add3A_128 : vector<16xi32>
          %shift_left3A_130 = arith.constant 17 : i32
          %shift_left3A_131 = vector.broadcast %shift_left3A_130 : i32 to vector<16xi32>
          %shift_left3A_132 = arith.shli %add3A_128, %shift_left3A_131 : vector<16xi32>
          %shift_right_logical3A_133 = arith.constant 15 : i32
          %shift_right_logical3A_134 = vector.broadcast %shift_right_logical3A_133 : i32 to vector<16xi32>
          %shift_right_logical3A_135 = arith.shrui %add3A_128, %shift_right_logical3A_134 : vector<16xi32>
          %or3A_136 = arith.ori %shift_left3A_132, %shift_right_logical3A_135 : vector<16xi32>
          %xor3A_137 = arith.xori %or3A_136, %add3A_129 : vector<16xi32>
          %add3A_138 = arith.addi %add3A_129, %xor3A_137 : vector<16xi32>
          %shift_left3A_139 = arith.constant 29 : i32
          %shift_left3A_140 = vector.broadcast %shift_left3A_139 : i32 to vector<16xi32>
          %shift_left3A_141 = arith.shli %xor3A_137, %shift_left3A_140 : vector<16xi32>
          %shift_right_logical3A_142 = arith.constant 3 : i32
          %shift_right_logical3A_143 = vector.broadcast %shift_right_logical3A_142 : i32 to vector<16xi32>
          %shift_right_logical3A_144 = arith.shrui %xor3A_137, %shift_right_logical3A_143 : vector<16xi32>
          %or3A_145 = arith.ori %shift_left3A_141, %shift_right_logical3A_144 : vector<16xi32>
          %xor3A_146 = arith.xori %or3A_145, %add3A_138 : vector<16xi32>
          %add3A_147 = arith.addi %add3A_138, %xor3A_146 : vector<16xi32>
          %shift_left3A_148 = arith.constant 16 : i32
          %shift_left3A_149 = vector.broadcast %shift_left3A_148 : i32 to vector<16xi32>
          %shift_left3A_150 = arith.shli %xor3A_146, %shift_left3A_149 : vector<16xi32>
          %shift_right_logical3A_151 = arith.constant 16 : i32
          %shift_right_logical3A_152 = vector.broadcast %shift_right_logical3A_151 : i32 to vector<16xi32>
          %shift_right_logical3A_153 = arith.shrui %xor3A_146, %shift_right_logical3A_152 : vector<16xi32>
          %or3A_154 = arith.ori %shift_left3A_150, %shift_right_logical3A_153 : vector<16xi32>
          %xor3A_155 = arith.xori %or3A_154, %add3A_147 : vector<16xi32>
          %add3A_156 = arith.addi %add3A_147, %xor3A_155 : vector<16xi32>
          %shift_left3A_157 = arith.constant 24 : i32
          %shift_left3A_158 = vector.broadcast %shift_left3A_157 : i32 to vector<16xi32>
          %shift_left3A_159 = arith.shli %xor3A_155, %shift_left3A_158 : vector<16xi32>
          %shift_right_logical3A_160 = arith.constant 8 : i32
          %shift_right_logical3A_161 = vector.broadcast %shift_right_logical3A_160 : i32 to vector<16xi32>
          %shift_right_logical3A_162 = arith.shrui %xor3A_155, %shift_right_logical3A_161 : vector<16xi32>
          %or3A_163 = arith.ori %shift_left3A_159, %shift_right_logical3A_162 : vector<16xi32>
          %xor3A_164 = arith.xori %or3A_163, %add3A_156 : vector<16xi32>
          %add3A_165 = arith.constant 466689008 : i32
          %add3A_166 = vector.broadcast %add3A_165 : i32 to vector<16xi32>
          %add3A_167 = arith.addi %add3A_156, %add3A_166 : vector<16xi32>
          %add3A_168 = arith.constant 2 : i32
          %add3A_169 = vector.broadcast %add3A_168 : i32 to vector<16xi32>
          %add3A_170 = arith.addi %xor3A_164, %add3A_169 : vector<16xi32>
          %add3A_171 = arith.addi %add3A_167, %add3A_170 : vector<16xi32>
          %shift_left3A_172 = arith.constant 13 : i32
          %shift_left3A_173 = vector.broadcast %shift_left3A_172 : i32 to vector<16xi32>
          %shift_left3A_174 = arith.shli %add3A_170, %shift_left3A_173 : vector<16xi32>
          %shift_right_logical3A_175 = arith.constant 19 : i32
          %shift_right_logical3A_176 = vector.broadcast %shift_right_logical3A_175 : i32 to vector<16xi32>
          %shift_right_logical3A_177 = arith.shrui %add3A_170, %shift_right_logical3A_176 : vector<16xi32>
          %or3A_178 = arith.ori %shift_left3A_174, %shift_right_logical3A_177 : vector<16xi32>
          %xor3A_179 = arith.xori %or3A_178, %add3A_171 : vector<16xi32>
          %add3A_180 = arith.addi %add3A_171, %xor3A_179 : vector<16xi32>
          %shift_left3A_181 = arith.constant 15 : i32
          %shift_left3A_182 = vector.broadcast %shift_left3A_181 : i32 to vector<16xi32>
          %shift_left3A_183 = arith.shli %xor3A_179, %shift_left3A_182 : vector<16xi32>
          %shift_right_logical3A_184 = arith.constant 17 : i32
          %shift_right_logical3A_185 = vector.broadcast %shift_right_logical3A_184 : i32 to vector<16xi32>
          %shift_right_logical3A_186 = arith.shrui %xor3A_179, %shift_right_logical3A_185 : vector<16xi32>
          %or3A_187 = arith.ori %shift_left3A_183, %shift_right_logical3A_186 : vector<16xi32>
          %xor3A_188 = arith.xori %or3A_187, %add3A_180 : vector<16xi32>
          %add3A_189 = arith.addi %add3A_180, %xor3A_188 : vector<16xi32>
          %shift_left3A_190 = arith.constant 26 : i32
          %shift_left3A_191 = vector.broadcast %shift_left3A_190 : i32 to vector<16xi32>
          %shift_left3A_192 = arith.shli %xor3A_188, %shift_left3A_191 : vector<16xi32>
          %shift_right_logical3A_193 = arith.constant 6 : i32
          %shift_right_logical3A_194 = vector.broadcast %shift_right_logical3A_193 : i32 to vector<16xi32>
          %shift_right_logical3A_195 = arith.shrui %xor3A_188, %shift_right_logical3A_194 : vector<16xi32>
          %or3A_196 = arith.ori %shift_left3A_192, %shift_right_logical3A_195 : vector<16xi32>
          %xor3A_197 = arith.xori %or3A_196, %add3A_189 : vector<16xi32>
          %add3A_198 = arith.addi %add3A_189, %xor3A_197 : vector<16xi32>
          %shift_left3A_199 = arith.constant 6 : i32
          %shift_left3A_200 = vector.broadcast %shift_left3A_199 : i32 to vector<16xi32>
          %shift_left3A_201 = arith.shli %xor3A_197, %shift_left3A_200 : vector<16xi32>
          %shift_right_logical3A_202 = arith.constant 26 : i32
          %shift_right_logical3A_203 = vector.broadcast %shift_right_logical3A_202 : i32 to vector<16xi32>
          %shift_right_logical3A_204 = arith.shrui %xor3A_197, %shift_right_logical3A_203 : vector<16xi32>
          %or3A_205 = arith.ori %shift_left3A_201, %shift_right_logical3A_204 : vector<16xi32>
          %xor3A_206 = arith.xori %or3A_205, %add3A_198 : vector<16xi32>
          %add3A_207 = arith.constant 45 : i32
          %add3A_208 = vector.broadcast %add3A_207 : i32 to vector<16xi32>
          %add3A_209 = arith.addi %xor3A_206, %add3A_208 : vector<16xi32>
          %add3A_210 = arith.addi %add3A_198, %add3A_209 : vector<16xi32>
          %shift_left3A_211 = arith.constant 17 : i32
          %shift_left3A_212 = vector.broadcast %shift_left3A_211 : i32 to vector<16xi32>
          %shift_left3A_213 = arith.shli %add3A_209, %shift_left3A_212 : vector<16xi32>
          %shift_right_logical3A_214 = arith.constant 15 : i32
          %shift_right_logical3A_215 = vector.broadcast %shift_right_logical3A_214 : i32 to vector<16xi32>
          %shift_right_logical3A_216 = arith.shrui %add3A_209, %shift_right_logical3A_215 : vector<16xi32>
          %or3A_217 = arith.ori %shift_left3A_213, %shift_right_logical3A_216 : vector<16xi32>
          %xor3A_218 = arith.xori %or3A_217, %add3A_210 : vector<16xi32>
          %add3A_219 = arith.addi %add3A_210, %xor3A_218 : vector<16xi32>
          %shift_left3A_220 = arith.constant 29 : i32
          %shift_left3A_221 = vector.broadcast %shift_left3A_220 : i32 to vector<16xi32>
          %shift_left3A_222 = arith.shli %xor3A_218, %shift_left3A_221 : vector<16xi32>
          %shift_right_logical3A_223 = arith.constant 3 : i32
          %shift_right_logical3A_224 = vector.broadcast %shift_right_logical3A_223 : i32 to vector<16xi32>
          %shift_right_logical3A_225 = arith.shrui %xor3A_218, %shift_right_logical3A_224 : vector<16xi32>
          %or3A_226 = arith.ori %shift_left3A_222, %shift_right_logical3A_225 : vector<16xi32>
          %xor3A_227 = arith.xori %or3A_226, %add3A_219 : vector<16xi32>
          %add3A_228 = arith.addi %add3A_219, %xor3A_227 : vector<16xi32>
          %shift_left3A_229 = arith.constant 16 : i32
          %shift_left3A_230 = vector.broadcast %shift_left3A_229 : i32 to vector<16xi32>
          %shift_left3A_231 = arith.shli %xor3A_227, %shift_left3A_230 : vector<16xi32>
          %shift_right_logical3A_232 = arith.constant 16 : i32
          %shift_right_logical3A_233 = vector.broadcast %shift_right_logical3A_232 : i32 to vector<16xi32>
          %shift_right_logical3A_234 = arith.shrui %xor3A_227, %shift_right_logical3A_233 : vector<16xi32>
          %or3A_235 = arith.ori %shift_left3A_231, %shift_right_logical3A_234 : vector<16xi32>
          %xor3A_236 = arith.xori %or3A_235, %add3A_228 : vector<16xi32>
          %add3A_237 = arith.addi %add3A_228, %xor3A_236 : vector<16xi32>
          %shift_left3A_238 = arith.constant 24 : i32
          %shift_left3A_239 = vector.broadcast %shift_left3A_238 : i32 to vector<16xi32>
          %shift_left3A_240 = arith.shli %xor3A_236, %shift_left3A_239 : vector<16xi32>
          %shift_right_logical3A_241 = arith.constant 8 : i32
          %shift_right_logical3A_242 = vector.broadcast %shift_right_logical3A_241 : i32 to vector<16xi32>
          %shift_right_logical3A_243 = arith.shrui %xor3A_236, %shift_right_logical3A_242 : vector<16xi32>
          %or3A_244 = arith.ori %shift_left3A_240, %shift_right_logical3A_243 : vector<16xi32>
          %xor3A_245 = arith.xori %or3A_244, %add3A_237 : vector<16xi32>
          %add3A_246 = arith.constant 42 : i32
          %add3A_247 = vector.broadcast %add3A_246 : i32 to vector<16xi32>
          %add3A_248 = arith.addi %add3A_237, %add3A_247 : vector<16xi32>
          %add3A_249 = arith.constant 466689012 : i32
          %add3A_250 = vector.broadcast %add3A_249 : i32 to vector<16xi32>
          %add3A_251 = arith.addi %xor3A_245, %add3A_250 : vector<16xi32>
          %add3A_252 = arith.addi %add3A_248, %add3A_251 : vector<16xi32>
          %shift_left3A_253 = arith.constant 13 : i32
          %shift_left3A_254 = vector.broadcast %shift_left3A_253 : i32 to vector<16xi32>
          %shift_left3A_255 = arith.shli %add3A_251, %shift_left3A_254 : vector<16xi32>
          %shift_right_logical3A_256 = arith.constant 19 : i32
          %shift_right_logical3A_257 = vector.broadcast %shift_right_logical3A_256 : i32 to vector<16xi32>
          %shift_right_logical3A_258 = arith.shrui %add3A_251, %shift_right_logical3A_257 : vector<16xi32>
          %or3A_259 = arith.ori %shift_left3A_255, %shift_right_logical3A_258 : vector<16xi32>
          %xor3A_260 = arith.xori %or3A_259, %add3A_252 : vector<16xi32>
          %add3A_261 = arith.addi %add3A_252, %xor3A_260 : vector<16xi32>
          %shift_left3A_262 = arith.constant 15 : i32
          %shift_left3A_263 = vector.broadcast %shift_left3A_262 : i32 to vector<16xi32>
          %shift_left3A_264 = arith.shli %xor3A_260, %shift_left3A_263 : vector<16xi32>
          %shift_right_logical3A_265 = arith.constant 17 : i32
          %shift_right_logical3A_266 = vector.broadcast %shift_right_logical3A_265 : i32 to vector<16xi32>
          %shift_right_logical3A_267 = arith.shrui %xor3A_260, %shift_right_logical3A_266 : vector<16xi32>
          %or3A_268 = arith.ori %shift_left3A_264, %shift_right_logical3A_267 : vector<16xi32>
          %xor3A_269 = arith.xori %or3A_268, %add3A_261 : vector<16xi32>
          %add3A_270 = arith.addi %add3A_261, %xor3A_269 : vector<16xi32>
          %shift_left3A_271 = arith.constant 26 : i32
          %shift_left3A_272 = vector.broadcast %shift_left3A_271 : i32 to vector<16xi32>
          %shift_left3A_273 = arith.shli %xor3A_269, %shift_left3A_272 : vector<16xi32>
          %shift_right_logical3A_274 = arith.constant 6 : i32
          %shift_right_logical3A_275 = vector.broadcast %shift_right_logical3A_274 : i32 to vector<16xi32>
          %shift_right_logical3A_276 = arith.shrui %xor3A_269, %shift_right_logical3A_275 : vector<16xi32>
          %or3A_277 = arith.ori %shift_left3A_273, %shift_right_logical3A_276 : vector<16xi32>
          %xor3A_278 = arith.xori %or3A_277, %add3A_270 : vector<16xi32>
          %add3A_279 = arith.addi %add3A_270, %xor3A_278 : vector<16xi32>
          %shift_left3A_280 = arith.constant 6 : i32
          %shift_left3A_281 = vector.broadcast %shift_left3A_280 : i32 to vector<16xi32>
          %shift_left3A_282 = arith.shli %xor3A_278, %shift_left3A_281 : vector<16xi32>
          %shift_right_logical3A_283 = arith.constant 26 : i32
          %shift_right_logical3A_284 = vector.broadcast %shift_right_logical3A_283 : i32 to vector<16xi32>
          %shift_right_logical3A_285 = arith.shrui %xor3A_278, %shift_right_logical3A_284 : vector<16xi32>
          %or3A_286 = arith.ori %shift_left3A_282, %shift_right_logical3A_285 : vector<16xi32>
          %xor3A_287 = arith.xori %or3A_286, %add3A_279 : vector<16xi32>
          %add3A_288 = arith.constant 466689008 : i32
          %add3A_289 = vector.broadcast %add3A_288 : i32 to vector<16xi32>
          %add3A_290 = arith.addi %add3A_279, %add3A_289 : vector<16xi32>
          %add3A_291 = arith.constant 5 : i32
          %add3A_292 = vector.broadcast %add3A_291 : i32 to vector<16xi32>
          %add3A_293 = arith.addi %xor3A_287, %add3A_292 : vector<16xi32>
          %xor3A_294 = arith.xori %add3A_290, %add3A_293 : vector<16xi32>
          %shift_right_logical3A_295 = arith.constant 9 : i32
          %shift_right_logical3A_296 = vector.broadcast %shift_right_logical3A_295 : i32 to vector<16xi32>
          %shift_right_logical3A_297 = arith.shrui %xor3A_294, %shift_right_logical3A_296 : vector<16xi32>
          %lt3A_298 = arith.constant 1000 : i32
          %lt3A_299 = vector.broadcast %lt3A_298 : i32 to vector<16xi32>
          %lt3A_300 = arith.cmpi slt, %add3A_89, %lt3A_299 : vector<16xi32>
          %jit3A_301 = arith.constant -1 : i32
          %broadcast_in_dim3A_302 = vector.broadcast %jit3A_301 : i32 to vector<16xi32>
          %select_n3A_303 = arith.select %lt3A_300, %shift_right_logical3A_297, %broadcast_in_dim3A_302 : vector<16xi1>, vector<16xi32>
          %gt3A = arith.cmpi sgt, %select_n3A_303, %scan3A_84 : vector<16xi32>
          %select_n3A_304 = arith.select %gt3A, %select_n3A_303, %scan3A_84 : vector<16xi1>, vector<16xi32>
          %select_n3A_305 = arith.select %gt3A, %add3A_89, %scan3A_85 : vector<16xi1>, vector<16xi32>
          %scan3A_306 = arith.constant 1 : i32
          %scan3A_307 = arith.addi %scan3A_83, %scan3A_306 : i32
          %mul3A_308 = arith.constant 16 : i32
          %mul3A_309 = arith.muli %scan3A_307, %mul3A_308 : i32
          %add3A_310 = vector.broadcast %mul3A_309 : i32 to vector<16xi32>
          %add3A_311 = arith.addi %add3A_310, %iota3A : vector<16xi32>
          %add3A_312 = vector.broadcast %add3A_42 : i32 to vector<16xi32>
          %add3A_313 = arith.addi %add3A_312, %add3A_311 : vector<16xi32>
          %shift_left3A_314 = arith.constant 13 : i32
          %shift_left3A_315 = vector.broadcast %shift_left3A_314 : i32 to vector<16xi32>
          %shift_left3A_316 = arith.shli %add3A_313, %shift_left3A_315 : vector<16xi32>
          %shift_right_logical3A_317 = arith.constant 19 : i32
          %shift_right_logical3A_318 = vector.broadcast %shift_right_logical3A_317 : i32 to vector<16xi32>
          %shift_right_logical3A_319 = arith.shrui %add3A_313, %shift_right_logical3A_318 : vector<16xi32>
          %or3A_320 = arith.ori %shift_left3A_316, %shift_right_logical3A_319 : vector<16xi32>
          %xor3A_321 = arith.xori %or3A_320, %add3A_313 : vector<16xi32>
          %add3A_322 = arith.addi %add3A_313, %xor3A_321 : vector<16xi32>
          %shift_left3A_323 = arith.constant 15 : i32
          %shift_left3A_324 = vector.broadcast %shift_left3A_323 : i32 to vector<16xi32>
          %shift_left3A_325 = arith.shli %xor3A_321, %shift_left3A_324 : vector<16xi32>
          %shift_right_logical3A_326 = arith.constant 17 : i32
          %shift_right_logical3A_327 = vector.broadcast %shift_right_logical3A_326 : i32 to vector<16xi32>
          %shift_right_logical3A_328 = arith.shrui %xor3A_321, %shift_right_logical3A_327 : vector<16xi32>
          %or3A_329 = arith.ori %shift_left3A_325, %shift_right_logical3A_328 : vector<16xi32>
          %xor3A_330 = arith.xori %or3A_329, %add3A_322 : vector<16xi32>
          %add3A_331 = arith.addi %add3A_322, %xor3A_330 : vector<16xi32>
          %shift_left3A_332 = arith.constant 26 : i32
          %shift_left3A_333 = vector.broadcast %shift_left3A_332 : i32 to vector<16xi32>
          %shift_left3A_334 = arith.shli %xor3A_330, %shift_left3A_333 : vector<16xi32>
          %shift_right_logical3A_335 = arith.constant 6 : i32
          %shift_right_logical3A_336 = vector.broadcast %shift_right_logical3A_335 : i32 to vector<16xi32>
          %shift_right_logical3A_337 = arith.shrui %xor3A_330, %shift_right_logical3A_336 : vector<16xi32>
          %or3A_338 = arith.ori %shift_left3A_334, %shift_right_logical3A_337 : vector<16xi32>
          %xor3A_339 = arith.xori %or3A_338, %add3A_331 : vector<16xi32>
          %add3A_340 = arith.addi %add3A_331, %xor3A_339 : vector<16xi32>
          %shift_left3A_341 = arith.constant 6 : i32
          %shift_left3A_342 = vector.broadcast %shift_left3A_341 : i32 to vector<16xi32>
          %shift_left3A_343 = arith.shli %xor3A_339, %shift_left3A_342 : vector<16xi32>
          %shift_right_logical3A_344 = arith.constant 26 : i32
          %shift_right_logical3A_345 = vector.broadcast %shift_right_logical3A_344 : i32 to vector<16xi32>
          %shift_right_logical3A_346 = arith.shrui %xor3A_339, %shift_right_logical3A_345 : vector<16xi32>
          %or3A_347 = arith.ori %shift_left3A_343, %shift_right_logical3A_346 : vector<16xi32>
          %xor3A_348 = arith.xori %or3A_347, %add3A_340 : vector<16xi32>
          %add3A_349 = arith.constant 42 : i32
          %add3A_350 = vector.broadcast %add3A_349 : i32 to vector<16xi32>
          %add3A_351 = arith.addi %add3A_340, %add3A_350 : vector<16xi32>
          %add3A_352 = arith.constant 466689009 : i32
          %add3A_353 = vector.broadcast %add3A_352 : i32 to vector<16xi32>
          %add3A_354 = arith.addi %xor3A_348, %add3A_353 : vector<16xi32>
          %add3A_355 = arith.addi %add3A_351, %add3A_354 : vector<16xi32>
          %shift_left3A_356 = arith.constant 17 : i32
          %shift_left3A_357 = vector.broadcast %shift_left3A_356 : i32 to vector<16xi32>
          %shift_left3A_358 = arith.shli %add3A_354, %shift_left3A_357 : vector<16xi32>
          %shift_right_logical3A_359 = arith.constant 15 : i32
          %shift_right_logical3A_360 = vector.broadcast %shift_right_logical3A_359 : i32 to vector<16xi32>
          %shift_right_logical3A_361 = arith.shrui %add3A_354, %shift_right_logical3A_360 : vector<16xi32>
          %or3A_362 = arith.ori %shift_left3A_358, %shift_right_logical3A_361 : vector<16xi32>
          %xor3A_363 = arith.xori %or3A_362, %add3A_355 : vector<16xi32>
          %add3A_364 = arith.addi %add3A_355, %xor3A_363 : vector<16xi32>
          %shift_left3A_365 = arith.constant 29 : i32
          %shift_left3A_366 = vector.broadcast %shift_left3A_365 : i32 to vector<16xi32>
          %shift_left3A_367 = arith.shli %xor3A_363, %shift_left3A_366 : vector<16xi32>
          %shift_right_logical3A_368 = arith.constant 3 : i32
          %shift_right_logical3A_369 = vector.broadcast %shift_right_logical3A_368 : i32 to vector<16xi32>
          %shift_right_logical3A_370 = arith.shrui %xor3A_363, %shift_right_logical3A_369 : vector<16xi32>
          %or3A_371 = arith.ori %shift_left3A_367, %shift_right_logical3A_370 : vector<16xi32>
          %xor3A_372 = arith.xori %or3A_371, %add3A_364 : vector<16xi32>
          %add3A_373 = arith.addi %add3A_364, %xor3A_372 : vector<16xi32>
          %shift_left3A_374 = arith.constant 16 : i32
          %shift_left3A_375 = vector.broadcast %shift_left3A_374 : i32 to vector<16xi32>
          %shift_left3A_376 = arith.shli %xor3A_372, %shift_left3A_375 : vector<16xi32>
          %shift_right_logical3A_377 = arith.constant 16 : i32
          %shift_right_logical3A_378 = vector.broadcast %shift_right_logical3A_377 : i32 to vector<16xi32>
          %shift_right_logical3A_379 = arith.shrui %xor3A_372, %shift_right_logical3A_378 : vector<16xi32>
          %or3A_380 = arith.ori %shift_left3A_376, %shift_right_logical3A_379 : vector<16xi32>
          %xor3A_381 = arith.xori %or3A_380, %add3A_373 : vector<16xi32>
          %add3A_382 = arith.addi %add3A_373, %xor3A_381 : vector<16xi32>
          %shift_left3A_383 = arith.constant 24 : i32
          %shift_left3A_384 = vector.broadcast %shift_left3A_383 : i32 to vector<16xi32>
          %shift_left3A_385 = arith.shli %xor3A_381, %shift_left3A_384 : vector<16xi32>
          %shift_right_logical3A_386 = arith.constant 8 : i32
          %shift_right_logical3A_387 = vector.broadcast %shift_right_logical3A_386 : i32 to vector<16xi32>
          %shift_right_logical3A_388 = arith.shrui %xor3A_381, %shift_right_logical3A_387 : vector<16xi32>
          %or3A_389 = arith.ori %shift_left3A_385, %shift_right_logical3A_388 : vector<16xi32>
          %xor3A_390 = arith.xori %or3A_389, %add3A_382 : vector<16xi32>
          %add3A_391 = arith.constant 466689008 : i32
          %add3A_392 = vector.broadcast %add3A_391 : i32 to vector<16xi32>
          %add3A_393 = arith.addi %add3A_382, %add3A_392 : vector<16xi32>
          %add3A_394 = arith.constant 2 : i32
          %add3A_395 = vector.broadcast %add3A_394 : i32 to vector<16xi32>
          %add3A_396 = arith.addi %xor3A_390, %add3A_395 : vector<16xi32>
          %add3A_397 = arith.addi %add3A_393, %add3A_396 : vector<16xi32>
          %shift_left3A_398 = arith.constant 13 : i32
          %shift_left3A_399 = vector.broadcast %shift_left3A_398 : i32 to vector<16xi32>
          %shift_left3A_400 = arith.shli %add3A_396, %shift_left3A_399 : vector<16xi32>
          %shift_right_logical3A_401 = arith.constant 19 : i32
          %shift_right_logical3A_402 = vector.broadcast %shift_right_logical3A_401 : i32 to vector<16xi32>
          %shift_right_logical3A_403 = arith.shrui %add3A_396, %shift_right_logical3A_402 : vector<16xi32>
          %or3A_404 = arith.ori %shift_left3A_400, %shift_right_logical3A_403 : vector<16xi32>
          %xor3A_405 = arith.xori %or3A_404, %add3A_397 : vector<16xi32>
          %add3A_406 = arith.addi %add3A_397, %xor3A_405 : vector<16xi32>
          %shift_left3A_407 = arith.constant 15 : i32
          %shift_left3A_408 = vector.broadcast %shift_left3A_407 : i32 to vector<16xi32>
          %shift_left3A_409 = arith.shli %xor3A_405, %shift_left3A_408 : vector<16xi32>
          %shift_right_logical3A_410 = arith.constant 17 : i32
          %shift_right_logical3A_411 = vector.broadcast %shift_right_logical3A_410 : i32 to vector<16xi32>
          %shift_right_logical3A_412 = arith.shrui %xor3A_405, %shift_right_logical3A_411 : vector<16xi32>
          %or3A_413 = arith.ori %shift_left3A_409, %shift_right_logical3A_412 : vector<16xi32>
          %xor3A_414 = arith.xori %or3A_413, %add3A_406 : vector<16xi32>
          %add3A_415 = arith.addi %add3A_406, %xor3A_414 : vector<16xi32>
          %shift_left3A_416 = arith.constant 26 : i32
          %shift_left3A_417 = vector.broadcast %shift_left3A_416 : i32 to vector<16xi32>
          %shift_left3A_418 = arith.shli %xor3A_414, %shift_left3A_417 : vector<16xi32>
          %shift_right_logical3A_419 = arith.constant 6 : i32
          %shift_right_logical3A_420 = vector.broadcast %shift_right_logical3A_419 : i32 to vector<16xi32>
          %shift_right_logical3A_421 = arith.shrui %xor3A_414, %shift_right_logical3A_420 : vector<16xi32>
          %or3A_422 = arith.ori %shift_left3A_418, %shift_right_logical3A_421 : vector<16xi32>
          %xor3A_423 = arith.xori %or3A_422, %add3A_415 : vector<16xi32>
          %add3A_424 = arith.addi %add3A_415, %xor3A_423 : vector<16xi32>
          %shift_left3A_425 = arith.constant 6 : i32
          %shift_left3A_426 = vector.broadcast %shift_left3A_425 : i32 to vector<16xi32>
          %shift_left3A_427 = arith.shli %xor3A_423, %shift_left3A_426 : vector<16xi32>
          %shift_right_logical3A_428 = arith.constant 26 : i32
          %shift_right_logical3A_429 = vector.broadcast %shift_right_logical3A_428 : i32 to vector<16xi32>
          %shift_right_logical3A_430 = arith.shrui %xor3A_423, %shift_right_logical3A_429 : vector<16xi32>
          %or3A_431 = arith.ori %shift_left3A_427, %shift_right_logical3A_430 : vector<16xi32>
          %xor3A_432 = arith.xori %or3A_431, %add3A_424 : vector<16xi32>
          %add3A_433 = arith.constant 45 : i32
          %add3A_434 = vector.broadcast %add3A_433 : i32 to vector<16xi32>
          %add3A_435 = arith.addi %xor3A_432, %add3A_434 : vector<16xi32>
          %add3A_436 = arith.addi %add3A_424, %add3A_435 : vector<16xi32>
          %shift_left3A_437 = arith.constant 17 : i32
          %shift_left3A_438 = vector.broadcast %shift_left3A_437 : i32 to vector<16xi32>
          %shift_left3A_439 = arith.shli %add3A_435, %shift_left3A_438 : vector<16xi32>
          %shift_right_logical3A_440 = arith.constant 15 : i32
          %shift_right_logical3A_441 = vector.broadcast %shift_right_logical3A_440 : i32 to vector<16xi32>
          %shift_right_logical3A_442 = arith.shrui %add3A_435, %shift_right_logical3A_441 : vector<16xi32>
          %or3A_443 = arith.ori %shift_left3A_439, %shift_right_logical3A_442 : vector<16xi32>
          %xor3A_444 = arith.xori %or3A_443, %add3A_436 : vector<16xi32>
          %add3A_445 = arith.addi %add3A_436, %xor3A_444 : vector<16xi32>
          %shift_left3A_446 = arith.constant 29 : i32
          %shift_left3A_447 = vector.broadcast %shift_left3A_446 : i32 to vector<16xi32>
          %shift_left3A_448 = arith.shli %xor3A_444, %shift_left3A_447 : vector<16xi32>
          %shift_right_logical3A_449 = arith.constant 3 : i32
          %shift_right_logical3A_450 = vector.broadcast %shift_right_logical3A_449 : i32 to vector<16xi32>
          %shift_right_logical3A_451 = arith.shrui %xor3A_444, %shift_right_logical3A_450 : vector<16xi32>
          %or3A_452 = arith.ori %shift_left3A_448, %shift_right_logical3A_451 : vector<16xi32>
          %xor3A_453 = arith.xori %or3A_452, %add3A_445 : vector<16xi32>
          %add3A_454 = arith.addi %add3A_445, %xor3A_453 : vector<16xi32>
          %shift_left3A_455 = arith.constant 16 : i32
          %shift_left3A_456 = vector.broadcast %shift_left3A_455 : i32 to vector<16xi32>
          %shift_left3A_457 = arith.shli %xor3A_453, %shift_left3A_456 : vector<16xi32>
          %shift_right_logical3A_458 = arith.constant 16 : i32
          %shift_right_logical3A_459 = vector.broadcast %shift_right_logical3A_458 : i32 to vector<16xi32>
          %shift_right_logical3A_460 = arith.shrui %xor3A_453, %shift_right_logical3A_459 : vector<16xi32>
          %or3A_461 = arith.ori %shift_left3A_457, %shift_right_logical3A_460 : vector<16xi32>
          %xor3A_462 = arith.xori %or3A_461, %add3A_454 : vector<16xi32>
          %add3A_463 = arith.addi %add3A_454, %xor3A_462 : vector<16xi32>
          %shift_left3A_464 = arith.constant 24 : i32
          %shift_left3A_465 = vector.broadcast %shift_left3A_464 : i32 to vector<16xi32>
          %shift_left3A_466 = arith.shli %xor3A_462, %shift_left3A_465 : vector<16xi32>
          %shift_right_logical3A_467 = arith.constant 8 : i32
          %shift_right_logical3A_468 = vector.broadcast %shift_right_logical3A_467 : i32 to vector<16xi32>
          %shift_right_logical3A_469 = arith.shrui %xor3A_462, %shift_right_logical3A_468 : vector<16xi32>
          %or3A_470 = arith.ori %shift_left3A_466, %shift_right_logical3A_469 : vector<16xi32>
          %xor3A_471 = arith.xori %or3A_470, %add3A_463 : vector<16xi32>
          %add3A_472 = arith.constant 42 : i32
          %add3A_473 = vector.broadcast %add3A_472 : i32 to vector<16xi32>
          %add3A_474 = arith.addi %add3A_463, %add3A_473 : vector<16xi32>
          %add3A_475 = arith.constant 466689012 : i32
          %add3A_476 = vector.broadcast %add3A_475 : i32 to vector<16xi32>
          %add3A_477 = arith.addi %xor3A_471, %add3A_476 : vector<16xi32>
          %add3A_478 = arith.addi %add3A_474, %add3A_477 : vector<16xi32>
          %shift_left3A_479 = arith.constant 13 : i32
          %shift_left3A_480 = vector.broadcast %shift_left3A_479 : i32 to vector<16xi32>
          %shift_left3A_481 = arith.shli %add3A_477, %shift_left3A_480 : vector<16xi32>
          %shift_right_logical3A_482 = arith.constant 19 : i32
          %shift_right_logical3A_483 = vector.broadcast %shift_right_logical3A_482 : i32 to vector<16xi32>
          %shift_right_logical3A_484 = arith.shrui %add3A_477, %shift_right_logical3A_483 : vector<16xi32>
          %or3A_485 = arith.ori %shift_left3A_481, %shift_right_logical3A_484 : vector<16xi32>
          %xor3A_486 = arith.xori %or3A_485, %add3A_478 : vector<16xi32>
          %add3A_487 = arith.addi %add3A_478, %xor3A_486 : vector<16xi32>
          %shift_left3A_488 = arith.constant 15 : i32
          %shift_left3A_489 = vector.broadcast %shift_left3A_488 : i32 to vector<16xi32>
          %shift_left3A_490 = arith.shli %xor3A_486, %shift_left3A_489 : vector<16xi32>
          %shift_right_logical3A_491 = arith.constant 17 : i32
          %shift_right_logical3A_492 = vector.broadcast %shift_right_logical3A_491 : i32 to vector<16xi32>
          %shift_right_logical3A_493 = arith.shrui %xor3A_486, %shift_right_logical3A_492 : vector<16xi32>
          %or3A_494 = arith.ori %shift_left3A_490, %shift_right_logical3A_493 : vector<16xi32>
          %xor3A_495 = arith.xori %or3A_494, %add3A_487 : vector<16xi32>
          %add3A_496 = arith.addi %add3A_487, %xor3A_495 : vector<16xi32>
          %shift_left3A_497 = arith.constant 26 : i32
          %shift_left3A_498 = vector.broadcast %shift_left3A_497 : i32 to vector<16xi32>
          %shift_left3A_499 = arith.shli %xor3A_495, %shift_left3A_498 : vector<16xi32>
          %shift_right_logical3A_500 = arith.constant 6 : i32
          %shift_right_logical3A_501 = vector.broadcast %shift_right_logical3A_500 : i32 to vector<16xi32>
          %shift_right_logical3A_502 = arith.shrui %xor3A_495, %shift_right_logical3A_501 : vector<16xi32>
          %or3A_503 = arith.ori %shift_left3A_499, %shift_right_logical3A_502 : vector<16xi32>
          %xor3A_504 = arith.xori %or3A_503, %add3A_496 : vector<16xi32>
          %add3A_505 = arith.addi %add3A_496, %xor3A_504 : vector<16xi32>
          %shift_left3A_506 = arith.constant 6 : i32
          %shift_left3A_507 = vector.broadcast %shift_left3A_506 : i32 to vector<16xi32>
          %shift_left3A_508 = arith.shli %xor3A_504, %shift_left3A_507 : vector<16xi32>
          %shift_right_logical3A_509 = arith.constant 26 : i32
          %shift_right_logical3A_510 = vector.broadcast %shift_right_logical3A_509 : i32 to vector<16xi32>
          %shift_right_logical3A_511 = arith.shrui %xor3A_504, %shift_right_logical3A_510 : vector<16xi32>
          %or3A_512 = arith.ori %shift_left3A_508, %shift_right_logical3A_511 : vector<16xi32>
          %xor3A_513 = arith.xori %or3A_512, %add3A_505 : vector<16xi32>
          %add3A_514 = arith.constant 466689008 : i32
          %add3A_515 = vector.broadcast %add3A_514 : i32 to vector<16xi32>
          %add3A_516 = arith.addi %add3A_505, %add3A_515 : vector<16xi32>
          %add3A_517 = arith.constant 5 : i32
          %add3A_518 = vector.broadcast %add3A_517 : i32 to vector<16xi32>
          %add3A_519 = arith.addi %xor3A_513, %add3A_518 : vector<16xi32>
          %xor3A_520 = arith.xori %add3A_516, %add3A_519 : vector<16xi32>
          %shift_right_logical3A_521 = arith.constant 9 : i32
          %shift_right_logical3A_522 = vector.broadcast %shift_right_logical3A_521 : i32 to vector<16xi32>
          %shift_right_logical3A_523 = arith.shrui %xor3A_520, %shift_right_logical3A_522 : vector<16xi32>
          %lt3A_524 = arith.constant 1000 : i32
          %lt3A_525 = vector.broadcast %lt3A_524 : i32 to vector<16xi32>
          %lt3A_526 = arith.cmpi slt, %add3A_311, %lt3A_525 : vector<16xi32>
          %jit3A_527 = arith.constant -1 : i32
          %broadcast_in_dim3A_528 = vector.broadcast %jit3A_527 : i32 to vector<16xi32>
          %select_n3A_529 = arith.select %lt3A_526, %shift_right_logical3A_523, %broadcast_in_dim3A_528 : vector<16xi1>, vector<16xi32>
          %gt3A_530 = arith.cmpi sgt, %select_n3A_529, %select_n3A_304 : vector<16xi32>
          %select_n3A_531 = arith.select %gt3A_530, %select_n3A_529, %select_n3A_304 : vector<16xi1>, vector<16xi32>
          %select_n3A_532 = arith.select %gt3A_530, %add3A_311, %select_n3A_305 : vector<16xi1>, vector<16xi32>
          %scan3A_533 = arith.constant 2 : i32
          %scan3A_534 = arith.addi %scan3A_83, %scan3A_533 : i32
          %mul3A_535 = arith.constant 16 : i32
          %mul3A_536 = arith.muli %scan3A_534, %mul3A_535 : i32
          %add3A_537 = vector.broadcast %mul3A_536 : i32 to vector<16xi32>
          %add3A_538 = arith.addi %add3A_537, %iota3A : vector<16xi32>
          %add3A_539 = vector.broadcast %add3A_42 : i32 to vector<16xi32>
          %add3A_540 = arith.addi %add3A_539, %add3A_538 : vector<16xi32>
          %shift_left3A_541 = arith.constant 13 : i32
          %shift_left3A_542 = vector.broadcast %shift_left3A_541 : i32 to vector<16xi32>
          %shift_left3A_543 = arith.shli %add3A_540, %shift_left3A_542 : vector<16xi32>
          %shift_right_logical3A_544 = arith.constant 19 : i32
          %shift_right_logical3A_545 = vector.broadcast %shift_right_logical3A_544 : i32 to vector<16xi32>
          %shift_right_logical3A_546 = arith.shrui %add3A_540, %shift_right_logical3A_545 : vector<16xi32>
          %or3A_547 = arith.ori %shift_left3A_543, %shift_right_logical3A_546 : vector<16xi32>
          %xor3A_548 = arith.xori %or3A_547, %add3A_540 : vector<16xi32>
          %add3A_549 = arith.addi %add3A_540, %xor3A_548 : vector<16xi32>
          %shift_left3A_550 = arith.constant 15 : i32
          %shift_left3A_551 = vector.broadcast %shift_left3A_550 : i32 to vector<16xi32>
          %shift_left3A_552 = arith.shli %xor3A_548, %shift_left3A_551 : vector<16xi32>
          %shift_right_logical3A_553 = arith.constant 17 : i32
          %shift_right_logical3A_554 = vector.broadcast %shift_right_logical3A_553 : i32 to vector<16xi32>
          %shift_right_logical3A_555 = arith.shrui %xor3A_548, %shift_right_logical3A_554 : vector<16xi32>
          %or3A_556 = arith.ori %shift_left3A_552, %shift_right_logical3A_555 : vector<16xi32>
          %xor3A_557 = arith.xori %or3A_556, %add3A_549 : vector<16xi32>
          %add3A_558 = arith.addi %add3A_549, %xor3A_557 : vector<16xi32>
          %shift_left3A_559 = arith.constant 26 : i32
          %shift_left3A_560 = vector.broadcast %shift_left3A_559 : i32 to vector<16xi32>
          %shift_left3A_561 = arith.shli %xor3A_557, %shift_left3A_560 : vector<16xi32>
          %shift_right_logical3A_562 = arith.constant 6 : i32
          %shift_right_logical3A_563 = vector.broadcast %shift_right_logical3A_562 : i32 to vector<16xi32>
          %shift_right_logical3A_564 = arith.shrui %xor3A_557, %shift_right_logical3A_563 : vector<16xi32>
          %or3A_565 = arith.ori %shift_left3A_561, %shift_right_logical3A_564 : vector<16xi32>
          %xor3A_566 = arith.xori %or3A_565, %add3A_558 : vector<16xi32>
          %add3A_567 = arith.addi %add3A_558, %xor3A_566 : vector<16xi32>
          %shift_left3A_568 = arith.constant 6 : i32
          %shift_left3A_569 = vector.broadcast %shift_left3A_568 : i32 to vector<16xi32>
          %shift_left3A_570 = arith.shli %xor3A_566, %shift_left3A_569 : vector<16xi32>
          %shift_right_logical3A_571 = arith.constant 26 : i32
          %shift_right_logical3A_572 = vector.broadcast %shift_right_logical3A_571 : i32 to vector<16xi32>
          %shift_right_logical3A_573 = arith.shrui %xor3A_566, %shift_right_logical3A_572 : vector<16xi32>
          %or3A_574 = arith.ori %shift_left3A_570, %shift_right_logical3A_573 : vector<16xi32>
          %xor3A_575 = arith.xori %or3A_574, %add3A_567 : vector<16xi32>
          %add3A_576 = arith.constant 42 : i32
          %add3A_577 = vector.broadcast %add3A_576 : i32 to vector<16xi32>
          %add3A_578 = arith.addi %add3A_567, %add3A_577 : vector<16xi32>
          %add3A_579 = arith.constant 466689009 : i32
          %add3A_580 = vector.broadcast %add3A_579 : i32 to vector<16xi32>
          %add3A_581 = arith.addi %xor3A_575, %add3A_580 : vector<16xi32>
          %add3A_582 = arith.addi %add3A_578, %add3A_581 : vector<16xi32>
          %shift_left3A_583 = arith.constant 17 : i32
          %shift_left3A_584 = vector.broadcast %shift_left3A_583 : i32 to vector<16xi32>
          %shift_left3A_585 = arith.shli %add3A_581, %shift_left3A_584 : vector<16xi32>
          %shift_right_logical3A_586 = arith.constant 15 : i32
          %shift_right_logical3A_587 = vector.broadcast %shift_right_logical3A_586 : i32 to vector<16xi32>
          %shift_right_logical3A_588 = arith.shrui %add3A_581, %shift_right_logical3A_587 : vector<16xi32>
          %or3A_589 = arith.ori %shift_left3A_585, %shift_right_logical3A_588 : vector<16xi32>
          %xor3A_590 = arith.xori %or3A_589, %add3A_582 : vector<16xi32>
          %add3A_591 = arith.addi %add3A_582, %xor3A_590 : vector<16xi32>
          %shift_left3A_592 = arith.constant 29 : i32
          %shift_left3A_593 = vector.broadcast %shift_left3A_592 : i32 to vector<16xi32>
          %shift_left3A_594 = arith.shli %xor3A_590, %shift_left3A_593 : vector<16xi32>
          %shift_right_logical3A_595 = arith.constant 3 : i32
          %shift_right_logical3A_596 = vector.broadcast %shift_right_logical3A_595 : i32 to vector<16xi32>
          %shift_right_logical3A_597 = arith.shrui %xor3A_590, %shift_right_logical3A_596 : vector<16xi32>
          %or3A_598 = arith.ori %shift_left3A_594, %shift_right_logical3A_597 : vector<16xi32>
          %xor3A_599 = arith.xori %or3A_598, %add3A_591 : vector<16xi32>
          %add3A_600 = arith.addi %add3A_591, %xor3A_599 : vector<16xi32>
          %shift_left3A_601 = arith.constant 16 : i32
          %shift_left3A_602 = vector.broadcast %shift_left3A_601 : i32 to vector<16xi32>
          %shift_left3A_603 = arith.shli %xor3A_599, %shift_left3A_602 : vector<16xi32>
          %shift_right_logical3A_604 = arith.constant 16 : i32
          %shift_right_logical3A_605 = vector.broadcast %shift_right_logical3A_604 : i32 to vector<16xi32>
          %shift_right_logical3A_606 = arith.shrui %xor3A_599, %shift_right_logical3A_605 : vector<16xi32>
          %or3A_607 = arith.ori %shift_left3A_603, %shift_right_logical3A_606 : vector<16xi32>
          %xor3A_608 = arith.xori %or3A_607, %add3A_600 : vector<16xi32>
          %add3A_609 = arith.addi %add3A_600, %xor3A_608 : vector<16xi32>
          %shift_left3A_610 = arith.constant 24 : i32
          %shift_left3A_611 = vector.broadcast %shift_left3A_610 : i32 to vector<16xi32>
          %shift_left3A_612 = arith.shli %xor3A_608, %shift_left3A_611 : vector<16xi32>
          %shift_right_logical3A_613 = arith.constant 8 : i32
          %shift_right_logical3A_614 = vector.broadcast %shift_right_logical3A_613 : i32 to vector<16xi32>
          %shift_right_logical3A_615 = arith.shrui %xor3A_608, %shift_right_logical3A_614 : vector<16xi32>
          %or3A_616 = arith.ori %shift_left3A_612, %shift_right_logical3A_615 : vector<16xi32>
          %xor3A_617 = arith.xori %or3A_616, %add3A_609 : vector<16xi32>
          %add3A_618 = arith.constant 466689008 : i32
          %add3A_619 = vector.broadcast %add3A_618 : i32 to vector<16xi32>
          %add3A_620 = arith.addi %add3A_609, %add3A_619 : vector<16xi32>
          %add3A_621 = arith.constant 2 : i32
          %add3A_622 = vector.broadcast %add3A_621 : i32 to vector<16xi32>
          %add3A_623 = arith.addi %xor3A_617, %add3A_622 : vector<16xi32>
          %add3A_624 = arith.addi %add3A_620, %add3A_623 : vector<16xi32>
          %shift_left3A_625 = arith.constant 13 : i32
          %shift_left3A_626 = vector.broadcast %shift_left3A_625 : i32 to vector<16xi32>
          %shift_left3A_627 = arith.shli %add3A_623, %shift_left3A_626 : vector<16xi32>
          %shift_right_logical3A_628 = arith.constant 19 : i32
          %shift_right_logical3A_629 = vector.broadcast %shift_right_logical3A_628 : i32 to vector<16xi32>
          %shift_right_logical3A_630 = arith.shrui %add3A_623, %shift_right_logical3A_629 : vector<16xi32>
          %or3A_631 = arith.ori %shift_left3A_627, %shift_right_logical3A_630 : vector<16xi32>
          %xor3A_632 = arith.xori %or3A_631, %add3A_624 : vector<16xi32>
          %add3A_633 = arith.addi %add3A_624, %xor3A_632 : vector<16xi32>
          %shift_left3A_634 = arith.constant 15 : i32
          %shift_left3A_635 = vector.broadcast %shift_left3A_634 : i32 to vector<16xi32>
          %shift_left3A_636 = arith.shli %xor3A_632, %shift_left3A_635 : vector<16xi32>
          %shift_right_logical3A_637 = arith.constant 17 : i32
          %shift_right_logical3A_638 = vector.broadcast %shift_right_logical3A_637 : i32 to vector<16xi32>
          %shift_right_logical3A_639 = arith.shrui %xor3A_632, %shift_right_logical3A_638 : vector<16xi32>
          %or3A_640 = arith.ori %shift_left3A_636, %shift_right_logical3A_639 : vector<16xi32>
          %xor3A_641 = arith.xori %or3A_640, %add3A_633 : vector<16xi32>
          %add3A_642 = arith.addi %add3A_633, %xor3A_641 : vector<16xi32>
          %shift_left3A_643 = arith.constant 26 : i32
          %shift_left3A_644 = vector.broadcast %shift_left3A_643 : i32 to vector<16xi32>
          %shift_left3A_645 = arith.shli %xor3A_641, %shift_left3A_644 : vector<16xi32>
          %shift_right_logical3A_646 = arith.constant 6 : i32
          %shift_right_logical3A_647 = vector.broadcast %shift_right_logical3A_646 : i32 to vector<16xi32>
          %shift_right_logical3A_648 = arith.shrui %xor3A_641, %shift_right_logical3A_647 : vector<16xi32>
          %or3A_649 = arith.ori %shift_left3A_645, %shift_right_logical3A_648 : vector<16xi32>
          %xor3A_650 = arith.xori %or3A_649, %add3A_642 : vector<16xi32>
          %add3A_651 = arith.addi %add3A_642, %xor3A_650 : vector<16xi32>
          %shift_left3A_652 = arith.constant 6 : i32
          %shift_left3A_653 = vector.broadcast %shift_left3A_652 : i32 to vector<16xi32>
          %shift_left3A_654 = arith.shli %xor3A_650, %shift_left3A_653 : vector<16xi32>
          %shift_right_logical3A_655 = arith.constant 26 : i32
          %shift_right_logical3A_656 = vector.broadcast %shift_right_logical3A_655 : i32 to vector<16xi32>
          %shift_right_logical3A_657 = arith.shrui %xor3A_650, %shift_right_logical3A_656 : vector<16xi32>
          %or3A_658 = arith.ori %shift_left3A_654, %shift_right_logical3A_657 : vector<16xi32>
          %xor3A_659 = arith.xori %or3A_658, %add3A_651 : vector<16xi32>
          %add3A_660 = arith.constant 45 : i32
          %add3A_661 = vector.broadcast %add3A_660 : i32 to vector<16xi32>
          %add3A_662 = arith.addi %xor3A_659, %add3A_661 : vector<16xi32>
          %add3A_663 = arith.addi %add3A_651, %add3A_662 : vector<16xi32>
          %shift_left3A_664 = arith.constant 17 : i32
          %shift_left3A_665 = vector.broadcast %shift_left3A_664 : i32 to vector<16xi32>
          %shift_left3A_666 = arith.shli %add3A_662, %shift_left3A_665 : vector<16xi32>
          %shift_right_logical3A_667 = arith.constant 15 : i32
          %shift_right_logical3A_668 = vector.broadcast %shift_right_logical3A_667 : i32 to vector<16xi32>
          %shift_right_logical3A_669 = arith.shrui %add3A_662, %shift_right_logical3A_668 : vector<16xi32>
          %or3A_670 = arith.ori %shift_left3A_666, %shift_right_logical3A_669 : vector<16xi32>
          %xor3A_671 = arith.xori %or3A_670, %add3A_663 : vector<16xi32>
          %add3A_672 = arith.addi %add3A_663, %xor3A_671 : vector<16xi32>
          %shift_left3A_673 = arith.constant 29 : i32
          %shift_left3A_674 = vector.broadcast %shift_left3A_673 : i32 to vector<16xi32>
          %shift_left3A_675 = arith.shli %xor3A_671, %shift_left3A_674 : vector<16xi32>
          %shift_right_logical3A_676 = arith.constant 3 : i32
          %shift_right_logical3A_677 = vector.broadcast %shift_right_logical3A_676 : i32 to vector<16xi32>
          %shift_right_logical3A_678 = arith.shrui %xor3A_671, %shift_right_logical3A_677 : vector<16xi32>
          %or3A_679 = arith.ori %shift_left3A_675, %shift_right_logical3A_678 : vector<16xi32>
          %xor3A_680 = arith.xori %or3A_679, %add3A_672 : vector<16xi32>
          %add3A_681 = arith.addi %add3A_672, %xor3A_680 : vector<16xi32>
          %shift_left3A_682 = arith.constant 16 : i32
          %shift_left3A_683 = vector.broadcast %shift_left3A_682 : i32 to vector<16xi32>
          %shift_left3A_684 = arith.shli %xor3A_680, %shift_left3A_683 : vector<16xi32>
          %shift_right_logical3A_685 = arith.constant 16 : i32
          %shift_right_logical3A_686 = vector.broadcast %shift_right_logical3A_685 : i32 to vector<16xi32>
          %shift_right_logical3A_687 = arith.shrui %xor3A_680, %shift_right_logical3A_686 : vector<16xi32>
          %or3A_688 = arith.ori %shift_left3A_684, %shift_right_logical3A_687 : vector<16xi32>
          %xor3A_689 = arith.xori %or3A_688, %add3A_681 : vector<16xi32>
          %add3A_690 = arith.addi %add3A_681, %xor3A_689 : vector<16xi32>
          %shift_left3A_691 = arith.constant 24 : i32
          %shift_left3A_692 = vector.broadcast %shift_left3A_691 : i32 to vector<16xi32>
          %shift_left3A_693 = arith.shli %xor3A_689, %shift_left3A_692 : vector<16xi32>
          %shift_right_logical3A_694 = arith.constant 8 : i32
          %shift_right_logical3A_695 = vector.broadcast %shift_right_logical3A_694 : i32 to vector<16xi32>
          %shift_right_logical3A_696 = arith.shrui %xor3A_689, %shift_right_logical3A_695 : vector<16xi32>
          %or3A_697 = arith.ori %shift_left3A_693, %shift_right_logical3A_696 : vector<16xi32>
          %xor3A_698 = arith.xori %or3A_697, %add3A_690 : vector<16xi32>
          %add3A_699 = arith.constant 42 : i32
          %add3A_700 = vector.broadcast %add3A_699 : i32 to vector<16xi32>
          %add3A_701 = arith.addi %add3A_690, %add3A_700 : vector<16xi32>
          %add3A_702 = arith.constant 466689012 : i32
          %add3A_703 = vector.broadcast %add3A_702 : i32 to vector<16xi32>
          %add3A_704 = arith.addi %xor3A_698, %add3A_703 : vector<16xi32>
          %add3A_705 = arith.addi %add3A_701, %add3A_704 : vector<16xi32>
          %shift_left3A_706 = arith.constant 13 : i32
          %shift_left3A_707 = vector.broadcast %shift_left3A_706 : i32 to vector<16xi32>
          %shift_left3A_708 = arith.shli %add3A_704, %shift_left3A_707 : vector<16xi32>
          %shift_right_logical3A_709 = arith.constant 19 : i32
          %shift_right_logical3A_710 = vector.broadcast %shift_right_logical3A_709 : i32 to vector<16xi32>
          %shift_right_logical3A_711 = arith.shrui %add3A_704, %shift_right_logical3A_710 : vector<16xi32>
          %or3A_712 = arith.ori %shift_left3A_708, %shift_right_logical3A_711 : vector<16xi32>
          %xor3A_713 = arith.xori %or3A_712, %add3A_705 : vector<16xi32>
          %add3A_714 = arith.addi %add3A_705, %xor3A_713 : vector<16xi32>
          %shift_left3A_715 = arith.constant 15 : i32
          %shift_left3A_716 = vector.broadcast %shift_left3A_715 : i32 to vector<16xi32>
          %shift_left3A_717 = arith.shli %xor3A_713, %shift_left3A_716 : vector<16xi32>
          %shift_right_logical3A_718 = arith.constant 17 : i32
          %shift_right_logical3A_719 = vector.broadcast %shift_right_logical3A_718 : i32 to vector<16xi32>
          %shift_right_logical3A_720 = arith.shrui %xor3A_713, %shift_right_logical3A_719 : vector<16xi32>
          %or3A_721 = arith.ori %shift_left3A_717, %shift_right_logical3A_720 : vector<16xi32>
          %xor3A_722 = arith.xori %or3A_721, %add3A_714 : vector<16xi32>
          %add3A_723 = arith.addi %add3A_714, %xor3A_722 : vector<16xi32>
          %shift_left3A_724 = arith.constant 26 : i32
          %shift_left3A_725 = vector.broadcast %shift_left3A_724 : i32 to vector<16xi32>
          %shift_left3A_726 = arith.shli %xor3A_722, %shift_left3A_725 : vector<16xi32>
          %shift_right_logical3A_727 = arith.constant 6 : i32
          %shift_right_logical3A_728 = vector.broadcast %shift_right_logical3A_727 : i32 to vector<16xi32>
          %shift_right_logical3A_729 = arith.shrui %xor3A_722, %shift_right_logical3A_728 : vector<16xi32>
          %or3A_730 = arith.ori %shift_left3A_726, %shift_right_logical3A_729 : vector<16xi32>
          %xor3A_731 = arith.xori %or3A_730, %add3A_723 : vector<16xi32>
          %add3A_732 = arith.addi %add3A_723, %xor3A_731 : vector<16xi32>
          %shift_left3A_733 = arith.constant 6 : i32
          %shift_left3A_734 = vector.broadcast %shift_left3A_733 : i32 to vector<16xi32>
          %shift_left3A_735 = arith.shli %xor3A_731, %shift_left3A_734 : vector<16xi32>
          %shift_right_logical3A_736 = arith.constant 26 : i32
          %shift_right_logical3A_737 = vector.broadcast %shift_right_logical3A_736 : i32 to vector<16xi32>
          %shift_right_logical3A_738 = arith.shrui %xor3A_731, %shift_right_logical3A_737 : vector<16xi32>
          %or3A_739 = arith.ori %shift_left3A_735, %shift_right_logical3A_738 : vector<16xi32>
          %xor3A_740 = arith.xori %or3A_739, %add3A_732 : vector<16xi32>
          %add3A_741 = arith.constant 466689008 : i32
          %add3A_742 = vector.broadcast %add3A_741 : i32 to vector<16xi32>
          %add3A_743 = arith.addi %add3A_732, %add3A_742 : vector<16xi32>
          %add3A_744 = arith.constant 5 : i32
          %add3A_745 = vector.broadcast %add3A_744 : i32 to vector<16xi32>
          %add3A_746 = arith.addi %xor3A_740, %add3A_745 : vector<16xi32>
          %xor3A_747 = arith.xori %add3A_743, %add3A_746 : vector<16xi32>
          %shift_right_logical3A_748 = arith.constant 9 : i32
          %shift_right_logical3A_749 = vector.broadcast %shift_right_logical3A_748 : i32 to vector<16xi32>
          %shift_right_logical3A_750 = arith.shrui %xor3A_747, %shift_right_logical3A_749 : vector<16xi32>
          %lt3A_751 = arith.constant 1000 : i32
          %lt3A_752 = vector.broadcast %lt3A_751 : i32 to vector<16xi32>
          %lt3A_753 = arith.cmpi slt, %add3A_538, %lt3A_752 : vector<16xi32>
          %jit3A_754 = arith.constant -1 : i32
          %broadcast_in_dim3A_755 = vector.broadcast %jit3A_754 : i32 to vector<16xi32>
          %select_n3A_756 = arith.select %lt3A_753, %shift_right_logical3A_750, %broadcast_in_dim3A_755 : vector<16xi1>, vector<16xi32>
          %gt3A_757 = arith.cmpi sgt, %select_n3A_756, %select_n3A_531 : vector<16xi32>
          %select_n3A_758 = arith.select %gt3A_757, %select_n3A_756, %select_n3A_531 : vector<16xi1>, vector<16xi32>
          %select_n3A_759 = arith.select %gt3A_757, %add3A_538, %select_n3A_532 : vector<16xi1>, vector<16xi32>
          scf.yield %select_n3A_758, %select_n3A_759 : vector<16xi32>, vector<16xi32>
        }
        %scan3A_51 = arith.constant 63 : i32
        %reduce_max3A = arith.constant true
        %reduce_max3A_52 = vector.broadcast %reduce_max3A : i1 to vector<16xi1>
        %reduce_max3A_53 = arith.constant -2147483648 : i32
        %reduce_max3A_54 = vector.broadcast %reduce_max3A_53 : i32 to vector<16xi32>
        %reduce_max3A_55 = arith.xori %scan3A_50#0, %reduce_max3A_54 : vector<16xi32>
        %reduce_max3A_56 = tpu.scan <max>, %reduce_max3A_55 masked %reduce_max3A_52 : vector<16xi32>, vector<16xi1> -> vector<16xi32>
        %reduce_max3A_57 = arith.xori %reduce_max3A_56, %reduce_max3A_54 : vector<16xi32>
        %reduce_max3A_58 = vector.extract %reduce_max3A_57[15] : i32 from vector<16xi32>
        %eq3A = vector.broadcast %reduce_max3A_58 : i32 to vector<16xi32>
        %eq3A_59 = arith.cmpi eq, %scan3A_50#0, %eq3A : vector<16xi32>
        %broadcast_in_dim3A_60 = vector.broadcast %scan3A : i32 to vector<16xi32>
        %select_n3A = arith.select %eq3A_59, %scan3A_50#1, %broadcast_in_dim3A_60 : vector<16xi1>, vector<16xi32>
        %reduce_min3A = arith.constant true
        %reduce_min3A_61 = vector.broadcast %reduce_min3A : i1 to vector<16xi1>
        %reduce_min3A_62 = arith.constant -2147483648 : i32
        %reduce_min3A_63 = vector.broadcast %reduce_min3A_62 : i32 to vector<16xi32>
        %reduce_min3A_64 = arith.xori %select_n3A, %reduce_min3A_63 : vector<16xi32>
        %reduce_min3A_65 = tpu.scan <min>, %reduce_min3A_64 masked %reduce_min3A_61 : vector<16xi32>, vector<16xi1> -> vector<16xi32>
        %reduce_min3A_66 = arith.xori %reduce_min3A_65, %reduce_min3A_63 : vector<16xi32>
        %reduce_min3A_67 = vector.extract %reduce_min3A_66[15] : i32 from vector<16xi32>
        %jit3A = arith.constant 16 : i32
        %eq3A_68 = arith.constant 0 : i32
        %eq3A_69 = arith.cmpi eq, %jit3A, %eq3A_68 : i32
        %jit3A_70 = arith.constant 1 : i32
        %select_n3A_71 = arith.select %eq3A_69, %jit3A_70, %jit3A : i32
        %rem3A = arith.remsi %while3A_32, %select_n3A_71 : i32
        %ne3A = arith.constant 0 : i32
        %ne3A_72 = arith.cmpi ne, %rem3A, %ne3A : i32
        %lt3A = arith.constant 0 : i32
        %lt3A_73 = arith.cmpi slt, %rem3A, %lt3A : i32
        %lt3A_74 = arith.constant 0 : i32
        %lt3A_75 = arith.cmpi slt, %select_n3A_71, %lt3A_74 : i32
        %ne3A_76 = arith.xori %lt3A_73, %lt3A_75 : i1
        %and3A = arith.andi %ne3A_76, %ne3A_72 : i1
        %add3A_77 = arith.addi %rem3A, %select_n3A_71 : i32
        %select_n3A_78 = arith.select %and3A, %add3A_77, %rem3A : i32
        %eq3A_79 = vector.broadcast %select_n3A_78 : i32 to vector<16xi32>
        %eq3A_80 = arith.cmpi eq, %iota3A, %eq3A_79 : vector<16xi32>
        %broadcast_in_dim3A_81 = vector.broadcast %reduce_min3A_67 : i32 to vector<16xi32>
        %select_n3A_82 = arith.select %eq3A_80, %broadcast_in_dim3A_81, %while3A_33 : vector<16xi1>, vector<16xi32>
        scf.yield %select_n3A_82 : vector<16xi32>
      }
      %while3A_26 = arith.constant 1 : i32
      %while3A_27 = scf.for %while3A_32 = %while3A_23 to %while3A_19 step %while3A_26 iter_args(%while3A_33 = %while3A_25) -> (vector<16xi32>)  : i32 {
        %mul3A_34 = arith.constant 256 : i32
        %mul3A_35 = arith.muli %add3A, %mul3A_34 : i32
        %add3A_36 = arith.constant 24576 : i32
        %add3A_37 = arith.addi %add3A_36, %mul3A_35 : i32
        %add3A_38 = arith.addi %add3A_37, %while3A_32 : i32
        %mul3A_39 = arith.constant 1000 : i32
        %mul3A_40 = arith.muli %add3A_38, %mul3A_39 : i32
        %add3A_41 = arith.constant 42 : i32
        %add3A_42 = arith.addi %mul3A_40, %add3A_41 : i32
        %broadcast_in_dim3A_43 = arith.constant -1 : i32
        %broadcast_in_dim3A_44 = vector.broadcast %broadcast_in_dim3A_43 : i32 to vector<16xi32>
        %broadcast_in_dim3A_45 = vector.broadcast %scan3A : i32 to vector<16xi32>
        %scan3A_46 = arith.constant 0 : i32
        %scan3A_47 = arith.constant 63 : i32
        %scan3A_48 = arith.addi %scan3A_46, %scan3A_47 : i32
        %scan3A_49 = arith.constant 3 : i32
        %scan3A_50:2 = scf.for %scan3A_83 = %scan3A_46 to %scan3A_48 step %scan3A_49 iter_args(%scan3A_84 = %broadcast_in_dim3A_44, %scan3A_85 = %broadcast_in_dim3A_45) -> (vector<16xi32>, vector<16xi32>)  : i32 {
          %mul3A_86 = arith.constant 16 : i32
          %mul3A_87 = arith.muli %scan3A_83, %mul3A_86 : i32
          %add3A_88 = vector.broadcast %mul3A_87 : i32 to vector<16xi32>
          %add3A_89 = arith.addi %add3A_88, %iota3A : vector<16xi32>
          %add3A_90 = vector.broadcast %add3A_42 : i32 to vector<16xi32>
          %add3A_91 = arith.addi %add3A_90, %add3A_89 : vector<16xi32>
          %shift_left3A = arith.constant 13 : i32
          %shift_left3A_92 = vector.broadcast %shift_left3A : i32 to vector<16xi32>
          %shift_left3A_93 = arith.shli %add3A_91, %shift_left3A_92 : vector<16xi32>
          %shift_right_logical3A = arith.constant 19 : i32
          %shift_right_logical3A_94 = vector.broadcast %shift_right_logical3A : i32 to vector<16xi32>
          %shift_right_logical3A_95 = arith.shrui %add3A_91, %shift_right_logical3A_94 : vector<16xi32>
          %or3A = arith.ori %shift_left3A_93, %shift_right_logical3A_95 : vector<16xi32>
          %xor3A = arith.xori %or3A, %add3A_91 : vector<16xi32>
          %add3A_96 = arith.addi %add3A_91, %xor3A : vector<16xi32>
          %shift_left3A_97 = arith.constant 15 : i32
          %shift_left3A_98 = vector.broadcast %shift_left3A_97 : i32 to vector<16xi32>
          %shift_left3A_99 = arith.shli %xor3A, %shift_left3A_98 : vector<16xi32>
          %shift_right_logical3A_100 = arith.constant 17 : i32
          %shift_right_logical3A_101 = vector.broadcast %shift_right_logical3A_100 : i32 to vector<16xi32>
          %shift_right_logical3A_102 = arith.shrui %xor3A, %shift_right_logical3A_101 : vector<16xi32>
          %or3A_103 = arith.ori %shift_left3A_99, %shift_right_logical3A_102 : vector<16xi32>
          %xor3A_104 = arith.xori %or3A_103, %add3A_96 : vector<16xi32>
          %add3A_105 = arith.addi %add3A_96, %xor3A_104 : vector<16xi32>
          %shift_left3A_106 = arith.constant 26 : i32
          %shift_left3A_107 = vector.broadcast %shift_left3A_106 : i32 to vector<16xi32>
          %shift_left3A_108 = arith.shli %xor3A_104, %shift_left3A_107 : vector<16xi32>
          %shift_right_logical3A_109 = arith.constant 6 : i32
          %shift_right_logical3A_110 = vector.broadcast %shift_right_logical3A_109 : i32 to vector<16xi32>
          %shift_right_logical3A_111 = arith.shrui %xor3A_104, %shift_right_logical3A_110 : vector<16xi32>
          %or3A_112 = arith.ori %shift_left3A_108, %shift_right_logical3A_111 : vector<16xi32>
          %xor3A_113 = arith.xori %or3A_112, %add3A_105 : vector<16xi32>
          %add3A_114 = arith.addi %add3A_105, %xor3A_113 : vector<16xi32>
          %shift_left3A_115 = arith.constant 6 : i32
          %shift_left3A_116 = vector.broadcast %shift_left3A_115 : i32 to vector<16xi32>
          %shift_left3A_117 = arith.shli %xor3A_113, %shift_left3A_116 : vector<16xi32>
          %shift_right_logical3A_118 = arith.constant 26 : i32
          %shift_right_logical3A_119 = vector.broadcast %shift_right_logical3A_118 : i32 to vector<16xi32>
          %shift_right_logical3A_120 = arith.shrui %xor3A_113, %shift_right_logical3A_119 : vector<16xi32>
          %or3A_121 = arith.ori %shift_left3A_117, %shift_right_logical3A_120 : vector<16xi32>
          %xor3A_122 = arith.xori %or3A_121, %add3A_114 : vector<16xi32>
          %add3A_123 = arith.constant 42 : i32
          %add3A_124 = vector.broadcast %add3A_123 : i32 to vector<16xi32>
          %add3A_125 = arith.addi %add3A_114, %add3A_124 : vector<16xi32>
          %add3A_126 = arith.constant 466689009 : i32
          %add3A_127 = vector.broadcast %add3A_126 : i32 to vector<16xi32>
          %add3A_128 = arith.addi %xor3A_122, %add3A_127 : vector<16xi32>
          %add3A_129 = arith.addi %add3A_125, %add3A_128 : vector<16xi32>
          %shift_left3A_130 = arith.constant 17 : i32
          %shift_left3A_131 = vector.broadcast %shift_left3A_130 : i32 to vector<16xi32>
          %shift_left3A_132 = arith.shli %add3A_128, %shift_left3A_131 : vector<16xi32>
          %shift_right_logical3A_133 = arith.constant 15 : i32
          %shift_right_logical3A_134 = vector.broadcast %shift_right_logical3A_133 : i32 to vector<16xi32>
          %shift_right_logical3A_135 = arith.shrui %add3A_128, %shift_right_logical3A_134 : vector<16xi32>
          %or3A_136 = arith.ori %shift_left3A_132, %shift_right_logical3A_135 : vector<16xi32>
          %xor3A_137 = arith.xori %or3A_136, %add3A_129 : vector<16xi32>
          %add3A_138 = arith.addi %add3A_129, %xor3A_137 : vector<16xi32>
          %shift_left3A_139 = arith.constant 29 : i32
          %shift_left3A_140 = vector.broadcast %shift_left3A_139 : i32 to vector<16xi32>
          %shift_left3A_141 = arith.shli %xor3A_137, %shift_left3A_140 : vector<16xi32>
          %shift_right_logical3A_142 = arith.constant 3 : i32
          %shift_right_logical3A_143 = vector.broadcast %shift_right_logical3A_142 : i32 to vector<16xi32>
          %shift_right_logical3A_144 = arith.shrui %xor3A_137, %shift_right_logical3A_143 : vector<16xi32>
          %or3A_145 = arith.ori %shift_left3A_141, %shift_right_logical3A_144 : vector<16xi32>
          %xor3A_146 = arith.xori %or3A_145, %add3A_138 : vector<16xi32>
          %add3A_147 = arith.addi %add3A_138, %xor3A_146 : vector<16xi32>
          %shift_left3A_148 = arith.constant 16 : i32
          %shift_left3A_149 = vector.broadcast %shift_left3A_148 : i32 to vector<16xi32>
          %shift_left3A_150 = arith.shli %xor3A_146, %shift_left3A_149 : vector<16xi32>
          %shift_right_logical3A_151 = arith.constant 16 : i32
          %shift_right_logical3A_152 = vector.broadcast %shift_right_logical3A_151 : i32 to vector<16xi32>
          %shift_right_logical3A_153 = arith.shrui %xor3A_146, %shift_right_logical3A_152 : vector<16xi32>
          %or3A_154 = arith.ori %shift_left3A_150, %shift_right_logical3A_153 : vector<16xi32>
          %xor3A_155 = arith.xori %or3A_154, %add3A_147 : vector<16xi32>
          %add3A_156 = arith.addi %add3A_147, %xor3A_155 : vector<16xi32>
          %shift_left3A_157 = arith.constant 24 : i32
          %shift_left3A_158 = vector.broadcast %shift_left3A_157 : i32 to vector<16xi32>
          %shift_left3A_159 = arith.shli %xor3A_155, %shift_left3A_158 : vector<16xi32>
          %shift_right_logical3A_160 = arith.constant 8 : i32
          %shift_right_logical3A_161 = vector.broadcast %shift_right_logical3A_160 : i32 to vector<16xi32>
          %shift_right_logical3A_162 = arith.shrui %xor3A_155, %shift_right_logical3A_161 : vector<16xi32>
          %or3A_163 = arith.ori %shift_left3A_159, %shift_right_logical3A_162 : vector<16xi32>
          %xor3A_164 = arith.xori %or3A_163, %add3A_156 : vector<16xi32>
          %add3A_165 = arith.constant 466689008 : i32
          %add3A_166 = vector.broadcast %add3A_165 : i32 to vector<16xi32>
          %add3A_167 = arith.addi %add3A_156, %add3A_166 : vector<16xi32>
          %add3A_168 = arith.constant 2 : i32
          %add3A_169 = vector.broadcast %add3A_168 : i32 to vector<16xi32>
          %add3A_170 = arith.addi %xor3A_164, %add3A_169 : vector<16xi32>
          %add3A_171 = arith.addi %add3A_167, %add3A_170 : vector<16xi32>
          %shift_left3A_172 = arith.constant 13 : i32
          %shift_left3A_173 = vector.broadcast %shift_left3A_172 : i32 to vector<16xi32>
          %shift_left3A_174 = arith.shli %add3A_170, %shift_left3A_173 : vector<16xi32>
          %shift_right_logical3A_175 = arith.constant 19 : i32
          %shift_right_logical3A_176 = vector.broadcast %shift_right_logical3A_175 : i32 to vector<16xi32>
          %shift_right_logical3A_177 = arith.shrui %add3A_170, %shift_right_logical3A_176 : vector<16xi32>
          %or3A_178 = arith.ori %shift_left3A_174, %shift_right_logical3A_177 : vector<16xi32>
          %xor3A_179 = arith.xori %or3A_178, %add3A_171 : vector<16xi32>
          %add3A_180 = arith.addi %add3A_171, %xor3A_179 : vector<16xi32>
          %shift_left3A_181 = arith.constant 15 : i32
          %shift_left3A_182 = vector.broadcast %shift_left3A_181 : i32 to vector<16xi32>
          %shift_left3A_183 = arith.shli %xor3A_179, %shift_left3A_182 : vector<16xi32>
          %shift_right_logical3A_184 = arith.constant 17 : i32
          %shift_right_logical3A_185 = vector.broadcast %shift_right_logical3A_184 : i32 to vector<16xi32>
          %shift_right_logical3A_186 = arith.shrui %xor3A_179, %shift_right_logical3A_185 : vector<16xi32>
          %or3A_187 = arith.ori %shift_left3A_183, %shift_right_logical3A_186 : vector<16xi32>
          %xor3A_188 = arith.xori %or3A_187, %add3A_180 : vector<16xi32>
          %add3A_189 = arith.addi %add3A_180, %xor3A_188 : vector<16xi32>
          %shift_left3A_190 = arith.constant 26 : i32
          %shift_left3A_191 = vector.broadcast %shift_left3A_190 : i32 to vector<16xi32>
          %shift_left3A_192 = arith.shli %xor3A_188, %shift_left3A_191 : vector<16xi32>
          %shift_right_logical3A_193 = arith.constant 6 : i32
          %shift_right_logical3A_194 = vector.broadcast %shift_right_logical3A_193 : i32 to vector<16xi32>
          %shift_right_logical3A_195 = arith.shrui %xor3A_188, %shift_right_logical3A_194 : vector<16xi32>
          %or3A_196 = arith.ori %shift_left3A_192, %shift_right_logical3A_195 : vector<16xi32>
          %xor3A_197 = arith.xori %or3A_196, %add3A_189 : vector<16xi32>
          %add3A_198 = arith.addi %add3A_189, %xor3A_197 : vector<16xi32>
          %shift_left3A_199 = arith.constant 6 : i32
          %shift_left3A_200 = vector.broadcast %shift_left3A_199 : i32 to vector<16xi32>
          %shift_left3A_201 = arith.shli %xor3A_197, %shift_left3A_200 : vector<16xi32>
          %shift_right_logical3A_202 = arith.constant 26 : i32
          %shift_right_logical3A_203 = vector.broadcast %shift_right_logical3A_202 : i32 to vector<16xi32>
          %shift_right_logical3A_204 = arith.shrui %xor3A_197, %shift_right_logical3A_203 : vector<16xi32>
          %or3A_205 = arith.ori %shift_left3A_201, %shift_right_logical3A_204 : vector<16xi32>
          %xor3A_206 = arith.xori %or3A_205, %add3A_198 : vector<16xi32>
          %add3A_207 = arith.constant 45 : i32
          %add3A_208 = vector.broadcast %add3A_207 : i32 to vector<16xi32>
          %add3A_209 = arith.addi %xor3A_206, %add3A_208 : vector<16xi32>
          %add3A_210 = arith.addi %add3A_198, %add3A_209 : vector<16xi32>
          %shift_left3A_211 = arith.constant 17 : i32
          %shift_left3A_212 = vector.broadcast %shift_left3A_211 : i32 to vector<16xi32>
          %shift_left3A_213 = arith.shli %add3A_209, %shift_left3A_212 : vector<16xi32>
          %shift_right_logical3A_214 = arith.constant 15 : i32
          %shift_right_logical3A_215 = vector.broadcast %shift_right_logical3A_214 : i32 to vector<16xi32>
          %shift_right_logical3A_216 = arith.shrui %add3A_209, %shift_right_logical3A_215 : vector<16xi32>
          %or3A_217 = arith.ori %shift_left3A_213, %shift_right_logical3A_216 : vector<16xi32>
          %xor3A_218 = arith.xori %or3A_217, %add3A_210 : vector<16xi32>
          %add3A_219 = arith.addi %add3A_210, %xor3A_218 : vector<16xi32>
          %shift_left3A_220 = arith.constant 29 : i32
          %shift_left3A_221 = vector.broadcast %shift_left3A_220 : i32 to vector<16xi32>
          %shift_left3A_222 = arith.shli %xor3A_218, %shift_left3A_221 : vector<16xi32>
          %shift_right_logical3A_223 = arith.constant 3 : i32
          %shift_right_logical3A_224 = vector.broadcast %shift_right_logical3A_223 : i32 to vector<16xi32>
          %shift_right_logical3A_225 = arith.shrui %xor3A_218, %shift_right_logical3A_224 : vector<16xi32>
          %or3A_226 = arith.ori %shift_left3A_222, %shift_right_logical3A_225 : vector<16xi32>
          %xor3A_227 = arith.xori %or3A_226, %add3A_219 : vector<16xi32>
          %add3A_228 = arith.addi %add3A_219, %xor3A_227 : vector<16xi32>
          %shift_left3A_229 = arith.constant 16 : i32
          %shift_left3A_230 = vector.broadcast %shift_left3A_229 : i32 to vector<16xi32>
          %shift_left3A_231 = arith.shli %xor3A_227, %shift_left3A_230 : vector<16xi32>
          %shift_right_logical3A_232 = arith.constant 16 : i32
          %shift_right_logical3A_233 = vector.broadcast %shift_right_logical3A_232 : i32 to vector<16xi32>
          %shift_right_logical3A_234 = arith.shrui %xor3A_227, %shift_right_logical3A_233 : vector<16xi32>
          %or3A_235 = arith.ori %shift_left3A_231, %shift_right_logical3A_234 : vector<16xi32>
          %xor3A_236 = arith.xori %or3A_235, %add3A_228 : vector<16xi32>
          %add3A_237 = arith.addi %add3A_228, %xor3A_236 : vector<16xi32>
          %shift_left3A_238 = arith.constant 24 : i32
          %shift_left3A_239 = vector.broadcast %shift_left3A_238 : i32 to vector<16xi32>
          %shift_left3A_240 = arith.shli %xor3A_236, %shift_left3A_239 : vector<16xi32>
          %shift_right_logical3A_241 = arith.constant 8 : i32
          %shift_right_logical3A_242 = vector.broadcast %shift_right_logical3A_241 : i32 to vector<16xi32>
          %shift_right_logical3A_243 = arith.shrui %xor3A_236, %shift_right_logical3A_242 : vector<16xi32>
          %or3A_244 = arith.ori %shift_left3A_240, %shift_right_logical3A_243 : vector<16xi32>
          %xor3A_245 = arith.xori %or3A_244, %add3A_237 : vector<16xi32>
          %add3A_246 = arith.constant 42 : i32
          %add3A_247 = vector.broadcast %add3A_246 : i32 to vector<16xi32>
          %add3A_248 = arith.addi %add3A_237, %add3A_247 : vector<16xi32>
          %add3A_249 = arith.constant 466689012 : i32
          %add3A_250 = vector.broadcast %add3A_249 : i32 to vector<16xi32>
          %add3A_251 = arith.addi %xor3A_245, %add3A_250 : vector<16xi32>
          %add3A_252 = arith.addi %add3A_248, %add3A_251 : vector<16xi32>
          %shift_left3A_253 = arith.constant 13 : i32
          %shift_left3A_254 = vector.broadcast %shift_left3A_253 : i32 to vector<16xi32>
          %shift_left3A_255 = arith.shli %add3A_251, %shift_left3A_254 : vector<16xi32>
          %shift_right_logical3A_256 = arith.constant 19 : i32
          %shift_right_logical3A_257 = vector.broadcast %shift_right_logical3A_256 : i32 to vector<16xi32>
          %shift_right_logical3A_258 = arith.shrui %add3A_251, %shift_right_logical3A_257 : vector<16xi32>
          %or3A_259 = arith.ori %shift_left3A_255, %shift_right_logical3A_258 : vector<16xi32>
          %xor3A_260 = arith.xori %or3A_259, %add3A_252 : vector<16xi32>
          %add3A_261 = arith.addi %add3A_252, %xor3A_260 : vector<16xi32>
          %shift_left3A_262 = arith.constant 15 : i32
          %shift_left3A_263 = vector.broadcast %shift_left3A_262 : i32 to vector<16xi32>
          %shift_left3A_264 = arith.shli %xor3A_260, %shift_left3A_263 : vector<16xi32>
          %shift_right_logical3A_265 = arith.constant 17 : i32
          %shift_right_logical3A_266 = vector.broadcast %shift_right_logical3A_265 : i32 to vector<16xi32>
          %shift_right_logical3A_267 = arith.shrui %xor3A_260, %shift_right_logical3A_266 : vector<16xi32>
          %or3A_268 = arith.ori %shift_left3A_264, %shift_right_logical3A_267 : vector<16xi32>
          %xor3A_269 = arith.xori %or3A_268, %add3A_261 : vector<16xi32>
          %add3A_270 = arith.addi %add3A_261, %xor3A_269 : vector<16xi32>
          %shift_left3A_271 = arith.constant 26 : i32
          %shift_left3A_272 = vector.broadcast %shift_left3A_271 : i32 to vector<16xi32>
          %shift_left3A_273 = arith.shli %xor3A_269, %shift_left3A_272 : vector<16xi32>
          %shift_right_logical3A_274 = arith.constant 6 : i32
          %shift_right_logical3A_275 = vector.broadcast %shift_right_logical3A_274 : i32 to vector<16xi32>
          %shift_right_logical3A_276 = arith.shrui %xor3A_269, %shift_right_logical3A_275 : vector<16xi32>
          %or3A_277 = arith.ori %shift_left3A_273, %shift_right_logical3A_276 : vector<16xi32>
          %xor3A_278 = arith.xori %or3A_277, %add3A_270 : vector<16xi32>
          %add3A_279 = arith.addi %add3A_270, %xor3A_278 : vector<16xi32>
          %shift_left3A_280 = arith.constant 6 : i32
          %shift_left3A_281 = vector.broadcast %shift_left3A_280 : i32 to vector<16xi32>
          %shift_left3A_282 = arith.shli %xor3A_278, %shift_left3A_281 : vector<16xi32>
          %shift_right_logical3A_283 = arith.constant 26 : i32
          %shift_right_logical3A_284 = vector.broadcast %shift_right_logical3A_283 : i32 to vector<16xi32>
          %shift_right_logical3A_285 = arith.shrui %xor3A_278, %shift_right_logical3A_284 : vector<16xi32>
          %or3A_286 = arith.ori %shift_left3A_282, %shift_right_logical3A_285 : vector<16xi32>
          %xor3A_287 = arith.xori %or3A_286, %add3A_279 : vector<16xi32>
          %add3A_288 = arith.constant 466689008 : i32
          %add3A_289 = vector.broadcast %add3A_288 : i32 to vector<16xi32>
          %add3A_290 = arith.addi %add3A_279, %add3A_289 : vector<16xi32>
          %add3A_291 = arith.constant 5 : i32
          %add3A_292 = vector.broadcast %add3A_291 : i32 to vector<16xi32>
          %add3A_293 = arith.addi %xor3A_287, %add3A_292 : vector<16xi32>
          %xor3A_294 = arith.xori %add3A_290, %add3A_293 : vector<16xi32>
          %shift_right_logical3A_295 = arith.constant 9 : i32
          %shift_right_logical3A_296 = vector.broadcast %shift_right_logical3A_295 : i32 to vector<16xi32>
          %shift_right_logical3A_297 = arith.shrui %xor3A_294, %shift_right_logical3A_296 : vector<16xi32>
          %lt3A_298 = arith.constant 1000 : i32
          %lt3A_299 = vector.broadcast %lt3A_298 : i32 to vector<16xi32>
          %lt3A_300 = arith.cmpi slt, %add3A_89, %lt3A_299 : vector<16xi32>
          %jit3A_301 = arith.constant -1 : i32
          %broadcast_in_dim3A_302 = vector.broadcast %jit3A_301 : i32 to vector<16xi32>
          %select_n3A_303 = arith.select %lt3A_300, %shift_right_logical3A_297, %broadcast_in_dim3A_302 : vector<16xi1>, vector<16xi32>
          %gt3A = arith.cmpi sgt, %select_n3A_303, %scan3A_84 : vector<16xi32>
          %select_n3A_304 = arith.select %gt3A, %select_n3A_303, %scan3A_84 : vector<16xi1>, vector<16xi32>
          %select_n3A_305 = arith.select %gt3A, %add3A_89, %scan3A_85 : vector<16xi1>, vector<16xi32>
          %scan3A_306 = arith.constant 1 : i32
          %scan3A_307 = arith.addi %scan3A_83, %scan3A_306 : i32
          %mul3A_308 = arith.constant 16 : i32
          %mul3A_309 = arith.muli %scan3A_307, %mul3A_308 : i32
          %add3A_310 = vector.broadcast %mul3A_309 : i32 to vector<16xi32>
          %add3A_311 = arith.addi %add3A_310, %iota3A : vector<16xi32>
          %add3A_312 = vector.broadcast %add3A_42 : i32 to vector<16xi32>
          %add3A_313 = arith.addi %add3A_312, %add3A_311 : vector<16xi32>
          %shift_left3A_314 = arith.constant 13 : i32
          %shift_left3A_315 = vector.broadcast %shift_left3A_314 : i32 to vector<16xi32>
          %shift_left3A_316 = arith.shli %add3A_313, %shift_left3A_315 : vector<16xi32>
          %shift_right_logical3A_317 = arith.constant 19 : i32
          %shift_right_logical3A_318 = vector.broadcast %shift_right_logical3A_317 : i32 to vector<16xi32>
          %shift_right_logical3A_319 = arith.shrui %add3A_313, %shift_right_logical3A_318 : vector<16xi32>
          %or3A_320 = arith.ori %shift_left3A_316, %shift_right_logical3A_319 : vector<16xi32>
          %xor3A_321 = arith.xori %or3A_320, %add3A_313 : vector<16xi32>
          %add3A_322 = arith.addi %add3A_313, %xor3A_321 : vector<16xi32>
          %shift_left3A_323 = arith.constant 15 : i32
          %shift_left3A_324 = vector.broadcast %shift_left3A_323 : i32 to vector<16xi32>
          %shift_left3A_325 = arith.shli %xor3A_321, %shift_left3A_324 : vector<16xi32>
          %shift_right_logical3A_326 = arith.constant 17 : i32
          %shift_right_logical3A_327 = vector.broadcast %shift_right_logical3A_326 : i32 to vector<16xi32>
          %shift_right_logical3A_328 = arith.shrui %xor3A_321, %shift_right_logical3A_327 : vector<16xi32>
          %or3A_329 = arith.ori %shift_left3A_325, %shift_right_logical3A_328 : vector<16xi32>
          %xor3A_330 = arith.xori %or3A_329, %add3A_322 : vector<16xi32>
          %add3A_331 = arith.addi %add3A_322, %xor3A_330 : vector<16xi32>
          %shift_left3A_332 = arith.constant 26 : i32
          %shift_left3A_333 = vector.broadcast %shift_left3A_332 : i32 to vector<16xi32>
          %shift_left3A_334 = arith.shli %xor3A_330, %shift_left3A_333 : vector<16xi32>
          %shift_right_logical3A_335 = arith.constant 6 : i32
          %shift_right_logical3A_336 = vector.broadcast %shift_right_logical3A_335 : i32 to vector<16xi32>
          %shift_right_logical3A_337 = arith.shrui %xor3A_330, %shift_right_logical3A_336 : vector<16xi32>
          %or3A_338 = arith.ori %shift_left3A_334, %shift_right_logical3A_337 : vector<16xi32>
          %xor3A_339 = arith.xori %or3A_338, %add3A_331 : vector<16xi32>
          %add3A_340 = arith.addi %add3A_331, %xor3A_339 : vector<16xi32>
          %shift_left3A_341 = arith.constant 6 : i32
          %shift_left3A_342 = vector.broadcast %shift_left3A_341 : i32 to vector<16xi32>
          %shift_left3A_343 = arith.shli %xor3A_339, %shift_left3A_342 : vector<16xi32>
          %shift_right_logical3A_344 = arith.constant 26 : i32
          %shift_right_logical3A_345 = vector.broadcast %shift_right_logical3A_344 : i32 to vector<16xi32>
          %shift_right_logical3A_346 = arith.shrui %xor3A_339, %shift_right_logical3A_345 : vector<16xi32>
          %or3A_347 = arith.ori %shift_left3A_343, %shift_right_logical3A_346 : vector<16xi32>
          %xor3A_348 = arith.xori %or3A_347, %add3A_340 : vector<16xi32>
          %add3A_349 = arith.constant 42 : i32
          %add3A_350 = vector.broadcast %add3A_349 : i32 to vector<16xi32>
          %add3A_351 = arith.addi %add3A_340, %add3A_350 : vector<16xi32>
          %add3A_352 = arith.constant 466689009 : i32
          %add3A_353 = vector.broadcast %add3A_352 : i32 to vector<16xi32>
          %add3A_354 = arith.addi %xor3A_348, %add3A_353 : vector<16xi32>
          %add3A_355 = arith.addi %add3A_351, %add3A_354 : vector<16xi32>
          %shift_left3A_356 = arith.constant 17 : i32
          %shift_left3A_357 = vector.broadcast %shift_left3A_356 : i32 to vector<16xi32>
          %shift_left3A_358 = arith.shli %add3A_354, %shift_left3A_357 : vector<16xi32>
          %shift_right_logical3A_359 = arith.constant 15 : i32
          %shift_right_logical3A_360 = vector.broadcast %shift_right_logical3A_359 : i32 to vector<16xi32>
          %shift_right_logical3A_361 = arith.shrui %add3A_354, %shift_right_logical3A_360 : vector<16xi32>
          %or3A_362 = arith.ori %shift_left3A_358, %shift_right_logical3A_361 : vector<16xi32>
          %xor3A_363 = arith.xori %or3A_362, %add3A_355 : vector<16xi32>
          %add3A_364 = arith.addi %add3A_355, %xor3A_363 : vector<16xi32>
          %shift_left3A_365 = arith.constant 29 : i32
          %shift_left3A_366 = vector.broadcast %shift_left3A_365 : i32 to vector<16xi32>
          %shift_left3A_367 = arith.shli %xor3A_363, %shift_left3A_366 : vector<16xi32>
          %shift_right_logical3A_368 = arith.constant 3 : i32
          %shift_right_logical3A_369 = vector.broadcast %shift_right_logical3A_368 : i32 to vector<16xi32>
          %shift_right_logical3A_370 = arith.shrui %xor3A_363, %shift_right_logical3A_369 : vector<16xi32>
          %or3A_371 = arith.ori %shift_left3A_367, %shift_right_logical3A_370 : vector<16xi32>
          %xor3A_372 = arith.xori %or3A_371, %add3A_364 : vector<16xi32>
          %add3A_373 = arith.addi %add3A_364, %xor3A_372 : vector<16xi32>
          %shift_left3A_374 = arith.constant 16 : i32
          %shift_left3A_375 = vector.broadcast %shift_left3A_374 : i32 to vector<16xi32>
          %shift_left3A_376 = arith.shli %xor3A_372, %shift_left3A_375 : vector<16xi32>
          %shift_right_logical3A_377 = arith.constant 16 : i32
          %shift_right_logical3A_378 = vector.broadcast %shift_right_logical3A_377 : i32 to vector<16xi32>
          %shift_right_logical3A_379 = arith.shrui %xor3A_372, %shift_right_logical3A_378 : vector<16xi32>
          %or3A_380 = arith.ori %shift_left3A_376, %shift_right_logical3A_379 : vector<16xi32>
          %xor3A_381 = arith.xori %or3A_380, %add3A_373 : vector<16xi32>
          %add3A_382 = arith.addi %add3A_373, %xor3A_381 : vector<16xi32>
          %shift_left3A_383 = arith.constant 24 : i32
          %shift_left3A_384 = vector.broadcast %shift_left3A_383 : i32 to vector<16xi32>
          %shift_left3A_385 = arith.shli %xor3A_381, %shift_left3A_384 : vector<16xi32>
          %shift_right_logical3A_386 = arith.constant 8 : i32
          %shift_right_logical3A_387 = vector.broadcast %shift_right_logical3A_386 : i32 to vector<16xi32>
          %shift_right_logical3A_388 = arith.shrui %xor3A_381, %shift_right_logical3A_387 : vector<16xi32>
          %or3A_389 = arith.ori %shift_left3A_385, %shift_right_logical3A_388 : vector<16xi32>
          %xor3A_390 = arith.xori %or3A_389, %add3A_382 : vector<16xi32>
          %add3A_391 = arith.constant 466689008 : i32
          %add3A_392 = vector.broadcast %add3A_391 : i32 to vector<16xi32>
          %add3A_393 = arith.addi %add3A_382, %add3A_392 : vector<16xi32>
          %add3A_394 = arith.constant 2 : i32
          %add3A_395 = vector.broadcast %add3A_394 : i32 to vector<16xi32>
          %add3A_396 = arith.addi %xor3A_390, %add3A_395 : vector<16xi32>
          %add3A_397 = arith.addi %add3A_393, %add3A_396 : vector<16xi32>
          %shift_left3A_398 = arith.constant 13 : i32
          %shift_left3A_399 = vector.broadcast %shift_left3A_398 : i32 to vector<16xi32>
          %shift_left3A_400 = arith.shli %add3A_396, %shift_left3A_399 : vector<16xi32>
          %shift_right_logical3A_401 = arith.constant 19 : i32
          %shift_right_logical3A_402 = vector.broadcast %shift_right_logical3A_401 : i32 to vector<16xi32>
          %shift_right_logical3A_403 = arith.shrui %add3A_396, %shift_right_logical3A_402 : vector<16xi32>
          %or3A_404 = arith.ori %shift_left3A_400, %shift_right_logical3A_403 : vector<16xi32>
          %xor3A_405 = arith.xori %or3A_404, %add3A_397 : vector<16xi32>
          %add3A_406 = arith.addi %add3A_397, %xor3A_405 : vector<16xi32>
          %shift_left3A_407 = arith.constant 15 : i32
          %shift_left3A_408 = vector.broadcast %shift_left3A_407 : i32 to vector<16xi32>
          %shift_left3A_409 = arith.shli %xor3A_405, %shift_left3A_408 : vector<16xi32>
          %shift_right_logical3A_410 = arith.constant 17 : i32
          %shift_right_logical3A_411 = vector.broadcast %shift_right_logical3A_410 : i32 to vector<16xi32>
          %shift_right_logical3A_412 = arith.shrui %xor3A_405, %shift_right_logical3A_411 : vector<16xi32>
          %or3A_413 = arith.ori %shift_left3A_409, %shift_right_logical3A_412 : vector<16xi32>
          %xor3A_414 = arith.xori %or3A_413, %add3A_406 : vector<16xi32>
          %add3A_415 = arith.addi %add3A_406, %xor3A_414 : vector<16xi32>
          %shift_left3A_416 = arith.constant 26 : i32
          %shift_left3A_417 = vector.broadcast %shift_left3A_416 : i32 to vector<16xi32>
          %shift_left3A_418 = arith.shli %xor3A_414, %shift_left3A_417 : vector<16xi32>
          %shift_right_logical3A_419 = arith.constant 6 : i32
          %shift_right_logical3A_420 = vector.broadcast %shift_right_logical3A_419 : i32 to vector<16xi32>
          %shift_right_logical3A_421 = arith.shrui %xor3A_414, %shift_right_logical3A_420 : vector<16xi32>
          %or3A_422 = arith.ori %shift_left3A_418, %shift_right_logical3A_421 : vector<16xi32>
          %xor3A_423 = arith.xori %or3A_422, %add3A_415 : vector<16xi32>
          %add3A_424 = arith.addi %add3A_415, %xor3A_423 : vector<16xi32>
          %shift_left3A_425 = arith.constant 6 : i32
          %shift_left3A_426 = vector.broadcast %shift_left3A_425 : i32 to vector<16xi32>
          %shift_left3A_427 = arith.shli %xor3A_423, %shift_left3A_426 : vector<16xi32>
          %shift_right_logical3A_428 = arith.constant 26 : i32
          %shift_right_logical3A_429 = vector.broadcast %shift_right_logical3A_428 : i32 to vector<16xi32>
          %shift_right_logical3A_430 = arith.shrui %xor3A_423, %shift_right_logical3A_429 : vector<16xi32>
          %or3A_431 = arith.ori %shift_left3A_427, %shift_right_logical3A_430 : vector<16xi32>
          %xor3A_432 = arith.xori %or3A_431, %add3A_424 : vector<16xi32>
          %add3A_433 = arith.constant 45 : i32
          %add3A_434 = vector.broadcast %add3A_433 : i32 to vector<16xi32>
          %add3A_435 = arith.addi %xor3A_432, %add3A_434 : vector<16xi32>
          %add3A_436 = arith.addi %add3A_424, %add3A_435 : vector<16xi32>
          %shift_left3A_437 = arith.constant 17 : i32
          %shift_left3A_438 = vector.broadcast %shift_left3A_437 : i32 to vector<16xi32>
          %shift_left3A_439 = arith.shli %add3A_435, %shift_left3A_438 : vector<16xi32>
          %shift_right_logical3A_440 = arith.constant 15 : i32
          %shift_right_logical3A_441 = vector.broadcast %shift_right_logical3A_440 : i32 to vector<16xi32>
          %shift_right_logical3A_442 = arith.shrui %add3A_435, %shift_right_logical3A_441 : vector<16xi32>
          %or3A_443 = arith.ori %shift_left3A_439, %shift_right_logical3A_442 : vector<16xi32>
          %xor3A_444 = arith.xori %or3A_443, %add3A_436 : vector<16xi32>
          %add3A_445 = arith.addi %add3A_436, %xor3A_444 : vector<16xi32>
          %shift_left3A_446 = arith.constant 29 : i32
          %shift_left3A_447 = vector.broadcast %shift_left3A_446 : i32 to vector<16xi32>
          %shift_left3A_448 = arith.shli %xor3A_444, %shift_left3A_447 : vector<16xi32>
          %shift_right_logical3A_449 = arith.constant 3 : i32
          %shift_right_logical3A_450 = vector.broadcast %shift_right_logical3A_449 : i32 to vector<16xi32>
          %shift_right_logical3A_451 = arith.shrui %xor3A_444, %shift_right_logical3A_450 : vector<16xi32>
          %or3A_452 = arith.ori %shift_left3A_448, %shift_right_logical3A_451 : vector<16xi32>
          %xor3A_453 = arith.xori %or3A_452, %add3A_445 : vector<16xi32>
          %add3A_454 = arith.addi %add3A_445, %xor3A_453 : vector<16xi32>
          %shift_left3A_455 = arith.constant 16 : i32
          %shift_left3A_456 = vector.broadcast %shift_left3A_455 : i32 to vector<16xi32>
          %shift_left3A_457 = arith.shli %xor3A_453, %shift_left3A_456 : vector<16xi32>
          %shift_right_logical3A_458 = arith.constant 16 : i32
          %shift_right_logical3A_459 = vector.broadcast %shift_right_logical3A_458 : i32 to vector<16xi32>
          %shift_right_logical3A_460 = arith.shrui %xor3A_453, %shift_right_logical3A_459 : vector<16xi32>
          %or3A_461 = arith.ori %shift_left3A_457, %shift_right_logical3A_460 : vector<16xi32>
          %xor3A_462 = arith.xori %or3A_461, %add3A_454 : vector<16xi32>
          %add3A_463 = arith.addi %add3A_454, %xor3A_462 : vector<16xi32>
          %shift_left3A_464 = arith.constant 24 : i32
          %shift_left3A_465 = vector.broadcast %shift_left3A_464 : i32 to vector<16xi32>
          %shift_left3A_466 = arith.shli %xor3A_462, %shift_left3A_465 : vector<16xi32>
          %shift_right_logical3A_467 = arith.constant 8 : i32
          %shift_right_logical3A_468 = vector.broadcast %shift_right_logical3A_467 : i32 to vector<16xi32>
          %shift_right_logical3A_469 = arith.shrui %xor3A_462, %shift_right_logical3A_468 : vector<16xi32>
          %or3A_470 = arith.ori %shift_left3A_466, %shift_right_logical3A_469 : vector<16xi32>
          %xor3A_471 = arith.xori %or3A_470, %add3A_463 : vector<16xi32>
          %add3A_472 = arith.constant 42 : i32
          %add3A_473 = vector.broadcast %add3A_472 : i32 to vector<16xi32>
          %add3A_474 = arith.addi %add3A_463, %add3A_473 : vector<16xi32>
          %add3A_475 = arith.constant 466689012 : i32
          %add3A_476 = vector.broadcast %add3A_475 : i32 to vector<16xi32>
          %add3A_477 = arith.addi %xor3A_471, %add3A_476 : vector<16xi32>
          %add3A_478 = arith.addi %add3A_474, %add3A_477 : vector<16xi32>
          %shift_left3A_479 = arith.constant 13 : i32
          %shift_left3A_480 = vector.broadcast %shift_left3A_479 : i32 to vector<16xi32>
          %shift_left3A_481 = arith.shli %add3A_477, %shift_left3A_480 : vector<16xi32>
          %shift_right_logical3A_482 = arith.constant 19 : i32
          %shift_right_logical3A_483 = vector.broadcast %shift_right_logical3A_482 : i32 to vector<16xi32>
          %shift_right_logical3A_484 = arith.shrui %add3A_477, %shift_right_logical3A_483 : vector<16xi32>
          %or3A_485 = arith.ori %shift_left3A_481, %shift_right_logical3A_484 : vector<16xi32>
          %xor3A_486 = arith.xori %or3A_485, %add3A_478 : vector<16xi32>
          %add3A_487 = arith.addi %add3A_478, %xor3A_486 : vector<16xi32>
          %shift_left3A_488 = arith.constant 15 : i32
          %shift_left3A_489 = vector.broadcast %shift_left3A_488 : i32 to vector<16xi32>
          %shift_left3A_490 = arith.shli %xor3A_486, %shift_left3A_489 : vector<16xi32>
          %shift_right_logical3A_491 = arith.constant 17 : i32
          %shift_right_logical3A_492 = vector.broadcast %shift_right_logical3A_491 : i32 to vector<16xi32>
          %shift_right_logical3A_493 = arith.shrui %xor3A_486, %shift_right_logical3A_492 : vector<16xi32>
          %or3A_494 = arith.ori %shift_left3A_490, %shift_right_logical3A_493 : vector<16xi32>
          %xor3A_495 = arith.xori %or3A_494, %add3A_487 : vector<16xi32>
          %add3A_496 = arith.addi %add3A_487, %xor3A_495 : vector<16xi32>
          %shift_left3A_497 = arith.constant 26 : i32
          %shift_left3A_498 = vector.broadcast %shift_left3A_497 : i32 to vector<16xi32>
          %shift_left3A_499 = arith.shli %xor3A_495, %shift_left3A_498 : vector<16xi32>
          %shift_right_logical3A_500 = arith.constant 6 : i32
          %shift_right_logical3A_501 = vector.broadcast %shift_right_logical3A_500 : i32 to vector<16xi32>
          %shift_right_logical3A_502 = arith.shrui %xor3A_495, %shift_right_logical3A_501 : vector<16xi32>
          %or3A_503 = arith.ori %shift_left3A_499, %shift_right_logical3A_502 : vector<16xi32>
          %xor3A_504 = arith.xori %or3A_503, %add3A_496 : vector<16xi32>
          %add3A_505 = arith.addi %add3A_496, %xor3A_504 : vector<16xi32>
          %shift_left3A_506 = arith.constant 6 : i32
          %shift_left3A_507 = vector.broadcast %shift_left3A_506 : i32 to vector<16xi32>
          %shift_left3A_508 = arith.shli %xor3A_504, %shift_left3A_507 : vector<16xi32>
          %shift_right_logical3A_509 = arith.constant 26 : i32
          %shift_right_logical3A_510 = vector.broadcast %shift_right_logical3A_509 : i32 to vector<16xi32>
          %shift_right_logical3A_511 = arith.shrui %xor3A_504, %shift_right_logical3A_510 : vector<16xi32>
          %or3A_512 = arith.ori %shift_left3A_508, %shift_right_logical3A_511 : vector<16xi32>
          %xor3A_513 = arith.xori %or3A_512, %add3A_505 : vector<16xi32>
          %add3A_514 = arith.constant 466689008 : i32
          %add3A_515 = vector.broadcast %add3A_514 : i32 to vector<16xi32>
          %add3A_516 = arith.addi %add3A_505, %add3A_515 : vector<16xi32>
          %add3A_517 = arith.constant 5 : i32
          %add3A_518 = vector.broadcast %add3A_517 : i32 to vector<16xi32>
          %add3A_519 = arith.addi %xor3A_513, %add3A_518 : vector<16xi32>
          %xor3A_520 = arith.xori %add3A_516, %add3A_519 : vector<16xi32>
          %shift_right_logical3A_521 = arith.constant 9 : i32
          %shift_right_logical3A_522 = vector.broadcast %shift_right_logical3A_521 : i32 to vector<16xi32>
          %shift_right_logical3A_523 = arith.shrui %xor3A_520, %shift_right_logical3A_522 : vector<16xi32>
          %lt3A_524 = arith.constant 1000 : i32
          %lt3A_525 = vector.broadcast %lt3A_524 : i32 to vector<16xi32>
          %lt3A_526 = arith.cmpi slt, %add3A_311, %lt3A_525 : vector<16xi32>
          %jit3A_527 = arith.constant -1 : i32
          %broadcast_in_dim3A_528 = vector.broadcast %jit3A_527 : i32 to vector<16xi32>
          %select_n3A_529 = arith.select %lt3A_526, %shift_right_logical3A_523, %broadcast_in_dim3A_528 : vector<16xi1>, vector<16xi32>
          %gt3A_530 = arith.cmpi sgt, %select_n3A_529, %select_n3A_304 : vector<16xi32>
          %select_n3A_531 = arith.select %gt3A_530, %select_n3A_529, %select_n3A_304 : vector<16xi1>, vector<16xi32>
          %select_n3A_532 = arith.select %gt3A_530, %add3A_311, %select_n3A_305 : vector<16xi1>, vector<16xi32>
          %scan3A_533 = arith.constant 2 : i32
          %scan3A_534 = arith.addi %scan3A_83, %scan3A_533 : i32
          %mul3A_535 = arith.constant 16 : i32
          %mul3A_536 = arith.muli %scan3A_534, %mul3A_535 : i32
          %add3A_537 = vector.broadcast %mul3A_536 : i32 to vector<16xi32>
          %add3A_538 = arith.addi %add3A_537, %iota3A : vector<16xi32>
          %add3A_539 = vector.broadcast %add3A_42 : i32 to vector<16xi32>
          %add3A_540 = arith.addi %add3A_539, %add3A_538 : vector<16xi32>
          %shift_left3A_541 = arith.constant 13 : i32
          %shift_left3A_542 = vector.broadcast %shift_left3A_541 : i32 to vector<16xi32>
          %shift_left3A_543 = arith.shli %add3A_540, %shift_left3A_542 : vector<16xi32>
          %shift_right_logical3A_544 = arith.constant 19 : i32
          %shift_right_logical3A_545 = vector.broadcast %shift_right_logical3A_544 : i32 to vector<16xi32>
          %shift_right_logical3A_546 = arith.shrui %add3A_540, %shift_right_logical3A_545 : vector<16xi32>
          %or3A_547 = arith.ori %shift_left3A_543, %shift_right_logical3A_546 : vector<16xi32>
          %xor3A_548 = arith.xori %or3A_547, %add3A_540 : vector<16xi32>
          %add3A_549 = arith.addi %add3A_540, %xor3A_548 : vector<16xi32>
          %shift_left3A_550 = arith.constant 15 : i32
          %shift_left3A_551 = vector.broadcast %shift_left3A_550 : i32 to vector<16xi32>
          %shift_left3A_552 = arith.shli %xor3A_548, %shift_left3A_551 : vector<16xi32>
          %shift_right_logical3A_553 = arith.constant 17 : i32
          %shift_right_logical3A_554 = vector.broadcast %shift_right_logical3A_553 : i32 to vector<16xi32>
          %shift_right_logical3A_555 = arith.shrui %xor3A_548, %shift_right_logical3A_554 : vector<16xi32>
          %or3A_556 = arith.ori %shift_left3A_552, %shift_right_logical3A_555 : vector<16xi32>
          %xor3A_557 = arith.xori %or3A_556, %add3A_549 : vector<16xi32>
          %add3A_558 = arith.addi %add3A_549, %xor3A_557 : vector<16xi32>
          %shift_left3A_559 = arith.constant 26 : i32
          %shift_left3A_560 = vector.broadcast %shift_left3A_559 : i32 to vector<16xi32>
          %shift_left3A_561 = arith.shli %xor3A_557, %shift_left3A_560 : vector<16xi32>
          %shift_right_logical3A_562 = arith.constant 6 : i32
          %shift_right_logical3A_563 = vector.broadcast %shift_right_logical3A_562 : i32 to vector<16xi32>
          %shift_right_logical3A_564 = arith.shrui %xor3A_557, %shift_right_logical3A_563 : vector<16xi32>
          %or3A_565 = arith.ori %shift_left3A_561, %shift_right_logical3A_564 : vector<16xi32>
          %xor3A_566 = arith.xori %or3A_565, %add3A_558 : vector<16xi32>
          %add3A_567 = arith.addi %add3A_558, %xor3A_566 : vector<16xi32>
          %shift_left3A_568 = arith.constant 6 : i32
          %shift_left3A_569 = vector.broadcast %shift_left3A_568 : i32 to vector<16xi32>
          %shift_left3A_570 = arith.shli %xor3A_566, %shift_left3A_569 : vector<16xi32>
          %shift_right_logical3A_571 = arith.constant 26 : i32
          %shift_right_logical3A_572 = vector.broadcast %shift_right_logical3A_571 : i32 to vector<16xi32>
          %shift_right_logical3A_573 = arith.shrui %xor3A_566, %shift_right_logical3A_572 : vector<16xi32>
          %or3A_574 = arith.ori %shift_left3A_570, %shift_right_logical3A_573 : vector<16xi32>
          %xor3A_575 = arith.xori %or3A_574, %add3A_567 : vector<16xi32>
          %add3A_576 = arith.constant 42 : i32
          %add3A_577 = vector.broadcast %add3A_576 : i32 to vector<16xi32>
          %add3A_578 = arith.addi %add3A_567, %add3A_577 : vector<16xi32>
          %add3A_579 = arith.constant 466689009 : i32
          %add3A_580 = vector.broadcast %add3A_579 : i32 to vector<16xi32>
          %add3A_581 = arith.addi %xor3A_575, %add3A_580 : vector<16xi32>
          %add3A_582 = arith.addi %add3A_578, %add3A_581 : vector<16xi32>
          %shift_left3A_583 = arith.constant 17 : i32
          %shift_left3A_584 = vector.broadcast %shift_left3A_583 : i32 to vector<16xi32>
          %shift_left3A_585 = arith.shli %add3A_581, %shift_left3A_584 : vector<16xi32>
          %shift_right_logical3A_586 = arith.constant 15 : i32
          %shift_right_logical3A_587 = vector.broadcast %shift_right_logical3A_586 : i32 to vector<16xi32>
          %shift_right_logical3A_588 = arith.shrui %add3A_581, %shift_right_logical3A_587 : vector<16xi32>
          %or3A_589 = arith.ori %shift_left3A_585, %shift_right_logical3A_588 : vector<16xi32>
          %xor3A_590 = arith.xori %or3A_589, %add3A_582 : vector<16xi32>
          %add3A_591 = arith.addi %add3A_582, %xor3A_590 : vector<16xi32>
          %shift_left3A_592 = arith.constant 29 : i32
          %shift_left3A_593 = vector.broadcast %shift_left3A_592 : i32 to vector<16xi32>
          %shift_left3A_594 = arith.shli %xor3A_590, %shift_left3A_593 : vector<16xi32>
          %shift_right_logical3A_595 = arith.constant 3 : i32
          %shift_right_logical3A_596 = vector.broadcast %shift_right_logical3A_595 : i32 to vector<16xi32>
          %shift_right_logical3A_597 = arith.shrui %xor3A_590, %shift_right_logical3A_596 : vector<16xi32>
          %or3A_598 = arith.ori %shift_left3A_594, %shift_right_logical3A_597 : vector<16xi32>
          %xor3A_599 = arith.xori %or3A_598, %add3A_591 : vector<16xi32>
          %add3A_600 = arith.addi %add3A_591, %xor3A_599 : vector<16xi32>
          %shift_left3A_601 = arith.constant 16 : i32
          %shift_left3A_602 = vector.broadcast %shift_left3A_601 : i32 to vector<16xi32>
          %shift_left3A_603 = arith.shli %xor3A_599, %shift_left3A_602 : vector<16xi32>
          %shift_right_logical3A_604 = arith.constant 16 : i32
          %shift_right_logical3A_605 = vector.broadcast %shift_right_logical3A_604 : i32 to vector<16xi32>
          %shift_right_logical3A_606 = arith.shrui %xor3A_599, %shift_right_logical3A_605 : vector<16xi32>
          %or3A_607 = arith.ori %shift_left3A_603, %shift_right_logical3A_606 : vector<16xi32>
          %xor3A_608 = arith.xori %or3A_607, %add3A_600 : vector<16xi32>
          %add3A_609 = arith.addi %add3A_600, %xor3A_608 : vector<16xi32>
          %shift_left3A_610 = arith.constant 24 : i32
          %shift_left3A_611 = vector.broadcast %shift_left3A_610 : i32 to vector<16xi32>
          %shift_left3A_612 = arith.shli %xor3A_608, %shift_left3A_611 : vector<16xi32>
          %shift_right_logical3A_613 = arith.constant 8 : i32
          %shift_right_logical3A_614 = vector.broadcast %shift_right_logical3A_613 : i32 to vector<16xi32>
          %shift_right_logical3A_615 = arith.shrui %xor3A_608, %shift_right_logical3A_614 : vector<16xi32>
          %or3A_616 = arith.ori %shift_left3A_612, %shift_right_logical3A_615 : vector<16xi32>
          %xor3A_617 = arith.xori %or3A_616, %add3A_609 : vector<16xi32>
          %add3A_618 = arith.constant 466689008 : i32
          %add3A_619 = vector.broadcast %add3A_618 : i32 to vector<16xi32>
          %add3A_620 = arith.addi %add3A_609, %add3A_619 : vector<16xi32>
          %add3A_621 = arith.constant 2 : i32
          %add3A_622 = vector.broadcast %add3A_621 : i32 to vector<16xi32>
          %add3A_623 = arith.addi %xor3A_617, %add3A_622 : vector<16xi32>
          %add3A_624 = arith.addi %add3A_620, %add3A_623 : vector<16xi32>
          %shift_left3A_625 = arith.constant 13 : i32
          %shift_left3A_626 = vector.broadcast %shift_left3A_625 : i32 to vector<16xi32>
          %shift_left3A_627 = arith.shli %add3A_623, %shift_left3A_626 : vector<16xi32>
          %shift_right_logical3A_628 = arith.constant 19 : i32
          %shift_right_logical3A_629 = vector.broadcast %shift_right_logical3A_628 : i32 to vector<16xi32>
          %shift_right_logical3A_630 = arith.shrui %add3A_623, %shift_right_logical3A_629 : vector<16xi32>
          %or3A_631 = arith.ori %shift_left3A_627, %shift_right_logical3A_630 : vector<16xi32>
          %xor3A_632 = arith.xori %or3A_631, %add3A_624 : vector<16xi32>
          %add3A_633 = arith.addi %add3A_624, %xor3A_632 : vector<16xi32>
          %shift_left3A_634 = arith.constant 15 : i32
          %shift_left3A_635 = vector.broadcast %shift_left3A_634 : i32 to vector<16xi32>
          %shift_left3A_636 = arith.shli %xor3A_632, %shift_left3A_635 : vector<16xi32>
          %shift_right_logical3A_637 = arith.constant 17 : i32
          %shift_right_logical3A_638 = vector.broadcast %shift_right_logical3A_637 : i32 to vector<16xi32>
          %shift_right_logical3A_639 = arith.shrui %xor3A_632, %shift_right_logical3A_638 : vector<16xi32>
          %or3A_640 = arith.ori %shift_left3A_636, %shift_right_logical3A_639 : vector<16xi32>
          %xor3A_641 = arith.xori %or3A_640, %add3A_633 : vector<16xi32>
          %add3A_642 = arith.addi %add3A_633, %xor3A_641 : vector<16xi32>
          %shift_left3A_643 = arith.constant 26 : i32
          %shift_left3A_644 = vector.broadcast %shift_left3A_643 : i32 to vector<16xi32>
          %shift_left3A_645 = arith.shli %xor3A_641, %shift_left3A_644 : vector<16xi32>
          %shift_right_logical3A_646 = arith.constant 6 : i32
          %shift_right_logical3A_647 = vector.broadcast %shift_right_logical3A_646 : i32 to vector<16xi32>
          %shift_right_logical3A_648 = arith.shrui %xor3A_641, %shift_right_logical3A_647 : vector<16xi32>
          %or3A_649 = arith.ori %shift_left3A_645, %shift_right_logical3A_648 : vector<16xi32>
          %xor3A_650 = arith.xori %or3A_649, %add3A_642 : vector<16xi32>
          %add3A_651 = arith.addi %add3A_642, %xor3A_650 : vector<16xi32>
          %shift_left3A_652 = arith.constant 6 : i32
          %shift_left3A_653 = vector.broadcast %shift_left3A_652 : i32 to vector<16xi32>
          %shift_left3A_654 = arith.shli %xor3A_650, %shift_left3A_653 : vector<16xi32>
          %shift_right_logical3A_655 = arith.constant 26 : i32
          %shift_right_logical3A_656 = vector.broadcast %shift_right_logical3A_655 : i32 to vector<16xi32>
          %shift_right_logical3A_657 = arith.shrui %xor3A_650, %shift_right_logical3A_656 : vector<16xi32>
          %or3A_658 = arith.ori %shift_left3A_654, %shift_right_logical3A_657 : vector<16xi32>
          %xor3A_659 = arith.xori %or3A_658, %add3A_651 : vector<16xi32>
          %add3A_660 = arith.constant 45 : i32
          %add3A_661 = vector.broadcast %add3A_660 : i32 to vector<16xi32>
          %add3A_662 = arith.addi %xor3A_659, %add3A_661 : vector<16xi32>
          %add3A_663 = arith.addi %add3A_651, %add3A_662 : vector<16xi32>
          %shift_left3A_664 = arith.constant 17 : i32
          %shift_left3A_665 = vector.broadcast %shift_left3A_664 : i32 to vector<16xi32>
          %shift_left3A_666 = arith.shli %add3A_662, %shift_left3A_665 : vector<16xi32>
          %shift_right_logical3A_667 = arith.constant 15 : i32
          %shift_right_logical3A_668 = vector.broadcast %shift_right_logical3A_667 : i32 to vector<16xi32>
          %shift_right_logical3A_669 = arith.shrui %add3A_662, %shift_right_logical3A_668 : vector<16xi32>
          %or3A_670 = arith.ori %shift_left3A_666, %shift_right_logical3A_669 : vector<16xi32>
          %xor3A_671 = arith.xori %or3A_670, %add3A_663 : vector<16xi32>
          %add3A_672 = arith.addi %add3A_663, %xor3A_671 : vector<16xi32>
          %shift_left3A_673 = arith.constant 29 : i32
          %shift_left3A_674 = vector.broadcast %shift_left3A_673 : i32 to vector<16xi32>
          %shift_left3A_675 = arith.shli %xor3A_671, %shift_left3A_674 : vector<16xi32>
          %shift_right_logical3A_676 = arith.constant 3 : i32
          %shift_right_logical3A_677 = vector.broadcast %shift_right_logical3A_676 : i32 to vector<16xi32>
          %shift_right_logical3A_678 = arith.shrui %xor3A_671, %shift_right_logical3A_677 : vector<16xi32>
          %or3A_679 = arith.ori %shift_left3A_675, %shift_right_logical3A_678 : vector<16xi32>
          %xor3A_680 = arith.xori %or3A_679, %add3A_672 : vector<16xi32>
          %add3A_681 = arith.addi %add3A_672, %xor3A_680 : vector<16xi32>
          %shift_left3A_682 = arith.constant 16 : i32
          %shift_left3A_683 = vector.broadcast %shift_left3A_682 : i32 to vector<16xi32>
          %shift_left3A_684 = arith.shli %xor3A_680, %shift_left3A_683 : vector<16xi32>
          %shift_right_logical3A_685 = arith.constant 16 : i32
          %shift_right_logical3A_686 = vector.broadcast %shift_right_logical3A_685 : i32 to vector<16xi32>
          %shift_right_logical3A_687 = arith.shrui %xor3A_680, %shift_right_logical3A_686 : vector<16xi32>
          %or3A_688 = arith.ori %shift_left3A_684, %shift_right_logical3A_687 : vector<16xi32>
          %xor3A_689 = arith.xori %or3A_688, %add3A_681 : vector<16xi32>
          %add3A_690 = arith.addi %add3A_681, %xor3A_689 : vector<16xi32>
          %shift_left3A_691 = arith.constant 24 : i32
          %shift_left3A_692 = vector.broadcast %shift_left3A_691 : i32 to vector<16xi32>
          %shift_left3A_693 = arith.shli %xor3A_689, %shift_left3A_692 : vector<16xi32>
          %shift_right_logical3A_694 = arith.constant 8 : i32
          %shift_right_logical3A_695 = vector.broadcast %shift_right_logical3A_694 : i32 to vector<16xi32>
          %shift_right_logical3A_696 = arith.shrui %xor3A_689, %shift_right_logical3A_695 : vector<16xi32>
          %or3A_697 = arith.ori %shift_left3A_693, %shift_right_logical3A_696 : vector<16xi32>
          %xor3A_698 = arith.xori %or3A_697, %add3A_690 : vector<16xi32>
          %add3A_699 = arith.constant 42 : i32
          %add3A_700 = vector.broadcast %add3A_699 : i32 to vector<16xi32>
          %add3A_701 = arith.addi %add3A_690, %add3A_700 : vector<16xi32>
          %add3A_702 = arith.constant 466689012 : i32
          %add3A_703 = vector.broadcast %add3A_702 : i32 to vector<16xi32>
          %add3A_704 = arith.addi %xor3A_698, %add3A_703 : vector<16xi32>
          %add3A_705 = arith.addi %add3A_701, %add3A_704 : vector<16xi32>
          %shift_left3A_706 = arith.constant 13 : i32
          %shift_left3A_707 = vector.broadcast %shift_left3A_706 : i32 to vector<16xi32>
          %shift_left3A_708 = arith.shli %add3A_704, %shift_left3A_707 : vector<16xi32>
          %shift_right_logical3A_709 = arith.constant 19 : i32
          %shift_right_logical3A_710 = vector.broadcast %shift_right_logical3A_709 : i32 to vector<16xi32>
          %shift_right_logical3A_711 = arith.shrui %add3A_704, %shift_right_logical3A_710 : vector<16xi32>
          %or3A_712 = arith.ori %shift_left3A_708, %shift_right_logical3A_711 : vector<16xi32>
          %xor3A_713 = arith.xori %or3A_712, %add3A_705 : vector<16xi32>
          %add3A_714 = arith.addi %add3A_705, %xor3A_713 : vector<16xi32>
          %shift_left3A_715 = arith.constant 15 : i32
          %shift_left3A_716 = vector.broadcast %shift_left3A_715 : i32 to vector<16xi32>
          %shift_left3A_717 = arith.shli %xor3A_713, %shift_left3A_716 : vector<16xi32>
          %shift_right_logical3A_718 = arith.constant 17 : i32
          %shift_right_logical3A_719 = vector.broadcast %shift_right_logical3A_718 : i32 to vector<16xi32>
          %shift_right_logical3A_720 = arith.shrui %xor3A_713, %shift_right_logical3A_719 : vector<16xi32>
          %or3A_721 = arith.ori %shift_left3A_717, %shift_right_logical3A_720 : vector<16xi32>
          %xor3A_722 = arith.xori %or3A_721, %add3A_714 : vector<16xi32>
          %add3A_723 = arith.addi %add3A_714, %xor3A_722 : vector<16xi32>
          %shift_left3A_724 = arith.constant 26 : i32
          %shift_left3A_725 = vector.broadcast %shift_left3A_724 : i32 to vector<16xi32>
          %shift_left3A_726 = arith.shli %xor3A_722, %shift_left3A_725 : vector<16xi32>
          %shift_right_logical3A_727 = arith.constant 6 : i32
          %shift_right_logical3A_728 = vector.broadcast %shift_right_logical3A_727 : i32 to vector<16xi32>
          %shift_right_logical3A_729 = arith.shrui %xor3A_722, %shift_right_logical3A_728 : vector<16xi32>
          %or3A_730 = arith.ori %shift_left3A_726, %shift_right_logical3A_729 : vector<16xi32>
          %xor3A_731 = arith.xori %or3A_730, %add3A_723 : vector<16xi32>
          %add3A_732 = arith.addi %add3A_723, %xor3A_731 : vector<16xi32>
          %shift_left3A_733 = arith.constant 6 : i32
          %shift_left3A_734 = vector.broadcast %shift_left3A_733 : i32 to vector<16xi32>
          %shift_left3A_735 = arith.shli %xor3A_731, %shift_left3A_734 : vector<16xi32>
          %shift_right_logical3A_736 = arith.constant 26 : i32
          %shift_right_logical3A_737 = vector.broadcast %shift_right_logical3A_736 : i32 to vector<16xi32>
          %shift_right_logical3A_738 = arith.shrui %xor3A_731, %shift_right_logical3A_737 : vector<16xi32>
          %or3A_739 = arith.ori %shift_left3A_735, %shift_right_logical3A_738 : vector<16xi32>
          %xor3A_740 = arith.xori %or3A_739, %add3A_732 : vector<16xi32>
          %add3A_741 = arith.constant 466689008 : i32
          %add3A_742 = vector.broadcast %add3A_741 : i32 to vector<16xi32>
          %add3A_743 = arith.addi %add3A_732, %add3A_742 : vector<16xi32>
          %add3A_744 = arith.constant 5 : i32
          %add3A_745 = vector.broadcast %add3A_744 : i32 to vector<16xi32>
          %add3A_746 = arith.addi %xor3A_740, %add3A_745 : vector<16xi32>
          %xor3A_747 = arith.xori %add3A_743, %add3A_746 : vector<16xi32>
          %shift_right_logical3A_748 = arith.constant 9 : i32
          %shift_right_logical3A_749 = vector.broadcast %shift_right_logical3A_748 : i32 to vector<16xi32>
          %shift_right_logical3A_750 = arith.shrui %xor3A_747, %shift_right_logical3A_749 : vector<16xi32>
          %lt3A_751 = arith.constant 1000 : i32
          %lt3A_752 = vector.broadcast %lt3A_751 : i32 to vector<16xi32>
          %lt3A_753 = arith.cmpi slt, %add3A_538, %lt3A_752 : vector<16xi32>
          %jit3A_754 = arith.constant -1 : i32
          %broadcast_in_dim3A_755 = vector.broadcast %jit3A_754 : i32 to vector<16xi32>
          %select_n3A_756 = arith.select %lt3A_753, %shift_right_logical3A_750, %broadcast_in_dim3A_755 : vector<16xi1>, vector<16xi32>
          %gt3A_757 = arith.cmpi sgt, %select_n3A_756, %select_n3A_531 : vector<16xi32>
          %select_n3A_758 = arith.select %gt3A_757, %select_n3A_756, %select_n3A_531 : vector<16xi1>, vector<16xi32>
          %select_n3A_759 = arith.select %gt3A_757, %add3A_538, %select_n3A_532 : vector<16xi1>, vector<16xi32>
          scf.yield %select_n3A_758, %select_n3A_759 : vector<16xi32>, vector<16xi32>
        }
        %scan3A_51 = arith.constant 63 : i32
        %reduce_max3A = arith.constant true
        %reduce_max3A_52 = vector.broadcast %reduce_max3A : i1 to vector<16xi1>
        %reduce_max3A_53 = arith.constant -2147483648 : i32
        %reduce_max3A_54 = vector.broadcast %reduce_max3A_53 : i32 to vector<16xi32>
        %reduce_max3A_55 = arith.xori %scan3A_50#0, %reduce_max3A_54 : vector<16xi32>
        %reduce_max3A_56 = tpu.scan <max>, %reduce_max3A_55 masked %reduce_max3A_52 : vector<16xi32>, vector<16xi1> -> vector<16xi32>
        %reduce_max3A_57 = arith.xori %reduce_max3A_56, %reduce_max3A_54 : vector<16xi32>
        %reduce_max3A_58 = vector.extract %reduce_max3A_57[15] : i32 from vector<16xi32>
        %eq3A = vector.broadcast %reduce_max3A_58 : i32 to vector<16xi32>
        %eq3A_59 = arith.cmpi eq, %scan3A_50#0, %eq3A : vector<16xi32>
        %broadcast_in_dim3A_60 = vector.broadcast %scan3A : i32 to vector<16xi32>
        %select_n3A = arith.select %eq3A_59, %scan3A_50#1, %broadcast_in_dim3A_60 : vector<16xi1>, vector<16xi32>
        %reduce_min3A = arith.constant true
        %reduce_min3A_61 = vector.broadcast %reduce_min3A : i1 to vector<16xi1>
        %reduce_min3A_62 = arith.constant -2147483648 : i32
        %reduce_min3A_63 = vector.broadcast %reduce_min3A_62 : i32 to vector<16xi32>
        %reduce_min3A_64 = arith.xori %select_n3A, %reduce_min3A_63 : vector<16xi32>
        %reduce_min3A_65 = tpu.scan <min>, %reduce_min3A_64 masked %reduce_min3A_61 : vector<16xi32>, vector<16xi1> -> vector<16xi32>
        %reduce_min3A_66 = arith.xori %reduce_min3A_65, %reduce_min3A_63 : vector<16xi32>
        %reduce_min3A_67 = vector.extract %reduce_min3A_66[15] : i32 from vector<16xi32>
        %jit3A = arith.constant 16 : i32
        %eq3A_68 = arith.constant 0 : i32
        %eq3A_69 = arith.cmpi eq, %jit3A, %eq3A_68 : i32
        %jit3A_70 = arith.constant 1 : i32
        %select_n3A_71 = arith.select %eq3A_69, %jit3A_70, %jit3A : i32
        %rem3A = arith.remsi %while3A_32, %select_n3A_71 : i32
        %ne3A = arith.constant 0 : i32
        %ne3A_72 = arith.cmpi ne, %rem3A, %ne3A : i32
        %lt3A = arith.constant 0 : i32
        %lt3A_73 = arith.cmpi slt, %rem3A, %lt3A : i32
        %lt3A_74 = arith.constant 0 : i32
        %lt3A_75 = arith.cmpi slt, %select_n3A_71, %lt3A_74 : i32
        %ne3A_76 = arith.xori %lt3A_73, %lt3A_75 : i1
        %and3A = arith.andi %ne3A_76, %ne3A_72 : i1
        %add3A_77 = arith.addi %rem3A, %select_n3A_71 : i32
        %select_n3A_78 = arith.select %and3A, %add3A_77, %rem3A : i32
        %eq3A_79 = vector.broadcast %select_n3A_78 : i32 to vector<16xi32>
        %eq3A_80 = arith.cmpi eq, %iota3A, %eq3A_79 : vector<16xi32>
        %broadcast_in_dim3A_81 = vector.broadcast %reduce_min3A_67 : i32 to vector<16xi32>
        %select_n3A_82 = arith.select %eq3A_80, %broadcast_in_dim3A_81, %while3A_33 : vector<16xi1>, vector<16xi32>
        scf.yield %select_n3A_82 : vector<16xi32>
      }
      %mul3A_28 = arith.constant 16 : i32
      %mul3A_29 = arith.muli %scan3A_10, %mul3A_28 : i32
      %swap3A = arith.index_cast %mul3A_29 : i32 to index
      %swap3A_30 = tpu.vector_load %arg3[%swap3A] {strides = array<i32>} : memref<256xi32, #tpu.memory_space<vmem>>, vector<16xi32>,
      tpu.vector_store %arg3[%swap3A], %while3A_27 {strides = array<i32>} : memref<256xi32, #tpu.memory_space<vmem>>, vector<16xi32>,
      %scan3A_31 = arith.constant 0 : i32
      scf.yield %scan3A_31 : i32
    }
    %scan3A_7 = arith.constant 16 : i32
    %mul3A_8 = arith.constant 256 : i32
    %mul3A_9 = arith.muli %add3A, %mul3A_8 : i32
    "tpu.region"() ({
      %run_scoped3A = tpu.sem_alloc : memref<!tpu.dma_semaphore, #tpu.memory_space<semaphore_mem>>
      %dma_start3A = tpu.memref_slice %arg2[%mul3A_9] : memref<8192xi32, #tpu.memory_space<hbm>> -> memref<256xi32, #tpu.memory_space<hbm>>
      %dma_start3A_10 = tpu.memref_slice %arg2[%mul3A_9] : memref<8192xi32, #tpu.memory_space<hbm>> -> memref<256xi32, #tpu.memory_space<hbm>>
      tpu.enqueue_dma source(%arg3 : memref<256xi32, #tpu.memory_space<vmem>>) target(%dma_start3A_10 : memref<256xi32, #tpu.memory_space<hbm>>) target_semaphore(%run_scoped3A : memref<!tpu.dma_semaphore, #tpu.memory_space<semaphore_mem>>)
      %dma_wait3A = tpu.memref_slice %arg2[%mul3A_9] : memref<8192xi32, #tpu.memory_space<hbm>> -> memref<256xi32, #tpu.memory_space<hbm>>
      %dma_wait3A_11 = tpu.memref_slice %arg2[%mul3A_9] : memref<8192xi32, #tpu.memory_space<hbm>> -> memref<256xi32, #tpu.memory_space<hbm>>
      tpu.wait_dma2 semaphore(%run_scoped3A : memref<!tpu.dma_semaphore, #tpu.memory_space<semaphore_mem>>) src(%arg3 : memref<256xi32, #tpu.memory_space<vmem>>) dst(%dma_wait3A_11 : memref<256xi32, #tpu.memory_space<hbm>>)
      tpu.yield
    }) : () -> ()
    return
  }
}

#map = affine_map<(d0, d1) -> (0)>
module attributes {stable_mosaic.version = 14 : i64} {
  func.func @_logp_gather(%arg0: i32, %arg1: i32, %arg2: memref<32768xi32, #tpu.memory_space<hbm>>, %arg3: memref<1024xf32, #tpu.memory_space<hbm>>, %arg4: memref<32768xf32, #tpu.memory_space<hbm>>, %arg5: memref<1024xi32, #tpu.memory_space<vmem>>, %arg6: memref<1024xf32, #tpu.memory_space<vmem>>, %arg7: memref<1024xf32, #tpu.memory_space<vmem>>) attributes {dimension_semantics = [#tpu.dimension_semantics<core_parallel>, #tpu.dimension_semantics<subcore_parallel>], iteration_bounds = array<i64: 2, 16>, scalar_prefetch = 0 : i64, scratch_operands = 3 : i64, tpu.core_type = #tpu.core_type<sc_vector_subcore>, window_params = [{transform_indices = #map}, {transform_indices = #map}, {transform_indices = #map}]} {
    %mul3A = arith.constant 2 : i32
    %mul3A_0 = arith.muli %arg1, %mul3A : i32
    %add3A = arith.addi %mul3A_0, %arg0 : i32
    %mul3A_1 = arith.constant 1024 : i32
    %mul3A_2 = arith.muli %add3A, %mul3A_1 : i32
    "tpu.region"() ({
      %run_scoped3A = tpu.sem_alloc : memref<!tpu.dma_semaphore, #tpu.memory_space<semaphore_mem>>
      %dma_start3A = tpu.memref_slice %arg2[%mul3A_2] : memref<32768xi32, #tpu.memory_space<hbm>> -> memref<1024xi32, #tpu.memory_space<hbm>>
      %dma_start3A_320 = tpu.memref_slice %arg2[%mul3A_2] : memref<32768xi32, #tpu.memory_space<hbm>> -> memref<1024xi32, #tpu.memory_space<hbm>>
      tpu.enqueue_dma source(%dma_start3A_320 : memref<1024xi32, #tpu.memory_space<hbm>>) target(%arg5 : memref<1024xi32, #tpu.memory_space<vmem>>) target_semaphore(%run_scoped3A : memref<!tpu.dma_semaphore, #tpu.memory_space<semaphore_mem>>)
      %dma_wait3A = tpu.memref_slice %arg2[%mul3A_2] : memref<32768xi32, #tpu.memory_space<hbm>> -> memref<1024xi32, #tpu.memory_space<hbm>>
      %dma_wait3A_321 = tpu.memref_slice %arg2[%mul3A_2] : memref<32768xi32, #tpu.memory_space<hbm>> -> memref<1024xi32, #tpu.memory_space<hbm>>
      tpu.wait_dma2 semaphore(%run_scoped3A : memref<!tpu.dma_semaphore, #tpu.memory_space<semaphore_mem>>) src(%dma_wait3A_321 : memref<1024xi32, #tpu.memory_space<hbm>>) dst(%arg5 : memref<1024xi32, #tpu.memory_space<vmem>>)
      tpu.yield
    }) : () -> ()
    "tpu.region"() ({
      %run_scoped3A = tpu.sem_alloc : memref<!tpu.dma_semaphore, #tpu.memory_space<semaphore_mem>>
      tpu.enqueue_dma source(%arg3 : memref<1024xf32, #tpu.memory_space<hbm>>) target(%arg6 : memref<1024xf32, #tpu.memory_space<vmem>>) target_semaphore(%run_scoped3A : memref<!tpu.dma_semaphore, #tpu.memory_space<semaphore_mem>>)
      tpu.wait_dma2 semaphore(%run_scoped3A : memref<!tpu.dma_semaphore, #tpu.memory_space<semaphore_mem>>) src(%arg3 : memref<1024xf32, #tpu.memory_space<hbm>>) dst(%arg6 : memref<1024xf32, #tpu.memory_space<vmem>>)
      tpu.yield
    }) : () -> ()
    %get3A = arith.constant 0 : index
    %get3A_3 = tpu.vector_load %arg5[%get3A] {strides = array<i32>} : memref<1024xi32, #tpu.memory_space<vmem>>, vector<16xi32>,
    %gather3A = tpu.vector_load_idx %arg6[%get3A_3] : memref<1024xf32, #tpu.memory_space<vmem>>[vector<16xi32>], vector<16xf32>,
    %swap3A = arith.constant 0 : index
    %swap3A_4 = tpu.vector_load %arg7[%swap3A] {strides = array<i32>} : memref<1024xf32, #tpu.memory_space<vmem>>, vector<16xf32>,
    tpu.vector_store %arg7[%swap3A], %gather3A {strides = array<i32>} : memref<1024xf32, #tpu.memory_space<vmem>>, vector<16xf32>,
    %get3A_5 = arith.constant 16 : index
    %get3A_6 = tpu.vector_load %arg5[%get3A_5] {strides = array<i32>} : memref<1024xi32, #tpu.memory_space<vmem>>, vector<16xi32>,
    %gather3A_7 = tpu.vector_load_idx %arg6[%get3A_6] : memref<1024xf32, #tpu.memory_space<vmem>>[vector<16xi32>], vector<16xf32>,
    %swap3A_8 = arith.constant 16 : index
    %swap3A_9 = tpu.vector_load %arg7[%swap3A_8] {strides = array<i32>} : memref<1024xf32, #tpu.memory_space<vmem>>, vector<16xf32>,
    tpu.vector_store %arg7[%swap3A_8], %gather3A_7 {strides = array<i32>} : memref<1024xf32, #tpu.memory_space<vmem>>, vector<16xf32>,
    %get3A_10 = arith.constant 32 : index
    %get3A_11 = tpu.vector_load %arg5[%get3A_10] {strides = array<i32>} : memref<1024xi32, #tpu.memory_space<vmem>>, vector<16xi32>,
    %gather3A_12 = tpu.vector_load_idx %arg6[%get3A_11] : memref<1024xf32, #tpu.memory_space<vmem>>[vector<16xi32>], vector<16xf32>,
    %swap3A_13 = arith.constant 32 : index
    %swap3A_14 = tpu.vector_load %arg7[%swap3A_13] {strides = array<i32>} : memref<1024xf32, #tpu.memory_space<vmem>>, vector<16xf32>,
    tpu.vector_store %arg7[%swap3A_13], %gather3A_12 {strides = array<i32>} : memref<1024xf32, #tpu.memory_space<vmem>>, vector<16xf32>,
    %get3A_15 = arith.constant 48 : index
    %get3A_16 = tpu.vector_load %arg5[%get3A_15] {strides = array<i32>} : memref<1024xi32, #tpu.memory_space<vmem>>, vector<16xi32>,
    %gather3A_17 = tpu.vector_load_idx %arg6[%get3A_16] : memref<1024xf32, #tpu.memory_space<vmem>>[vector<16xi32>], vector<16xf32>,
    %swap3A_18 = arith.constant 48 : index
    %swap3A_19 = tpu.vector_load %arg7[%swap3A_18] {strides = array<i32>} : memref<1024xf32, #tpu.memory_space<vmem>>, vector<16xf32>,
    tpu.vector_store %arg7[%swap3A_18], %gather3A_17 {strides = array<i32>} : memref<1024xf32, #tpu.memory_space<vmem>>, vector<16xf32>,
    %get3A_20 = arith.constant 64 : index
    %get3A_21 = tpu.vector_load %arg5[%get3A_20] {strides = array<i32>} : memref<1024xi32, #tpu.memory_space<vmem>>, vector<16xi32>,
    %gather3A_22 = tpu.vector_load_idx %arg6[%get3A_21] : memref<1024xf32, #tpu.memory_space<vmem>>[vector<16xi32>], vector<16xf32>,
    %swap3A_23 = arith.constant 64 : index
    %swap3A_24 = tpu.vector_load %arg7[%swap3A_23] {strides = array<i32>} : memref<1024xf32, #tpu.memory_space<vmem>>, vector<16xf32>,
    tpu.vector_store %arg7[%swap3A_23], %gather3A_22 {strides = array<i32>} : memref<1024xf32, #tpu.memory_space<vmem>>, vector<16xf32>,
    %get3A_25 = arith.constant 80 : index
    %get3A_26 = tpu.vector_load %arg5[%get3A_25] {strides = array<i32>} : memref<1024xi32, #tpu.memory_space<vmem>>, vector<16xi32>,
    %gather3A_27 = tpu.vector_load_idx %arg6[%get3A_26] : memref<1024xf32, #tpu.memory_space<vmem>>[vector<16xi32>], vector<16xf32>,
    %swap3A_28 = arith.constant 80 : index
    %swap3A_29 = tpu.vector_load %arg7[%swap3A_28] {strides = array<i32>} : memref<1024xf32, #tpu.memory_space<vmem>>, vector<16xf32>,
    tpu.vector_store %arg7[%swap3A_28], %gather3A_27 {strides = array<i32>} : memref<1024xf32, #tpu.memory_space<vmem>>, vector<16xf32>,
    %get3A_30 = arith.constant 96 : index
    %get3A_31 = tpu.vector_load %arg5[%get3A_30] {strides = array<i32>} : memref<1024xi32, #tpu.memory_space<vmem>>, vector<16xi32>,
    %gather3A_32 = tpu.vector_load_idx %arg6[%get3A_31] : memref<1024xf32, #tpu.memory_space<vmem>>[vector<16xi32>], vector<16xf32>,
    %swap3A_33 = arith.constant 96 : index
    %swap3A_34 = tpu.vector_load %arg7[%swap3A_33] {strides = array<i32>} : memref<1024xf32, #tpu.memory_space<vmem>>, vector<16xf32>,
    tpu.vector_store %arg7[%swap3A_33], %gather3A_32 {strides = array<i32>} : memref<1024xf32, #tpu.memory_space<vmem>>, vector<16xf32>,
    %get3A_35 = arith.constant 112 : index
    %get3A_36 = tpu.vector_load %arg5[%get3A_35] {strides = array<i32>} : memref<1024xi32, #tpu.memory_space<vmem>>, vector<16xi32>,
    %gather3A_37 = tpu.vector_load_idx %arg6[%get3A_36] : memref<1024xf32, #tpu.memory_space<vmem>>[vector<16xi32>], vector<16xf32>,
    %swap3A_38 = arith.constant 112 : index
    %swap3A_39 = tpu.vector_load %arg7[%swap3A_38] {strides = array<i32>} : memref<1024xf32, #tpu.memory_space<vmem>>, vector<16xf32>,
    tpu.vector_store %arg7[%swap3A_38], %gather3A_37 {strides = array<i32>} : memref<1024xf32, #tpu.memory_space<vmem>>, vector<16xf32>,
    %get3A_40 = arith.constant 128 : index
    %get3A_41 = tpu.vector_load %arg5[%get3A_40] {strides = array<i32>} : memref<1024xi32, #tpu.memory_space<vmem>>, vector<16xi32>,
    %gather3A_42 = tpu.vector_load_idx %arg6[%get3A_41] : memref<1024xf32, #tpu.memory_space<vmem>>[vector<16xi32>], vector<16xf32>,
    %swap3A_43 = arith.constant 128 : index
    %swap3A_44 = tpu.vector_load %arg7[%swap3A_43] {strides = array<i32>} : memref<1024xf32, #tpu.memory_space<vmem>>, vector<16xf32>,
    tpu.vector_store %arg7[%swap3A_43], %gather3A_42 {strides = array<i32>} : memref<1024xf32, #tpu.memory_space<vmem>>, vector<16xf32>,
    %get3A_45 = arith.constant 144 : index
    %get3A_46 = tpu.vector_load %arg5[%get3A_45] {strides = array<i32>} : memref<1024xi32, #tpu.memory_space<vmem>>, vector<16xi32>,
    %gather3A_47 = tpu.vector_load_idx %arg6[%get3A_46] : memref<1024xf32, #tpu.memory_space<vmem>>[vector<16xi32>], vector<16xf32>,
    %swap3A_48 = arith.constant 144 : index
    %swap3A_49 = tpu.vector_load %arg7[%swap3A_48] {strides = array<i32>} : memref<1024xf32, #tpu.memory_space<vmem>>, vector<16xf32>,
    tpu.vector_store %arg7[%swap3A_48], %gather3A_47 {strides = array<i32>} : memref<1024xf32, #tpu.memory_space<vmem>>, vector<16xf32>,
    %get3A_50 = arith.constant 160 : index
    %get3A_51 = tpu.vector_load %arg5[%get3A_50] {strides = array<i32>} : memref<1024xi32, #tpu.memory_space<vmem>>, vector<16xi32>,
    %gather3A_52 = tpu.vector_load_idx %arg6[%get3A_51] : memref<1024xf32, #tpu.memory_space<vmem>>[vector<16xi32>], vector<16xf32>,
    %swap3A_53 = arith.constant 160 : index
    %swap3A_54 = tpu.vector_load %arg7[%swap3A_53] {strides = array<i32>} : memref<1024xf32, #tpu.memory_space<vmem>>, vector<16xf32>,
    tpu.vector_store %arg7[%swap3A_53], %gather3A_52 {strides = array<i32>} : memref<1024xf32, #tpu.memory_space<vmem>>, vector<16xf32>,
    %get3A_55 = arith.constant 176 : index
    %get3A_56 = tpu.vector_load %arg5[%get3A_55] {strides = array<i32>} : memref<1024xi32, #tpu.memory_space<vmem>>, vector<16xi32>,
    %gather3A_57 = tpu.vector_load_idx %arg6[%get3A_56] : memref<1024xf32, #tpu.memory_space<vmem>>[vector<16xi32>], vector<16xf32>,
    %swap3A_58 = arith.constant 176 : index
    %swap3A_59 = tpu.vector_load %arg7[%swap3A_58] {strides = array<i32>} : memref<1024xf32, #tpu.memory_space<vmem>>, vector<16xf32>,
    tpu.vector_store %arg7[%swap3A_58], %gather3A_57 {strides = array<i32>} : memref<1024xf32, #tpu.memory_space<vmem>>, vector<16xf32>,
    %get3A_60 = arith.constant 192 : index
    %get3A_61 = tpu.vector_load %arg5[%get3A_60] {strides = array<i32>} : memref<1024xi32, #tpu.memory_space<vmem>>, vector<16xi32>,
    %gather3A_62 = tpu.vector_load_idx %arg6[%get3A_61] : memref<1024xf32, #tpu.memory_space<vmem>>[vector<16xi32>], vector<16xf32>,
    %swap3A_63 = arith.constant 192 : index
    %swap3A_64 = tpu.vector_load %arg7[%swap3A_63] {strides = array<i32>} : memref<1024xf32, #tpu.memory_space<vmem>>, vector<16xf32>,
    tpu.vector_store %arg7[%swap3A_63], %gather3A_62 {strides = array<i32>} : memref<1024xf32, #tpu.memory_space<vmem>>, vector<16xf32>,
    %get3A_65 = arith.constant 208 : index
    %get3A_66 = tpu.vector_load %arg5[%get3A_65] {strides = array<i32>} : memref<1024xi32, #tpu.memory_space<vmem>>, vector<16xi32>,
    %gather3A_67 = tpu.vector_load_idx %arg6[%get3A_66] : memref<1024xf32, #tpu.memory_space<vmem>>[vector<16xi32>], vector<16xf32>,
    %swap3A_68 = arith.constant 208 : index
    %swap3A_69 = tpu.vector_load %arg7[%swap3A_68] {strides = array<i32>} : memref<1024xf32, #tpu.memory_space<vmem>>, vector<16xf32>,
    tpu.vector_store %arg7[%swap3A_68], %gather3A_67 {strides = array<i32>} : memref<1024xf32, #tpu.memory_space<vmem>>, vector<16xf32>,
    %get3A_70 = arith.constant 224 : index
    %get3A_71 = tpu.vector_load %arg5[%get3A_70] {strides = array<i32>} : memref<1024xi32, #tpu.memory_space<vmem>>, vector<16xi32>,
    %gather3A_72 = tpu.vector_load_idx %arg6[%get3A_71] : memref<1024xf32, #tpu.memory_space<vmem>>[vector<16xi32>], vector<16xf32>,
    %swap3A_73 = arith.constant 224 : index
    %swap3A_74 = tpu.vector_load %arg7[%swap3A_73] {strides = array<i32>} : memref<1024xf32, #tpu.memory_space<vmem>>, vector<16xf32>,
    tpu.vector_store %arg7[%swap3A_73], %gather3A_72 {strides = array<i32>} : memref<1024xf32, #tpu.memory_space<vmem>>, vector<16xf32>,
    %get3A_75 = arith.constant 240 : index
    %get3A_76 = tpu.vector_load %arg5[%get3A_75] {strides = array<i32>} : memref<1024xi32, #tpu.memory_space<vmem>>, vector<16xi32>,
    %gather3A_77 = tpu.vector_load_idx %arg6[%get3A_76] : memref<1024xf32, #tpu.memory_space<vmem>>[vector<16xi32>], vector<16xf32>,
    %swap3A_78 = arith.constant 240 : index
    %swap3A_79 = tpu.vector_load %arg7[%swap3A_78] {strides = array<i32>} : memref<1024xf32, #tpu.memory_space<vmem>>, vector<16xf32>,
    tpu.vector_store %arg7[%swap3A_78], %gather3A_77 {strides = array<i32>} : memref<1024xf32, #tpu.memory_space<vmem>>, vector<16xf32>,
    %get3A_80 = arith.constant 256 : index
    %get3A_81 = tpu.vector_load %arg5[%get3A_80] {strides = array<i32>} : memref<1024xi32, #tpu.memory_space<vmem>>, vector<16xi32>,
    %gather3A_82 = tpu.vector_load_idx %arg6[%get3A_81] : memref<1024xf32, #tpu.memory_space<vmem>>[vector<16xi32>], vector<16xf32>,
    %swap3A_83 = arith.constant 256 : index
    %swap3A_84 = tpu.vector_load %arg7[%swap3A_83] {strides = array<i32>} : memref<1024xf32, #tpu.memory_space<vmem>>, vector<16xf32>,
    tpu.vector_store %arg7[%swap3A_83], %gather3A_82 {strides = array<i32>} : memref<1024xf32, #tpu.memory_space<vmem>>, vector<16xf32>,
    %get3A_85 = arith.constant 272 : index
    %get3A_86 = tpu.vector_load %arg5[%get3A_85] {strides = array<i32>} : memref<1024xi32, #tpu.memory_space<vmem>>, vector<16xi32>,
    %gather3A_87 = tpu.vector_load_idx %arg6[%get3A_86] : memref<1024xf32, #tpu.memory_space<vmem>>[vector<16xi32>], vector<16xf32>,
    %swap3A_88 = arith.constant 272 : index
    %swap3A_89 = tpu.vector_load %arg7[%swap3A_88] {strides = array<i32>} : memref<1024xf32, #tpu.memory_space<vmem>>, vector<16xf32>,
    tpu.vector_store %arg7[%swap3A_88], %gather3A_87 {strides = array<i32>} : memref<1024xf32, #tpu.memory_space<vmem>>, vector<16xf32>,
    %get3A_90 = arith.constant 288 : index
    %get3A_91 = tpu.vector_load %arg5[%get3A_90] {strides = array<i32>} : memref<1024xi32, #tpu.memory_space<vmem>>, vector<16xi32>,
    %gather3A_92 = tpu.vector_load_idx %arg6[%get3A_91] : memref<1024xf32, #tpu.memory_space<vmem>>[vector<16xi32>], vector<16xf32>,
    %swap3A_93 = arith.constant 288 : index
    %swap3A_94 = tpu.vector_load %arg7[%swap3A_93] {strides = array<i32>} : memref<1024xf32, #tpu.memory_space<vmem>>, vector<16xf32>,
    tpu.vector_store %arg7[%swap3A_93], %gather3A_92 {strides = array<i32>} : memref<1024xf32, #tpu.memory_space<vmem>>, vector<16xf32>,
    %get3A_95 = arith.constant 304 : index
    %get3A_96 = tpu.vector_load %arg5[%get3A_95] {strides = array<i32>} : memref<1024xi32, #tpu.memory_space<vmem>>, vector<16xi32>,
    %gather3A_97 = tpu.vector_load_idx %arg6[%get3A_96] : memref<1024xf32, #tpu.memory_space<vmem>>[vector<16xi32>], vector<16xf32>,
    %swap3A_98 = arith.constant 304 : index
    %swap3A_99 = tpu.vector_load %arg7[%swap3A_98] {strides = array<i32>} : memref<1024xf32, #tpu.memory_space<vmem>>, vector<16xf32>,
    tpu.vector_store %arg7[%swap3A_98], %gather3A_97 {strides = array<i32>} : memref<1024xf32, #tpu.memory_space<vmem>>, vector<16xf32>,
    %get3A_100 = arith.constant 320 : index
    %get3A_101 = tpu.vector_load %arg5[%get3A_100] {strides = array<i32>} : memref<1024xi32, #tpu.memory_space<vmem>>, vector<16xi32>,
    %gather3A_102 = tpu.vector_load_idx %arg6[%get3A_101] : memref<1024xf32, #tpu.memory_space<vmem>>[vector<16xi32>], vector<16xf32>,
    %swap3A_103 = arith.constant 320 : index
    %swap3A_104 = tpu.vector_load %arg7[%swap3A_103] {strides = array<i32>} : memref<1024xf32, #tpu.memory_space<vmem>>, vector<16xf32>,
    tpu.vector_store %arg7[%swap3A_103], %gather3A_102 {strides = array<i32>} : memref<1024xf32, #tpu.memory_space<vmem>>, vector<16xf32>,
    %get3A_105 = arith.constant 336 : index
    %get3A_106 = tpu.vector_load %arg5[%get3A_105] {strides = array<i32>} : memref<1024xi32, #tpu.memory_space<vmem>>, vector<16xi32>,
    %gather3A_107 = tpu.vector_load_idx %arg6[%get3A_106] : memref<1024xf32, #tpu.memory_space<vmem>>[vector<16xi32>], vector<16xf32>,
    %swap3A_108 = arith.constant 336 : index
    %swap3A_109 = tpu.vector_load %arg7[%swap3A_108] {strides = array<i32>} : memref<1024xf32, #tpu.memory_space<vmem>>, vector<16xf32>,
    tpu.vector_store %arg7[%swap3A_108], %gather3A_107 {strides = array<i32>} : memref<1024xf32, #tpu.memory_space<vmem>>, vector<16xf32>,
    %get3A_110 = arith.constant 352 : index
    %get3A_111 = tpu.vector_load %arg5[%get3A_110] {strides = array<i32>} : memref<1024xi32, #tpu.memory_space<vmem>>, vector<16xi32>,
    %gather3A_112 = tpu.vector_load_idx %arg6[%get3A_111] : memref<1024xf32, #tpu.memory_space<vmem>>[vector<16xi32>], vector<16xf32>,
    %swap3A_113 = arith.constant 352 : index
    %swap3A_114 = tpu.vector_load %arg7[%swap3A_113] {strides = array<i32>} : memref<1024xf32, #tpu.memory_space<vmem>>, vector<16xf32>,
    tpu.vector_store %arg7[%swap3A_113], %gather3A_112 {strides = array<i32>} : memref<1024xf32, #tpu.memory_space<vmem>>, vector<16xf32>,
    %get3A_115 = arith.constant 368 : index
    %get3A_116 = tpu.vector_load %arg5[%get3A_115] {strides = array<i32>} : memref<1024xi32, #tpu.memory_space<vmem>>, vector<16xi32>,
    %gather3A_117 = tpu.vector_load_idx %arg6[%get3A_116] : memref<1024xf32, #tpu.memory_space<vmem>>[vector<16xi32>], vector<16xf32>,
    %swap3A_118 = arith.constant 368 : index
    %swap3A_119 = tpu.vector_load %arg7[%swap3A_118] {strides = array<i32>} : memref<1024xf32, #tpu.memory_space<vmem>>, vector<16xf32>,
    tpu.vector_store %arg7[%swap3A_118], %gather3A_117 {strides = array<i32>} : memref<1024xf32, #tpu.memory_space<vmem>>, vector<16xf32>,
    %get3A_120 = arith.constant 384 : index
    %get3A_121 = tpu.vector_load %arg5[%get3A_120] {strides = array<i32>} : memref<1024xi32, #tpu.memory_space<vmem>>, vector<16xi32>,
    %gather3A_122 = tpu.vector_load_idx %arg6[%get3A_121] : memref<1024xf32, #tpu.memory_space<vmem>>[vector<16xi32>], vector<16xf32>,
    %swap3A_123 = arith.constant 384 : index
    %swap3A_124 = tpu.vector_load %arg7[%swap3A_123] {strides = array<i32>} : memref<1024xf32, #tpu.memory_space<vmem>>, vector<16xf32>,
    tpu.vector_store %arg7[%swap3A_123], %gather3A_122 {strides = array<i32>} : memref<1024xf32, #tpu.memory_space<vmem>>, vector<16xf32>,
    %get3A_125 = arith.constant 400 : index
    %get3A_126 = tpu.vector_load %arg5[%get3A_125] {strides = array<i32>} : memref<1024xi32, #tpu.memory_space<vmem>>, vector<16xi32>,
    %gather3A_127 = tpu.vector_load_idx %arg6[%get3A_126] : memref<1024xf32, #tpu.memory_space<vmem>>[vector<16xi32>], vector<16xf32>,
    %swap3A_128 = arith.constant 400 : index
    %swap3A_129 = tpu.vector_load %arg7[%swap3A_128] {strides = array<i32>} : memref<1024xf32, #tpu.memory_space<vmem>>, vector<16xf32>,
    tpu.vector_store %arg7[%swap3A_128], %gather3A_127 {strides = array<i32>} : memref<1024xf32, #tpu.memory_space<vmem>>, vector<16xf32>,
    %get3A_130 = arith.constant 416 : index
    %get3A_131 = tpu.vector_load %arg5[%get3A_130] {strides = array<i32>} : memref<1024xi32, #tpu.memory_space<vmem>>, vector<16xi32>,
    %gather3A_132 = tpu.vector_load_idx %arg6[%get3A_131] : memref<1024xf32, #tpu.memory_space<vmem>>[vector<16xi32>], vector<16xf32>,
    %swap3A_133 = arith.constant 416 : index
    %swap3A_134 = tpu.vector_load %arg7[%swap3A_133] {strides = array<i32>} : memref<1024xf32, #tpu.memory_space<vmem>>, vector<16xf32>,
    tpu.vector_store %arg7[%swap3A_133], %gather3A_132 {strides = array<i32>} : memref<1024xf32, #tpu.memory_space<vmem>>, vector<16xf32>,
    %get3A_135 = arith.constant 432 : index
    %get3A_136 = tpu.vector_load %arg5[%get3A_135] {strides = array<i32>} : memref<1024xi32, #tpu.memory_space<vmem>>, vector<16xi32>,
    %gather3A_137 = tpu.vector_load_idx %arg6[%get3A_136] : memref<1024xf32, #tpu.memory_space<vmem>>[vector<16xi32>], vector<16xf32>,
    %swap3A_138 = arith.constant 432 : index
    %swap3A_139 = tpu.vector_load %arg7[%swap3A_138] {strides = array<i32>} : memref<1024xf32, #tpu.memory_space<vmem>>, vector<16xf32>,
    tpu.vector_store %arg7[%swap3A_138], %gather3A_137 {strides = array<i32>} : memref<1024xf32, #tpu.memory_space<vmem>>, vector<16xf32>,
    %get3A_140 = arith.constant 448 : index
    %get3A_141 = tpu.vector_load %arg5[%get3A_140] {strides = array<i32>} : memref<1024xi32, #tpu.memory_space<vmem>>, vector<16xi32>,
    %gather3A_142 = tpu.vector_load_idx %arg6[%get3A_141] : memref<1024xf32, #tpu.memory_space<vmem>>[vector<16xi32>], vector<16xf32>,
    %swap3A_143 = arith.constant 448 : index
    %swap3A_144 = tpu.vector_load %arg7[%swap3A_143] {strides = array<i32>} : memref<1024xf32, #tpu.memory_space<vmem>>, vector<16xf32>,
    tpu.vector_store %arg7[%swap3A_143], %gather3A_142 {strides = array<i32>} : memref<1024xf32, #tpu.memory_space<vmem>>, vector<16xf32>,
    %get3A_145 = arith.constant 464 : index
    %get3A_146 = tpu.vector_load %arg5[%get3A_145] {strides = array<i32>} : memref<1024xi32, #tpu.memory_space<vmem>>, vector<16xi32>,
    %gather3A_147 = tpu.vector_load_idx %arg6[%get3A_146] : memref<1024xf32, #tpu.memory_space<vmem>>[vector<16xi32>], vector<16xf32>,
    %swap3A_148 = arith.constant 464 : index
    %swap3A_149 = tpu.vector_load %arg7[%swap3A_148] {strides = array<i32>} : memref<1024xf32, #tpu.memory_space<vmem>>, vector<16xf32>,
    tpu.vector_store %arg7[%swap3A_148], %gather3A_147 {strides = array<i32>} : memref<1024xf32, #tpu.memory_space<vmem>>, vector<16xf32>,
    %get3A_150 = arith.constant 480 : index
    %get3A_151 = tpu.vector_load %arg5[%get3A_150] {strides = array<i32>} : memref<1024xi32, #tpu.memory_space<vmem>>, vector<16xi32>,
    %gather3A_152 = tpu.vector_load_idx %arg6[%get3A_151] : memref<1024xf32, #tpu.memory_space<vmem>>[vector<16xi32>], vector<16xf32>,
    %swap3A_153 = arith.constant 480 : index
    %swap3A_154 = tpu.vector_load %arg7[%swap3A_153] {strides = array<i32>} : memref<1024xf32, #tpu.memory_space<vmem>>, vector<16xf32>,
    tpu.vector_store %arg7[%swap3A_153], %gather3A_152 {strides = array<i32>} : memref<1024xf32, #tpu.memory_space<vmem>>, vector<16xf32>,
    %get3A_155 = arith.constant 496 : index
    %get3A_156 = tpu.vector_load %arg5[%get3A_155] {strides = array<i32>} : memref<1024xi32, #tpu.memory_space<vmem>>, vector<16xi32>,
    %gather3A_157 = tpu.vector_load_idx %arg6[%get3A_156] : memref<1024xf32, #tpu.memory_space<vmem>>[vector<16xi32>], vector<16xf32>,
    %swap3A_158 = arith.constant 496 : index
    %swap3A_159 = tpu.vector_load %arg7[%swap3A_158] {strides = array<i32>} : memref<1024xf32, #tpu.memory_space<vmem>>, vector<16xf32>,
    tpu.vector_store %arg7[%swap3A_158], %gather3A_157 {strides = array<i32>} : memref<1024xf32, #tpu.memory_space<vmem>>, vector<16xf32>,
    %get3A_160 = arith.constant 512 : index
    %get3A_161 = tpu.vector_load %arg5[%get3A_160] {strides = array<i32>} : memref<1024xi32, #tpu.memory_space<vmem>>, vector<16xi32>,
    %gather3A_162 = tpu.vector_load_idx %arg6[%get3A_161] : memref<1024xf32, #tpu.memory_space<vmem>>[vector<16xi32>], vector<16xf32>,
    %swap3A_163 = arith.constant 512 : index
    %swap3A_164 = tpu.vector_load %arg7[%swap3A_163] {strides = array<i32>} : memref<1024xf32, #tpu.memory_space<vmem>>, vector<16xf32>,
    tpu.vector_store %arg7[%swap3A_163], %gather3A_162 {strides = array<i32>} : memref<1024xf32, #tpu.memory_space<vmem>>, vector<16xf32>,
    %get3A_165 = arith.constant 528 : index
    %get3A_166 = tpu.vector_load %arg5[%get3A_165] {strides = array<i32>} : memref<1024xi32, #tpu.memory_space<vmem>>, vector<16xi32>,
    %gather3A_167 = tpu.vector_load_idx %arg6[%get3A_166] : memref<1024xf32, #tpu.memory_space<vmem>>[vector<16xi32>], vector<16xf32>,
    %swap3A_168 = arith.constant 528 : index
    %swap3A_169 = tpu.vector_load %arg7[%swap3A_168] {strides = array<i32>} : memref<1024xf32, #tpu.memory_space<vmem>>, vector<16xf32>,
    tpu.vector_store %arg7[%swap3A_168], %gather3A_167 {strides = array<i32>} : memref<1024xf32, #tpu.memory_space<vmem>>, vector<16xf32>,
    %get3A_170 = arith.constant 544 : index
    %get3A_171 = tpu.vector_load %arg5[%get3A_170] {strides = array<i32>} : memref<1024xi32, #tpu.memory_space<vmem>>, vector<16xi32>,
    %gather3A_172 = tpu.vector_load_idx %arg6[%get3A_171] : memref<1024xf32, #tpu.memory_space<vmem>>[vector<16xi32>], vector<16xf32>,
    %swap3A_173 = arith.constant 544 : index
    %swap3A_174 = tpu.vector_load %arg7[%swap3A_173] {strides = array<i32>} : memref<1024xf32, #tpu.memory_space<vmem>>, vector<16xf32>,
    tpu.vector_store %arg7[%swap3A_173], %gather3A_172 {strides = array<i32>} : memref<1024xf32, #tpu.memory_space<vmem>>, vector<16xf32>,
    %get3A_175 = arith.constant 560 : index
    %get3A_176 = tpu.vector_load %arg5[%get3A_175] {strides = array<i32>} : memref<1024xi32, #tpu.memory_space<vmem>>, vector<16xi32>,
    %gather3A_177 = tpu.vector_load_idx %arg6[%get3A_176] : memref<1024xf32, #tpu.memory_space<vmem>>[vector<16xi32>], vector<16xf32>,
    %swap3A_178 = arith.constant 560 : index
    %swap3A_179 = tpu.vector_load %arg7[%swap3A_178] {strides = array<i32>} : memref<1024xf32, #tpu.memory_space<vmem>>, vector<16xf32>,
    tpu.vector_store %arg7[%swap3A_178], %gather3A_177 {strides = array<i32>} : memref<1024xf32, #tpu.memory_space<vmem>>, vector<16xf32>,
    %get3A_180 = arith.constant 576 : index
    %get3A_181 = tpu.vector_load %arg5[%get3A_180] {strides = array<i32>} : memref<1024xi32, #tpu.memory_space<vmem>>, vector<16xi32>,
    %gather3A_182 = tpu.vector_load_idx %arg6[%get3A_181] : memref<1024xf32, #tpu.memory_space<vmem>>[vector<16xi32>], vector<16xf32>,
    %swap3A_183 = arith.constant 576 : index
    %swap3A_184 = tpu.vector_load %arg7[%swap3A_183] {strides = array<i32>} : memref<1024xf32, #tpu.memory_space<vmem>>, vector<16xf32>,
    tpu.vector_store %arg7[%swap3A_183], %gather3A_182 {strides = array<i32>} : memref<1024xf32, #tpu.memory_space<vmem>>, vector<16xf32>,
    %get3A_185 = arith.constant 592 : index
    %get3A_186 = tpu.vector_load %arg5[%get3A_185] {strides = array<i32>} : memref<1024xi32, #tpu.memory_space<vmem>>, vector<16xi32>,
    %gather3A_187 = tpu.vector_load_idx %arg6[%get3A_186] : memref<1024xf32, #tpu.memory_space<vmem>>[vector<16xi32>], vector<16xf32>,
    %swap3A_188 = arith.constant 592 : index
    %swap3A_189 = tpu.vector_load %arg7[%swap3A_188] {strides = array<i32>} : memref<1024xf32, #tpu.memory_space<vmem>>, vector<16xf32>,
    tpu.vector_store %arg7[%swap3A_188], %gather3A_187 {strides = array<i32>} : memref<1024xf32, #tpu.memory_space<vmem>>, vector<16xf32>,
    %get3A_190 = arith.constant 608 : index
    %get3A_191 = tpu.vector_load %arg5[%get3A_190] {strides = array<i32>} : memref<1024xi32, #tpu.memory_space<vmem>>, vector<16xi32>,
    %gather3A_192 = tpu.vector_load_idx %arg6[%get3A_191] : memref<1024xf32, #tpu.memory_space<vmem>>[vector<16xi32>], vector<16xf32>,
    %swap3A_193 = arith.constant 608 : index
    %swap3A_194 = tpu.vector_load %arg7[%swap3A_193] {strides = array<i32>} : memref<1024xf32, #tpu.memory_space<vmem>>, vector<16xf32>,
    tpu.vector_store %arg7[%swap3A_193], %gather3A_192 {strides = array<i32>} : memref<1024xf32, #tpu.memory_space<vmem>>, vector<16xf32>,
    %get3A_195 = arith.constant 624 : index
    %get3A_196 = tpu.vector_load %arg5[%get3A_195] {strides = array<i32>} : memref<1024xi32, #tpu.memory_space<vmem>>, vector<16xi32>,
    %gather3A_197 = tpu.vector_load_idx %arg6[%get3A_196] : memref<1024xf32, #tpu.memory_space<vmem>>[vector<16xi32>], vector<16xf32>,
    %swap3A_198 = arith.constant 624 : index
    %swap3A_199 = tpu.vector_load %arg7[%swap3A_198] {strides = array<i32>} : memref<1024xf32, #tpu.memory_space<vmem>>, vector<16xf32>,
    tpu.vector_store %arg7[%swap3A_198], %gather3A_197 {strides = array<i32>} : memref<1024xf32, #tpu.memory_space<vmem>>, vector<16xf32>,
    %get3A_200 = arith.constant 640 : index
    %get3A_201 = tpu.vector_load %arg5[%get3A_200] {strides = array<i32>} : memref<1024xi32, #tpu.memory_space<vmem>>, vector<16xi32>,
    %gather3A_202 = tpu.vector_load_idx %arg6[%get3A_201] : memref<1024xf32, #tpu.memory_space<vmem>>[vector<16xi32>], vector<16xf32>,
    %swap3A_203 = arith.constant 640 : index
    %swap3A_204 = tpu.vector_load %arg7[%swap3A_203] {strides = array<i32>} : memref<1024xf32, #tpu.memory_space<vmem>>, vector<16xf32>,
    tpu.vector_store %arg7[%swap3A_203], %gather3A_202 {strides = array<i32>} : memref<1024xf32, #tpu.memory_space<vmem>>, vector<16xf32>,
    %get3A_205 = arith.constant 656 : index
    %get3A_206 = tpu.vector_load %arg5[%get3A_205] {strides = array<i32>} : memref<1024xi32, #tpu.memory_space<vmem>>, vector<16xi32>,
    %gather3A_207 = tpu.vector_load_idx %arg6[%get3A_206] : memref<1024xf32, #tpu.memory_space<vmem>>[vector<16xi32>], vector<16xf32>,
    %swap3A_208 = arith.constant 656 : index
    %swap3A_209 = tpu.vector_load %arg7[%swap3A_208] {strides = array<i32>} : memref<1024xf32, #tpu.memory_space<vmem>>, vector<16xf32>,
    tpu.vector_store %arg7[%swap3A_208], %gather3A_207 {strides = array<i32>} : memref<1024xf32, #tpu.memory_space<vmem>>, vector<16xf32>,
    %get3A_210 = arith.constant 672 : index
    %get3A_211 = tpu.vector_load %arg5[%get3A_210] {strides = array<i32>} : memref<1024xi32, #tpu.memory_space<vmem>>, vector<16xi32>,
    %gather3A_212 = tpu.vector_load_idx %arg6[%get3A_211] : memref<1024xf32, #tpu.memory_space<vmem>>[vector<16xi32>], vector<16xf32>,
    %swap3A_213 = arith.constant 672 : index
    %swap3A_214 = tpu.vector_load %arg7[%swap3A_213] {strides = array<i32>} : memref<1024xf32, #tpu.memory_space<vmem>>, vector<16xf32>,
    tpu.vector_store %arg7[%swap3A_213], %gather3A_212 {strides = array<i32>} : memref<1024xf32, #tpu.memory_space<vmem>>, vector<16xf32>,
    %get3A_215 = arith.constant 688 : index
    %get3A_216 = tpu.vector_load %arg5[%get3A_215] {strides = array<i32>} : memref<1024xi32, #tpu.memory_space<vmem>>, vector<16xi32>,
    %gather3A_217 = tpu.vector_load_idx %arg6[%get3A_216] : memref<1024xf32, #tpu.memory_space<vmem>>[vector<16xi32>], vector<16xf32>,
    %swap3A_218 = arith.constant 688 : index
    %swap3A_219 = tpu.vector_load %arg7[%swap3A_218] {strides = array<i32>} : memref<1024xf32, #tpu.memory_space<vmem>>, vector<16xf32>,
    tpu.vector_store %arg7[%swap3A_218], %gather3A_217 {strides = array<i32>} : memref<1024xf32, #tpu.memory_space<vmem>>, vector<16xf32>,
    %get3A_220 = arith.constant 704 : index
    %get3A_221 = tpu.vector_load %arg5[%get3A_220] {strides = array<i32>} : memref<1024xi32, #tpu.memory_space<vmem>>, vector<16xi32>,
    %gather3A_222 = tpu.vector_load_idx %arg6[%get3A_221] : memref<1024xf32, #tpu.memory_space<vmem>>[vector<16xi32>], vector<16xf32>,
    %swap3A_223 = arith.constant 704 : index
    %swap3A_224 = tpu.vector_load %arg7[%swap3A_223] {strides = array<i32>} : memref<1024xf32, #tpu.memory_space<vmem>>, vector<16xf32>,
    tpu.vector_store %arg7[%swap3A_223], %gather3A_222 {strides = array<i32>} : memref<1024xf32, #tpu.memory_space<vmem>>, vector<16xf32>,
    %get3A_225 = arith.constant 720 : index
    %get3A_226 = tpu.vector_load %arg5[%get3A_225] {strides = array<i32>} : memref<1024xi32, #tpu.memory_space<vmem>>, vector<16xi32>,
    %gather3A_227 = tpu.vector_load_idx %arg6[%get3A_226] : memref<1024xf32, #tpu.memory_space<vmem>>[vector<16xi32>], vector<16xf32>,
    %swap3A_228 = arith.constant 720 : index
    %swap3A_229 = tpu.vector_load %arg7[%swap3A_228] {strides = array<i32>} : memref<1024xf32, #tpu.memory_space<vmem>>, vector<16xf32>,
    tpu.vector_store %arg7[%swap3A_228], %gather3A_227 {strides = array<i32>} : memref<1024xf32, #tpu.memory_space<vmem>>, vector<16xf32>,
    %get3A_230 = arith.constant 736 : index
    %get3A_231 = tpu.vector_load %arg5[%get3A_230] {strides = array<i32>} : memref<1024xi32, #tpu.memory_space<vmem>>, vector<16xi32>,
    %gather3A_232 = tpu.vector_load_idx %arg6[%get3A_231] : memref<1024xf32, #tpu.memory_space<vmem>>[vector<16xi32>], vector<16xf32>,
    %swap3A_233 = arith.constant 736 : index
    %swap3A_234 = tpu.vector_load %arg7[%swap3A_233] {strides = array<i32>} : memref<1024xf32, #tpu.memory_space<vmem>>, vector<16xf32>,
    tpu.vector_store %arg7[%swap3A_233], %gather3A_232 {strides = array<i32>} : memref<1024xf32, #tpu.memory_space<vmem>>, vector<16xf32>,
    %get3A_235 = arith.constant 752 : index
    %get3A_236 = tpu.vector_load %arg5[%get3A_235] {strides = array<i32>} : memref<1024xi32, #tpu.memory_space<vmem>>, vector<16xi32>,
    %gather3A_237 = tpu.vector_load_idx %arg6[%get3A_236] : memref<1024xf32, #tpu.memory_space<vmem>>[vector<16xi32>], vector<16xf32>,
    %swap3A_238 = arith.constant 752 : index
    %swap3A_239 = tpu.vector_load %arg7[%swap3A_238] {strides = array<i32>} : memref<1024xf32, #tpu.memory_space<vmem>>, vector<16xf32>,
    tpu.vector_store %arg7[%swap3A_238], %gather3A_237 {strides = array<i32>} : memref<1024xf32, #tpu.memory_space<vmem>>, vector<16xf32>,
    %get3A_240 = arith.constant 768 : index
    %get3A_241 = tpu.vector_load %arg5[%get3A_240] {strides = array<i32>} : memref<1024xi32, #tpu.memory_space<vmem>>, vector<16xi32>,
    %gather3A_242 = tpu.vector_load_idx %arg6[%get3A_241] : memref<1024xf32, #tpu.memory_space<vmem>>[vector<16xi32>], vector<16xf32>,
    %swap3A_243 = arith.constant 768 : index
    %swap3A_244 = tpu.vector_load %arg7[%swap3A_243] {strides = array<i32>} : memref<1024xf32, #tpu.memory_space<vmem>>, vector<16xf32>,
    tpu.vector_store %arg7[%swap3A_243], %gather3A_242 {strides = array<i32>} : memref<1024xf32, #tpu.memory_space<vmem>>, vector<16xf32>,
    %get3A_245 = arith.constant 784 : index
    %get3A_246 = tpu.vector_load %arg5[%get3A_245] {strides = array<i32>} : memref<1024xi32, #tpu.memory_space<vmem>>, vector<16xi32>,
    %gather3A_247 = tpu.vector_load_idx %arg6[%get3A_246] : memref<1024xf32, #tpu.memory_space<vmem>>[vector<16xi32>], vector<16xf32>,
    %swap3A_248 = arith.constant 784 : index
    %swap3A_249 = tpu.vector_load %arg7[%swap3A_248] {strides = array<i32>} : memref<1024xf32, #tpu.memory_space<vmem>>, vector<16xf32>,
    tpu.vector_store %arg7[%swap3A_248], %gather3A_247 {strides = array<i32>} : memref<1024xf32, #tpu.memory_space<vmem>>, vector<16xf32>,
    %get3A_250 = arith.constant 800 : index
    %get3A_251 = tpu.vector_load %arg5[%get3A_250] {strides = array<i32>} : memref<1024xi32, #tpu.memory_space<vmem>>, vector<16xi32>,
    %gather3A_252 = tpu.vector_load_idx %arg6[%get3A_251] : memref<1024xf32, #tpu.memory_space<vmem>>[vector<16xi32>], vector<16xf32>,
    %swap3A_253 = arith.constant 800 : index
    %swap3A_254 = tpu.vector_load %arg7[%swap3A_253] {strides = array<i32>} : memref<1024xf32, #tpu.memory_space<vmem>>, vector<16xf32>,
    tpu.vector_store %arg7[%swap3A_253], %gather3A_252 {strides = array<i32>} : memref<1024xf32, #tpu.memory_space<vmem>>, vector<16xf32>,
    %get3A_255 = arith.constant 816 : index
    %get3A_256 = tpu.vector_load %arg5[%get3A_255] {strides = array<i32>} : memref<1024xi32, #tpu.memory_space<vmem>>, vector<16xi32>,
    %gather3A_257 = tpu.vector_load_idx %arg6[%get3A_256] : memref<1024xf32, #tpu.memory_space<vmem>>[vector<16xi32>], vector<16xf32>,
    %swap3A_258 = arith.constant 816 : index
    %swap3A_259 = tpu.vector_load %arg7[%swap3A_258] {strides = array<i32>} : memref<1024xf32, #tpu.memory_space<vmem>>, vector<16xf32>,
    tpu.vector_store %arg7[%swap3A_258], %gather3A_257 {strides = array<i32>} : memref<1024xf32, #tpu.memory_space<vmem>>, vector<16xf32>,
    %get3A_260 = arith.constant 832 : index
    %get3A_261 = tpu.vector_load %arg5[%get3A_260] {strides = array<i32>} : memref<1024xi32, #tpu.memory_space<vmem>>, vector<16xi32>,
    %gather3A_262 = tpu.vector_load_idx %arg6[%get3A_261] : memref<1024xf32, #tpu.memory_space<vmem>>[vector<16xi32>], vector<16xf32>,
    %swap3A_263 = arith.constant 832 : index
    %swap3A_264 = tpu.vector_load %arg7[%swap3A_263] {strides = array<i32>} : memref<1024xf32, #tpu.memory_space<vmem>>, vector<16xf32>,
    tpu.vector_store %arg7[%swap3A_263], %gather3A_262 {strides = array<i32>} : memref<1024xf32, #tpu.memory_space<vmem>>, vector<16xf32>,
    %get3A_265 = arith.constant 848 : index
    %get3A_266 = tpu.vector_load %arg5[%get3A_265] {strides = array<i32>} : memref<1024xi32, #tpu.memory_space<vmem>>, vector<16xi32>,
    %gather3A_267 = tpu.vector_load_idx %arg6[%get3A_266] : memref<1024xf32, #tpu.memory_space<vmem>>[vector<16xi32>], vector<16xf32>,
    %swap3A_268 = arith.constant 848 : index
    %swap3A_269 = tpu.vector_load %arg7[%swap3A_268] {strides = array<i32>} : memref<1024xf32, #tpu.memory_space<vmem>>, vector<16xf32>,
    tpu.vector_store %arg7[%swap3A_268], %gather3A_267 {strides = array<i32>} : memref<1024xf32, #tpu.memory_space<vmem>>, vector<16xf32>,
    %get3A_270 = arith.constant 864 : index
    %get3A_271 = tpu.vector_load %arg5[%get3A_270] {strides = array<i32>} : memref<1024xi32, #tpu.memory_space<vmem>>, vector<16xi32>,
    %gather3A_272 = tpu.vector_load_idx %arg6[%get3A_271] : memref<1024xf32, #tpu.memory_space<vmem>>[vector<16xi32>], vector<16xf32>,
    %swap3A_273 = arith.constant 864 : index
    %swap3A_274 = tpu.vector_load %arg7[%swap3A_273] {strides = array<i32>} : memref<1024xf32, #tpu.memory_space<vmem>>, vector<16xf32>,
    tpu.vector_store %arg7[%swap3A_273], %gather3A_272 {strides = array<i32>} : memref<1024xf32, #tpu.memory_space<vmem>>, vector<16xf32>,
    %get3A_275 = arith.constant 880 : index
    %get3A_276 = tpu.vector_load %arg5[%get3A_275] {strides = array<i32>} : memref<1024xi32, #tpu.memory_space<vmem>>, vector<16xi32>,
    %gather3A_277 = tpu.vector_load_idx %arg6[%get3A_276] : memref<1024xf32, #tpu.memory_space<vmem>>[vector<16xi32>], vector<16xf32>,
    %swap3A_278 = arith.constant 880 : index
    %swap3A_279 = tpu.vector_load %arg7[%swap3A_278] {strides = array<i32>} : memref<1024xf32, #tpu.memory_space<vmem>>, vector<16xf32>,
    tpu.vector_store %arg7[%swap3A_278], %gather3A_277 {strides = array<i32>} : memref<1024xf32, #tpu.memory_space<vmem>>, vector<16xf32>,
    %get3A_280 = arith.constant 896 : index
    %get3A_281 = tpu.vector_load %arg5[%get3A_280] {strides = array<i32>} : memref<1024xi32, #tpu.memory_space<vmem>>, vector<16xi32>,
    %gather3A_282 = tpu.vector_load_idx %arg6[%get3A_281] : memref<1024xf32, #tpu.memory_space<vmem>>[vector<16xi32>], vector<16xf32>,
    %swap3A_283 = arith.constant 896 : index
    %swap3A_284 = tpu.vector_load %arg7[%swap3A_283] {strides = array<i32>} : memref<1024xf32, #tpu.memory_space<vmem>>, vector<16xf32>,
    tpu.vector_store %arg7[%swap3A_283], %gather3A_282 {strides = array<i32>} : memref<1024xf32, #tpu.memory_space<vmem>>, vector<16xf32>,
    %get3A_285 = arith.constant 912 : index
    %get3A_286 = tpu.vector_load %arg5[%get3A_285] {strides = array<i32>} : memref<1024xi32, #tpu.memory_space<vmem>>, vector<16xi32>,
    %gather3A_287 = tpu.vector_load_idx %arg6[%get3A_286] : memref<1024xf32, #tpu.memory_space<vmem>>[vector<16xi32>], vector<16xf32>,
    %swap3A_288 = arith.constant 912 : index
    %swap3A_289 = tpu.vector_load %arg7[%swap3A_288] {strides = array<i32>} : memref<1024xf32, #tpu.memory_space<vmem>>, vector<16xf32>,
    tpu.vector_store %arg7[%swap3A_288], %gather3A_287 {strides = array<i32>} : memref<1024xf32, #tpu.memory_space<vmem>>, vector<16xf32>,
    %get3A_290 = arith.constant 928 : index
    %get3A_291 = tpu.vector_load %arg5[%get3A_290] {strides = array<i32>} : memref<1024xi32, #tpu.memory_space<vmem>>, vector<16xi32>,
    %gather3A_292 = tpu.vector_load_idx %arg6[%get3A_291] : memref<1024xf32, #tpu.memory_space<vmem>>[vector<16xi32>], vector<16xf32>,
    %swap3A_293 = arith.constant 928 : index
    %swap3A_294 = tpu.vector_load %arg7[%swap3A_293] {strides = array<i32>} : memref<1024xf32, #tpu.memory_space<vmem>>, vector<16xf32>,
    tpu.vector_store %arg7[%swap3A_293], %gather3A_292 {strides = array<i32>} : memref<1024xf32, #tpu.memory_space<vmem>>, vector<16xf32>,
    %get3A_295 = arith.constant 944 : index
    %get3A_296 = tpu.vector_load %arg5[%get3A_295] {strides = array<i32>} : memref<1024xi32, #tpu.memory_space<vmem>>, vector<16xi32>,
    %gather3A_297 = tpu.vector_load_idx %arg6[%get3A_296] : memref<1024xf32, #tpu.memory_space<vmem>>[vector<16xi32>], vector<16xf32>,
    %swap3A_298 = arith.constant 944 : index
    %swap3A_299 = tpu.vector_load %arg7[%swap3A_298] {strides = array<i32>} : memref<1024xf32, #tpu.memory_space<vmem>>, vector<16xf32>,
    tpu.vector_store %arg7[%swap3A_298], %gather3A_297 {strides = array<i32>} : memref<1024xf32, #tpu.memory_space<vmem>>, vector<16xf32>,
    %get3A_300 = arith.constant 960 : index
    %get3A_301 = tpu.vector_load %arg5[%get3A_300] {strides = array<i32>} : memref<1024xi32, #tpu.memory_space<vmem>>, vector<16xi32>,
    %gather3A_302 = tpu.vector_load_idx %arg6[%get3A_301] : memref<1024xf32, #tpu.memory_space<vmem>>[vector<16xi32>], vector<16xf32>,
    %swap3A_303 = arith.constant 960 : index
    %swap3A_304 = tpu.vector_load %arg7[%swap3A_303] {strides = array<i32>} : memref<1024xf32, #tpu.memory_space<vmem>>, vector<16xf32>,
    tpu.vector_store %arg7[%swap3A_303], %gather3A_302 {strides = array<i32>} : memref<1024xf32, #tpu.memory_space<vmem>>, vector<16xf32>,
    %get3A_305 = arith.constant 976 : index
    %get3A_306 = tpu.vector_load %arg5[%get3A_305] {strides = array<i32>} : memref<1024xi32, #tpu.memory_space<vmem>>, vector<16xi32>,
    %gather3A_307 = tpu.vector_load_idx %arg6[%get3A_306] : memref<1024xf32, #tpu.memory_space<vmem>>[vector<16xi32>], vector<16xf32>,
    %swap3A_308 = arith.constant 976 : index
    %swap3A_309 = tpu.vector_load %arg7[%swap3A_308] {strides = array<i32>} : memref<1024xf32, #tpu.memory_space<vmem>>, vector<16xf32>,
    tpu.vector_store %arg7[%swap3A_308], %gather3A_307 {strides = array<i32>} : memref<1024xf32, #tpu.memory_space<vmem>>, vector<16xf32>,
    %get3A_310 = arith.constant 992 : index
    %get3A_311 = tpu.vector_load %arg5[%get3A_310] {strides = array<i32>} : memref<1024xi32, #tpu.memory_space<vmem>>, vector<16xi32>,
    %gather3A_312 = tpu.vector_load_idx %arg6[%get3A_311] : memref<1024xf32, #tpu.memory_space<vmem>>[vector<16xi32>], vector<16xf32>,
    %swap3A_313 = arith.constant 992 : index
    %swap3A_314 = tpu.vector_load %arg7[%swap3A_313] {strides = array<i32>} : memref<1024xf32, #tpu.memory_space<vmem>>, vector<16xf32>,
    tpu.vector_store %arg7[%swap3A_313], %gather3A_312 {strides = array<i32>} : memref<1024xf32, #tpu.memory_space<vmem>>, vector<16xf32>,
    %get3A_315 = arith.constant 1008 : index
    %get3A_316 = tpu.vector_load %arg5[%get3A_315] {strides = array<i32>} : memref<1024xi32, #tpu.memory_space<vmem>>, vector<16xi32>,
    %gather3A_317 = tpu.vector_load_idx %arg6[%get3A_316] : memref<1024xf32, #tpu.memory_space<vmem>>[vector<16xi32>], vector<16xf32>,
    %swap3A_318 = arith.constant 1008 : index
    %swap3A_319 = tpu.vector_load %arg7[%swap3A_318] {strides = array<i32>} : memref<1024xf32, #tpu.memory_space<vmem>>, vector<16xf32>,
    tpu.vector_store %arg7[%swap3A_318], %gather3A_317 {strides = array<i32>} : memref<1024xf32, #tpu.memory_space<vmem>>, vector<16xf32>,
    "tpu.region"() ({
      %run_scoped3A = tpu.sem_alloc : memref<!tpu.dma_semaphore, #tpu.memory_space<semaphore_mem>>
      %dma_start3A = tpu.memref_slice %arg4[%mul3A_2] : memref<32768xf32, #tpu.memory_space<hbm>> -> memref<1024xf32, #tpu.memory_space<hbm>>
      %dma_start3A_320 = tpu.memref_slice %arg4[%mul3A_2] : memref<32768xf32, #tpu.memory_space<hbm>> -> memref<1024xf32, #tpu.memory_space<hbm>>
      tpu.enqueue_dma source(%arg7 : memref<1024xf32, #tpu.memory_space<vmem>>) target(%dma_start3A_320 : memref<1024xf32, #tpu.memory_space<hbm>>) target_semaphore(%run_scoped3A : memref<!tpu.dma_semaphore, #tpu.memory_space<semaphore_mem>>)
      %dma_wait3A = tpu.memref_slice %arg4[%mul3A_2] : memref<32768xf32, #tpu.memory_space<hbm>> -> memref<1024xf32, #tpu.memory_space<hbm>>
      %dma_wait3A_321 = tpu.memref_slice %arg4[%mul3A_2] : memref<32768xf32, #tpu.memory_space<hbm>> -> memref<1024xf32, #tpu.memory_space<hbm>>
      tpu.wait_dma2 semaphore(%run_scoped3A : memref<!tpu.dma_semaphore, #tpu.memory_space<semaphore_mem>>) src(%arg7 : memref<1024xf32, #tpu.memory_space<vmem>>) dst(%dma_wait3A_321 : memref<1024xf32, #tpu.memory_space<hbm>>)
      tpu.yield
    }) : () -> ()
    return
  }
}

module attributes {stable_mosaic.version = 14 : i64} {
  func.func @_sample_kernel(%arg0: i32, %arg1: memref<1x1024xf32, #tpu.memory_space<vmem>>, %arg2: memref<1x128x128xi32, #tpu.memory_space<vmem>>, %arg3: memref<1x1024xf32, #tpu.memory_space<vmem>>) attributes {dimension_semantics = [#tpu.dimension_semantics<arbitrary>], iteration_bounds = array<i64: 12>, scalar_prefetch = 0 : i64, scratch_operands = 0 : i64, tpu.core_type = #tpu.core_type<tc>, window_params = [{pipeline_mode = #tpu.pipeline_mode<synchronous>, transform_indices = @transform_0, window_bounds = array<i64: 1, 1024>}, {transform_indices = @transform_1, window_bounds = array<i64: 1, 128, 128>}, {pipeline_mode = #tpu.pipeline_mode<synchronous>, transform_indices = @transform_2, window_bounds = array<i64: 1, 1024>}]} {
    %mul3A = arith.constant 2048000 : i32
    %mul3A_0 = arith.muli %arg0, %mul3A : i32
    %iota3A = tpu.iota {dimensions = array<i32: 1>} : vector<128x1024xi32>
    %iota3A_1 = tpu.iota {dimensions = array<i32: 0>} : vector<128x1024xi32>
    %min3A = arith.constant 999 : i32
    %min3A_2 = vector.broadcast %min3A : i32 to vector<128x1024xi32>
    %min3A_3 = arith.minsi %iota3A, %min3A_2 : vector<128x1024xi32>
    %mul3A_4 = arith.constant 16000 : i32
    %mul3A_5 = vector.broadcast %mul3A_4 : i32 to vector<128x1024xi32>
    %mul3A_6 = arith.muli %iota3A_1, %mul3A_5 : vector<128x1024xi32>
    %add3A = arith.addi %min3A_3, %mul3A_6 : vector<128x1024xi32>
    %add3A_7 = arith.constant 42 : i32
    %add3A_8 = arith.addi %mul3A_0, %add3A_7 : i32
    %add3A_9 = vector.broadcast %add3A_8 : i32 to vector<128x1024xi32>
    %add3A_10 = arith.addi %add3A, %add3A_9 : vector<128x1024xi32>
    %lt3A = arith.constant 1000 : i32
    %lt3A_11 = vector.broadcast %lt3A : i32 to vector<128x1024xi32>
    %lt3A_12 = arith.cmpi slt, %iota3A, %lt3A_11 : vector<128x1024xi32>
    %jit3A = arith.constant 1024 : i32
    %broadcast_in_dim3A = vector.broadcast %jit3A : i32 to vector<128x1024xi32>
    %select_n3A = arith.select %lt3A_12, %iota3A, %broadcast_in_dim3A : vector<128x1024xi1>, vector<128x1024xi32>
    %get3A = arith.constant 0 : index
    %get3A_13 = arith.constant 0 : index
    %get3A_14 = vector.load %arg1[%get3A, %get3A_13] : memref<1x1024xf32, #tpu.memory_space<vmem>>, vector<1x1024xf32>
    %iota3A_15 = tpu.iota {dimensions = array<i32: 1>} : vector<1x1024xi32>
    %lt3A_16 = arith.constant 1000 : i32
    %lt3A_17 = vector.broadcast %lt3A_16 : i32 to vector<1x1024xi32>
    %lt3A_18 = arith.cmpi slt, %iota3A_15, %lt3A_17 : vector<1x1024xi32>
    %log3A = math.log %get3A_14 : vector<1x1024xf32>
    %jit3A_19 = arith.constant 0xFF800000 : f32
    %broadcast_in_dim3A_20 = vector.broadcast %jit3A_19 : f32 to vector<1x1024xf32>
    %select_n3A_21 = arith.select %lt3A_18, %log3A, %broadcast_in_dim3A_20 : vector<1x1024xi1>, vector<1x1024xf32>
    %reduce_max3A = vector.shape_cast %select_n3A_21 : vector<1x1024xf32> to vector<1x1x1024xf32>
    %reduce_max3A_22 = arith.constant dense<0xFF800000> : vector<1xf32>
    %reduce_max3A_23 = vector.multi_reduction <maximumf>, %reduce_max3A, %reduce_max3A_22 [1, 2] : vector<1x1x1024xf32> to vector<1xf32>
    %reduce_max3A_24 = vector.shape_cast %reduce_max3A_23 : vector<1xf32> to vector<1x1x1xf32>
    %reduce_max3A_25 = vector.extract %reduce_max3A_24[0, 0, 0] : f32 from vector<1x1x1xf32>
    %sub3A = vector.broadcast %reduce_max3A_25 : f32 to vector<1x1024xf32>
    %sub3A_26 = arith.subf %log3A, %sub3A : vector<1x1024xf32>
    %exp3A = math.exp %sub3A_26 : vector<1x1024xf32>
    %jit3A_27 = arith.constant 0.000000e+00 : f32
    %broadcast_in_dim3A_28 = vector.broadcast %jit3A_27 : f32 to vector<1x1024xf32>
    %select_n3A_29 = arith.select %lt3A_18, %exp3A, %broadcast_in_dim3A_28 : vector<1x1024xi1>, vector<1x1024xf32>
    %reduce_sum3A = vector.shape_cast %select_n3A_29 : vector<1x1024xf32> to vector<1x1x1024xf32>
    %reduce_sum3A_30 = arith.constant dense<0.000000e+00> : vector<1xf32>
    %reduce_sum3A_31 = vector.multi_reduction <add>, %reduce_sum3A, %reduce_sum3A_30 [1, 2] : vector<1x1x1024xf32> to vector<1xf32>
    %reduce_sum3A_32 = vector.shape_cast %reduce_sum3A_31 : vector<1xf32> to vector<1x1x1xf32>
    %reduce_sum3A_33 = vector.extract %reduce_sum3A_32[0, 0, 0] : f32 from vector<1x1x1xf32>
    %log3A_34 = math.log %reduce_sum3A_33 : f32
    %add3A_35 = arith.addf %reduce_max3A_25, %log3A_34 : f32
    %sub3A_36 = vector.broadcast %add3A_35 : f32 to vector<1x1024xf32>
    %sub3A_37 = arith.subf %log3A, %sub3A_36 : vector<1x1024xf32>
    %jit3A_38 = arith.constant 0.000000e+00 : f32
    %broadcast_in_dim3A_39 = vector.broadcast %jit3A_38 : f32 to vector<1x1024xf32>
    %select_n3A_40 = arith.select %lt3A_18, %sub3A_37, %broadcast_in_dim3A_39 : vector<1x1024xi1>, vector<1x1024xf32>
    %swap3A = arith.constant 0 : index
    %swap3A_41 = arith.constant 0 : index
    %swap3A_42 = vector.load %arg3[%swap3A, %swap3A_41] : memref<1x1024xf32, #tpu.memory_space<vmem>>, vector<1x1024xf32>
    tpu.vector_store %arg3[%swap3A, %swap3A_41], %select_n3A_40 {strides = array<i32>} : memref<1x1024xf32, #tpu.memory_space<vmem>>, vector<1x1024xf32>,
    %iota3A_43 = tpu.iota {dimensions = array<i32: 1>} : vector<128x128xi32>
    %broadcast_in_dim3A_44 = arith.constant 0 : i32
    %broadcast_in_dim3A_45 = vector.broadcast %broadcast_in_dim3A_44 : i32 to vector<128x128xi32>
    %scan3A = arith.constant 0 : i32
    %scan3A_46 = arith.constant 16 : i32
    %scan3A_47 = arith.addi %scan3A, %scan3A_46 : i32
    %scan3A_48 = arith.constant 8 : i32
    %scan3A_49 = scf.for %scan3A_57 = %scan3A to %scan3A_47 step %scan3A_48 iter_args(%scan3A_58 = %broadcast_in_dim3A_45) -> (vector<128x128xi32>)  : i32 {
      %mul3A_59 = arith.constant 1000 : i32
      %mul3A_60 = arith.muli %scan3A_57, %mul3A_59 : i32
      %add3A_61 = vector.broadcast %mul3A_60 : i32 to vector<128x1024xi32>
      %add3A_62 = arith.addi %add3A_10, %add3A_61 : vector<128x1024xi32>
      %shift_left3A = arith.constant 13 : i32
      %shift_left3A_63 = vector.broadcast %shift_left3A : i32 to vector<128x1024xi32>
      %shift_left3A_64 = arith.shli %add3A_62, %shift_left3A_63 : vector<128x1024xi32>
      %shift_right_logical3A = arith.constant 19 : i32
      %shift_right_logical3A_65 = vector.broadcast %shift_right_logical3A : i32 to vector<128x1024xi32>
      %shift_right_logical3A_66 = arith.shrui %add3A_62, %shift_right_logical3A_65 : vector<128x1024xi32>
      %or3A = arith.ori %shift_left3A_64, %shift_right_logical3A_66 : vector<128x1024xi32>
      %xor3A = arith.xori %or3A, %add3A_62 : vector<128x1024xi32>
      %add3A_67 = arith.addi %add3A_62, %xor3A : vector<128x1024xi32>
      %shift_left3A_68 = arith.constant 15 : i32
      %shift_left3A_69 = vector.broadcast %shift_left3A_68 : i32 to vector<128x1024xi32>
      %shift_left3A_70 = arith.shli %xor3A, %shift_left3A_69 : vector<128x1024xi32>
      %shift_right_logical3A_71 = arith.constant 17 : i32
      %shift_right_logical3A_72 = vector.broadcast %shift_right_logical3A_71 : i32 to vector<128x1024xi32>
      %shift_right_logical3A_73 = arith.shrui %xor3A, %shift_right_logical3A_72 : vector<128x1024xi32>
      %or3A_74 = arith.ori %shift_left3A_70, %shift_right_logical3A_73 : vector<128x1024xi32>
      %xor3A_75 = arith.xori %or3A_74, %add3A_67 : vector<128x1024xi32>
      %add3A_76 = arith.addi %add3A_67, %xor3A_75 : vector<128x1024xi32>
      %shift_left3A_77 = arith.constant 26 : i32
      %shift_left3A_78 = vector.broadcast %shift_left3A_77 : i32 to vector<128x1024xi32>
      %shift_left3A_79 = arith.shli %xor3A_75, %shift_left3A_78 : vector<128x1024xi32>
      %shift_right_logical3A_80 = arith.constant 6 : i32
      %shift_right_logical3A_81 = vector.broadcast %shift_right_logical3A_80 : i32 to vector<128x1024xi32>
      %shift_right_logical3A_82 = arith.shrui %xor3A_75, %shift_right_logical3A_81 : vector<128x1024xi32>
      %or3A_83 = arith.ori %shift_left3A_79, %shift_right_logical3A_82 : vector<128x1024xi32>
      %xor3A_84 = arith.xori %or3A_83, %add3A_76 : vector<128x1024xi32>
      %add3A_85 = arith.addi %add3A_76, %xor3A_84 : vector<128x1024xi32>
      %shift_left3A_86 = arith.constant 6 : i32
      %shift_left3A_87 = vector.broadcast %shift_left3A_86 : i32 to vector<128x1024xi32>
      %shift_left3A_88 = arith.shli %xor3A_84, %shift_left3A_87 : vector<128x1024xi32>
      %shift_right_logical3A_89 = arith.constant 26 : i32
      %shift_right_logical3A_90 = vector.broadcast %shift_right_logical3A_89 : i32 to vector<128x1024xi32>
      %shift_right_logical3A_91 = arith.shrui %xor3A_84, %shift_right_logical3A_90 : vector<128x1024xi32>
      %or3A_92 = arith.ori %shift_left3A_88, %shift_right_logical3A_91 : vector<128x1024xi32>
      %xor3A_93 = arith.xori %or3A_92, %add3A_85 : vector<128x1024xi32>
      %add3A_94 = arith.constant 42 : i32
      %add3A_95 = vector.broadcast %add3A_94 : i32 to vector<128x1024xi32>
      %add3A_96 = arith.addi %add3A_85, %add3A_95 : vector<128x1024xi32>
      %add3A_97 = arith.constant 466689009 : i32
      %add3A_98 = vector.broadcast %add3A_97 : i32 to vector<128x1024xi32>
      %add3A_99 = arith.addi %xor3A_93, %add3A_98 : vector<128x1024xi32>
      %add3A_100 = arith.addi %add3A_96, %add3A_99 : vector<128x1024xi32>
      %shift_left3A_101 = arith.constant 17 : i32
      %shift_left3A_102 = vector.broadcast %shift_left3A_101 : i32 to vector<128x1024xi32>
      %shift_left3A_103 = arith.shli %add3A_99, %shift_left3A_102 : vector<128x1024xi32>
      %shift_right_logical3A_104 = arith.constant 15 : i32
      %shift_right_logical3A_105 = vector.broadcast %shift_right_logical3A_104 : i32 to vector<128x1024xi32>
      %shift_right_logical3A_106 = arith.shrui %add3A_99, %shift_right_logical3A_105 : vector<128x1024xi32>
      %or3A_107 = arith.ori %shift_left3A_103, %shift_right_logical3A_106 : vector<128x1024xi32>
      %xor3A_108 = arith.xori %or3A_107, %add3A_100 : vector<128x1024xi32>
      %add3A_109 = arith.addi %add3A_100, %xor3A_108 : vector<128x1024xi32>
      %shift_left3A_110 = arith.constant 29 : i32
      %shift_left3A_111 = vector.broadcast %shift_left3A_110 : i32 to vector<128x1024xi32>
      %shift_left3A_112 = arith.shli %xor3A_108, %shift_left3A_111 : vector<128x1024xi32>
      %shift_right_logical3A_113 = arith.constant 3 : i32
      %shift_right_logical3A_114 = vector.broadcast %shift_right_logical3A_113 : i32 to vector<128x1024xi32>
      %shift_right_logical3A_115 = arith.shrui %xor3A_108, %shift_right_logical3A_114 : vector<128x1024xi32>
      %or3A_116 = arith.ori %shift_left3A_112, %shift_right_logical3A_115 : vector<128x1024xi32>
      %xor3A_117 = arith.xori %or3A_116, %add3A_109 : vector<128x1024xi32>
      %add3A_118 = arith.addi %add3A_109, %xor3A_117 : vector<128x1024xi32>
      %shift_left3A_119 = arith.constant 16 : i32
      %shift_left3A_120 = vector.broadcast %shift_left3A_119 : i32 to vector<128x1024xi32>
      %shift_left3A_121 = arith.shli %xor3A_117, %shift_left3A_120 : vector<128x1024xi32>
      %shift_right_logical3A_122 = arith.constant 16 : i32
      %shift_right_logical3A_123 = vector.broadcast %shift_right_logical3A_122 : i32 to vector<128x1024xi32>
      %shift_right_logical3A_124 = arith.shrui %xor3A_117, %shift_right_logical3A_123 : vector<128x1024xi32>
      %or3A_125 = arith.ori %shift_left3A_121, %shift_right_logical3A_124 : vector<128x1024xi32>
      %xor3A_126 = arith.xori %or3A_125, %add3A_118 : vector<128x1024xi32>
      %add3A_127 = arith.addi %add3A_118, %xor3A_126 : vector<128x1024xi32>
      %shift_left3A_128 = arith.constant 24 : i32
      %shift_left3A_129 = vector.broadcast %shift_left3A_128 : i32 to vector<128x1024xi32>
      %shift_left3A_130 = arith.shli %xor3A_126, %shift_left3A_129 : vector<128x1024xi32>
      %shift_right_logical3A_131 = arith.constant 8 : i32
      %shift_right_logical3A_132 = vector.broadcast %shift_right_logical3A_131 : i32 to vector<128x1024xi32>
      %shift_right_logical3A_133 = arith.shrui %xor3A_126, %shift_right_logical3A_132 : vector<128x1024xi32>
      %or3A_134 = arith.ori %shift_left3A_130, %shift_right_logical3A_133 : vector<128x1024xi32>
      %xor3A_135 = arith.xori %or3A_134, %add3A_127 : vector<128x1024xi32>
      %add3A_136 = arith.constant 466689008 : i32
      %add3A_137 = vector.broadcast %add3A_136 : i32 to vector<128x1024xi32>
      %add3A_138 = arith.addi %add3A_127, %add3A_137 : vector<128x1024xi32>
      %add3A_139 = arith.constant 2 : i32
      %add3A_140 = vector.broadcast %add3A_139 : i32 to vector<128x1024xi32>
      %add3A_141 = arith.addi %xor3A_135, %add3A_140 : vector<128x1024xi32>
      %add3A_142 = arith.addi %add3A_138, %add3A_141 : vector<128x1024xi32>
      %shift_left3A_143 = arith.constant 13 : i32
      %shift_left3A_144 = vector.broadcast %shift_left3A_143 : i32 to vector<128x1024xi32>
      %shift_left3A_145 = arith.shli %add3A_141, %shift_left3A_144 : vector<128x1024xi32>
      %shift_right_logical3A_146 = arith.constant 19 : i32
      %shift_right_logical3A_147 = vector.broadcast %shift_right_logical3A_146 : i32 to vector<128x1024xi32>
      %shift_right_logical3A_148 = arith.shrui %add3A_141, %shift_right_logical3A_147 : vector<128x1024xi32>
      %or3A_149 = arith.ori %shift_left3A_145, %shift_right_logical3A_148 : vector<128x1024xi32>
      %xor3A_150 = arith.xori %or3A_149, %add3A_142 : vector<128x1024xi32>
      %add3A_151 = arith.addi %add3A_142, %xor3A_150 : vector<128x1024xi32>
      %shift_left3A_152 = arith.constant 15 : i32
      %shift_left3A_153 = vector.broadcast %shift_left3A_152 : i32 to vector<128x1024xi32>
      %shift_left3A_154 = arith.shli %xor3A_150, %shift_left3A_153 : vector<128x1024xi32>
      %shift_right_logical3A_155 = arith.constant 17 : i32
      %shift_right_logical3A_156 = vector.broadcast %shift_right_logical3A_155 : i32 to vector<128x1024xi32>
      %shift_right_logical3A_157 = arith.shrui %xor3A_150, %shift_right_logical3A_156 : vector<128x1024xi32>
      %or3A_158 = arith.ori %shift_left3A_154, %shift_right_logical3A_157 : vector<128x1024xi32>
      %xor3A_159 = arith.xori %or3A_158, %add3A_151 : vector<128x1024xi32>
      %add3A_160 = arith.addi %add3A_151, %xor3A_159 : vector<128x1024xi32>
      %shift_left3A_161 = arith.constant 26 : i32
      %shift_left3A_162 = vector.broadcast %shift_left3A_161 : i32 to vector<128x1024xi32>
      %shift_left3A_163 = arith.shli %xor3A_159, %shift_left3A_162 : vector<128x1024xi32>
      %shift_right_logical3A_164 = arith.constant 6 : i32
      %shift_right_logical3A_165 = vector.broadcast %shift_right_logical3A_164 : i32 to vector<128x1024xi32>
      %shift_right_logical3A_166 = arith.shrui %xor3A_159, %shift_right_logical3A_165 : vector<128x1024xi32>
      %or3A_167 = arith.ori %shift_left3A_163, %shift_right_logical3A_166 : vector<128x1024xi32>
      %xor3A_168 = arith.xori %or3A_167, %add3A_160 : vector<128x1024xi32>
      %add3A_169 = arith.addi %add3A_160, %xor3A_168 : vector<128x1024xi32>
      %shift_left3A_170 = arith.constant 6 : i32
      %shift_left3A_171 = vector.broadcast %shift_left3A_170 : i32 to vector<128x1024xi32>
      %shift_left3A_172 = arith.shli %xor3A_168, %shift_left3A_171 : vector<128x1024xi32>
      %shift_right_logical3A_173 = arith.constant 26 : i32
      %shift_right_logical3A_174 = vector.broadcast %shift_right_logical3A_173 : i32 to vector<128x1024xi32>
      %shift_right_logical3A_175 = arith.shrui %xor3A_168, %shift_right_logical3A_174 : vector<128x1024xi32>
      %or3A_176 = arith.ori %shift_left3A_172, %shift_right_logical3A_175 : vector<128x1024xi32>
      %xor3A_177 = arith.xori %or3A_176, %add3A_169 : vector<128x1024xi32>
      %add3A_178 = arith.constant 45 : i32
      %add3A_179 = vector.broadcast %add3A_178 : i32 to vector<128x1024xi32>
      %add3A_180 = arith.addi %xor3A_177, %add3A_179 : vector<128x1024xi32>
      %add3A_181 = arith.addi %add3A_169, %add3A_180 : vector<128x1024xi32>
      %shift_left3A_182 = arith.constant 17 : i32
      %shift_left3A_183 = vector.broadcast %shift_left3A_182 : i32 to vector<128x1024xi32>
      %shift_left3A_184 = arith.shli %add3A_180, %shift_left3A_183 : vector<128x1024xi32>
      %shift_right_logical3A_185 = arith.constant 15 : i32
      %shift_right_logical3A_186 = vector.broadcast %shift_right_logical3A_185 : i32 to vector<128x1024xi32>
      %shift_right_logical3A_187 = arith.shrui %add3A_180, %shift_right_logical3A_186 : vector<128x1024xi32>
      %or3A_188 = arith.ori %shift_left3A_184, %shift_right_logical3A_187 : vector<128x1024xi32>
      %xor3A_189 = arith.xori %or3A_188, %add3A_181 : vector<128x1024xi32>
      %add3A_190 = arith.addi %add3A_181, %xor3A_189 : vector<128x1024xi32>
      %shift_left3A_191 = arith.constant 29 : i32
      %shift_left3A_192 = vector.broadcast %shift_left3A_191 : i32 to vector<128x1024xi32>
      %shift_left3A_193 = arith.shli %xor3A_189, %shift_left3A_192 : vector<128x1024xi32>
      %shift_right_logical3A_194 = arith.constant 3 : i32
      %shift_right_logical3A_195 = vector.broadcast %shift_right_logical3A_194 : i32 to vector<128x1024xi32>
      %shift_right_logical3A_196 = arith.shrui %xor3A_189, %shift_right_logical3A_195 : vector<128x1024xi32>
      %or3A_197 = arith.ori %shift_left3A_193, %shift_right_logical3A_196 : vector<128x1024xi32>
      %xor3A_198 = arith.xori %or3A_197, %add3A_190 : vector<128x1024xi32>
      %add3A_199 = arith.addi %add3A_190, %xor3A_198 : vector<128x1024xi32>
      %shift_left3A_200 = arith.constant 16 : i32
      %shift_left3A_201 = vector.broadcast %shift_left3A_200 : i32 to vector<128x1024xi32>
      %shift_left3A_202 = arith.shli %xor3A_198, %shift_left3A_201 : vector<128x1024xi32>
      %shift_right_logical3A_203 = arith.constant 16 : i32
      %shift_right_logical3A_204 = vector.broadcast %shift_right_logical3A_203 : i32 to vector<128x1024xi32>
      %shift_right_logical3A_205 = arith.shrui %xor3A_198, %shift_right_logical3A_204 : vector<128x1024xi32>
      %or3A_206 = arith.ori %shift_left3A_202, %shift_right_logical3A_205 : vector<128x1024xi32>
      %xor3A_207 = arith.xori %or3A_206, %add3A_199 : vector<128x1024xi32>
      %add3A_208 = arith.addi %add3A_199, %xor3A_207 : vector<128x1024xi32>
      %shift_left3A_209 = arith.constant 24 : i32
      %shift_left3A_210 = vector.broadcast %shift_left3A_209 : i32 to vector<128x1024xi32>
      %shift_left3A_211 = arith.shli %xor3A_207, %shift_left3A_210 : vector<128x1024xi32>
      %shift_right_logical3A_212 = arith.constant 8 : i32
      %shift_right_logical3A_213 = vector.broadcast %shift_right_logical3A_212 : i32 to vector<128x1024xi32>
      %shift_right_logical3A_214 = arith.shrui %xor3A_207, %shift_right_logical3A_213 : vector<128x1024xi32>
      %or3A_215 = arith.ori %shift_left3A_211, %shift_right_logical3A_214 : vector<128x1024xi32>
      %xor3A_216 = arith.xori %or3A_215, %add3A_208 : vector<128x1024xi32>
      %add3A_217 = arith.constant 42 : i32
      %add3A_218 = vector.broadcast %add3A_217 : i32 to vector<128x1024xi32>
      %add3A_219 = arith.addi %add3A_208, %add3A_218 : vector<128x1024xi32>
      %add3A_220 = arith.constant 466689012 : i32
      %add3A_221 = vector.broadcast %add3A_220 : i32 to vector<128x1024xi32>
      %add3A_222 = arith.addi %xor3A_216, %add3A_221 : vector<128x1024xi32>
      %add3A_223 = arith.addi %add3A_219, %add3A_222 : vector<128x1024xi32>
      %shift_left3A_224 = arith.constant 13 : i32
      %shift_left3A_225 = vector.broadcast %shift_left3A_224 : i32 to vector<128x1024xi32>
      %shift_left3A_226 = arith.shli %add3A_222, %shift_left3A_225 : vector<128x1024xi32>
      %shift_right_logical3A_227 = arith.constant 19 : i32
      %shift_right_logical3A_228 = vector.broadcast %shift_right_logical3A_227 : i32 to vector<128x1024xi32>
      %shift_right_logical3A_229 = arith.shrui %add3A_222, %shift_right_logical3A_228 : vector<128x1024xi32>
      %or3A_230 = arith.ori %shift_left3A_226, %shift_right_logical3A_229 : vector<128x1024xi32>
      %xor3A_231 = arith.xori %or3A_230, %add3A_223 : vector<128x1024xi32>
      %add3A_232 = arith.addi %add3A_223, %xor3A_231 : vector<128x1024xi32>
      %shift_left3A_233 = arith.constant 15 : i32
      %shift_left3A_234 = vector.broadcast %shift_left3A_233 : i32 to vector<128x1024xi32>
      %shift_left3A_235 = arith.shli %xor3A_231, %shift_left3A_234 : vector<128x1024xi32>
      %shift_right_logical3A_236 = arith.constant 17 : i32
      %shift_right_logical3A_237 = vector.broadcast %shift_right_logical3A_236 : i32 to vector<128x1024xi32>
      %shift_right_logical3A_238 = arith.shrui %xor3A_231, %shift_right_logical3A_237 : vector<128x1024xi32>
      %or3A_239 = arith.ori %shift_left3A_235, %shift_right_logical3A_238 : vector<128x1024xi32>
      %xor3A_240 = arith.xori %or3A_239, %add3A_232 : vector<128x1024xi32>
      %add3A_241 = arith.addi %add3A_232, %xor3A_240 : vector<128x1024xi32>
      %shift_left3A_242 = arith.constant 26 : i32
      %shift_left3A_243 = vector.broadcast %shift_left3A_242 : i32 to vector<128x1024xi32>
      %shift_left3A_244 = arith.shli %xor3A_240, %shift_left3A_243 : vector<128x1024xi32>
      %shift_right_logical3A_245 = arith.constant 6 : i32
      %shift_right_logical3A_246 = vector.broadcast %shift_right_logical3A_245 : i32 to vector<128x1024xi32>
      %shift_right_logical3A_247 = arith.shrui %xor3A_240, %shift_right_logical3A_246 : vector<128x1024xi32>
      %or3A_248 = arith.ori %shift_left3A_244, %shift_right_logical3A_247 : vector<128x1024xi32>
      %xor3A_249 = arith.xori %or3A_248, %add3A_241 : vector<128x1024xi32>
      %add3A_250 = arith.addi %add3A_241, %xor3A_249 : vector<128x1024xi32>
      %shift_left3A_251 = arith.constant 6 : i32
      %shift_left3A_252 = vector.broadcast %shift_left3A_251 : i32 to vector<128x1024xi32>
      %shift_left3A_253 = arith.shli %xor3A_249, %shift_left3A_252 : vector<128x1024xi32>
      %shift_right_logical3A_254 = arith.constant 26 : i32
      %shift_right_logical3A_255 = vector.broadcast %shift_right_logical3A_254 : i32 to vector<128x1024xi32>
      %shift_right_logical3A_256 = arith.shrui %xor3A_249, %shift_right_logical3A_255 : vector<128x1024xi32>
      %or3A_257 = arith.ori %shift_left3A_253, %shift_right_logical3A_256 : vector<128x1024xi32>
      %xor3A_258 = arith.xori %or3A_257, %add3A_250 : vector<128x1024xi32>
      %add3A_259 = arith.constant 466689008 : i32
      %add3A_260 = vector.broadcast %add3A_259 : i32 to vector<128x1024xi32>
      %add3A_261 = arith.addi %add3A_250, %add3A_260 : vector<128x1024xi32>
      %add3A_262 = arith.constant 5 : i32
      %add3A_263 = vector.broadcast %add3A_262 : i32 to vector<128x1024xi32>
      %add3A_264 = arith.addi %xor3A_258, %add3A_263 : vector<128x1024xi32>
      %xor3A_265 = arith.xori %add3A_261, %add3A_264 : vector<128x1024xi32>
      %shift_right_logical3A_266 = arith.constant 9 : i32
      %shift_right_logical3A_267 = vector.broadcast %shift_right_logical3A_266 : i32 to vector<128x1024xi32>
      %shift_right_logical3A_268 = arith.shrui %xor3A_265, %shift_right_logical3A_267 : vector<128x1024xi32>
      %reduce_max3A_269 = arith.constant dense<-2147483648> : vector<128xi32>
      %reduce_max3A_270 = vector.multi_reduction <maxsi>, %shift_right_logical3A_268, %reduce_max3A_269 [1] : vector<128x1024xi32> to vector<128xi32>
      %broadcast_in_dim3A_271 = vector.shape_cast %reduce_max3A_270 : vector<128xi32> to vector<128x1xi32>
      %eq3A = vector.broadcast %broadcast_in_dim3A_271 : vector<128x1xi32> to vector<128x1024xi32>
      %eq3A_272 = arith.cmpi eq, %shift_right_logical3A_268, %eq3A : vector<128x1024xi32>
      %jit3A_273 = arith.constant 1024 : i32
      %broadcast_in_dim3A_274 = vector.broadcast %jit3A_273 : i32 to vector<128x1024xi32>
      %select_n3A_275 = arith.select %eq3A_272, %select_n3A, %broadcast_in_dim3A_274 : vector<128x1024xi1>, vector<128x1024xi32>
      %reduce_min3A = arith.constant dense<2147483647> : vector<128xi32>
      %reduce_min3A_276 = vector.multi_reduction <minsi>, %select_n3A_275, %reduce_min3A [1] : vector<128x1024xi32> to vector<128xi32>
      %broadcast_in_dim3A_277 = vector.shape_cast %reduce_min3A_276 : vector<128xi32> to vector<128x1xi32>
      %eq3A_278 = vector.broadcast %scan3A_57 : i32 to vector<128x128xi32>
      %eq3A_279 = arith.cmpi eq, %iota3A_43, %eq3A_278 : vector<128x128xi32>
      %broadcast_in_dim3A_280 = vector.shape_cast %broadcast_in_dim3A_277 : vector<128x1xi32> to vector<128x1xi32>
      %broadcast_in_dim3A_281 = vector.broadcast %broadcast_in_dim3A_280 : vector<128x1xi32> to vector<128x128xi32>
      %select_n3A_282 = arith.select %eq3A_279, %broadcast_in_dim3A_281, %scan3A_58 : vector<128x128xi1>, vector<128x128xi32>
      %scan3A_283 = arith.constant 1 : i32
      %scan3A_284 = arith.addi %scan3A_57, %scan3A_283 : i32
      %mul3A_285 = arith.constant 1000 : i32
      %mul3A_286 = arith.muli %scan3A_284, %mul3A_285 : i32
      %add3A_287 = vector.broadcast %mul3A_286 : i32 to vector<128x1024xi32>
      %add3A_288 = arith.addi %add3A_10, %add3A_287 : vector<128x1024xi32>
      %shift_left3A_289 = arith.constant 13 : i32
      %shift_left3A_290 = vector.broadcast %shift_left3A_289 : i32 to vector<128x1024xi32>
      %shift_left3A_291 = arith.shli %add3A_288, %shift_left3A_290 : vector<128x1024xi32>
      %shift_right_logical3A_292 = arith.constant 19 : i32
      %shift_right_logical3A_293 = vector.broadcast %shift_right_logical3A_292 : i32 to vector<128x1024xi32>
      %shift_right_logical3A_294 = arith.shrui %add3A_288, %shift_right_logical3A_293 : vector<128x1024xi32>
      %or3A_295 = arith.ori %shift_left3A_291, %shift_right_logical3A_294 : vector<128x1024xi32>
      %xor3A_296 = arith.xori %or3A_295, %add3A_288 : vector<128x1024xi32>
      %add3A_297 = arith.addi %add3A_288, %xor3A_296 : vector<128x1024xi32>
      %shift_left3A_298 = arith.constant 15 : i32
      %shift_left3A_299 = vector.broadcast %shift_left3A_298 : i32 to vector<128x1024xi32>
      %shift_left3A_300 = arith.shli %xor3A_296, %shift_left3A_299 : vector<128x1024xi32>
      %shift_right_logical3A_301 = arith.constant 17 : i32
      %shift_right_logical3A_302 = vector.broadcast %shift_right_logical3A_301 : i32 to vector<128x1024xi32>
      %shift_right_logical3A_303 = arith.shrui %xor3A_296, %shift_right_logical3A_302 : vector<128x1024xi32>
      %or3A_304 = arith.ori %shift_left3A_300, %shift_right_logical3A_303 : vector<128x1024xi32>
      %xor3A_305 = arith.xori %or3A_304, %add3A_297 : vector<128x1024xi32>
      %add3A_306 = arith.addi %add3A_297, %xor3A_305 : vector<128x1024xi32>
      %shift_left3A_307 = arith.constant 26 : i32
      %shift_left3A_308 = vector.broadcast %shift_left3A_307 : i32 to vector<128x1024xi32>
      %shift_left3A_309 = arith.shli %xor3A_305, %shift_left3A_308 : vector<128x1024xi32>
      %shift_right_logical3A_310 = arith.constant 6 : i32
      %shift_right_logical3A_311 = vector.broadcast %shift_right_logical3A_310 : i32 to vector<128x1024xi32>
      %shift_right_logical3A_312 = arith.shrui %xor3A_305, %shift_right_logical3A_311 : vector<128x1024xi32>
      %or3A_313 = arith.ori %shift_left3A_309, %shift_right_logical3A_312 : vector<128x1024xi32>
      %xor3A_314 = arith.xori %or3A_313, %add3A_306 : vector<128x1024xi32>
      %add3A_315 = arith.addi %add3A_306, %xor3A_314 : vector<128x1024xi32>
      %shift_left3A_316 = arith.constant 6 : i32
      %shift_left3A_317 = vector.broadcast %shift_left3A_316 : i32 to vector<128x1024xi32>
      %shift_left3A_318 = arith.shli %xor3A_314, %shift_left3A_317 : vector<128x1024xi32>
      %shift_right_logical3A_319 = arith.constant 26 : i32
      %shift_right_logical3A_320 = vector.broadcast %shift_right_logical3A_319 : i32 to vector<128x1024xi32>
      %shift_right_logical3A_321 = arith.shrui %xor3A_314, %shift_right_logical3A_320 : vector<128x1024xi32>
      %or3A_322 = arith.ori %shift_left3A_318, %shift_right_logical3A_321 : vector<128x1024xi32>
      %xor3A_323 = arith.xori %or3A_322, %add3A_315 : vector<128x1024xi32>
      %add3A_324 = arith.constant 42 : i32
      %add3A_325 = vector.broadcast %add3A_324 : i32 to vector<128x1024xi32>
      %add3A_326 = arith.addi %add3A_315, %add3A_325 : vector<128x1024xi32>
      %add3A_327 = arith.constant 466689009 : i32
      %add3A_328 = vector.broadcast %add3A_327 : i32 to vector<128x1024xi32>
      %add3A_329 = arith.addi %xor3A_323, %add3A_328 : vector<128x1024xi32>
      %add3A_330 = arith.addi %add3A_326, %add3A_329 : vector<128x1024xi32>
      %shift_left3A_331 = arith.constant 17 : i32
      %shift_left3A_332 = vector.broadcast %shift_left3A_331 : i32 to vector<128x1024xi32>
      %shift_left3A_333 = arith.shli %add3A_329, %shift_left3A_332 : vector<128x1024xi32>
      %shift_right_logical3A_334 = arith.constant 15 : i32
      %shift_right_logical3A_335 = vector.broadcast %shift_right_logical3A_334 : i32 to vector<128x1024xi32>
      %shift_right_logical3A_336 = arith.shrui %add3A_329, %shift_right_logical3A_335 : vector<128x1024xi32>
      %or3A_337 = arith.ori %shift_left3A_333, %shift_right_logical3A_336 : vector<128x1024xi32>
      %xor3A_338 = arith.xori %or3A_337, %add3A_330 : vector<128x1024xi32>
      %add3A_339 = arith.addi %add3A_330, %xor3A_338 : vector<128x1024xi32>
      %shift_left3A_340 = arith.constant 29 : i32
      %shift_left3A_341 = vector.broadcast %shift_left3A_340 : i32 to vector<128x1024xi32>
      %shift_left3A_342 = arith.shli %xor3A_338, %shift_left3A_341 : vector<128x1024xi32>
      %shift_right_logical3A_343 = arith.constant 3 : i32
      %shift_right_logical3A_344 = vector.broadcast %shift_right_logical3A_343 : i32 to vector<128x1024xi32>
      %shift_right_logical3A_345 = arith.shrui %xor3A_338, %shift_right_logical3A_344 : vector<128x1024xi32>
      %or3A_346 = arith.ori %shift_left3A_342, %shift_right_logical3A_345 : vector<128x1024xi32>
      %xor3A_347 = arith.xori %or3A_346, %add3A_339 : vector<128x1024xi32>
      %add3A_348 = arith.addi %add3A_339, %xor3A_347 : vector<128x1024xi32>
      %shift_left3A_349 = arith.constant 16 : i32
      %shift_left3A_350 = vector.broadcast %shift_left3A_349 : i32 to vector<128x1024xi32>
      %shift_left3A_351 = arith.shli %xor3A_347, %shift_left3A_350 : vector<128x1024xi32>
      %shift_right_logical3A_352 = arith.constant 16 : i32
      %shift_right_logical3A_353 = vector.broadcast %shift_right_logical3A_352 : i32 to vector<128x1024xi32>
      %shift_right_logical3A_354 = arith.shrui %xor3A_347, %shift_right_logical3A_353 : vector<128x1024xi32>
      %or3A_355 = arith.ori %shift_left3A_351, %shift_right_logical3A_354 : vector<128x1024xi32>
      %xor3A_356 = arith.xori %or3A_355, %add3A_348 : vector<128x1024xi32>
      %add3A_357 = arith.addi %add3A_348, %xor3A_356 : vector<128x1024xi32>
      %shift_left3A_358 = arith.constant 24 : i32
      %shift_left3A_359 = vector.broadcast %shift_left3A_358 : i32 to vector<128x1024xi32>
      %shift_left3A_360 = arith.shli %xor3A_356, %shift_left3A_359 : vector<128x1024xi32>
      %shift_right_logical3A_361 = arith.constant 8 : i32
      %shift_right_logical3A_362 = vector.broadcast %shift_right_logical3A_361 : i32 to vector<128x1024xi32>
      %shift_right_logical3A_363 = arith.shrui %xor3A_356, %shift_right_logical3A_362 : vector<128x1024xi32>
      %or3A_364 = arith.ori %shift_left3A_360, %shift_right_logical3A_363 : vector<128x1024xi32>
      %xor3A_365 = arith.xori %or3A_364, %add3A_357 : vector<128x1024xi32>
      %add3A_366 = arith.constant 466689008 : i32
      %add3A_367 = vector.broadcast %add3A_366 : i32 to vector<128x1024xi32>
      %add3A_368 = arith.addi %add3A_357, %add3A_367 : vector<128x1024xi32>
      %add3A_369 = arith.constant 2 : i32
      %add3A_370 = vector.broadcast %add3A_369 : i32 to vector<128x1024xi32>
      %add3A_371 = arith.addi %xor3A_365, %add3A_370 : vector<128x1024xi32>
      %add3A_372 = arith.addi %add3A_368, %add3A_371 : vector<128x1024xi32>
      %shift_left3A_373 = arith.constant 13 : i32
      %shift_left3A_374 = vector.broadcast %shift_left3A_373 : i32 to vector<128x1024xi32>
      %shift_left3A_375 = arith.shli %add3A_371, %shift_left3A_374 : vector<128x1024xi32>
      %shift_right_logical3A_376 = arith.constant 19 : i32
      %shift_right_logical3A_377 = vector.broadcast %shift_right_logical3A_376 : i32 to vector<128x1024xi32>
      %shift_right_logical3A_378 = arith.shrui %add3A_371, %shift_right_logical3A_377 : vector<128x1024xi32>
      %or3A_379 = arith.ori %shift_left3A_375, %shift_right_logical3A_378 : vector<128x1024xi32>
      %xor3A_380 = arith.xori %or3A_379, %add3A_372 : vector<128x1024xi32>
      %add3A_381 = arith.addi %add3A_372, %xor3A_380 : vector<128x1024xi32>
      %shift_left3A_382 = arith.constant 15 : i32
      %shift_left3A_383 = vector.broadcast %shift_left3A_382 : i32 to vector<128x1024xi32>
      %shift_left3A_384 = arith.shli %xor3A_380, %shift_left3A_383 : vector<128x1024xi32>
      %shift_right_logical3A_385 = arith.constant 17 : i32
      %shift_right_logical3A_386 = vector.broadcast %shift_right_logical3A_385 : i32 to vector<128x1024xi32>
      %shift_right_logical3A_387 = arith.shrui %xor3A_380, %shift_right_logical3A_386 : vector<128x1024xi32>
      %or3A_388 = arith.ori %shift_left3A_384, %shift_right_logical3A_387 : vector<128x1024xi32>
      %xor3A_389 = arith.xori %or3A_388, %add3A_381 : vector<128x1024xi32>
      %add3A_390 = arith.addi %add3A_381, %xor3A_389 : vector<128x1024xi32>
      %shift_left3A_391 = arith.constant 26 : i32
      %shift_left3A_392 = vector.broadcast %shift_left3A_391 : i32 to vector<128x1024xi32>
      %shift_left3A_393 = arith.shli %xor3A_389, %shift_left3A_392 : vector<128x1024xi32>
      %shift_right_logical3A_394 = arith.constant 6 : i32
      %shift_right_logical3A_395 = vector.broadcast %shift_right_logical3A_394 : i32 to vector<128x1024xi32>
      %shift_right_logical3A_396 = arith.shrui %xor3A_389, %shift_right_logical3A_395 : vector<128x1024xi32>
      %or3A_397 = arith.ori %shift_left3A_393, %shift_right_logical3A_396 : vector<128x1024xi32>
      %xor3A_398 = arith.xori %or3A_397, %add3A_390 : vector<128x1024xi32>
      %add3A_399 = arith.addi %add3A_390, %xor3A_398 : vector<128x1024xi32>
      %shift_left3A_400 = arith.constant 6 : i32
      %shift_left3A_401 = vector.broadcast %shift_left3A_400 : i32 to vector<128x1024xi32>
      %shift_left3A_402 = arith.shli %xor3A_398, %shift_left3A_401 : vector<128x1024xi32>
      %shift_right_logical3A_403 = arith.constant 26 : i32
      %shift_right_logical3A_404 = vector.broadcast %shift_right_logical3A_403 : i32 to vector<128x1024xi32>
      %shift_right_logical3A_405 = arith.shrui %xor3A_398, %shift_right_logical3A_404 : vector<128x1024xi32>
      %or3A_406 = arith.ori %shift_left3A_402, %shift_right_logical3A_405 : vector<128x1024xi32>
      %xor3A_407 = arith.xori %or3A_406, %add3A_399 : vector<128x1024xi32>
      %add3A_408 = arith.constant 45 : i32
      %add3A_409 = vector.broadcast %add3A_408 : i32 to vector<128x1024xi32>
      %add3A_410 = arith.addi %xor3A_407, %add3A_409 : vector<128x1024xi32>
      %add3A_411 = arith.addi %add3A_399, %add3A_410 : vector<128x1024xi32>
      %shift_left3A_412 = arith.constant 17 : i32
      %shift_left3A_413 = vector.broadcast %shift_left3A_412 : i32 to vector<128x1024xi32>
      %shift_left3A_414 = arith.shli %add3A_410, %shift_left3A_413 : vector<128x1024xi32>
      %shift_right_logical3A_415 = arith.constant 15 : i32
      %shift_right_logical3A_416 = vector.broadcast %shift_right_logical3A_415 : i32 to vector<128x1024xi32>
      %shift_right_logical3A_417 = arith.shrui %add3A_410, %shift_right_logical3A_416 : vector<128x1024xi32>
      %or3A_418 = arith.ori %shift_left3A_414, %shift_right_logical3A_417 : vector<128x1024xi32>
      %xor3A_419 = arith.xori %or3A_418, %add3A_411 : vector<128x1024xi32>
      %add3A_420 = arith.addi %add3A_411, %xor3A_419 : vector<128x1024xi32>
      %shift_left3A_421 = arith.constant 29 : i32
      %shift_left3A_422 = vector.broadcast %shift_left3A_421 : i32 to vector<128x1024xi32>
      %shift_left3A_423 = arith.shli %xor3A_419, %shift_left3A_422 : vector<128x1024xi32>
      %shift_right_logical3A_424 = arith.constant 3 : i32
      %shift_right_logical3A_425 = vector.broadcast %shift_right_logical3A_424 : i32 to vector<128x1024xi32>
      %shift_right_logical3A_426 = arith.shrui %xor3A_419, %shift_right_logical3A_425 : vector<128x1024xi32>
      %or3A_427 = arith.ori %shift_left3A_423, %shift_right_logical3A_426 : vector<128x1024xi32>
      %xor3A_428 = arith.xori %or3A_427, %add3A_420 : vector<128x1024xi32>
      %add3A_429 = arith.addi %add3A_420, %xor3A_428 : vector<128x1024xi32>
      %shift_left3A_430 = arith.constant 16 : i32
      %shift_left3A_431 = vector.broadcast %shift_left3A_430 : i32 to vector<128x1024xi32>
      %shift_left3A_432 = arith.shli %xor3A_428, %shift_left3A_431 : vector<128x1024xi32>
      %shift_right_logical3A_433 = arith.constant 16 : i32
      %shift_right_logical3A_434 = vector.broadcast %shift_right_logical3A_433 : i32 to vector<128x1024xi32>
      %shift_right_logical3A_435 = arith.shrui %xor3A_428, %shift_right_logical3A_434 : vector<128x1024xi32>
      %or3A_436 = arith.ori %shift_left3A_432, %shift_right_logical3A_435 : vector<128x1024xi32>
      %xor3A_437 = arith.xori %or3A_436, %add3A_429 : vector<128x1024xi32>
      %add3A_438 = arith.addi %add3A_429, %xor3A_437 : vector<128x1024xi32>
      %shift_left3A_439 = arith.constant 24 : i32
      %shift_left3A_440 = vector.broadcast %shift_left3A_439 : i32 to vector<128x1024xi32>
      %shift_left3A_441 = arith.shli %xor3A_437, %shift_left3A_440 : vector<128x1024xi32>
      %shift_right_logical3A_442 = arith.constant 8 : i32
      %shift_right_logical3A_443 = vector.broadcast %shift_right_logical3A_442 : i32 to vector<128x1024xi32>
      %shift_right_logical3A_444 = arith.shrui %xor3A_437, %shift_right_logical3A_443 : vector<128x1024xi32>
      %or3A_445 = arith.ori %shift_left3A_441, %shift_right_logical3A_444 : vector<128x1024xi32>
      %xor3A_446 = arith.xori %or3A_445, %add3A_438 : vector<128x1024xi32>
      %add3A_447 = arith.constant 42 : i32
      %add3A_448 = vector.broadcast %add3A_447 : i32 to vector<128x1024xi32>
      %add3A_449 = arith.addi %add3A_438, %add3A_448 : vector<128x1024xi32>
      %add3A_450 = arith.constant 466689012 : i32
      %add3A_451 = vector.broadcast %add3A_450 : i32 to vector<128x1024xi32>
      %add3A_452 = arith.addi %xor3A_446, %add3A_451 : vector<128x1024xi32>
      %add3A_453 = arith.addi %add3A_449, %add3A_452 : vector<128x1024xi32>
      %shift_left3A_454 = arith.constant 13 : i32
      %shift_left3A_455 = vector.broadcast %shift_left3A_454 : i32 to vector<128x1024xi32>
      %shift_left3A_456 = arith.shli %add3A_452, %shift_left3A_455 : vector<128x1024xi32>
      %shift_right_logical3A_457 = arith.constant 19 : i32
      %shift_right_logical3A_458 = vector.broadcast %shift_right_logical3A_457 : i32 to vector<128x1024xi32>
      %shift_right_logical3A_459 = arith.shrui %add3A_452, %shift_right_logical3A_458 : vector<128x1024xi32>
      %or3A_460 = arith.ori %shift_left3A_456, %shift_right_logical3A_459 : vector<128x1024xi32>
      %xor3A_461 = arith.xori %or3A_460, %add3A_453 : vector<128x1024xi32>
      %add3A_462 = arith.addi %add3A_453, %xor3A_461 : vector<128x1024xi32>
      %shift_left3A_463 = arith.constant 15 : i32
      %shift_left3A_464 = vector.broadcast %shift_left3A_463 : i32 to vector<128x1024xi32>
      %shift_left3A_465 = arith.shli %xor3A_461, %shift_left3A_464 : vector<128x1024xi32>
      %shift_right_logical3A_466 = arith.constant 17 : i32
      %shift_right_logical3A_467 = vector.broadcast %shift_right_logical3A_466 : i32 to vector<128x1024xi32>
      %shift_right_logical3A_468 = arith.shrui %xor3A_461, %shift_right_logical3A_467 : vector<128x1024xi32>
      %or3A_469 = arith.ori %shift_left3A_465, %shift_right_logical3A_468 : vector<128x1024xi32>
      %xor3A_470 = arith.xori %or3A_469, %add3A_462 : vector<128x1024xi32>
      %add3A_471 = arith.addi %add3A_462, %xor3A_470 : vector<128x1024xi32>
      %shift_left3A_472 = arith.constant 26 : i32
      %shift_left3A_473 = vector.broadcast %shift_left3A_472 : i32 to vector<128x1024xi32>
      %shift_left3A_474 = arith.shli %xor3A_470, %shift_left3A_473 : vector<128x1024xi32>
      %shift_right_logical3A_475 = arith.constant 6 : i32
      %shift_right_logical3A_476 = vector.broadcast %shift_right_logical3A_475 : i32 to vector<128x1024xi32>
      %shift_right_logical3A_477 = arith.shrui %xor3A_470, %shift_right_logical3A_476 : vector<128x1024xi32>
      %or3A_478 = arith.ori %shift_left3A_474, %shift_right_logical3A_477 : vector<128x1024xi32>
      %xor3A_479 = arith.xori %or3A_478, %add3A_471 : vector<128x1024xi32>
      %add3A_480 = arith.addi %add3A_471, %xor3A_479 : vector<128x1024xi32>
      %shift_left3A_481 = arith.constant 6 : i32
      %shift_left3A_482 = vector.broadcast %shift_left3A_481 : i32 to vector<128x1024xi32>
      %shift_left3A_483 = arith.shli %xor3A_479, %shift_left3A_482 : vector<128x1024xi32>
      %shift_right_logical3A_484 = arith.constant 26 : i32
      %shift_right_logical3A_485 = vector.broadcast %shift_right_logical3A_484 : i32 to vector<128x1024xi32>
      %shift_right_logical3A_486 = arith.shrui %xor3A_479, %shift_right_logical3A_485 : vector<128x1024xi32>
      %or3A_487 = arith.ori %shift_left3A_483, %shift_right_logical3A_486 : vector<128x1024xi32>
      %xor3A_488 = arith.xori %or3A_487, %add3A_480 : vector<128x1024xi32>
      %add3A_489 = arith.constant 466689008 : i32
      %add3A_490 = vector.broadcast %add3A_489 : i32 to vector<128x1024xi32>
      %add3A_491 = arith.addi %add3A_480, %add3A_490 : vector<128x1024xi32>
      %add3A_492 = arith.constant 5 : i32
      %add3A_493 = vector.broadcast %add3A_492 : i32 to vector<128x1024xi32>
      %add3A_494 = arith.addi %xor3A_488, %add3A_493 : vector<128x1024xi32>
      %xor3A_495 = arith.xori %add3A_491, %add3A_494 : vector<128x1024xi32>
      %shift_right_logical3A_496 = arith.constant 9 : i32
      %shift_right_logical3A_497 = vector.broadcast %shift_right_logical3A_496 : i32 to vector<128x1024xi32>
      %shift_right_logical3A_498 = arith.shrui %xor3A_495, %shift_right_logical3A_497 : vector<128x1024xi32>
      %reduce_max3A_499 = arith.constant dense<-2147483648> : vector<128xi32>
      %reduce_max3A_500 = vector.multi_reduction <maxsi>, %shift_right_logical3A_498, %reduce_max3A_499 [1] : vector<128x1024xi32> to vector<128xi32>
      %broadcast_in_dim3A_501 = vector.shape_cast %reduce_max3A_500 : vector<128xi32> to vector<128x1xi32>
      %eq3A_502 = vector.broadcast %broadcast_in_dim3A_501 : vector<128x1xi32> to vector<128x1024xi32>
      %eq3A_503 = arith.cmpi eq, %shift_right_logical3A_498, %eq3A_502 : vector<128x1024xi32>
      %jit3A_504 = arith.constant 1024 : i32
      %broadcast_in_dim3A_505 = vector.broadcast %jit3A_504 : i32 to vector<128x1024xi32>
      %select_n3A_506 = arith.select %eq3A_503, %select_n3A, %broadcast_in_dim3A_505 : vector<128x1024xi1>, vector<128x1024xi32>
      %reduce_min3A_507 = arith.constant dense<2147483647> : vector<128xi32>
      %reduce_min3A_508 = vector.multi_reduction <minsi>, %select_n3A_506, %reduce_min3A_507 [1] : vector<128x1024xi32> to vector<128xi32>
      %broadcast_in_dim3A_509 = vector.shape_cast %reduce_min3A_508 : vector<128xi32> to vector<128x1xi32>
      %eq3A_510 = vector.broadcast %scan3A_284 : i32 to vector<128x128xi32>
      %eq3A_511 = arith.cmpi eq, %iota3A_43, %eq3A_510 : vector<128x128xi32>
      %broadcast_in_dim3A_512 = vector.shape_cast %broadcast_in_dim3A_509 : vector<128x1xi32> to vector<128x1xi32>
      %broadcast_in_dim3A_513 = vector.broadcast %broadcast_in_dim3A_512 : vector<128x1xi32> to vector<128x128xi32>
      %select_n3A_514 = arith.select %eq3A_511, %broadcast_in_dim3A_513, %select_n3A_282 : vector<128x128xi1>, vector<128x128xi32>
      %scan3A_515 = arith.constant 2 : i32
      %scan3A_516 = arith.addi %scan3A_57, %scan3A_515 : i32
      %mul3A_517 = arith.constant 1000 : i32
      %mul3A_518 = arith.muli %scan3A_516, %mul3A_517 : i32
      %add3A_519 = vector.broadcast %mul3A_518 : i32 to vector<128x1024xi32>
      %add3A_520 = arith.addi %add3A_10, %add3A_519 : vector<128x1024xi32>
      %shift_left3A_521 = arith.constant 13 : i32
      %shift_left3A_522 = vector.broadcast %shift_left3A_521 : i32 to vector<128x1024xi32>
      %shift_left3A_523 = arith.shli %add3A_520, %shift_left3A_522 : vector<128x1024xi32>
      %shift_right_logical3A_524 = arith.constant 19 : i32
      %shift_right_logical3A_525 = vector.broadcast %shift_right_logical3A_524 : i32 to vector<128x1024xi32>
      %shift_right_logical3A_526 = arith.shrui %add3A_520, %shift_right_logical3A_525 : vector<128x1024xi32>
      %or3A_527 = arith.ori %shift_left3A_523, %shift_right_logical3A_526 : vector<128x1024xi32>
      %xor3A_528 = arith.xori %or3A_527, %add3A_520 : vector<128x1024xi32>
      %add3A_529 = arith.addi %add3A_520, %xor3A_528 : vector<128x1024xi32>
      %shift_left3A_530 = arith.constant 15 : i32
      %shift_left3A_531 = vector.broadcast %shift_left3A_530 : i32 to vector<128x1024xi32>
      %shift_left3A_532 = arith.shli %xor3A_528, %shift_left3A_531 : vector<128x1024xi32>
      %shift_right_logical3A_533 = arith.constant 17 : i32
      %shift_right_logical3A_534 = vector.broadcast %shift_right_logical3A_533 : i32 to vector<128x1024xi32>
      %shift_right_logical3A_535 = arith.shrui %xor3A_528, %shift_right_logical3A_534 : vector<128x1024xi32>
      %or3A_536 = arith.ori %shift_left3A_532, %shift_right_logical3A_535 : vector<128x1024xi32>
      %xor3A_537 = arith.xori %or3A_536, %add3A_529 : vector<128x1024xi32>
      %add3A_538 = arith.addi %add3A_529, %xor3A_537 : vector<128x1024xi32>
      %shift_left3A_539 = arith.constant 26 : i32
      %shift_left3A_540 = vector.broadcast %shift_left3A_539 : i32 to vector<128x1024xi32>
      %shift_left3A_541 = arith.shli %xor3A_537, %shift_left3A_540 : vector<128x1024xi32>
      %shift_right_logical3A_542 = arith.constant 6 : i32
      %shift_right_logical3A_543 = vector.broadcast %shift_right_logical3A_542 : i32 to vector<128x1024xi32>
      %shift_right_logical3A_544 = arith.shrui %xor3A_537, %shift_right_logical3A_543 : vector<128x1024xi32>
      %or3A_545 = arith.ori %shift_left3A_541, %shift_right_logical3A_544 : vector<128x1024xi32>
      %xor3A_546 = arith.xori %or3A_545, %add3A_538 : vector<128x1024xi32>
      %add3A_547 = arith.addi %add3A_538, %xor3A_546 : vector<128x1024xi32>
      %shift_left3A_548 = arith.constant 6 : i32
      %shift_left3A_549 = vector.broadcast %shift_left3A_548 : i32 to vector<128x1024xi32>
      %shift_left3A_550 = arith.shli %xor3A_546, %shift_left3A_549 : vector<128x1024xi32>
      %shift_right_logical3A_551 = arith.constant 26 : i32
      %shift_right_logical3A_552 = vector.broadcast %shift_right_logical3A_551 : i32 to vector<128x1024xi32>
      %shift_right_logical3A_553 = arith.shrui %xor3A_546, %shift_right_logical3A_552 : vector<128x1024xi32>
      %or3A_554 = arith.ori %shift_left3A_550, %shift_right_logical3A_553 : vector<128x1024xi32>
      %xor3A_555 = arith.xori %or3A_554, %add3A_547 : vector<128x1024xi32>
      %add3A_556 = arith.constant 42 : i32
      %add3A_557 = vector.broadcast %add3A_556 : i32 to vector<128x1024xi32>
      %add3A_558 = arith.addi %add3A_547, %add3A_557 : vector<128x1024xi32>
      %add3A_559 = arith.constant 466689009 : i32
      %add3A_560 = vector.broadcast %add3A_559 : i32 to vector<128x1024xi32>
      %add3A_561 = arith.addi %xor3A_555, %add3A_560 : vector<128x1024xi32>
      %add3A_562 = arith.addi %add3A_558, %add3A_561 : vector<128x1024xi32>
      %shift_left3A_563 = arith.constant 17 : i32
      %shift_left3A_564 = vector.broadcast %shift_left3A_563 : i32 to vector<128x1024xi32>
      %shift_left3A_565 = arith.shli %add3A_561, %shift_left3A_564 : vector<128x1024xi32>
      %shift_right_logical3A_566 = arith.constant 15 : i32
      %shift_right_logical3A_567 = vector.broadcast %shift_right_logical3A_566 : i32 to vector<128x1024xi32>
      %shift_right_logical3A_568 = arith.shrui %add3A_561, %shift_right_logical3A_567 : vector<128x1024xi32>
      %or3A_569 = arith.ori %shift_left3A_565, %shift_right_logical3A_568 : vector<128x1024xi32>
      %xor3A_570 = arith.xori %or3A_569, %add3A_562 : vector<128x1024xi32>
      %add3A_571 = arith.addi %add3A_562, %xor3A_570 : vector<128x1024xi32>
      %shift_left3A_572 = arith.constant 29 : i32
      %shift_left3A_573 = vector.broadcast %shift_left3A_572 : i32 to vector<128x1024xi32>
      %shift_left3A_574 = arith.shli %xor3A_570, %shift_left3A_573 : vector<128x1024xi32>
      %shift_right_logical3A_575 = arith.constant 3 : i32
      %shift_right_logical3A_576 = vector.broadcast %shift_right_logical3A_575 : i32 to vector<128x1024xi32>
      %shift_right_logical3A_577 = arith.shrui %xor3A_570, %shift_right_logical3A_576 : vector<128x1024xi32>
      %or3A_578 = arith.ori %shift_left3A_574, %shift_right_logical3A_577 : vector<128x1024xi32>
      %xor3A_579 = arith.xori %or3A_578, %add3A_571 : vector<128x1024xi32>
      %add3A_580 = arith.addi %add3A_571, %xor3A_579 : vector<128x1024xi32>
      %shift_left3A_581 = arith.constant 16 : i32
      %shift_left3A_582 = vector.broadcast %shift_left3A_581 : i32 to vector<128x1024xi32>
      %shift_left3A_583 = arith.shli %xor3A_579, %shift_left3A_582 : vector<128x1024xi32>
      %shift_right_logical3A_584 = arith.constant 16 : i32
      %shift_right_logical3A_585 = vector.broadcast %shift_right_logical3A_584 : i32 to vector<128x1024xi32>
      %shift_right_logical3A_586 = arith.shrui %xor3A_579, %shift_right_logical3A_585 : vector<128x1024xi32>
      %or3A_587 = arith.ori %shift_left3A_583, %shift_right_logical3A_586 : vector<128x1024xi32>
      %xor3A_588 = arith.xori %or3A_587, %add3A_580 : vector<128x1024xi32>
      %add3A_589 = arith.addi %add3A_580, %xor3A_588 : vector<128x1024xi32>
      %shift_left3A_590 = arith.constant 24 : i32
      %shift_left3A_591 = vector.broadcast %shift_left3A_590 : i32 to vector<128x1024xi32>
      %shift_left3A_592 = arith.shli %xor3A_588, %shift_left3A_591 : vector<128x1024xi32>
      %shift_right_logical3A_593 = arith.constant 8 : i32
      %shift_right_logical3A_594 = vector.broadcast %shift_right_logical3A_593 : i32 to vector<128x1024xi32>
      %shift_right_logical3A_595 = arith.shrui %xor3A_588, %shift_right_logical3A_594 : vector<128x1024xi32>
      %or3A_596 = arith.ori %shift_left3A_592, %shift_right_logical3A_595 : vector<128x1024xi32>
      %xor3A_597 = arith.xori %or3A_596, %add3A_589 : vector<128x1024xi32>
      %add3A_598 = arith.constant 466689008 : i32
      %add3A_599 = vector.broadcast %add3A_598 : i32 to vector<128x1024xi32>
      %add3A_600 = arith.addi %add3A_589, %add3A_599 : vector<128x1024xi32>
      %add3A_601 = arith.constant 2 : i32
      %add3A_602 = vector.broadcast %add3A_601 : i32 to vector<128x1024xi32>
      %add3A_603 = arith.addi %xor3A_597, %add3A_602 : vector<128x1024xi32>
      %add3A_604 = arith.addi %add3A_600, %add3A_603 : vector<128x1024xi32>
      %shift_left3A_605 = arith.constant 13 : i32
      %shift_left3A_606 = vector.broadcast %shift_left3A_605 : i32 to vector<128x1024xi32>
      %shift_left3A_607 = arith.shli %add3A_603, %shift_left3A_606 : vector<128x1024xi32>
      %shift_right_logical3A_608 = arith.constant 19 : i32
      %shift_right_logical3A_609 = vector.broadcast %shift_right_logical3A_608 : i32 to vector<128x1024xi32>
      %shift_right_logical3A_610 = arith.shrui %add3A_603, %shift_right_logical3A_609 : vector<128x1024xi32>
      %or3A_611 = arith.ori %shift_left3A_607, %shift_right_logical3A_610 : vector<128x1024xi32>
      %xor3A_612 = arith.xori %or3A_611, %add3A_604 : vector<128x1024xi32>
      %add3A_613 = arith.addi %add3A_604, %xor3A_612 : vector<128x1024xi32>
      %shift_left3A_614 = arith.constant 15 : i32
      %shift_left3A_615 = vector.broadcast %shift_left3A_614 : i32 to vector<128x1024xi32>
      %shift_left3A_616 = arith.shli %xor3A_612, %shift_left3A_615 : vector<128x1024xi32>
      %shift_right_logical3A_617 = arith.constant 17 : i32
      %shift_right_logical3A_618 = vector.broadcast %shift_right_logical3A_617 : i32 to vector<128x1024xi32>
      %shift_right_logical3A_619 = arith.shrui %xor3A_612, %shift_right_logical3A_618 : vector<128x1024xi32>
      %or3A_620 = arith.ori %shift_left3A_616, %shift_right_logical3A_619 : vector<128x1024xi32>
      %xor3A_621 = arith.xori %or3A_620, %add3A_613 : vector<128x1024xi32>
      %add3A_622 = arith.addi %add3A_613, %xor3A_621 : vector<128x1024xi32>
      %shift_left3A_623 = arith.constant 26 : i32
      %shift_left3A_624 = vector.broadcast %shift_left3A_623 : i32 to vector<128x1024xi32>
      %shift_left3A_625 = arith.shli %xor3A_621, %shift_left3A_624 : vector<128x1024xi32>
      %shift_right_logical3A_626 = arith.constant 6 : i32
      %shift_right_logical3A_627 = vector.broadcast %shift_right_logical3A_626 : i32 to vector<128x1024xi32>
      %shift_right_logical3A_628 = arith.shrui %xor3A_621, %shift_right_logical3A_627 : vector<128x1024xi32>
      %or3A_629 = arith.ori %shift_left3A_625, %shift_right_logical3A_628 : vector<128x1024xi32>
      %xor3A_630 = arith.xori %or3A_629, %add3A_622 : vector<128x1024xi32>
      %add3A_631 = arith.addi %add3A_622, %xor3A_630 : vector<128x1024xi32>
      %shift_left3A_632 = arith.constant 6 : i32
      %shift_left3A_633 = vector.broadcast %shift_left3A_632 : i32 to vector<128x1024xi32>
      %shift_left3A_634 = arith.shli %xor3A_630, %shift_left3A_633 : vector<128x1024xi32>
      %shift_right_logical3A_635 = arith.constant 26 : i32
      %shift_right_logical3A_636 = vector.broadcast %shift_right_logical3A_635 : i32 to vector<128x1024xi32>
      %shift_right_logical3A_637 = arith.shrui %xor3A_630, %shift_right_logical3A_636 : vector<128x1024xi32>
      %or3A_638 = arith.ori %shift_left3A_634, %shift_right_logical3A_637 : vector<128x1024xi32>
      %xor3A_639 = arith.xori %or3A_638, %add3A_631 : vector<128x1024xi32>
      %add3A_640 = arith.constant 45 : i32
      %add3A_641 = vector.broadcast %add3A_640 : i32 to vector<128x1024xi32>
      %add3A_642 = arith.addi %xor3A_639, %add3A_641 : vector<128x1024xi32>
      %add3A_643 = arith.addi %add3A_631, %add3A_642 : vector<128x1024xi32>
      %shift_left3A_644 = arith.constant 17 : i32
      %shift_left3A_645 = vector.broadcast %shift_left3A_644 : i32 to vector<128x1024xi32>
      %shift_left3A_646 = arith.shli %add3A_642, %shift_left3A_645 : vector<128x1024xi32>
      %shift_right_logical3A_647 = arith.constant 15 : i32
      %shift_right_logical3A_648 = vector.broadcast %shift_right_logical3A_647 : i32 to vector<128x1024xi32>
      %shift_right_logical3A_649 = arith.shrui %add3A_642, %shift_right_logical3A_648 : vector<128x1024xi32>
      %or3A_650 = arith.ori %shift_left3A_646, %shift_right_logical3A_649 : vector<128x1024xi32>
      %xor3A_651 = arith.xori %or3A_650, %add3A_643 : vector<128x1024xi32>
      %add3A_652 = arith.addi %add3A_643, %xor3A_651 : vector<128x1024xi32>
      %shift_left3A_653 = arith.constant 29 : i32
      %shift_left3A_654 = vector.broadcast %shift_left3A_653 : i32 to vector<128x1024xi32>
      %shift_left3A_655 = arith.shli %xor3A_651, %shift_left3A_654 : vector<128x1024xi32>
      %shift_right_logical3A_656 = arith.constant 3 : i32
      %shift_right_logical3A_657 = vector.broadcast %shift_right_logical3A_656 : i32 to vector<128x1024xi32>
      %shift_right_logical3A_658 = arith.shrui %xor3A_651, %shift_right_logical3A_657 : vector<128x1024xi32>
      %or3A_659 = arith.ori %shift_left3A_655, %shift_right_logical3A_658 : vector<128x1024xi32>
      %xor3A_660 = arith.xori %or3A_659, %add3A_652 : vector<128x1024xi32>
      %add3A_661 = arith.addi %add3A_652, %xor3A_660 : vector<128x1024xi32>
      %shift_left3A_662 = arith.constant 16 : i32
      %shift_left3A_663 = vector.broadcast %shift_left3A_662 : i32 to vector<128x1024xi32>
      %shift_left3A_664 = arith.shli %xor3A_660, %shift_left3A_663 : vector<128x1024xi32>
      %shift_right_logical3A_665 = arith.constant 16 : i32
      %shift_right_logical3A_666 = vector.broadcast %shift_right_logical3A_665 : i32 to vector<128x1024xi32>
      %shift_right_logical3A_667 = arith.shrui %xor3A_660, %shift_right_logical3A_666 : vector<128x1024xi32>
      %or3A_668 = arith.ori %shift_left3A_664, %shift_right_logical3A_667 : vector<128x1024xi32>
      %xor3A_669 = arith.xori %or3A_668, %add3A_661 : vector<128x1024xi32>
      %add3A_670 = arith.addi %add3A_661, %xor3A_669 : vector<128x1024xi32>
      %shift_left3A_671 = arith.constant 24 : i32
      %shift_left3A_672 = vector.broadcast %shift_left3A_671 : i32 to vector<128x1024xi32>
      %shift_left3A_673 = arith.shli %xor3A_669, %shift_left3A_672 : vector<128x1024xi32>
      %shift_right_logical3A_674 = arith.constant 8 : i32
      %shift_right_logical3A_675 = vector.broadcast %shift_right_logical3A_674 : i32 to vector<128x1024xi32>
      %shift_right_logical3A_676 = arith.shrui %xor3A_669, %shift_right_logical3A_675 : vector<128x1024xi32>
      %or3A_677 = arith.ori %shift_left3A_673, %shift_right_logical3A_676 : vector<128x1024xi32>
      %xor3A_678 = arith.xori %or3A_677, %add3A_670 : vector<128x1024xi32>
      %add3A_679 = arith.constant 42 : i32
      %add3A_680 = vector.broadcast %add3A_679 : i32 to vector<128x1024xi32>
      %add3A_681 = arith.addi %add3A_670, %add3A_680 : vector<128x1024xi32>
      %add3A_682 = arith.constant 466689012 : i32
      %add3A_683 = vector.broadcast %add3A_682 : i32 to vector<128x1024xi32>
      %add3A_684 = arith.addi %xor3A_678, %add3A_683 : vector<128x1024xi32>
      %add3A_685 = arith.addi %add3A_681, %add3A_684 : vector<128x1024xi32>
      %shift_left3A_686 = arith.constant 13 : i32
      %shift_left3A_687 = vector.broadcast %shift_left3A_686 : i32 to vector<128x1024xi32>
      %shift_left3A_688 = arith.shli %add3A_684, %shift_left3A_687 : vector<128x1024xi32>
      %shift_right_logical3A_689 = arith.constant 19 : i32
      %shift_right_logical3A_690 = vector.broadcast %shift_right_logical3A_689 : i32 to vector<128x1024xi32>
      %shift_right_logical3A_691 = arith.shrui %add3A_684, %shift_right_logical3A_690 : vector<128x1024xi32>
      %or3A_692 = arith.ori %shift_left3A_688, %shift_right_logical3A_691 : vector<128x1024xi32>
      %xor3A_693 = arith.xori %or3A_692, %add3A_685 : vector<128x1024xi32>
      %add3A_694 = arith.addi %add3A_685, %xor3A_693 : vector<128x1024xi32>
      %shift_left3A_695 = arith.constant 15 : i32
      %shift_left3A_696 = vector.broadcast %shift_left3A_695 : i32 to vector<128x1024xi32>
      %shift_left3A_697 = arith.shli %xor3A_693, %shift_left3A_696 : vector<128x1024xi32>
      %shift_right_logical3A_698 = arith.constant 17 : i32
      %shift_right_logical3A_699 = vector.broadcast %shift_right_logical3A_698 : i32 to vector<128x1024xi32>
      %shift_right_logical3A_700 = arith.shrui %xor3A_693, %shift_right_logical3A_699 : vector<128x1024xi32>
      %or3A_701 = arith.ori %shift_left3A_697, %shift_right_logical3A_700 : vector<128x1024xi32>
      %xor3A_702 = arith.xori %or3A_701, %add3A_694 : vector<128x1024xi32>
      %add3A_703 = arith.addi %add3A_694, %xor3A_702 : vector<128x1024xi32>
      %shift_left3A_704 = arith.constant 26 : i32
      %shift_left3A_705 = vector.broadcast %shift_left3A_704 : i32 to vector<128x1024xi32>
      %shift_left3A_706 = arith.shli %xor3A_702, %shift_left3A_705 : vector<128x1024xi32>
      %shift_right_logical3A_707 = arith.constant 6 : i32
      %shift_right_logical3A_708 = vector.broadcast %shift_right_logical3A_707 : i32 to vector<128x1024xi32>
      %shift_right_logical3A_709 = arith.shrui %xor3A_702, %shift_right_logical3A_708 : vector<128x1024xi32>
      %or3A_710 = arith.ori %shift_left3A_706, %shift_right_logical3A_709 : vector<128x1024xi32>
      %xor3A_711 = arith.xori %or3A_710, %add3A_703 : vector<128x1024xi32>
      %add3A_712 = arith.addi %add3A_703, %xor3A_711 : vector<128x1024xi32>
      %shift_left3A_713 = arith.constant 6 : i32
      %shift_left3A_714 = vector.broadcast %shift_left3A_713 : i32 to vector<128x1024xi32>
      %shift_left3A_715 = arith.shli %xor3A_711, %shift_left3A_714 : vector<128x1024xi32>
      %shift_right_logical3A_716 = arith.constant 26 : i32
      %shift_right_logical3A_717 = vector.broadcast %shift_right_logical3A_716 : i32 to vector<128x1024xi32>
      %shift_right_logical3A_718 = arith.shrui %xor3A_711, %shift_right_logical3A_717 : vector<128x1024xi32>
      %or3A_719 = arith.ori %shift_left3A_715, %shift_right_logical3A_718 : vector<128x1024xi32>
      %xor3A_720 = arith.xori %or3A_719, %add3A_712 : vector<128x1024xi32>
      %add3A_721 = arith.constant 466689008 : i32
      %add3A_722 = vector.broadcast %add3A_721 : i32 to vector<128x1024xi32>
      %add3A_723 = arith.addi %add3A_712, %add3A_722 : vector<128x1024xi32>
      %add3A_724 = arith.constant 5 : i32
      %add3A_725 = vector.broadcast %add3A_724 : i32 to vector<128x1024xi32>
      %add3A_726 = arith.addi %xor3A_720, %add3A_725 : vector<128x1024xi32>
      %xor3A_727 = arith.xori %add3A_723, %add3A_726 : vector<128x1024xi32>
      %shift_right_logical3A_728 = arith.constant 9 : i32
      %shift_right_logical3A_729 = vector.broadcast %shift_right_logical3A_728 : i32 to vector<128x1024xi32>
      %shift_right_logical3A_730 = arith.shrui %xor3A_727, %shift_right_logical3A_729 : vector<128x1024xi32>
      %reduce_max3A_731 = arith.constant dense<-2147483648> : vector<128xi32>
      %reduce_max3A_732 = vector.multi_reduction <maxsi>, %shift_right_logical3A_730, %reduce_max3A_731 [1] : vector<128x1024xi32> to vector<128xi32>
      %broadcast_in_dim3A_733 = vector.shape_cast %reduce_max3A_732 : vector<128xi32> to vector<128x1xi32>
      %eq3A_734 = vector.broadcast %broadcast_in_dim3A_733 : vector<128x1xi32> to vector<128x1024xi32>
      %eq3A_735 = arith.cmpi eq, %shift_right_logical3A_730, %eq3A_734 : vector<128x1024xi32>
      %jit3A_736 = arith.constant 1024 : i32
      %broadcast_in_dim3A_737 = vector.broadcast %jit3A_736 : i32 to vector<128x1024xi32>
      %select_n3A_738 = arith.select %eq3A_735, %select_n3A, %broadcast_in_dim3A_737 : vector<128x1024xi1>, vector<128x1024xi32>
      %reduce_min3A_739 = arith.constant dense<2147483647> : vector<128xi32>
      %reduce_min3A_740 = vector.multi_reduction <minsi>, %select_n3A_738, %reduce_min3A_739 [1] : vector<128x1024xi32> to vector<128xi32>
      %broadcast_in_dim3A_741 = vector.shape_cast %reduce_min3A_740 : vector<128xi32> to vector<128x1xi32>
      %eq3A_742 = vector.broadcast %scan3A_516 : i32 to vector<128x128xi32>
      %eq3A_743 = arith.cmpi eq, %iota3A_43, %eq3A_742 : vector<128x128xi32>
      %broadcast_in_dim3A_744 = vector.shape_cast %broadcast_in_dim3A_741 : vector<128x1xi32> to vector<128x1xi32>
      %broadcast_in_dim3A_745 = vector.broadcast %broadcast_in_dim3A_744 : vector<128x1xi32> to vector<128x128xi32>
      %select_n3A_746 = arith.select %eq3A_743, %broadcast_in_dim3A_745, %select_n3A_514 : vector<128x128xi1>, vector<128x128xi32>
      %scan3A_747 = arith.constant 3 : i32
      %scan3A_748 = arith.addi %scan3A_57, %scan3A_747 : i32
      %mul3A_749 = arith.constant 1000 : i32
      %mul3A_750 = arith.muli %scan3A_748, %mul3A_749 : i32
      %add3A_751 = vector.broadcast %mul3A_750 : i32 to vector<128x1024xi32>
      %add3A_752 = arith.addi %add3A_10, %add3A_751 : vector<128x1024xi32>
      %shift_left3A_753 = arith.constant 13 : i32
      %shift_left3A_754 = vector.broadcast %shift_left3A_753 : i32 to vector<128x1024xi32>
      %shift_left3A_755 = arith.shli %add3A_752, %shift_left3A_754 : vector<128x1024xi32>
      %shift_right_logical3A_756 = arith.constant 19 : i32
      %shift_right_logical3A_757 = vector.broadcast %shift_right_logical3A_756 : i32 to vector<128x1024xi32>
      %shift_right_logical3A_758 = arith.shrui %add3A_752, %shift_right_logical3A_757 : vector<128x1024xi32>
      %or3A_759 = arith.ori %shift_left3A_755, %shift_right_logical3A_758 : vector<128x1024xi32>
      %xor3A_760 = arith.xori %or3A_759, %add3A_752 : vector<128x1024xi32>
      %add3A_761 = arith.addi %add3A_752, %xor3A_760 : vector<128x1024xi32>
      %shift_left3A_762 = arith.constant 15 : i32
      %shift_left3A_763 = vector.broadcast %shift_left3A_762 : i32 to vector<128x1024xi32>
      %shift_left3A_764 = arith.shli %xor3A_760, %shift_left3A_763 : vector<128x1024xi32>
      %shift_right_logical3A_765 = arith.constant 17 : i32
      %shift_right_logical3A_766 = vector.broadcast %shift_right_logical3A_765 : i32 to vector<128x1024xi32>
      %shift_right_logical3A_767 = arith.shrui %xor3A_760, %shift_right_logical3A_766 : vector<128x1024xi32>
      %or3A_768 = arith.ori %shift_left3A_764, %shift_right_logical3A_767 : vector<128x1024xi32>
      %xor3A_769 = arith.xori %or3A_768, %add3A_761 : vector<128x1024xi32>
      %add3A_770 = arith.addi %add3A_761, %xor3A_769 : vector<128x1024xi32>
      %shift_left3A_771 = arith.constant 26 : i32
      %shift_left3A_772 = vector.broadcast %shift_left3A_771 : i32 to vector<128x1024xi32>
      %shift_left3A_773 = arith.shli %xor3A_769, %shift_left3A_772 : vector<128x1024xi32>
      %shift_right_logical3A_774 = arith.constant 6 : i32
      %shift_right_logical3A_775 = vector.broadcast %shift_right_logical3A_774 : i32 to vector<128x1024xi32>
      %shift_right_logical3A_776 = arith.shrui %xor3A_769, %shift_right_logical3A_775 : vector<128x1024xi32>
      %or3A_777 = arith.ori %shift_left3A_773, %shift_right_logical3A_776 : vector<128x1024xi32>
      %xor3A_778 = arith.xori %or3A_777, %add3A_770 : vector<128x1024xi32>
      %add3A_779 = arith.addi %add3A_770, %xor3A_778 : vector<128x1024xi32>
      %shift_left3A_780 = arith.constant 6 : i32
      %shift_left3A_781 = vector.broadcast %shift_left3A_780 : i32 to vector<128x1024xi32>
      %shift_left3A_782 = arith.shli %xor3A_778, %shift_left3A_781 : vector<128x1024xi32>
      %shift_right_logical3A_783 = arith.constant 26 : i32
      %shift_right_logical3A_784 = vector.broadcast %shift_right_logical3A_783 : i32 to vector<128x1024xi32>
      %shift_right_logical3A_785 = arith.shrui %xor3A_778, %shift_right_logical3A_784 : vector<128x1024xi32>
      %or3A_786 = arith.ori %shift_left3A_782, %shift_right_logical3A_785 : vector<128x1024xi32>
      %xor3A_787 = arith.xori %or3A_786, %add3A_779 : vector<128x1024xi32>
      %add3A_788 = arith.constant 42 : i32
      %add3A_789 = vector.broadcast %add3A_788 : i32 to vector<128x1024xi32>
      %add3A_790 = arith.addi %add3A_779, %add3A_789 : vector<128x1024xi32>
      %add3A_791 = arith.constant 466689009 : i32
      %add3A_792 = vector.broadcast %add3A_791 : i32 to vector<128x1024xi32>
      %add3A_793 = arith.addi %xor3A_787, %add3A_792 : vector<128x1024xi32>
      %add3A_794 = arith.addi %add3A_790, %add3A_793 : vector<128x1024xi32>
      %shift_left3A_795 = arith.constant 17 : i32
      %shift_left3A_796 = vector.broadcast %shift_left3A_795 : i32 to vector<128x1024xi32>
      %shift_left3A_797 = arith.shli %add3A_793, %shift_left3A_796 : vector<128x1024xi32>
      %shift_right_logical3A_798 = arith.constant 15 : i32
      %shift_right_logical3A_799 = vector.broadcast %shift_right_logical3A_798 : i32 to vector<128x1024xi32>
      %shift_right_logical3A_800 = arith.shrui %add3A_793, %shift_right_logical3A_799 : vector<128x1024xi32>
      %or3A_801 = arith.ori %shift_left3A_797, %shift_right_logical3A_800 : vector<128x1024xi32>
      %xor3A_802 = arith.xori %or3A_801, %add3A_794 : vector<128x1024xi32>
      %add3A_803 = arith.addi %add3A_794, %xor3A_802 : vector<128x1024xi32>
      %shift_left3A_804 = arith.constant 29 : i32
      %shift_left3A_805 = vector.broadcast %shift_left3A_804 : i32 to vector<128x1024xi32>
      %shift_left3A_806 = arith.shli %xor3A_802, %shift_left3A_805 : vector<128x1024xi32>
      %shift_right_logical3A_807 = arith.constant 3 : i32
      %shift_right_logical3A_808 = vector.broadcast %shift_right_logical3A_807 : i32 to vector<128x1024xi32>
      %shift_right_logical3A_809 = arith.shrui %xor3A_802, %shift_right_logical3A_808 : vector<128x1024xi32>
      %or3A_810 = arith.ori %shift_left3A_806, %shift_right_logical3A_809 : vector<128x1024xi32>
      %xor3A_811 = arith.xori %or3A_810, %add3A_803 : vector<128x1024xi32>
      %add3A_812 = arith.addi %add3A_803, %xor3A_811 : vector<128x1024xi32>
      %shift_left3A_813 = arith.constant 16 : i32
      %shift_left3A_814 = vector.broadcast %shift_left3A_813 : i32 to vector<128x1024xi32>
      %shift_left3A_815 = arith.shli %xor3A_811, %shift_left3A_814 : vector<128x1024xi32>
      %shift_right_logical3A_816 = arith.constant 16 : i32
      %shift_right_logical3A_817 = vector.broadcast %shift_right_logical3A_816 : i32 to vector<128x1024xi32>
      %shift_right_logical3A_818 = arith.shrui %xor3A_811, %shift_right_logical3A_817 : vector<128x1024xi32>
      %or3A_819 = arith.ori %shift_left3A_815, %shift_right_logical3A_818 : vector<128x1024xi32>
      %xor3A_820 = arith.xori %or3A_819, %add3A_812 : vector<128x1024xi32>
      %add3A_821 = arith.addi %add3A_812, %xor3A_820 : vector<128x1024xi32>
      %shift_left3A_822 = arith.constant 24 : i32
      %shift_left3A_823 = vector.broadcast %shift_left3A_822 : i32 to vector<128x1024xi32>
      %shift_left3A_824 = arith.shli %xor3A_820, %shift_left3A_823 : vector<128x1024xi32>
      %shift_right_logical3A_825 = arith.constant 8 : i32
      %shift_right_logical3A_826 = vector.broadcast %shift_right_logical3A_825 : i32 to vector<128x1024xi32>
      %shift_right_logical3A_827 = arith.shrui %xor3A_820, %shift_right_logical3A_826 : vector<128x1024xi32>
      %or3A_828 = arith.ori %shift_left3A_824, %shift_right_logical3A_827 : vector<128x1024xi32>
      %xor3A_829 = arith.xori %or3A_828, %add3A_821 : vector<128x1024xi32>
      %add3A_830 = arith.constant 466689008 : i32
      %add3A_831 = vector.broadcast %add3A_830 : i32 to vector<128x1024xi32>
      %add3A_832 = arith.addi %add3A_821, %add3A_831 : vector<128x1024xi32>
      %add3A_833 = arith.constant 2 : i32
      %add3A_834 = vector.broadcast %add3A_833 : i32 to vector<128x1024xi32>
      %add3A_835 = arith.addi %xor3A_829, %add3A_834 : vector<128x1024xi32>
      %add3A_836 = arith.addi %add3A_832, %add3A_835 : vector<128x1024xi32>
      %shift_left3A_837 = arith.constant 13 : i32
      %shift_left3A_838 = vector.broadcast %shift_left3A_837 : i32 to vector<128x1024xi32>
      %shift_left3A_839 = arith.shli %add3A_835, %shift_left3A_838 : vector<128x1024xi32>
      %shift_right_logical3A_840 = arith.constant 19 : i32
      %shift_right_logical3A_841 = vector.broadcast %shift_right_logical3A_840 : i32 to vector<128x1024xi32>
      %shift_right_logical3A_842 = arith.shrui %add3A_835, %shift_right_logical3A_841 : vector<128x1024xi32>
      %or3A_843 = arith.ori %shift_left3A_839, %shift_right_logical3A_842 : vector<128x1024xi32>
      %xor3A_844 = arith.xori %or3A_843, %add3A_836 : vector<128x1024xi32>
      %add3A_845 = arith.addi %add3A_836, %xor3A_844 : vector<128x1024xi32>
      %shift_left3A_846 = arith.constant 15 : i32
      %shift_left3A_847 = vector.broadcast %shift_left3A_846 : i32 to vector<128x1024xi32>
      %shift_left3A_848 = arith.shli %xor3A_844, %shift_left3A_847 : vector<128x1024xi32>
      %shift_right_logical3A_849 = arith.constant 17 : i32
      %shift_right_logical3A_850 = vector.broadcast %shift_right_logical3A_849 : i32 to vector<128x1024xi32>
      %shift_right_logical3A_851 = arith.shrui %xor3A_844, %shift_right_logical3A_850 : vector<128x1024xi32>
      %or3A_852 = arith.ori %shift_left3A_848, %shift_right_logical3A_851 : vector<128x1024xi32>
      %xor3A_853 = arith.xori %or3A_852, %add3A_845 : vector<128x1024xi32>
      %add3A_854 = arith.addi %add3A_845, %xor3A_853 : vector<128x1024xi32>
      %shift_left3A_855 = arith.constant 26 : i32
      %shift_left3A_856 = vector.broadcast %shift_left3A_855 : i32 to vector<128x1024xi32>
      %shift_left3A_857 = arith.shli %xor3A_853, %shift_left3A_856 : vector<128x1024xi32>
      %shift_right_logical3A_858 = arith.constant 6 : i32
      %shift_right_logical3A_859 = vector.broadcast %shift_right_logical3A_858 : i32 to vector<128x1024xi32>
      %shift_right_logical3A_860 = arith.shrui %xor3A_853, %shift_right_logical3A_859 : vector<128x1024xi32>
      %or3A_861 = arith.ori %shift_left3A_857, %shift_right_logical3A_860 : vector<128x1024xi32>
      %xor3A_862 = arith.xori %or3A_861, %add3A_854 : vector<128x1024xi32>
      %add3A_863 = arith.addi %add3A_854, %xor3A_862 : vector<128x1024xi32>
      %shift_left3A_864 = arith.constant 6 : i32
      %shift_left3A_865 = vector.broadcast %shift_left3A_864 : i32 to vector<128x1024xi32>
      %shift_left3A_866 = arith.shli %xor3A_862, %shift_left3A_865 : vector<128x1024xi32>
      %shift_right_logical3A_867 = arith.constant 26 : i32
      %shift_right_logical3A_868 = vector.broadcast %shift_right_logical3A_867 : i32 to vector<128x1024xi32>
      %shift_right_logical3A_869 = arith.shrui %xor3A_862, %shift_right_logical3A_868 : vector<128x1024xi32>
      %or3A_870 = arith.ori %shift_left3A_866, %shift_right_logical3A_869 : vector<128x1024xi32>
      %xor3A_871 = arith.xori %or3A_870, %add3A_863 : vector<128x1024xi32>
      %add3A_872 = arith.constant 45 : i32
      %add3A_873 = vector.broadcast %add3A_872 : i32 to vector<128x1024xi32>
      %add3A_874 = arith.addi %xor3A_871, %add3A_873 : vector<128x1024xi32>
      %add3A_875 = arith.addi %add3A_863, %add3A_874 : vector<128x1024xi32>
      %shift_left3A_876 = arith.constant 17 : i32
      %shift_left3A_877 = vector.broadcast %shift_left3A_876 : i32 to vector<128x1024xi32>
      %shift_left3A_878 = arith.shli %add3A_874, %shift_left3A_877 : vector<128x1024xi32>
      %shift_right_logical3A_879 = arith.constant 15 : i32
      %shift_right_logical3A_880 = vector.broadcast %shift_right_logical3A_879 : i32 to vector<128x1024xi32>
      %shift_right_logical3A_881 = arith.shrui %add3A_874, %shift_right_logical3A_880 : vector<128x1024xi32>
      %or3A_882 = arith.ori %shift_left3A_878, %shift_right_logical3A_881 : vector<128x1024xi32>
      %xor3A_883 = arith.xori %or3A_882, %add3A_875 : vector<128x1024xi32>
      %add3A_884 = arith.addi %add3A_875, %xor3A_883 : vector<128x1024xi32>
      %shift_left3A_885 = arith.constant 29 : i32
      %shift_left3A_886 = vector.broadcast %shift_left3A_885 : i32 to vector<128x1024xi32>
      %shift_left3A_887 = arith.shli %xor3A_883, %shift_left3A_886 : vector<128x1024xi32>
      %shift_right_logical3A_888 = arith.constant 3 : i32
      %shift_right_logical3A_889 = vector.broadcast %shift_right_logical3A_888 : i32 to vector<128x1024xi32>
      %shift_right_logical3A_890 = arith.shrui %xor3A_883, %shift_right_logical3A_889 : vector<128x1024xi32>
      %or3A_891 = arith.ori %shift_left3A_887, %shift_right_logical3A_890 : vector<128x1024xi32>
      %xor3A_892 = arith.xori %or3A_891, %add3A_884 : vector<128x1024xi32>
      %add3A_893 = arith.addi %add3A_884, %xor3A_892 : vector<128x1024xi32>
      %shift_left3A_894 = arith.constant 16 : i32
      %shift_left3A_895 = vector.broadcast %shift_left3A_894 : i32 to vector<128x1024xi32>
      %shift_left3A_896 = arith.shli %xor3A_892, %shift_left3A_895 : vector<128x1024xi32>
      %shift_right_logical3A_897 = arith.constant 16 : i32
      %shift_right_logical3A_898 = vector.broadcast %shift_right_logical3A_897 : i32 to vector<128x1024xi32>
      %shift_right_logical3A_899 = arith.shrui %xor3A_892, %shift_right_logical3A_898 : vector<128x1024xi32>
      %or3A_900 = arith.ori %shift_left3A_896, %shift_right_logical3A_899 : vector<128x1024xi32>
      %xor3A_901 = arith.xori %or3A_900, %add3A_893 : vector<128x1024xi32>
      %add3A_902 = arith.addi %add3A_893, %xor3A_901 : vector<128x1024xi32>
      %shift_left3A_903 = arith.constant 24 : i32
      %shift_left3A_904 = vector.broadcast %shift_left3A_903 : i32 to vector<128x1024xi32>
      %shift_left3A_905 = arith.shli %xor3A_901, %shift_left3A_904 : vector<128x1024xi32>
      %shift_right_logical3A_906 = arith.constant 8 : i32
      %shift_right_logical3A_907 = vector.broadcast %shift_right_logical3A_906 : i32 to vector<128x1024xi32>
      %shift_right_logical3A_908 = arith.shrui %xor3A_901, %shift_right_logical3A_907 : vector<128x1024xi32>
      %or3A_909 = arith.ori %shift_left3A_905, %shift_right_logical3A_908 : vector<128x1024xi32>
      %xor3A_910 = arith.xori %or3A_909, %add3A_902 : vector<128x1024xi32>
      %add3A_911 = arith.constant 42 : i32
      %add3A_912 = vector.broadcast %add3A_911 : i32 to vector<128x1024xi32>
      %add3A_913 = arith.addi %add3A_902, %add3A_912 : vector<128x1024xi32>
      %add3A_914 = arith.constant 466689012 : i32
      %add3A_915 = vector.broadcast %add3A_914 : i32 to vector<128x1024xi32>
      %add3A_916 = arith.addi %xor3A_910, %add3A_915 : vector<128x1024xi32>
      %add3A_917 = arith.addi %add3A_913, %add3A_916 : vector<128x1024xi32>
      %shift_left3A_918 = arith.constant 13 : i32
      %shift_left3A_919 = vector.broadcast %shift_left3A_918 : i32 to vector<128x1024xi32>
      %shift_left3A_920 = arith.shli %add3A_916, %shift_left3A_919 : vector<128x1024xi32>
      %shift_right_logical3A_921 = arith.constant 19 : i32
      %shift_right_logical3A_922 = vector.broadcast %shift_right_logical3A_921 : i32 to vector<128x1024xi32>
      %shift_right_logical3A_923 = arith.shrui %add3A_916, %shift_right_logical3A_922 : vector<128x1024xi32>
      %or3A_924 = arith.ori %shift_left3A_920, %shift_right_logical3A_923 : vector<128x1024xi32>
      %xor3A_925 = arith.xori %or3A_924, %add3A_917 : vector<128x1024xi32>
      %add3A_926 = arith.addi %add3A_917, %xor3A_925 : vector<128x1024xi32>
      %shift_left3A_927 = arith.constant 15 : i32
      %shift_left3A_928 = vector.broadcast %shift_left3A_927 : i32 to vector<128x1024xi32>
      %shift_left3A_929 = arith.shli %xor3A_925, %shift_left3A_928 : vector<128x1024xi32>
      %shift_right_logical3A_930 = arith.constant 17 : i32
      %shift_right_logical3A_931 = vector.broadcast %shift_right_logical3A_930 : i32 to vector<128x1024xi32>
      %shift_right_logical3A_932 = arith.shrui %xor3A_925, %shift_right_logical3A_931 : vector<128x1024xi32>
      %or3A_933 = arith.ori %shift_left3A_929, %shift_right_logical3A_932 : vector<128x1024xi32>
      %xor3A_934 = arith.xori %or3A_933, %add3A_926 : vector<128x1024xi32>
      %add3A_935 = arith.addi %add3A_926, %xor3A_934 : vector<128x1024xi32>
      %shift_left3A_936 = arith.constant 26 : i32
      %shift_left3A_937 = vector.broadcast %shift_left3A_936 : i32 to vector<128x1024xi32>
      %shift_left3A_938 = arith.shli %xor3A_934, %shift_left3A_937 : vector<128x1024xi32>
      %shift_right_logical3A_939 = arith.constant 6 : i32
      %shift_right_logical3A_940 = vector.broadcast %shift_right_logical3A_939 : i32 to vector<128x1024xi32>
      %shift_right_logical3A_941 = arith.shrui %xor3A_934, %shift_right_logical3A_940 : vector<128x1024xi32>
      %or3A_942 = arith.ori %shift_left3A_938, %shift_right_logical3A_941 : vector<128x1024xi32>
      %xor3A_943 = arith.xori %or3A_942, %add3A_935 : vector<128x1024xi32>
      %add3A_944 = arith.addi %add3A_935, %xor3A_943 : vector<128x1024xi32>
      %shift_left3A_945 = arith.constant 6 : i32
      %shift_left3A_946 = vector.broadcast %shift_left3A_945 : i32 to vector<128x1024xi32>
      %shift_left3A_947 = arith.shli %xor3A_943, %shift_left3A_946 : vector<128x1024xi32>
      %shift_right_logical3A_948 = arith.constant 26 : i32
      %shift_right_logical3A_949 = vector.broadcast %shift_right_logical3A_948 : i32 to vector<128x1024xi32>
      %shift_right_logical3A_950 = arith.shrui %xor3A_943, %shift_right_logical3A_949 : vector<128x1024xi32>
      %or3A_951 = arith.ori %shift_left3A_947, %shift_right_logical3A_950 : vector<128x1024xi32>
      %xor3A_952 = arith.xori %or3A_951, %add3A_944 : vector<128x1024xi32>
      %add3A_953 = arith.constant 466689008 : i32
      %add3A_954 = vector.broadcast %add3A_953 : i32 to vector<128x1024xi32>
      %add3A_955 = arith.addi %add3A_944, %add3A_954 : vector<128x1024xi32>
      %add3A_956 = arith.constant 5 : i32
      %add3A_957 = vector.broadcast %add3A_956 : i32 to vector<128x1024xi32>
      %add3A_958 = arith.addi %xor3A_952, %add3A_957 : vector<128x1024xi32>
      %xor3A_959 = arith.xori %add3A_955, %add3A_958 : vector<128x1024xi32>
      %shift_right_logical3A_960 = arith.constant 9 : i32
      %shift_right_logical3A_961 = vector.broadcast %shift_right_logical3A_960 : i32 to vector<128x1024xi32>
      %shift_right_logical3A_962 = arith.shrui %xor3A_959, %shift_right_logical3A_961 : vector<128x1024xi32>
      %reduce_max3A_963 = arith.constant dense<-2147483648> : vector<128xi32>
      %reduce_max3A_964 = vector.multi_reduction <maxsi>, %shift_right_logical3A_962, %reduce_max3A_963 [1] : vector<128x1024xi32> to vector<128xi32>
      %broadcast_in_dim3A_965 = vector.shape_cast %reduce_max3A_964 : vector<128xi32> to vector<128x1xi32>
      %eq3A_966 = vector.broadcast %broadcast_in_dim3A_965 : vector<128x1xi32> to vector<128x1024xi32>
      %eq3A_967 = arith.cmpi eq, %shift_right_logical3A_962, %eq3A_966 : vector<128x1024xi32>
      %jit3A_968 = arith.constant 1024 : i32
      %broadcast_in_dim3A_969 = vector.broadcast %jit3A_968 : i32 to vector<128x1024xi32>
      %select_n3A_970 = arith.select %eq3A_967, %select_n3A, %broadcast_in_dim3A_969 : vector<128x1024xi1>, vector<128x1024xi32>
      %reduce_min3A_971 = arith.constant dense<2147483647> : vector<128xi32>
      %reduce_min3A_972 = vector.multi_reduction <minsi>, %select_n3A_970, %reduce_min3A_971 [1] : vector<128x1024xi32> to vector<128xi32>
      %broadcast_in_dim3A_973 = vector.shape_cast %reduce_min3A_972 : vector<128xi32> to vector<128x1xi32>
      %eq3A_974 = vector.broadcast %scan3A_748 : i32 to vector<128x128xi32>
      %eq3A_975 = arith.cmpi eq, %iota3A_43, %eq3A_974 : vector<128x128xi32>
      %broadcast_in_dim3A_976 = vector.shape_cast %broadcast_in_dim3A_973 : vector<128x1xi32> to vector<128x1xi32>
      %broadcast_in_dim3A_977 = vector.broadcast %broadcast_in_dim3A_976 : vector<128x1xi32> to vector<128x128xi32>
      %select_n3A_978 = arith.select %eq3A_975, %broadcast_in_dim3A_977, %select_n3A_746 : vector<128x128xi1>, vector<128x128xi32>
      %scan3A_979 = arith.constant 4 : i32
      %scan3A_980 = arith.addi %scan3A_57, %scan3A_979 : i32
      %mul3A_981 = arith.constant 1000 : i32
      %mul3A_982 = arith.muli %scan3A_980, %mul3A_981 : i32
      %add3A_983 = vector.broadcast %mul3A_982 : i32 to vector<128x1024xi32>
      %add3A_984 = arith.addi %add3A_10, %add3A_983 : vector<128x1024xi32>
      %shift_left3A_985 = arith.constant 13 : i32
      %shift_left3A_986 = vector.broadcast %shift_left3A_985 : i32 to vector<128x1024xi32>
      %shift_left3A_987 = arith.shli %add3A_984, %shift_left3A_986 : vector<128x1024xi32>
      %shift_right_logical3A_988 = arith.constant 19 : i32
      %shift_right_logical3A_989 = vector.broadcast %shift_right_logical3A_988 : i32 to vector<128x1024xi32>
      %shift_right_logical3A_990 = arith.shrui %add3A_984, %shift_right_logical3A_989 : vector<128x1024xi32>
      %or3A_991 = arith.ori %shift_left3A_987, %shift_right_logical3A_990 : vector<128x1024xi32>
      %xor3A_992 = arith.xori %or3A_991, %add3A_984 : vector<128x1024xi32>
      %add3A_993 = arith.addi %add3A_984, %xor3A_992 : vector<128x1024xi32>
      %shift_left3A_994 = arith.constant 15 : i32
      %shift_left3A_995 = vector.broadcast %shift_left3A_994 : i32 to vector<128x1024xi32>
      %shift_left3A_996 = arith.shli %xor3A_992, %shift_left3A_995 : vector<128x1024xi32>
      %shift_right_logical3A_997 = arith.constant 17 : i32
      %shift_right_logical3A_998 = vector.broadcast %shift_right_logical3A_997 : i32 to vector<128x1024xi32>
      %shift_right_logical3A_999 = arith.shrui %xor3A_992, %shift_right_logical3A_998 : vector<128x1024xi32>
      %or3A_1000 = arith.ori %shift_left3A_996, %shift_right_logical3A_999 : vector<128x1024xi32>
      %xor3A_1001 = arith.xori %or3A_1000, %add3A_993 : vector<128x1024xi32>
      %add3A_1002 = arith.addi %add3A_993, %xor3A_1001 : vector<128x1024xi32>
      %shift_left3A_1003 = arith.constant 26 : i32
      %shift_left3A_1004 = vector.broadcast %shift_left3A_1003 : i32 to vector<128x1024xi32>
      %shift_left3A_1005 = arith.shli %xor3A_1001, %shift_left3A_1004 : vector<128x1024xi32>
      %shift_right_logical3A_1006 = arith.constant 6 : i32
      %shift_right_logical3A_1007 = vector.broadcast %shift_right_logical3A_1006 : i32 to vector<128x1024xi32>
      %shift_right_logical3A_1008 = arith.shrui %xor3A_1001, %shift_right_logical3A_1007 : vector<128x1024xi32>
      %or3A_1009 = arith.ori %shift_left3A_1005, %shift_right_logical3A_1008 : vector<128x1024xi32>
      %xor3A_1010 = arith.xori %or3A_1009, %add3A_1002 : vector<128x1024xi32>
      %add3A_1011 = arith.addi %add3A_1002, %xor3A_1010 : vector<128x1024xi32>
      %shift_left3A_1012 = arith.constant 6 : i32
      %shift_left3A_1013 = vector.broadcast %shift_left3A_1012 : i32 to vector<128x1024xi32>
      %shift_left3A_1014 = arith.shli %xor3A_1010, %shift_left3A_1013 : vector<128x1024xi32>
      %shift_right_logical3A_1015 = arith.constant 26 : i32
      %shift_right_logical3A_1016 = vector.broadcast %shift_right_logical3A_1015 : i32 to vector<128x1024xi32>
      %shift_right_logical3A_1017 = arith.shrui %xor3A_1010, %shift_right_logical3A_1016 : vector<128x1024xi32>
      %or3A_1018 = arith.ori %shift_left3A_1014, %shift_right_logical3A_1017 : vector<128x1024xi32>
      %xor3A_1019 = arith.xori %or3A_1018, %add3A_1011 : vector<128x1024xi32>
      %add3A_1020 = arith.constant 42 : i32
      %add3A_1021 = vector.broadcast %add3A_1020 : i32 to vector<128x1024xi32>
      %add3A_1022 = arith.addi %add3A_1011, %add3A_1021 : vector<128x1024xi32>
      %add3A_1023 = arith.constant 466689009 : i32
      %add3A_1024 = vector.broadcast %add3A_1023 : i32 to vector<128x1024xi32>
      %add3A_1025 = arith.addi %xor3A_1019, %add3A_1024 : vector<128x1024xi32>
      %add3A_1026 = arith.addi %add3A_1022, %add3A_1025 : vector<128x1024xi32>
      %shift_left3A_1027 = arith.constant 17 : i32
      %shift_left3A_1028 = vector.broadcast %shift_left3A_1027 : i32 to vector<128x1024xi32>
      %shift_left3A_1029 = arith.shli %add3A_1025, %shift_left3A_1028 : vector<128x1024xi32>
      %shift_right_logical3A_1030 = arith.constant 15 : i32
      %shift_right_logical3A_1031 = vector.broadcast %shift_right_logical3A_1030 : i32 to vector<128x1024xi32>
      %shift_right_logical3A_1032 = arith.shrui %add3A_1025, %shift_right_logical3A_1031 : vector<128x1024xi32>
      %or3A_1033 = arith.ori %shift_left3A_1029, %shift_right_logical3A_1032 : vector<128x1024xi32>
      %xor3A_1034 = arith.xori %or3A_1033, %add3A_1026 : vector<128x1024xi32>
      %add3A_1035 = arith.addi %add3A_1026, %xor3A_1034 : vector<128x1024xi32>
      %shift_left3A_1036 = arith.constant 29 : i32
      %shift_left3A_1037 = vector.broadcast %shift_left3A_1036 : i32 to vector<128x1024xi32>
      %shift_left3A_1038 = arith.shli %xor3A_1034, %shift_left3A_1037 : vector<128x1024xi32>
      %shift_right_logical3A_1039 = arith.constant 3 : i32
      %shift_right_logical3A_1040 = vector.broadcast %shift_right_logical3A_1039 : i32 to vector<128x1024xi32>
      %shift_right_logical3A_1041 = arith.shrui %xor3A_1034, %shift_right_logical3A_1040 : vector<128x1024xi32>
      %or3A_1042 = arith.ori %shift_left3A_1038, %shift_right_logical3A_1041 : vector<128x1024xi32>
      %xor3A_1043 = arith.xori %or3A_1042, %add3A_1035 : vector<128x1024xi32>
      %add3A_1044 = arith.addi %add3A_1035, %xor3A_1043 : vector<128x1024xi32>
      %shift_left3A_1045 = arith.constant 16 : i32
      %shift_left3A_1046 = vector.broadcast %shift_left3A_1045 : i32 to vector<128x1024xi32>
      %shift_left3A_1047 = arith.shli %xor3A_1043, %shift_left3A_1046 : vector<128x1024xi32>
      %shift_right_logical3A_1048 = arith.constant 16 : i32
      %shift_right_logical3A_1049 = vector.broadcast %shift_right_logical3A_1048 : i32 to vector<128x1024xi32>
      %shift_right_logical3A_1050 = arith.shrui %xor3A_1043, %shift_right_logical3A_1049 : vector<128x1024xi32>
      %or3A_1051 = arith.ori %shift_left3A_1047, %shift_right_logical3A_1050 : vector<128x1024xi32>
      %xor3A_1052 = arith.xori %or3A_1051, %add3A_1044 : vector<128x1024xi32>
      %add3A_1053 = arith.addi %add3A_1044, %xor3A_1052 : vector<128x1024xi32>
      %shift_left3A_1054 = arith.constant 24 : i32
      %shift_left3A_1055 = vector.broadcast %shift_left3A_1054 : i32 to vector<128x1024xi32>
      %shift_left3A_1056 = arith.shli %xor3A_1052, %shift_left3A_1055 : vector<128x1024xi32>
      %shift_right_logical3A_1057 = arith.constant 8 : i32
      %shift_right_logical3A_1058 = vector.broadcast %shift_right_logical3A_1057 : i32 to vector<128x1024xi32>
      %shift_right_logical3A_1059 = arith.shrui %xor3A_1052, %shift_right_logical3A_1058 : vector<128x1024xi32>
      %or3A_1060 = arith.ori %shift_left3A_1056, %shift_right_logical3A_1059 : vector<128x1024xi32>
      %xor3A_1061 = arith.xori %or3A_1060, %add3A_1053 : vector<128x1024xi32>
      %add3A_1062 = arith.constant 466689008 : i32
      %add3A_1063 = vector.broadcast %add3A_1062 : i32 to vector<128x1024xi32>
      %add3A_1064 = arith.addi %add3A_1053, %add3A_1063 : vector<128x1024xi32>
      %add3A_1065 = arith.constant 2 : i32
      %add3A_1066 = vector.broadcast %add3A_1065 : i32 to vector<128x1024xi32>
      %add3A_1067 = arith.addi %xor3A_1061, %add3A_1066 : vector<128x1024xi32>
      %add3A_1068 = arith.addi %add3A_1064, %add3A_1067 : vector<128x1024xi32>
      %shift_left3A_1069 = arith.constant 13 : i32
      %shift_left3A_1070 = vector.broadcast %shift_left3A_1069 : i32 to vector<128x1024xi32>
      %shift_left3A_1071 = arith.shli %add3A_1067, %shift_left3A_1070 : vector<128x1024xi32>
      %shift_right_logical3A_1072 = arith.constant 19 : i32
      %shift_right_logical3A_1073 = vector.broadcast %shift_right_logical3A_1072 : i32 to vector<128x1024xi32>
      %shift_right_logical3A_1074 = arith.shrui %add3A_1067, %shift_right_logical3A_1073 : vector<128x1024xi32>
      %or3A_1075 = arith.ori %shift_left3A_1071, %shift_right_logical3A_1074 : vector<128x1024xi32>
      %xor3A_1076 = arith.xori %or3A_1075, %add3A_1068 : vector<128x1024xi32>
      %add3A_1077 = arith.addi %add3A_1068, %xor3A_1076 : vector<128x1024xi32>
      %shift_left3A_1078 = arith.constant 15 : i32
      %shift_left3A_1079 = vector.broadcast %shift_left3A_1078 : i32 to vector<128x1024xi32>
      %shift_left3A_1080 = arith.shli %xor3A_1076, %shift_left3A_1079 : vector<128x1024xi32>
      %shift_right_logical3A_1081 = arith.constant 17 : i32
      %shift_right_logical3A_1082 = vector.broadcast %shift_right_logical3A_1081 : i32 to vector<128x1024xi32>
      %shift_right_logical3A_1083 = arith.shrui %xor3A_1076, %shift_right_logical3A_1082 : vector<128x1024xi32>
      %or3A_1084 = arith.ori %shift_left3A_1080, %shift_right_logical3A_1083 : vector<128x1024xi32>
      %xor3A_1085 = arith.xori %or3A_1084, %add3A_1077 : vector<128x1024xi32>
      %add3A_1086 = arith.addi %add3A_1077, %xor3A_1085 : vector<128x1024xi32>
      %shift_left3A_1087 = arith.constant 26 : i32
      %shift_left3A_1088 = vector.broadcast %shift_left3A_1087 : i32 to vector<128x1024xi32>
      %shift_left3A_1089 = arith.shli %xor3A_1085, %shift_left3A_1088 : vector<128x1024xi32>
      %shift_right_logical3A_1090 = arith.constant 6 : i32
      %shift_right_logical3A_1091 = vector.broadcast %shift_right_logical3A_1090 : i32 to vector<128x1024xi32>
      %shift_right_logical3A_1092 = arith.shrui %xor3A_1085, %shift_right_logical3A_1091 : vector<128x1024xi32>
      %or3A_1093 = arith.ori %shift_left3A_1089, %shift_right_logical3A_1092 : vector<128x1024xi32>
      %xor3A_1094 = arith.xori %or3A_1093, %add3A_1086 : vector<128x1024xi32>
      %add3A_1095 = arith.addi %add3A_1086, %xor3A_1094 : vector<128x1024xi32>
      %shift_left3A_1096 = arith.constant 6 : i32
      %shift_left3A_1097 = vector.broadcast %shift_left3A_1096 : i32 to vector<128x1024xi32>
      %shift_left3A_1098 = arith.shli %xor3A_1094, %shift_left3A_1097 : vector<128x1024xi32>
      %shift_right_logical3A_1099 = arith.constant 26 : i32
      %shift_right_logical3A_1100 = vector.broadcast %shift_right_logical3A_1099 : i32 to vector<128x1024xi32>
      %shift_right_logical3A_1101 = arith.shrui %xor3A_1094, %shift_right_logical3A_1100 : vector<128x1024xi32>
      %or3A_1102 = arith.ori %shift_left3A_1098, %shift_right_logical3A_1101 : vector<128x1024xi32>
      %xor3A_1103 = arith.xori %or3A_1102, %add3A_1095 : vector<128x1024xi32>
      %add3A_1104 = arith.constant 45 : i32
      %add3A_1105 = vector.broadcast %add3A_1104 : i32 to vector<128x1024xi32>
      %add3A_1106 = arith.addi %xor3A_1103, %add3A_1105 : vector<128x1024xi32>
      %add3A_1107 = arith.addi %add3A_1095, %add3A_1106 : vector<128x1024xi32>
      %shift_left3A_1108 = arith.constant 17 : i32
      %shift_left3A_1109 = vector.broadcast %shift_left3A_1108 : i32 to vector<128x1024xi32>
      %shift_left3A_1110 = arith.shli %add3A_1106, %shift_left3A_1109 : vector<128x1024xi32>
      %shift_right_logical3A_1111 = arith.constant 15 : i32
      %shift_right_logical3A_1112 = vector.broadcast %shift_right_logical3A_1111 : i32 to vector<128x1024xi32>
      %shift_right_logical3A_1113 = arith.shrui %add3A_1106, %shift_right_logical3A_1112 : vector<128x1024xi32>
      %or3A_1114 = arith.ori %shift_left3A_1110, %shift_right_logical3A_1113 : vector<128x1024xi32>
      %xor3A_1115 = arith.xori %or3A_1114, %add3A_1107 : vector<128x1024xi32>
      %add3A_1116 = arith.addi %add3A_1107, %xor3A_1115 : vector<128x1024xi32>
      %shift_left3A_1117 = arith.constant 29 : i32
      %shift_left3A_1118 = vector.broadcast %shift_left3A_1117 : i32 to vector<128x1024xi32>
      %shift_left3A_1119 = arith.shli %xor3A_1115, %shift_left3A_1118 : vector<128x1024xi32>
      %shift_right_logical3A_1120 = arith.constant 3 : i32
      %shift_right_logical3A_1121 = vector.broadcast %shift_right_logical3A_1120 : i32 to vector<128x1024xi32>
      %shift_right_logical3A_1122 = arith.shrui %xor3A_1115, %shift_right_logical3A_1121 : vector<128x1024xi32>
      %or3A_1123 = arith.ori %shift_left3A_1119, %shift_right_logical3A_1122 : vector<128x1024xi32>
      %xor3A_1124 = arith.xori %or3A_1123, %add3A_1116 : vector<128x1024xi32>
      %add3A_1125 = arith.addi %add3A_1116, %xor3A_1124 : vector<128x1024xi32>
      %shift_left3A_1126 = arith.constant 16 : i32
      %shift_left3A_1127 = vector.broadcast %shift_left3A_1126 : i32 to vector<128x1024xi32>
      %shift_left3A_1128 = arith.shli %xor3A_1124, %shift_left3A_1127 : vector<128x1024xi32>
      %shift_right_logical3A_1129 = arith.constant 16 : i32
      %shift_right_logical3A_1130 = vector.broadcast %shift_right_logical3A_1129 : i32 to vector<128x1024xi32>
      %shift_right_logical3A_1131 = arith.shrui %xor3A_1124, %shift_right_logical3A_1130 : vector<128x1024xi32>
      %or3A_1132 = arith.ori %shift_left3A_1128, %shift_right_logical3A_1131 : vector<128x1024xi32>
      %xor3A_1133 = arith.xori %or3A_1132, %add3A_1125 : vector<128x1024xi32>
      %add3A_1134 = arith.addi %add3A_1125, %xor3A_1133 : vector<128x1024xi32>
      %shift_left3A_1135 = arith.constant 24 : i32
      %shift_left3A_1136 = vector.broadcast %shift_left3A_1135 : i32 to vector<128x1024xi32>
      %shift_left3A_1137 = arith.shli %xor3A_1133, %shift_left3A_1136 : vector<128x1024xi32>
      %shift_right_logical3A_1138 = arith.constant 8 : i32
      %shift_right_logical3A_1139 = vector.broadcast %shift_right_logical3A_1138 : i32 to vector<128x1024xi32>
      %shift_right_logical3A_1140 = arith.shrui %xor3A_1133, %shift_right_logical3A_1139 : vector<128x1024xi32>
      %or3A_1141 = arith.ori %shift_left3A_1137, %shift_right_logical3A_1140 : vector<128x1024xi32>
      %xor3A_1142 = arith.xori %or3A_1141, %add3A_1134 : vector<128x1024xi32>
      %add3A_1143 = arith.constant 42 : i32
      %add3A_1144 = vector.broadcast %add3A_1143 : i32 to vector<128x1024xi32>
      %add3A_1145 = arith.addi %add3A_1134, %add3A_1144 : vector<128x1024xi32>
      %add3A_1146 = arith.constant 466689012 : i32
      %add3A_1147 = vector.broadcast %add3A_1146 : i32 to vector<128x1024xi32>
      %add3A_1148 = arith.addi %xor3A_1142, %add3A_1147 : vector<128x1024xi32>
      %add3A_1149 = arith.addi %add3A_1145, %add3A_1148 : vector<128x1024xi32>
      %shift_left3A_1150 = arith.constant 13 : i32
      %shift_left3A_1151 = vector.broadcast %shift_left3A_1150 : i32 to vector<128x1024xi32>
      %shift_left3A_1152 = arith.shli %add3A_1148, %shift_left3A_1151 : vector<128x1024xi32>
      %shift_right_logical3A_1153 = arith.constant 19 : i32
      %shift_right_logical3A_1154 = vector.broadcast %shift_right_logical3A_1153 : i32 to vector<128x1024xi32>
      %shift_right_logical3A_1155 = arith.shrui %add3A_1148, %shift_right_logical3A_1154 : vector<128x1024xi32>
      %or3A_1156 = arith.ori %shift_left3A_1152, %shift_right_logical3A_1155 : vector<128x1024xi32>
      %xor3A_1157 = arith.xori %or3A_1156, %add3A_1149 : vector<128x1024xi32>
      %add3A_1158 = arith.addi %add3A_1149, %xor3A_1157 : vector<128x1024xi32>
      %shift_left3A_1159 = arith.constant 15 : i32
      %shift_left3A_1160 = vector.broadcast %shift_left3A_1159 : i32 to vector<128x1024xi32>
      %shift_left3A_1161 = arith.shli %xor3A_1157, %shift_left3A_1160 : vector<128x1024xi32>
      %shift_right_logical3A_1162 = arith.constant 17 : i32
      %shift_right_logical3A_1163 = vector.broadcast %shift_right_logical3A_1162 : i32 to vector<128x1024xi32>
      %shift_right_logical3A_1164 = arith.shrui %xor3A_1157, %shift_right_logical3A_1163 : vector<128x1024xi32>
      %or3A_1165 = arith.ori %shift_left3A_1161, %shift_right_logical3A_1164 : vector<128x1024xi32>
      %xor3A_1166 = arith.xori %or3A_1165, %add3A_1158 : vector<128x1024xi32>
      %add3A_1167 = arith.addi %add3A_1158, %xor3A_1166 : vector<128x1024xi32>
      %shift_left3A_1168 = arith.constant 26 : i32
      %shift_left3A_1169 = vector.broadcast %shift_left3A_1168 : i32 to vector<128x1024xi32>
      %shift_left3A_1170 = arith.shli %xor3A_1166, %shift_left3A_1169 : vector<128x1024xi32>
      %shift_right_logical3A_1171 = arith.constant 6 : i32
      %shift_right_logical3A_1172 = vector.broadcast %shift_right_logical3A_1171 : i32 to vector<128x1024xi32>
      %shift_right_logical3A_1173 = arith.shrui %xor3A_1166, %shift_right_logical3A_1172 : vector<128x1024xi32>
      %or3A_1174 = arith.ori %shift_left3A_1170, %shift_right_logical3A_1173 : vector<128x1024xi32>
      %xor3A_1175 = arith.xori %or3A_1174, %add3A_1167 : vector<128x1024xi32>
      %add3A_1176 = arith.addi %add3A_1167, %xor3A_1175 : vector<128x1024xi32>
      %shift_left3A_1177 = arith.constant 6 : i32
      %shift_left3A_1178 = vector.broadcast %shift_left3A_1177 : i32 to vector<128x1024xi32>
      %shift_left3A_1179 = arith.shli %xor3A_1175, %shift_left3A_1178 : vector<128x1024xi32>
      %shift_right_logical3A_1180 = arith.constant 26 : i32
      %shift_right_logical3A_1181 = vector.broadcast %shift_right_logical3A_1180 : i32 to vector<128x1024xi32>
      %shift_right_logical3A_1182 = arith.shrui %xor3A_1175, %shift_right_logical3A_1181 : vector<128x1024xi32>
      %or3A_1183 = arith.ori %shift_left3A_1179, %shift_right_logical3A_1182 : vector<128x1024xi32>
      %xor3A_1184 = arith.xori %or3A_1183, %add3A_1176 : vector<128x1024xi32>
      %add3A_1185 = arith.constant 466689008 : i32
      %add3A_1186 = vector.broadcast %add3A_1185 : i32 to vector<128x1024xi32>
      %add3A_1187 = arith.addi %add3A_1176, %add3A_1186 : vector<128x1024xi32>
      %add3A_1188 = arith.constant 5 : i32
      %add3A_1189 = vector.broadcast %add3A_1188 : i32 to vector<128x1024xi32>
      %add3A_1190 = arith.addi %xor3A_1184, %add3A_1189 : vector<128x1024xi32>
      %xor3A_1191 = arith.xori %add3A_1187, %add3A_1190 : vector<128x1024xi32>
      %shift_right_logical3A_1192 = arith.constant 9 : i32
      %shift_right_logical3A_1193 = vector.broadcast %shift_right_logical3A_1192 : i32 to vector<128x1024xi32>
      %shift_right_logical3A_1194 = arith.shrui %xor3A_1191, %shift_right_logical3A_1193 : vector<128x1024xi32>
      %reduce_max3A_1195 = arith.constant dense<-2147483648> : vector<128xi32>
      %reduce_max3A_1196 = vector.multi_reduction <maxsi>, %shift_right_logical3A_1194, %reduce_max3A_1195 [1] : vector<128x1024xi32> to vector<128xi32>
      %broadcast_in_dim3A_1197 = vector.shape_cast %reduce_max3A_1196 : vector<128xi32> to vector<128x1xi32>
      %eq3A_1198 = vector.broadcast %broadcast_in_dim3A_1197 : vector<128x1xi32> to vector<128x1024xi32>
      %eq3A_1199 = arith.cmpi eq, %shift_right_logical3A_1194, %eq3A_1198 : vector<128x1024xi32>
      %jit3A_1200 = arith.constant 1024 : i32
      %broadcast_in_dim3A_1201 = vector.broadcast %jit3A_1200 : i32 to vector<128x1024xi32>
      %select_n3A_1202 = arith.select %eq3A_1199, %select_n3A, %broadcast_in_dim3A_1201 : vector<128x1024xi1>, vector<128x1024xi32>
      %reduce_min3A_1203 = arith.constant dense<2147483647> : vector<128xi32>
      %reduce_min3A_1204 = vector.multi_reduction <minsi>, %select_n3A_1202, %reduce_min3A_1203 [1] : vector<128x1024xi32> to vector<128xi32>
      %broadcast_in_dim3A_1205 = vector.shape_cast %reduce_min3A_1204 : vector<128xi32> to vector<128x1xi32>
      %eq3A_1206 = vector.broadcast %scan3A_980 : i32 to vector<128x128xi32>
      %eq3A_1207 = arith.cmpi eq, %iota3A_43, %eq3A_1206 : vector<128x128xi32>
      %broadcast_in_dim3A_1208 = vector.shape_cast %broadcast_in_dim3A_1205 : vector<128x1xi32> to vector<128x1xi32>
      %broadcast_in_dim3A_1209 = vector.broadcast %broadcast_in_dim3A_1208 : vector<128x1xi32> to vector<128x128xi32>
      %select_n3A_1210 = arith.select %eq3A_1207, %broadcast_in_dim3A_1209, %select_n3A_978 : vector<128x128xi1>, vector<128x128xi32>
      %scan3A_1211 = arith.constant 5 : i32
      %scan3A_1212 = arith.addi %scan3A_57, %scan3A_1211 : i32
      %mul3A_1213 = arith.constant 1000 : i32
      %mul3A_1214 = arith.muli %scan3A_1212, %mul3A_1213 : i32
      %add3A_1215 = vector.broadcast %mul3A_1214 : i32 to vector<128x1024xi32>
      %add3A_1216 = arith.addi %add3A_10, %add3A_1215 : vector<128x1024xi32>
      %shift_left3A_1217 = arith.constant 13 : i32
      %shift_left3A_1218 = vector.broadcast %shift_left3A_1217 : i32 to vector<128x1024xi32>
      %shift_left3A_1219 = arith.shli %add3A_1216, %shift_left3A_1218 : vector<128x1024xi32>
      %shift_right_logical3A_1220 = arith.constant 19 : i32
      %shift_right_logical3A_1221 = vector.broadcast %shift_right_logical3A_1220 : i32 to vector<128x1024xi32>
      %shift_right_logical3A_1222 = arith.shrui %add3A_1216, %shift_right_logical3A_1221 : vector<128x1024xi32>
      %or3A_1223 = arith.ori %shift_left3A_1219, %shift_right_logical3A_1222 : vector<128x1024xi32>
      %xor3A_1224 = arith.xori %or3A_1223, %add3A_1216 : vector<128x1024xi32>
      %add3A_1225 = arith.addi %add3A_1216, %xor3A_1224 : vector<128x1024xi32>
      %shift_left3A_1226 = arith.constant 15 : i32
      %shift_left3A_1227 = vector.broadcast %shift_left3A_1226 : i32 to vector<128x1024xi32>
      %shift_left3A_1228 = arith.shli %xor3A_1224, %shift_left3A_1227 : vector<128x1024xi32>
      %shift_right_logical3A_1229 = arith.constant 17 : i32
      %shift_right_logical3A_1230 = vector.broadcast %shift_right_logical3A_1229 : i32 to vector<128x1024xi32>
      %shift_right_logical3A_1231 = arith.shrui %xor3A_1224, %shift_right_logical3A_1230 : vector<128x1024xi32>
      %or3A_1232 = arith.ori %shift_left3A_1228, %shift_right_logical3A_1231 : vector<128x1024xi32>
      %xor3A_1233 = arith.xori %or3A_1232, %add3A_1225 : vector<128x1024xi32>
      %add3A_1234 = arith.addi %add3A_1225, %xor3A_1233 : vector<128x1024xi32>
      %shift_left3A_1235 = arith.constant 26 : i32
      %shift_left3A_1236 = vector.broadcast %shift_left3A_1235 : i32 to vector<128x1024xi32>
      %shift_left3A_1237 = arith.shli %xor3A_1233, %shift_left3A_1236 : vector<128x1024xi32>
      %shift_right_logical3A_1238 = arith.constant 6 : i32
      %shift_right_logical3A_1239 = vector.broadcast %shift_right_logical3A_1238 : i32 to vector<128x1024xi32>
      %shift_right_logical3A_1240 = arith.shrui %xor3A_1233, %shift_right_logical3A_1239 : vector<128x1024xi32>
      %or3A_1241 = arith.ori %shift_left3A_1237, %shift_right_logical3A_1240 : vector<128x1024xi32>
      %xor3A_1242 = arith.xori %or3A_1241, %add3A_1234 : vector<128x1024xi32>
      %add3A_1243 = arith.addi %add3A_1234, %xor3A_1242 : vector<128x1024xi32>
      %shift_left3A_1244 = arith.constant 6 : i32
      %shift_left3A_1245 = vector.broadcast %shift_left3A_1244 : i32 to vector<128x1024xi32>
      %shift_left3A_1246 = arith.shli %xor3A_1242, %shift_left3A_1245 : vector<128x1024xi32>
      %shift_right_logical3A_1247 = arith.constant 26 : i32
      %shift_right_logical3A_1248 = vector.broadcast %shift_right_logical3A_1247 : i32 to vector<128x1024xi32>
      %shift_right_logical3A_1249 = arith.shrui %xor3A_1242, %shift_right_logical3A_1248 : vector<128x1024xi32>
      %or3A_1250 = arith.ori %shift_left3A_1246, %shift_right_logical3A_1249 : vector<128x1024xi32>
      %xor3A_1251 = arith.xori %or3A_1250, %add3A_1243 : vector<128x1024xi32>
      %add3A_1252 = arith.constant 42 : i32
      %add3A_1253 = vector.broadcast %add3A_1252 : i32 to vector<128x1024xi32>
      %add3A_1254 = arith.addi %add3A_1243, %add3A_1253 : vector<128x1024xi32>
      %add3A_1255 = arith.constant 466689009 : i32
      %add3A_1256 = vector.broadcast %add3A_1255 : i32 to vector<128x1024xi32>
      %add3A_1257 = arith.addi %xor3A_1251, %add3A_1256 : vector<128x1024xi32>
      %add3A_1258 = arith.addi %add3A_1254, %add3A_1257 : vector<128x1024xi32>
      %shift_left3A_1259 = arith.constant 17 : i32
      %shift_left3A_1260 = vector.broadcast %shift_left3A_1259 : i32 to vector<128x1024xi32>
      %shift_left3A_1261 = arith.shli %add3A_1257, %shift_left3A_1260 : vector<128x1024xi32>
      %shift_right_logical3A_1262 = arith.constant 15 : i32
      %shift_right_logical3A_1263 = vector.broadcast %shift_right_logical3A_1262 : i32 to vector<128x1024xi32>
      %shift_right_logical3A_1264 = arith.shrui %add3A_1257, %shift_right_logical3A_1263 : vector<128x1024xi32>
      %or3A_1265 = arith.ori %shift_left3A_1261, %shift_right_logical3A_1264 : vector<128x1024xi32>
      %xor3A_1266 = arith.xori %or3A_1265, %add3A_1258 : vector<128x1024xi32>
      %add3A_1267 = arith.addi %add3A_1258, %xor3A_1266 : vector<128x1024xi32>
      %shift_left3A_1268 = arith.constant 29 : i32
      %shift_left3A_1269 = vector.broadcast %shift_left3A_1268 : i32 to vector<128x1024xi32>
      %shift_left3A_1270 = arith.shli %xor3A_1266, %shift_left3A_1269 : vector<128x1024xi32>
      %shift_right_logical3A_1271 = arith.constant 3 : i32
      %shift_right_logical3A_1272 = vector.broadcast %shift_right_logical3A_1271 : i32 to vector<128x1024xi32>
      %shift_right_logical3A_1273 = arith.shrui %xor3A_1266, %shift_right_logical3A_1272 : vector<128x1024xi32>
      %or3A_1274 = arith.ori %shift_left3A_1270, %shift_right_logical3A_1273 : vector<128x1024xi32>
      %xor3A_1275 = arith.xori %or3A_1274, %add3A_1267 : vector<128x1024xi32>
      %add3A_1276 = arith.addi %add3A_1267, %xor3A_1275 : vector<128x1024xi32>
      %shift_left3A_1277 = arith.constant 16 : i32
      %shift_left3A_1278 = vector.broadcast %shift_left3A_1277 : i32 to vector<128x1024xi32>
      %shift_left3A_1279 = arith.shli %xor3A_1275, %shift_left3A_1278 : vector<128x1024xi32>
      %shift_right_logical3A_1280 = arith.constant 16 : i32
      %shift_right_logical3A_1281 = vector.broadcast %shift_right_logical3A_1280 : i32 to vector<128x1024xi32>
      %shift_right_logical3A_1282 = arith.shrui %xor3A_1275, %shift_right_logical3A_1281 : vector<128x1024xi32>
      %or3A_1283 = arith.ori %shift_left3A_1279, %shift_right_logical3A_1282 : vector<128x1024xi32>
      %xor3A_1284 = arith.xori %or3A_1283, %add3A_1276 : vector<128x1024xi32>
      %add3A_1285 = arith.addi %add3A_1276, %xor3A_1284 : vector<128x1024xi32>
      %shift_left3A_1286 = arith.constant 24 : i32
      %shift_left3A_1287 = vector.broadcast %shift_left3A_1286 : i32 to vector<128x1024xi32>
      %shift_left3A_1288 = arith.shli %xor3A_1284, %shift_left3A_1287 : vector<128x1024xi32>
      %shift_right_logical3A_1289 = arith.constant 8 : i32
      %shift_right_logical3A_1290 = vector.broadcast %shift_right_logical3A_1289 : i32 to vector<128x1024xi32>
      %shift_right_logical3A_1291 = arith.shrui %xor3A_1284, %shift_right_logical3A_1290 : vector<128x1024xi32>
      %or3A_1292 = arith.ori %shift_left3A_1288, %shift_right_logical3A_1291 : vector<128x1024xi32>
      %xor3A_1293 = arith.xori %or3A_1292, %add3A_1285 : vector<128x1024xi32>
      %add3A_1294 = arith.constant 466689008 : i32
      %add3A_1295 = vector.broadcast %add3A_1294 : i32 to vector<128x1024xi32>
      %add3A_1296 = arith.addi %add3A_1285, %add3A_1295 : vector<128x1024xi32>
      %add3A_1297 = arith.constant 2 : i32
      %add3A_1298 = vector.broadcast %add3A_1297 : i32 to vector<128x1024xi32>
      %add3A_1299 = arith.addi %xor3A_1293, %add3A_1298 : vector<128x1024xi32>
      %add3A_1300 = arith.addi %add3A_1296, %add3A_1299 : vector<128x1024xi32>
      %shift_left3A_1301 = arith.constant 13 : i32
      %shift_left3A_1302 = vector.broadcast %shift_left3A_1301 : i32 to vector<128x1024xi32>
      %shift_left3A_1303 = arith.shli %add3A_1299, %shift_left3A_1302 : vector<128x1024xi32>
      %shift_right_logical3A_1304 = arith.constant 19 : i32
      %shift_right_logical3A_1305 = vector.broadcast %shift_right_logical3A_1304 : i32 to vector<128x1024xi32>
      %shift_right_logical3A_1306 = arith.shrui %add3A_1299, %shift_right_logical3A_1305 : vector<128x1024xi32>
      %or3A_1307 = arith.ori %shift_left3A_1303, %shift_right_logical3A_1306 : vector<128x1024xi32>
      %xor3A_1308 = arith.xori %or3A_1307, %add3A_1300 : vector<128x1024xi32>
      %add3A_1309 = arith.addi %add3A_1300, %xor3A_1308 : vector<128x1024xi32>
      %shift_left3A_1310 = arith.constant 15 : i32
      %shift_left3A_1311 = vector.broadcast %shift_left3A_1310 : i32 to vector<128x1024xi32>
      %shift_left3A_1312 = arith.shli %xor3A_1308, %shift_left3A_1311 : vector<128x1024xi32>
      %shift_right_logical3A_1313 = arith.constant 17 : i32
      %shift_right_logical3A_1314 = vector.broadcast %shift_right_logical3A_1313 : i32 to vector<128x1024xi32>
      %shift_right_logical3A_1315 = arith.shrui %xor3A_1308, %shift_right_logical3A_1314 : vector<128x1024xi32>
      %or3A_1316 = arith.ori %shift_left3A_1312, %shift_right_logical3A_1315 : vector<128x1024xi32>
      %xor3A_1317 = arith.xori %or3A_1316, %add3A_1309 : vector<128x1024xi32>
      %add3A_1318 = arith.addi %add3A_1309, %xor3A_1317 : vector<128x1024xi32>
      %shift_left3A_1319 = arith.constant 26 : i32
      %shift_left3A_1320 = vector.broadcast %shift_left3A_1319 : i32 to vector<128x1024xi32>
      %shift_left3A_1321 = arith.shli %xor3A_1317, %shift_left3A_1320 : vector<128x1024xi32>
      %shift_right_logical3A_1322 = arith.constant 6 : i32
      %shift_right_logical3A_1323 = vector.broadcast %shift_right_logical3A_1322 : i32 to vector<128x1024xi32>
      %shift_right_logical3A_1324 = arith.shrui %xor3A_1317, %shift_right_logical3A_1323 : vector<128x1024xi32>
      %or3A_1325 = arith.ori %shift_left3A_1321, %shift_right_logical3A_1324 : vector<128x1024xi32>
      %xor3A_1326 = arith.xori %or3A_1325, %add3A_1318 : vector<128x1024xi32>
      %add3A_1327 = arith.addi %add3A_1318, %xor3A_1326 : vector<128x1024xi32>
      %shift_left3A_1328 = arith.constant 6 : i32
      %shift_left3A_1329 = vector.broadcast %shift_left3A_1328 : i32 to vector<128x1024xi32>
      %shift_left3A_1330 = arith.shli %xor3A_1326, %shift_left3A_1329 : vector<128x1024xi32>
      %shift_right_logical3A_1331 = arith.constant 26 : i32
      %shift_right_logical3A_1332 = vector.broadcast %shift_right_logical3A_1331 : i32 to vector<128x1024xi32>
      %shift_right_logical3A_1333 = arith.shrui %xor3A_1326, %shift_right_logical3A_1332 : vector<128x1024xi32>
      %or3A_1334 = arith.ori %shift_left3A_1330, %shift_right_logical3A_1333 : vector<128x1024xi32>
      %xor3A_1335 = arith.xori %or3A_1334, %add3A_1327 : vector<128x1024xi32>
      %add3A_1336 = arith.constant 45 : i32
      %add3A_1337 = vector.broadcast %add3A_1336 : i32 to vector<128x1024xi32>
      %add3A_1338 = arith.addi %xor3A_1335, %add3A_1337 : vector<128x1024xi32>
      %add3A_1339 = arith.addi %add3A_1327, %add3A_1338 : vector<128x1024xi32>
      %shift_left3A_1340 = arith.constant 17 : i32
      %shift_left3A_1341 = vector.broadcast %shift_left3A_1340 : i32 to vector<128x1024xi32>
      %shift_left3A_1342 = arith.shli %add3A_1338, %shift_left3A_1341 : vector<128x1024xi32>
      %shift_right_logical3A_1343 = arith.constant 15 : i32
      %shift_right_logical3A_1344 = vector.broadcast %shift_right_logical3A_1343 : i32 to vector<128x1024xi32>
      %shift_right_logical3A_1345 = arith.shrui %add3A_1338, %shift_right_logical3A_1344 : vector<128x1024xi32>
      %or3A_1346 = arith.ori %shift_left3A_1342, %shift_right_logical3A_1345 : vector<128x1024xi32>
      %xor3A_1347 = arith.xori %or3A_1346, %add3A_1339 : vector<128x1024xi32>
      %add3A_1348 = arith.addi %add3A_1339, %xor3A_1347 : vector<128x1024xi32>
      %shift_left3A_1349 = arith.constant 29 : i32
      %shift_left3A_1350 = vector.broadcast %shift_left3A_1349 : i32 to vector<128x1024xi32>
      %shift_left3A_1351 = arith.shli %xor3A_1347, %shift_left3A_1350 : vector<128x1024xi32>
      %shift_right_logical3A_1352 = arith.constant 3 : i32
      %shift_right_logical3A_1353 = vector.broadcast %shift_right_logical3A_1352 : i32 to vector<128x1024xi32>
      %shift_right_logical3A_1354 = arith.shrui %xor3A_1347, %shift_right_logical3A_1353 : vector<128x1024xi32>
      %or3A_1355 = arith.ori %shift_left3A_1351, %shift_right_logical3A_1354 : vector<128x1024xi32>
      %xor3A_1356 = arith.xori %or3A_1355, %add3A_1348 : vector<128x1024xi32>
      %add3A_1357 = arith.addi %add3A_1348, %xor3A_1356 : vector<128x1024xi32>
      %shift_left3A_1358 = arith.constant 16 : i32
      %shift_left3A_1359 = vector.broadcast %shift_left3A_1358 : i32 to vector<128x1024xi32>
      %shift_left3A_1360 = arith.shli %xor3A_1356, %shift_left3A_1359 : vector<128x1024xi32>
      %shift_right_logical3A_1361 = arith.constant 16 : i32
      %shift_right_logical3A_1362 = vector.broadcast %shift_right_logical3A_1361 : i32 to vector<128x1024xi32>
      %shift_right_logical3A_1363 = arith.shrui %xor3A_1356, %shift_right_logical3A_1362 : vector<128x1024xi32>
      %or3A_1364 = arith.ori %shift_left3A_1360, %shift_right_logical3A_1363 : vector<128x1024xi32>
      %xor3A_1365 = arith.xori %or3A_1364, %add3A_1357 : vector<128x1024xi32>
      %add3A_1366 = arith.addi %add3A_1357, %xor3A_1365 : vector<128x1024xi32>
      %shift_left3A_1367 = arith.constant 24 : i32
      %shift_left3A_1368 = vector.broadcast %shift_left3A_1367 : i32 to vector<128x1024xi32>
      %shift_left3A_1369 = arith.shli %xor3A_1365, %shift_left3A_1368 : vector<128x1024xi32>
      %shift_right_logical3A_1370 = arith.constant 8 : i32
      %shift_right_logical3A_1371 = vector.broadcast %shift_right_logical3A_1370 : i32 to vector<128x1024xi32>
      %shift_right_logical3A_1372 = arith.shrui %xor3A_1365, %shift_right_logical3A_1371 : vector<128x1024xi32>
      %or3A_1373 = arith.ori %shift_left3A_1369, %shift_right_logical3A_1372 : vector<128x1024xi32>
      %xor3A_1374 = arith.xori %or3A_1373, %add3A_1366 : vector<128x1024xi32>
      %add3A_1375 = arith.constant 42 : i32
      %add3A_1376 = vector.broadcast %add3A_1375 : i32 to vector<128x1024xi32>
      %add3A_1377 = arith.addi %add3A_1366, %add3A_1376 : vector<128x1024xi32>
      %add3A_1378 = arith.constant 466689012 : i32
      %add3A_1379 = vector.broadcast %add3A_1378 : i32 to vector<128x1024xi32>
      %add3A_1380 = arith.addi %xor3A_1374, %add3A_1379 : vector<128x1024xi32>
      %add3A_1381 = arith.addi %add3A_1377, %add3A_1380 : vector<128x1024xi32>
      %shift_left3A_1382 = arith.constant 13 : i32
      %shift_left3A_1383 = vector.broadcast %shift_left3A_1382 : i32 to vector<128x1024xi32>
      %shift_left3A_1384 = arith.shli %add3A_1380, %shift_left3A_1383 : vector<128x1024xi32>
      %shift_right_logical3A_1385 = arith.constant 19 : i32
      %shift_right_logical3A_1386 = vector.broadcast %shift_right_logical3A_1385 : i32 to vector<128x1024xi32>
      %shift_right_logical3A_1387 = arith.shrui %add3A_1380, %shift_right_logical3A_1386 : vector<128x1024xi32>
      %or3A_1388 = arith.ori %shift_left3A_1384, %shift_right_logical3A_1387 : vector<128x1024xi32>
      %xor3A_1389 = arith.xori %or3A_1388, %add3A_1381 : vector<128x1024xi32>
      %add3A_1390 = arith.addi %add3A_1381, %xor3A_1389 : vector<128x1024xi32>
      %shift_left3A_1391 = arith.constant 15 : i32
      %shift_left3A_1392 = vector.broadcast %shift_left3A_1391 : i32 to vector<128x1024xi32>
      %shift_left3A_1393 = arith.shli %xor3A_1389, %shift_left3A_1392 : vector<128x1024xi32>
      %shift_right_logical3A_1394 = arith.constant 17 : i32
      %shift_right_logical3A_1395 = vector.broadcast %shift_right_logical3A_1394 : i32 to vector<128x1024xi32>
      %shift_right_logical3A_1396 = arith.shrui %xor3A_1389, %shift_right_logical3A_1395 : vector<128x1024xi32>
      %or3A_1397 = arith.ori %shift_left3A_1393, %shift_right_logical3A_1396 : vector<128x1024xi32>
      %xor3A_1398 = arith.xori %or3A_1397, %add3A_1390 : vector<128x1024xi32>
      %add3A_1399 = arith.addi %add3A_1390, %xor3A_1398 : vector<128x1024xi32>
      %shift_left3A_1400 = arith.constant 26 : i32
      %shift_left3A_1401 = vector.broadcast %shift_left3A_1400 : i32 to vector<128x1024xi32>
      %shift_left3A_1402 = arith.shli %xor3A_1398, %shift_left3A_1401 : vector<128x1024xi32>
      %shift_right_logical3A_1403 = arith.constant 6 : i32
      %shift_right_logical3A_1404 = vector.broadcast %shift_right_logical3A_1403 : i32 to vector<128x1024xi32>
      %shift_right_logical3A_1405 = arith.shrui %xor3A_1398, %shift_right_logical3A_1404 : vector<128x1024xi32>
      %or3A_1406 = arith.ori %shift_left3A_1402, %shift_right_logical3A_1405 : vector<128x1024xi32>
      %xor3A_1407 = arith.xori %or3A_1406, %add3A_1399 : vector<128x1024xi32>
      %add3A_1408 = arith.addi %add3A_1399, %xor3A_1407 : vector<128x1024xi32>
      %shift_left3A_1409 = arith.constant 6 : i32
      %shift_left3A_1410 = vector.broadcast %shift_left3A_1409 : i32 to vector<128x1024xi32>
      %shift_left3A_1411 = arith.shli %xor3A_1407, %shift_left3A_1410 : vector<128x1024xi32>
      %shift_right_logical3A_1412 = arith.constant 26 : i32
      %shift_right_logical3A_1413 = vector.broadcast %shift_right_logical3A_1412 : i32 to vector<128x1024xi32>
      %shift_right_logical3A_1414 = arith.shrui %xor3A_1407, %shift_right_logical3A_1413 : vector<128x1024xi32>
      %or3A_1415 = arith.ori %shift_left3A_1411, %shift_right_logical3A_1414 : vector<128x1024xi32>
      %xor3A_1416 = arith.xori %or3A_1415, %add3A_1408 : vector<128x1024xi32>
      %add3A_1417 = arith.constant 466689008 : i32
      %add3A_1418 = vector.broadcast %add3A_1417 : i32 to vector<128x1024xi32>
      %add3A_1419 = arith.addi %add3A_1408, %add3A_1418 : vector<128x1024xi32>
      %add3A_1420 = arith.constant 5 : i32
      %add3A_1421 = vector.broadcast %add3A_1420 : i32 to vector<128x1024xi32>
      %add3A_1422 = arith.addi %xor3A_1416, %add3A_1421 : vector<128x1024xi32>
      %xor3A_1423 = arith.xori %add3A_1419, %add3A_1422 : vector<128x1024xi32>
      %shift_right_logical3A_1424 = arith.constant 9 : i32
      %shift_right_logical3A_1425 = vector.broadcast %shift_right_logical3A_1424 : i32 to vector<128x1024xi32>
      %shift_right_logical3A_1426 = arith.shrui %xor3A_1423, %shift_right_logical3A_1425 : vector<128x1024xi32>
      %reduce_max3A_1427 = arith.constant dense<-2147483648> : vector<128xi32>
      %reduce_max3A_1428 = vector.multi_reduction <maxsi>, %shift_right_logical3A_1426, %reduce_max3A_1427 [1] : vector<128x1024xi32> to vector<128xi32>
      %broadcast_in_dim3A_1429 = vector.shape_cast %reduce_max3A_1428 : vector<128xi32> to vector<128x1xi32>
      %eq3A_1430 = vector.broadcast %broadcast_in_dim3A_1429 : vector<128x1xi32> to vector<128x1024xi32>
      %eq3A_1431 = arith.cmpi eq, %shift_right_logical3A_1426, %eq3A_1430 : vector<128x1024xi32>
      %jit3A_1432 = arith.constant 1024 : i32
      %broadcast_in_dim3A_1433 = vector.broadcast %jit3A_1432 : i32 to vector<128x1024xi32>
      %select_n3A_1434 = arith.select %eq3A_1431, %select_n3A, %broadcast_in_dim3A_1433 : vector<128x1024xi1>, vector<128x1024xi32>
      %reduce_min3A_1435 = arith.constant dense<2147483647> : vector<128xi32>
      %reduce_min3A_1436 = vector.multi_reduction <minsi>, %select_n3A_1434, %reduce_min3A_1435 [1] : vector<128x1024xi32> to vector<128xi32>
      %broadcast_in_dim3A_1437 = vector.shape_cast %reduce_min3A_1436 : vector<128xi32> to vector<128x1xi32>
      %eq3A_1438 = vector.broadcast %scan3A_1212 : i32 to vector<128x128xi32>
      %eq3A_1439 = arith.cmpi eq, %iota3A_43, %eq3A_1438 : vector<128x128xi32>
      %broadcast_in_dim3A_1440 = vector.shape_cast %broadcast_in_dim3A_1437 : vector<128x1xi32> to vector<128x1xi32>
      %broadcast_in_dim3A_1441 = vector.broadcast %broadcast_in_dim3A_1440 : vector<128x1xi32> to vector<128x128xi32>
      %select_n3A_1442 = arith.select %eq3A_1439, %broadcast_in_dim3A_1441, %select_n3A_1210 : vector<128x128xi1>, vector<128x128xi32>
      %scan3A_1443 = arith.constant 6 : i32
      %scan3A_1444 = arith.addi %scan3A_57, %scan3A_1443 : i32
      %mul3A_1445 = arith.constant 1000 : i32
      %mul3A_1446 = arith.muli %scan3A_1444, %mul3A_1445 : i32
      %add3A_1447 = vector.broadcast %mul3A_1446 : i32 to vector<128x1024xi32>
      %add3A_1448 = arith.addi %add3A_10, %add3A_1447 : vector<128x1024xi32>
      %shift_left3A_1449 = arith.constant 13 : i32
      %shift_left3A_1450 = vector.broadcast %shift_left3A_1449 : i32 to vector<128x1024xi32>
      %shift_left3A_1451 = arith.shli %add3A_1448, %shift_left3A_1450 : vector<128x1024xi32>
      %shift_right_logical3A_1452 = arith.constant 19 : i32
      %shift_right_logical3A_1453 = vector.broadcast %shift_right_logical3A_1452 : i32 to vector<128x1024xi32>
      %shift_right_logical3A_1454 = arith.shrui %add3A_1448, %shift_right_logical3A_1453 : vector<128x1024xi32>
      %or3A_1455 = arith.ori %shift_left3A_1451, %shift_right_logical3A_1454 : vector<128x1024xi32>
      %xor3A_1456 = arith.xori %or3A_1455, %add3A_1448 : vector<128x1024xi32>
      %add3A_1457 = arith.addi %add3A_1448, %xor3A_1456 : vector<128x1024xi32>
      %shift_left3A_1458 = arith.constant 15 : i32
      %shift_left3A_1459 = vector.broadcast %shift_left3A_1458 : i32 to vector<128x1024xi32>
      %shift_left3A_1460 = arith.shli %xor3A_1456, %shift_left3A_1459 : vector<128x1024xi32>
      %shift_right_logical3A_1461 = arith.constant 17 : i32
      %shift_right_logical3A_1462 = vector.broadcast %shift_right_logical3A_1461 : i32 to vector<128x1024xi32>
      %shift_right_logical3A_1463 = arith.shrui %xor3A_1456, %shift_right_logical3A_1462 : vector<128x1024xi32>
      %or3A_1464 = arith.ori %shift_left3A_1460, %shift_right_logical3A_1463 : vector<128x1024xi32>
      %xor3A_1465 = arith.xori %or3A_1464, %add3A_1457 : vector<128x1024xi32>
      %add3A_1466 = arith.addi %add3A_1457, %xor3A_1465 : vector<128x1024xi32>
      %shift_left3A_1467 = arith.constant 26 : i32
      %shift_left3A_1468 = vector.broadcast %shift_left3A_1467 : i32 to vector<128x1024xi32>
      %shift_left3A_1469 = arith.shli %xor3A_1465, %shift_left3A_1468 : vector<128x1024xi32>
      %shift_right_logical3A_1470 = arith.constant 6 : i32
      %shift_right_logical3A_1471 = vector.broadcast %shift_right_logical3A_1470 : i32 to vector<128x1024xi32>
      %shift_right_logical3A_1472 = arith.shrui %xor3A_1465, %shift_right_logical3A_1471 : vector<128x1024xi32>
      %or3A_1473 = arith.ori %shift_left3A_1469, %shift_right_logical3A_1472 : vector<128x1024xi32>
      %xor3A_1474 = arith.xori %or3A_1473, %add3A_1466 : vector<128x1024xi32>
      %add3A_1475 = arith.addi %add3A_1466, %xor3A_1474 : vector<128x1024xi32>
      %shift_left3A_1476 = arith.constant 6 : i32
      %shift_left3A_1477 = vector.broadcast %shift_left3A_1476 : i32 to vector<128x1024xi32>
      %shift_left3A_1478 = arith.shli %xor3A_1474, %shift_left3A_1477 : vector<128x1024xi32>
      %shift_right_logical3A_1479 = arith.constant 26 : i32
      %shift_right_logical3A_1480 = vector.broadcast %shift_right_logical3A_1479 : i32 to vector<128x1024xi32>
      %shift_right_logical3A_1481 = arith.shrui %xor3A_1474, %shift_right_logical3A_1480 : vector<128x1024xi32>
      %or3A_1482 = arith.ori %shift_left3A_1478, %shift_right_logical3A_1481 : vector<128x1024xi32>
      %xor3A_1483 = arith.xori %or3A_1482, %add3A_1475 : vector<128x1024xi32>
      %add3A_1484 = arith.constant 42 : i32
      %add3A_1485 = vector.broadcast %add3A_1484 : i32 to vector<128x1024xi32>
      %add3A_1486 = arith.addi %add3A_1475, %add3A_1485 : vector<128x1024xi32>
      %add3A_1487 = arith.constant 466689009 : i32
      %add3A_1488 = vector.broadcast %add3A_1487 : i32 to vector<128x1024xi32>
      %add3A_1489 = arith.addi %xor3A_1483, %add3A_1488 : vector<128x1024xi32>
      %add3A_1490 = arith.addi %add3A_1486, %add3A_1489 : vector<128x1024xi32>
      %shift_left3A_1491 = arith.constant 17 : i32
      %shift_left3A_1492 = vector.broadcast %shift_left3A_1491 : i32 to vector<128x1024xi32>
      %shift_left3A_1493 = arith.shli %add3A_1489, %shift_left3A_1492 : vector<128x1024xi32>
      %shift_right_logical3A_1494 = arith.constant 15 : i32
      %shift_right_logical3A_1495 = vector.broadcast %shift_right_logical3A_1494 : i32 to vector<128x1024xi32>
      %shift_right_logical3A_1496 = arith.shrui %add3A_1489, %shift_right_logical3A_1495 : vector<128x1024xi32>
      %or3A_1497 = arith.ori %shift_left3A_1493, %shift_right_logical3A_1496 : vector<128x1024xi32>
      %xor3A_1498 = arith.xori %or3A_1497, %add3A_1490 : vector<128x1024xi32>
      %add3A_1499 = arith.addi %add3A_1490, %xor3A_1498 : vector<128x1024xi32>
      %shift_left3A_1500 = arith.constant 29 : i32
      %shift_left3A_1501 = vector.broadcast %shift_left3A_1500 : i32 to vector<128x1024xi32>
      %shift_left3A_1502 = arith.shli %xor3A_1498, %shift_left3A_1501 : vector<128x1024xi32>
      %shift_right_logical3A_1503 = arith.constant 3 : i32
      %shift_right_logical3A_1504 = vector.broadcast %shift_right_logical3A_1503 : i32 to vector<128x1024xi32>
      %shift_right_logical3A_1505 = arith.shrui %xor3A_1498, %shift_right_logical3A_1504 : vector<128x1024xi32>
      %or3A_1506 = arith.ori %shift_left3A_1502, %shift_right_logical3A_1505 : vector<128x1024xi32>
      %xor3A_1507 = arith.xori %or3A_1506, %add3A_1499 : vector<128x1024xi32>
      %add3A_1508 = arith.addi %add3A_1499, %xor3A_1507 : vector<128x1024xi32>
      %shift_left3A_1509 = arith.constant 16 : i32
      %shift_left3A_1510 = vector.broadcast %shift_left3A_1509 : i32 to vector<128x1024xi32>
      %shift_left3A_1511 = arith.shli %xor3A_1507, %shift_left3A_1510 : vector<128x1024xi32>
      %shift_right_logical3A_1512 = arith.constant 16 : i32
      %shift_right_logical3A_1513 = vector.broadcast %shift_right_logical3A_1512 : i32 to vector<128x1024xi32>
      %shift_right_logical3A_1514 = arith.shrui %xor3A_1507, %shift_right_logical3A_1513 : vector<128x1024xi32>
      %or3A_1515 = arith.ori %shift_left3A_1511, %shift_right_logical3A_1514 : vector<128x1024xi32>
      %xor3A_1516 = arith.xori %or3A_1515, %add3A_1508 : vector<128x1024xi32>
      %add3A_1517 = arith.addi %add3A_1508, %xor3A_1516 : vector<128x1024xi32>
      %shift_left3A_1518 = arith.constant 24 : i32
      %shift_left3A_1519 = vector.broadcast %shift_left3A_1518 : i32 to vector<128x1024xi32>
      %shift_left3A_1520 = arith.shli %xor3A_1516, %shift_left3A_1519 : vector<128x1024xi32>
      %shift_right_logical3A_1521 = arith.constant 8 : i32
      %shift_right_logical3A_1522 = vector.broadcast %shift_right_logical3A_1521 : i32 to vector<128x1024xi32>
      %shift_right_logical3A_1523 = arith.shrui %xor3A_1516, %shift_right_logical3A_1522 : vector<128x1024xi32>
      %or3A_1524 = arith.ori %shift_left3A_1520, %shift_right_logical3A_1523 : vector<128x1024xi32>
      %xor3A_1525 = arith.xori %or3A_1524, %add3A_1517 : vector<128x1024xi32>
      %add3A_1526 = arith.constant 466689008 : i32
      %add3A_1527 = vector.broadcast %add3A_1526 : i32 to vector<128x1024xi32>
      %add3A_1528 = arith.addi %add3A_1517, %add3A_1527 : vector<128x1024xi32>
      %add3A_1529 = arith.constant 2 : i32
      %add3A_1530 = vector.broadcast %add3A_1529 : i32 to vector<128x1024xi32>
      %add3A_1531 = arith.addi %xor3A_1525, %add3A_1530 : vector<128x1024xi32>
      %add3A_1532 = arith.addi %add3A_1528, %add3A_1531 : vector<128x1024xi32>
      %shift_left3A_1533 = arith.constant 13 : i32
      %shift_left3A_1534 = vector.broadcast %shift_left3A_1533 : i32 to vector<128x1024xi32>
      %shift_left3A_1535 = arith.shli %add3A_1531, %shift_left3A_1534 : vector<128x1024xi32>
      %shift_right_logical3A_1536 = arith.constant 19 : i32
      %shift_right_logical3A_1537 = vector.broadcast %shift_right_logical3A_1536 : i32 to vector<128x1024xi32>
      %shift_right_logical3A_1538 = arith.shrui %add3A_1531, %shift_right_logical3A_1537 : vector<128x1024xi32>
      %or3A_1539 = arith.ori %shift_left3A_1535, %shift_right_logical3A_1538 : vector<128x1024xi32>
      %xor3A_1540 = arith.xori %or3A_1539, %add3A_1532 : vector<128x1024xi32>
      %add3A_1541 = arith.addi %add3A_1532, %xor3A_1540 : vector<128x1024xi32>
      %shift_left3A_1542 = arith.constant 15 : i32
      %shift_left3A_1543 = vector.broadcast %shift_left3A_1542 : i32 to vector<128x1024xi32>
      %shift_left3A_1544 = arith.shli %xor3A_1540, %shift_left3A_1543 : vector<128x1024xi32>
      %shift_right_logical3A_1545 = arith.constant 17 : i32
      %shift_right_logical3A_1546 = vector.broadcast %shift_right_logical3A_1545 : i32 to vector<128x1024xi32>
      %shift_right_logical3A_1547 = arith.shrui %xor3A_1540, %shift_right_logical3A_1546 : vector<128x1024xi32>
      %or3A_1548 = arith.ori %shift_left3A_1544, %shift_right_logical3A_1547 : vector<128x1024xi32>
      %xor3A_1549 = arith.xori %or3A_1548, %add3A_1541 : vector<128x1024xi32>
      %add3A_1550 = arith.addi %add3A_1541, %xor3A_1549 : vector<128x1024xi32>
      %shift_left3A_1551 = arith.constant 26 : i32
      %shift_left3A_1552 = vector.broadcast %shift_left3A_1551 : i32 to vector<128x1024xi32>
      %shift_left3A_1553 = arith.shli %xor3A_1549, %shift_left3A_1552 : vector<128x1024xi32>
      %shift_right_logical3A_1554 = arith.constant 6 : i32
      %shift_right_logical3A_1555 = vector.broadcast %shift_right_logical3A_1554 : i32 to vector<128x1024xi32>
      %shift_right_logical3A_1556 = arith.shrui %xor3A_1549, %shift_right_logical3A_1555 : vector<128x1024xi32>
      %or3A_1557 = arith.ori %shift_left3A_1553, %shift_right_logical3A_1556 : vector<128x1024xi32>
      %xor3A_1558 = arith.xori %or3A_1557, %add3A_1550 : vector<128x1024xi32>
      %add3A_1559 = arith.addi %add3A_1550, %xor3A_1558 : vector<128x1024xi32>
      %shift_left3A_1560 = arith.constant 6 : i32
      %shift_left3A_1561 = vector.broadcast %shift_left3A_1560 : i32 to vector<128x1024xi32>
      %shift_left3A_1562 = arith.shli %xor3A_1558, %shift_left3A_1561 : vector<128x1024xi32>
      %shift_right_logical3A_1563 = arith.constant 26 : i32
      %shift_right_logical3A_1564 = vector.broadcast %shift_right_logical3A_1563 : i32 to vector<128x1024xi32>
      %shift_right_logical3A_1565 = arith.shrui %xor3A_1558, %shift_right_logical3A_1564 : vector<128x1024xi32>
      %or3A_1566 = arith.ori %shift_left3A_1562, %shift_right_logical3A_1565 : vector<128x1024xi32>
      %xor3A_1567 = arith.xori %or3A_1566, %add3A_1559 : vector<128x1024xi32>
      %add3A_1568 = arith.constant 45 : i32
      %add3A_1569 = vector.broadcast %add3A_1568 : i32 to vector<128x1024xi32>
      %add3A_1570 = arith.addi %xor3A_1567, %add3A_1569 : vector<128x1024xi32>
      %add3A_1571 = arith.addi %add3A_1559, %add3A_1570 : vector<128x1024xi32>
      %shift_left3A_1572 = arith.constant 17 : i32
      %shift_left3A_1573 = vector.broadcast %shift_left3A_1572 : i32 to vector<128x1024xi32>
      %shift_left3A_1574 = arith.shli %add3A_1570, %shift_left3A_1573 : vector<128x1024xi32>
      %shift_right_logical3A_1575 = arith.constant 15 : i32
      %shift_right_logical3A_1576 = vector.broadcast %shift_right_logical3A_1575 : i32 to vector<128x1024xi32>
      %shift_right_logical3A_1577 = arith.shrui %add3A_1570, %shift_right_logical3A_1576 : vector<128x1024xi32>
      %or3A_1578 = arith.ori %shift_left3A_1574, %shift_right_logical3A_1577 : vector<128x1024xi32>
      %xor3A_1579 = arith.xori %or3A_1578, %add3A_1571 : vector<128x1024xi32>
      %add3A_1580 = arith.addi %add3A_1571, %xor3A_1579 : vector<128x1024xi32>
      %shift_left3A_1581 = arith.constant 29 : i32
      %shift_left3A_1582 = vector.broadcast %shift_left3A_1581 : i32 to vector<128x1024xi32>
      %shift_left3A_1583 = arith.shli %xor3A_1579, %shift_left3A_1582 : vector<128x1024xi32>
      %shift_right_logical3A_1584 = arith.constant 3 : i32
      %shift_right_logical3A_1585 = vector.broadcast %shift_right_logical3A_1584 : i32 to vector<128x1024xi32>
      %shift_right_logical3A_1586 = arith.shrui %xor3A_1579, %shift_right_logical3A_1585 : vector<128x1024xi32>
      %or3A_1587 = arith.ori %shift_left3A_1583, %shift_right_logical3A_1586 : vector<128x1024xi32>
      %xor3A_1588 = arith.xori %or3A_1587, %add3A_1580 : vector<128x1024xi32>
      %add3A_1589 = arith.addi %add3A_1580, %xor3A_1588 : vector<128x1024xi32>
      %shift_left3A_1590 = arith.constant 16 : i32
      %shift_left3A_1591 = vector.broadcast %shift_left3A_1590 : i32 to vector<128x1024xi32>
      %shift_left3A_1592 = arith.shli %xor3A_1588, %shift_left3A_1591 : vector<128x1024xi32>
      %shift_right_logical3A_1593 = arith.constant 16 : i32
      %shift_right_logical3A_1594 = vector.broadcast %shift_right_logical3A_1593 : i32 to vector<128x1024xi32>
      %shift_right_logical3A_1595 = arith.shrui %xor3A_1588, %shift_right_logical3A_1594 : vector<128x1024xi32>
      %or3A_1596 = arith.ori %shift_left3A_1592, %shift_right_logical3A_1595 : vector<128x1024xi32>
      %xor3A_1597 = arith.xori %or3A_1596, %add3A_1589 : vector<128x1024xi32>
      %add3A_1598 = arith.addi %add3A_1589, %xor3A_1597 : vector<128x1024xi32>
      %shift_left3A_1599 = arith.constant 24 : i32
      %shift_left3A_1600 = vector.broadcast %shift_left3A_1599 : i32 to vector<128x1024xi32>
      %shift_left3A_1601 = arith.shli %xor3A_1597, %shift_left3A_1600 : vector<128x1024xi32>
      %shift_right_logical3A_1602 = arith.constant 8 : i32
      %shift_right_logical3A_1603 = vector.broadcast %shift_right_logical3A_1602 : i32 to vector<128x1024xi32>
      %shift_right_logical3A_1604 = arith.shrui %xor3A_1597, %shift_right_logical3A_1603 : vector<128x1024xi32>
      %or3A_1605 = arith.ori %shift_left3A_1601, %shift_right_logical3A_1604 : vector<128x1024xi32>
      %xor3A_1606 = arith.xori %or3A_1605, %add3A_1598 : vector<128x1024xi32>
      %add3A_1607 = arith.constant 42 : i32
      %add3A_1608 = vector.broadcast %add3A_1607 : i32 to vector<128x1024xi32>
      %add3A_1609 = arith.addi %add3A_1598, %add3A_1608 : vector<128x1024xi32>
      %add3A_1610 = arith.constant 466689012 : i32
      %add3A_1611 = vector.broadcast %add3A_1610 : i32 to vector<128x1024xi32>
      %add3A_1612 = arith.addi %xor3A_1606, %add3A_1611 : vector<128x1024xi32>
      %add3A_1613 = arith.addi %add3A_1609, %add3A_1612 : vector<128x1024xi32>
      %shift_left3A_1614 = arith.constant 13 : i32
      %shift_left3A_1615 = vector.broadcast %shift_left3A_1614 : i32 to vector<128x1024xi32>
      %shift_left3A_1616 = arith.shli %add3A_1612, %shift_left3A_1615 : vector<128x1024xi32>
      %shift_right_logical3A_1617 = arith.constant 19 : i32
      %shift_right_logical3A_1618 = vector.broadcast %shift_right_logical3A_1617 : i32 to vector<128x1024xi32>
      %shift_right_logical3A_1619 = arith.shrui %add3A_1612, %shift_right_logical3A_1618 : vector<128x1024xi32>
      %or3A_1620 = arith.ori %shift_left3A_1616, %shift_right_logical3A_1619 : vector<128x1024xi32>
      %xor3A_1621 = arith.xori %or3A_1620, %add3A_1613 : vector<128x1024xi32>
      %add3A_1622 = arith.addi %add3A_1613, %xor3A_1621 : vector<128x1024xi32>
      %shift_left3A_1623 = arith.constant 15 : i32
      %shift_left3A_1624 = vector.broadcast %shift_left3A_1623 : i32 to vector<128x1024xi32>
      %shift_left3A_1625 = arith.shli %xor3A_1621, %shift_left3A_1624 : vector<128x1024xi32>
      %shift_right_logical3A_1626 = arith.constant 17 : i32
      %shift_right_logical3A_1627 = vector.broadcast %shift_right_logical3A_1626 : i32 to vector<128x1024xi32>
      %shift_right_logical3A_1628 = arith.shrui %xor3A_1621, %shift_right_logical3A_1627 : vector<128x1024xi32>
      %or3A_1629 = arith.ori %shift_left3A_1625, %shift_right_logical3A_1628 : vector<128x1024xi32>
      %xor3A_1630 = arith.xori %or3A_1629, %add3A_1622 : vector<128x1024xi32>
      %add3A_1631 = arith.addi %add3A_1622, %xor3A_1630 : vector<128x1024xi32>
      %shift_left3A_1632 = arith.constant 26 : i32
      %shift_left3A_1633 = vector.broadcast %shift_left3A_1632 : i32 to vector<128x1024xi32>
      %shift_left3A_1634 = arith.shli %xor3A_1630, %shift_left3A_1633 : vector<128x1024xi32>
      %shift_right_logical3A_1635 = arith.constant 6 : i32
      %shift_right_logical3A_1636 = vector.broadcast %shift_right_logical3A_1635 : i32 to vector<128x1024xi32>
      %shift_right_logical3A_1637 = arith.shrui %xor3A_1630, %shift_right_logical3A_1636 : vector<128x1024xi32>
      %or3A_1638 = arith.ori %shift_left3A_1634, %shift_right_logical3A_1637 : vector<128x1024xi32>
      %xor3A_1639 = arith.xori %or3A_1638, %add3A_1631 : vector<128x1024xi32>
      %add3A_1640 = arith.addi %add3A_1631, %xor3A_1639 : vector<128x1024xi32>
      %shift_left3A_1641 = arith.constant 6 : i32
      %shift_left3A_1642 = vector.broadcast %shift_left3A_1641 : i32 to vector<128x1024xi32>
      %shift_left3A_1643 = arith.shli %xor3A_1639, %shift_left3A_1642 : vector<128x1024xi32>
      %shift_right_logical3A_1644 = arith.constant 26 : i32
      %shift_right_logical3A_1645 = vector.broadcast %shift_right_logical3A_1644 : i32 to vector<128x1024xi32>
      %shift_right_logical3A_1646 = arith.shrui %xor3A_1639, %shift_right_logical3A_1645 : vector<128x1024xi32>
      %or3A_1647 = arith.ori %shift_left3A_1643, %shift_right_logical3A_1646 : vector<128x1024xi32>
      %xor3A_1648 = arith.xori %or3A_1647, %add3A_1640 : vector<128x1024xi32>
      %add3A_1649 = arith.constant 466689008 : i32
      %add3A_1650 = vector.broadcast %add3A_1649 : i32 to vector<128x1024xi32>
      %add3A_1651 = arith.addi %add3A_1640, %add3A_1650 : vector<128x1024xi32>
      %add3A_1652 = arith.constant 5 : i32
      %add3A_1653 = vector.broadcast %add3A_1652 : i32 to vector<128x1024xi32>
      %add3A_1654 = arith.addi %xor3A_1648, %add3A_1653 : vector<128x1024xi32>
      %xor3A_1655 = arith.xori %add3A_1651, %add3A_1654 : vector<128x1024xi32>
      %shift_right_logical3A_1656 = arith.constant 9 : i32
      %shift_right_logical3A_1657 = vector.broadcast %shift_right_logical3A_1656 : i32 to vector<128x1024xi32>
      %shift_right_logical3A_1658 = arith.shrui %xor3A_1655, %shift_right_logical3A_1657 : vector<128x1024xi32>
      %reduce_max3A_1659 = arith.constant dense<-2147483648> : vector<128xi32>
      %reduce_max3A_1660 = vector.multi_reduction <maxsi>, %shift_right_logical3A_1658, %reduce_max3A_1659 [1] : vector<128x1024xi32> to vector<128xi32>
      %broadcast_in_dim3A_1661 = vector.shape_cast %reduce_max3A_1660 : vector<128xi32> to vector<128x1xi32>
      %eq3A_1662 = vector.broadcast %broadcast_in_dim3A_1661 : vector<128x1xi32> to vector<128x1024xi32>
      %eq3A_1663 = arith.cmpi eq, %shift_right_logical3A_1658, %eq3A_1662 : vector<128x1024xi32>
      %jit3A_1664 = arith.constant 1024 : i32
      %broadcast_in_dim3A_1665 = vector.broadcast %jit3A_1664 : i32 to vector<128x1024xi32>
      %select_n3A_1666 = arith.select %eq3A_1663, %select_n3A, %broadcast_in_dim3A_1665 : vector<128x1024xi1>, vector<128x1024xi32>
      %reduce_min3A_1667 = arith.constant dense<2147483647> : vector<128xi32>
      %reduce_min3A_1668 = vector.multi_reduction <minsi>, %select_n3A_1666, %reduce_min3A_1667 [1] : vector<128x1024xi32> to vector<128xi32>
      %broadcast_in_dim3A_1669 = vector.shape_cast %reduce_min3A_1668 : vector<128xi32> to vector<128x1xi32>
      %eq3A_1670 = vector.broadcast %scan3A_1444 : i32 to vector<128x128xi32>
      %eq3A_1671 = arith.cmpi eq, %iota3A_43, %eq3A_1670 : vector<128x128xi32>
      %broadcast_in_dim3A_1672 = vector.shape_cast %broadcast_in_dim3A_1669 : vector<128x1xi32> to vector<128x1xi32>
      %broadcast_in_dim3A_1673 = vector.broadcast %broadcast_in_dim3A_1672 : vector<128x1xi32> to vector<128x128xi32>
      %select_n3A_1674 = arith.select %eq3A_1671, %broadcast_in_dim3A_1673, %select_n3A_1442 : vector<128x128xi1>, vector<128x128xi32>
      %scan3A_1675 = arith.constant 7 : i32
      %scan3A_1676 = arith.addi %scan3A_57, %scan3A_1675 : i32
      %mul3A_1677 = arith.constant 1000 : i32
      %mul3A_1678 = arith.muli %scan3A_1676, %mul3A_1677 : i32
      %add3A_1679 = vector.broadcast %mul3A_1678 : i32 to vector<128x1024xi32>
      %add3A_1680 = arith.addi %add3A_10, %add3A_1679 : vector<128x1024xi32>
      %shift_left3A_1681 = arith.constant 13 : i32
      %shift_left3A_1682 = vector.broadcast %shift_left3A_1681 : i32 to vector<128x1024xi32>
      %shift_left3A_1683 = arith.shli %add3A_1680, %shift_left3A_1682 : vector<128x1024xi32>
      %shift_right_logical3A_1684 = arith.constant 19 : i32
      %shift_right_logical3A_1685 = vector.broadcast %shift_right_logical3A_1684 : i32 to vector<128x1024xi32>
      %shift_right_logical3A_1686 = arith.shrui %add3A_1680, %shift_right_logical3A_1685 : vector<128x1024xi32>
      %or3A_1687 = arith.ori %shift_left3A_1683, %shift_right_logical3A_1686 : vector<128x1024xi32>
      %xor3A_1688 = arith.xori %or3A_1687, %add3A_1680 : vector<128x1024xi32>
      %add3A_1689 = arith.addi %add3A_1680, %xor3A_1688 : vector<128x1024xi32>
      %shift_left3A_1690 = arith.constant 15 : i32
      %shift_left3A_1691 = vector.broadcast %shift_left3A_1690 : i32 to vector<128x1024xi32>
      %shift_left3A_1692 = arith.shli %xor3A_1688, %shift_left3A_1691 : vector<128x1024xi32>
      %shift_right_logical3A_1693 = arith.constant 17 : i32
      %shift_right_logical3A_1694 = vector.broadcast %shift_right_logical3A_1693 : i32 to vector<128x1024xi32>
      %shift_right_logical3A_1695 = arith.shrui %xor3A_1688, %shift_right_logical3A_1694 : vector<128x1024xi32>
      %or3A_1696 = arith.ori %shift_left3A_1692, %shift_right_logical3A_1695 : vector<128x1024xi32>
      %xor3A_1697 = arith.xori %or3A_1696, %add3A_1689 : vector<128x1024xi32>
      %add3A_1698 = arith.addi %add3A_1689, %xor3A_1697 : vector<128x1024xi32>
      %shift_left3A_1699 = arith.constant 26 : i32
      %shift_left3A_1700 = vector.broadcast %shift_left3A_1699 : i32 to vector<128x1024xi32>
      %shift_left3A_1701 = arith.shli %xor3A_1697, %shift_left3A_1700 : vector<128x1024xi32>
      %shift_right_logical3A_1702 = arith.constant 6 : i32
      %shift_right_logical3A_1703 = vector.broadcast %shift_right_logical3A_1702 : i32 to vector<128x1024xi32>
      %shift_right_logical3A_1704 = arith.shrui %xor3A_1697, %shift_right_logical3A_1703 : vector<128x1024xi32>
      %or3A_1705 = arith.ori %shift_left3A_1701, %shift_right_logical3A_1704 : vector<128x1024xi32>
      %xor3A_1706 = arith.xori %or3A_1705, %add3A_1698 : vector<128x1024xi32>
      %add3A_1707 = arith.addi %add3A_1698, %xor3A_1706 : vector<128x1024xi32>
      %shift_left3A_1708 = arith.constant 6 : i32
      %shift_left3A_1709 = vector.broadcast %shift_left3A_1708 : i32 to vector<128x1024xi32>
      %shift_left3A_1710 = arith.shli %xor3A_1706, %shift_left3A_1709 : vector<128x1024xi32>
      %shift_right_logical3A_1711 = arith.constant 26 : i32
      %shift_right_logical3A_1712 = vector.broadcast %shift_right_logical3A_1711 : i32 to vector<128x1024xi32>
      %shift_right_logical3A_1713 = arith.shrui %xor3A_1706, %shift_right_logical3A_1712 : vector<128x1024xi32>
      %or3A_1714 = arith.ori %shift_left3A_1710, %shift_right_logical3A_1713 : vector<128x1024xi32>
      %xor3A_1715 = arith.xori %or3A_1714, %add3A_1707 : vector<128x1024xi32>
      %add3A_1716 = arith.constant 42 : i32
      %add3A_1717 = vector.broadcast %add3A_1716 : i32 to vector<128x1024xi32>
      %add3A_1718 = arith.addi %add3A_1707, %add3A_1717 : vector<128x1024xi32>
      %add3A_1719 = arith.constant 466689009 : i32
      %add3A_1720 = vector.broadcast %add3A_1719 : i32 to vector<128x1024xi32>
      %add3A_1721 = arith.addi %xor3A_1715, %add3A_1720 : vector<128x1024xi32>
      %add3A_1722 = arith.addi %add3A_1718, %add3A_1721 : vector<128x1024xi32>
      %shift_left3A_1723 = arith.constant 17 : i32
      %shift_left3A_1724 = vector.broadcast %shift_left3A_1723 : i32 to vector<128x1024xi32>
      %shift_left3A_1725 = arith.shli %add3A_1721, %shift_left3A_1724 : vector<128x1024xi32>
      %shift_right_logical3A_1726 = arith.constant 15 : i32
      %shift_right_logical3A_1727 = vector.broadcast %shift_right_logical3A_1726 : i32 to vector<128x1024xi32>
      %shift_right_logical3A_1728 = arith.shrui %add3A_1721, %shift_right_logical3A_1727 : vector<128x1024xi32>
      %or3A_1729 = arith.ori %shift_left3A_1725, %shift_right_logical3A_1728 : vector<128x1024xi32>
      %xor3A_1730 = arith.xori %or3A_1729, %add3A_1722 : vector<128x1024xi32>
      %add3A_1731 = arith.addi %add3A_1722, %xor3A_1730 : vector<128x1024xi32>
      %shift_left3A_1732 = arith.constant 29 : i32
      %shift_left3A_1733 = vector.broadcast %shift_left3A_1732 : i32 to vector<128x1024xi32>
      %shift_left3A_1734 = arith.shli %xor3A_1730, %shift_left3A_1733 : vector<128x1024xi32>
      %shift_right_logical3A_1735 = arith.constant 3 : i32
      %shift_right_logical3A_1736 = vector.broadcast %shift_right_logical3A_1735 : i32 to vector<128x1024xi32>
      %shift_right_logical3A_1737 = arith.shrui %xor3A_1730, %shift_right_logical3A_1736 : vector<128x1024xi32>
      %or3A_1738 = arith.ori %shift_left3A_1734, %shift_right_logical3A_1737 : vector<128x1024xi32>
      %xor3A_1739 = arith.xori %or3A_1738, %add3A_1731 : vector<128x1024xi32>
      %add3A_1740 = arith.addi %add3A_1731, %xor3A_1739 : vector<128x1024xi32>
      %shift_left3A_1741 = arith.constant 16 : i32
      %shift_left3A_1742 = vector.broadcast %shift_left3A_1741 : i32 to vector<128x1024xi32>
      %shift_left3A_1743 = arith.shli %xor3A_1739, %shift_left3A_1742 : vector<128x1024xi32>
      %shift_right_logical3A_1744 = arith.constant 16 : i32
      %shift_right_logical3A_1745 = vector.broadcast %shift_right_logical3A_1744 : i32 to vector<128x1024xi32>
      %shift_right_logical3A_1746 = arith.shrui %xor3A_1739, %shift_right_logical3A_1745 : vector<128x1024xi32>
      %or3A_1747 = arith.ori %shift_left3A_1743, %shift_right_logical3A_1746 : vector<128x1024xi32>
      %xor3A_1748 = arith.xori %or3A_1747, %add3A_1740 : vector<128x1024xi32>
      %add3A_1749 = arith.addi %add3A_1740, %xor3A_1748 : vector<128x1024xi32>
      %shift_left3A_1750 = arith.constant 24 : i32
      %shift_left3A_1751 = vector.broadcast %shift_left3A_1750 : i32 to vector<128x1024xi32>
      %shift_left3A_1752 = arith.shli %xor3A_1748, %shift_left3A_1751 : vector<128x1024xi32>
      %shift_right_logical3A_1753 = arith.constant 8 : i32
      %shift_right_logical3A_1754 = vector.broadcast %shift_right_logical3A_1753 : i32 to vector<128x1024xi32>
      %shift_right_logical3A_1755 = arith.shrui %xor3A_1748, %shift_right_logical3A_1754 : vector<128x1024xi32>
      %or3A_1756 = arith.ori %shift_left3A_1752, %shift_right_logical3A_1755 : vector<128x1024xi32>
      %xor3A_1757 = arith.xori %or3A_1756, %add3A_1749 : vector<128x1024xi32>
      %add3A_1758 = arith.constant 466689008 : i32
      %add3A_1759 = vector.broadcast %add3A_1758 : i32 to vector<128x1024xi32>
      %add3A_1760 = arith.addi %add3A_1749, %add3A_1759 : vector<128x1024xi32>
      %add3A_1761 = arith.constant 2 : i32
      %add3A_1762 = vector.broadcast %add3A_1761 : i32 to vector<128x1024xi32>
      %add3A_1763 = arith.addi %xor3A_1757, %add3A_1762 : vector<128x1024xi32>
      %add3A_1764 = arith.addi %add3A_1760, %add3A_1763 : vector<128x1024xi32>
      %shift_left3A_1765 = arith.constant 13 : i32
      %shift_left3A_1766 = vector.broadcast %shift_left3A_1765 : i32 to vector<128x1024xi32>
      %shift_left3A_1767 = arith.shli %add3A_1763, %shift_left3A_1766 : vector<128x1024xi32>
      %shift_right_logical3A_1768 = arith.constant 19 : i32
      %shift_right_logical3A_1769 = vector.broadcast %shift_right_logical3A_1768 : i32 to vector<128x1024xi32>
      %shift_right_logical3A_1770 = arith.shrui %add3A_1763, %shift_right_logical3A_1769 : vector<128x1024xi32>
      %or3A_1771 = arith.ori %shift_left3A_1767, %shift_right_logical3A_1770 : vector<128x1024xi32>
      %xor3A_1772 = arith.xori %or3A_1771, %add3A_1764 : vector<128x1024xi32>
      %add3A_1773 = arith.addi %add3A_1764, %xor3A_1772 : vector<128x1024xi32>
      %shift_left3A_1774 = arith.constant 15 : i32
      %shift_left3A_1775 = vector.broadcast %shift_left3A_1774 : i32 to vector<128x1024xi32>
      %shift_left3A_1776 = arith.shli %xor3A_1772, %shift_left3A_1775 : vector<128x1024xi32>
      %shift_right_logical3A_1777 = arith.constant 17 : i32
      %shift_right_logical3A_1778 = vector.broadcast %shift_right_logical3A_1777 : i32 to vector<128x1024xi32>
      %shift_right_logical3A_1779 = arith.shrui %xor3A_1772, %shift_right_logical3A_1778 : vector<128x1024xi32>
      %or3A_1780 = arith.ori %shift_left3A_1776, %shift_right_logical3A_1779 : vector<128x1024xi32>
      %xor3A_1781 = arith.xori %or3A_1780, %add3A_1773 : vector<128x1024xi32>
      %add3A_1782 = arith.addi %add3A_1773, %xor3A_1781 : vector<128x1024xi32>
      %shift_left3A_1783 = arith.constant 26 : i32
      %shift_left3A_1784 = vector.broadcast %shift_left3A_1783 : i32 to vector<128x1024xi32>
      %shift_left3A_1785 = arith.shli %xor3A_1781, %shift_left3A_1784 : vector<128x1024xi32>
      %shift_right_logical3A_1786 = arith.constant 6 : i32
      %shift_right_logical3A_1787 = vector.broadcast %shift_right_logical3A_1786 : i32 to vector<128x1024xi32>
      %shift_right_logical3A_1788 = arith.shrui %xor3A_1781, %shift_right_logical3A_1787 : vector<128x1024xi32>
      %or3A_1789 = arith.ori %shift_left3A_1785, %shift_right_logical3A_1788 : vector<128x1024xi32>
      %xor3A_1790 = arith.xori %or3A_1789, %add3A_1782 : vector<128x1024xi32>
      %add3A_1791 = arith.addi %add3A_1782, %xor3A_1790 : vector<128x1024xi32>
      %shift_left3A_1792 = arith.constant 6 : i32
      %shift_left3A_1793 = vector.broadcast %shift_left3A_1792 : i32 to vector<128x1024xi32>
      %shift_left3A_1794 = arith.shli %xor3A_1790, %shift_left3A_1793 : vector<128x1024xi32>
      %shift_right_logical3A_1795 = arith.constant 26 : i32
      %shift_right_logical3A_1796 = vector.broadcast %shift_right_logical3A_1795 : i32 to vector<128x1024xi32>
      %shift_right_logical3A_1797 = arith.shrui %xor3A_1790, %shift_right_logical3A_1796 : vector<128x1024xi32>
      %or3A_1798 = arith.ori %shift_left3A_1794, %shift_right_logical3A_1797 : vector<128x1024xi32>
      %xor3A_1799 = arith.xori %or3A_1798, %add3A_1791 : vector<128x1024xi32>
      %add3A_1800 = arith.constant 45 : i32
      %add3A_1801 = vector.broadcast %add3A_1800 : i32 to vector<128x1024xi32>
      %add3A_1802 = arith.addi %xor3A_1799, %add3A_1801 : vector<128x1024xi32>
      %add3A_1803 = arith.addi %add3A_1791, %add3A_1802 : vector<128x1024xi32>
      %shift_left3A_1804 = arith.constant 17 : i32
      %shift_left3A_1805 = vector.broadcast %shift_left3A_1804 : i32 to vector<128x1024xi32>
      %shift_left3A_1806 = arith.shli %add3A_1802, %shift_left3A_1805 : vector<128x1024xi32>
      %shift_right_logical3A_1807 = arith.constant 15 : i32
      %shift_right_logical3A_1808 = vector.broadcast %shift_right_logical3A_1807 : i32 to vector<128x1024xi32>
      %shift_right_logical3A_1809 = arith.shrui %add3A_1802, %shift_right_logical3A_1808 : vector<128x1024xi32>
      %or3A_1810 = arith.ori %shift_left3A_1806, %shift_right_logical3A_1809 : vector<128x1024xi32>
      %xor3A_1811 = arith.xori %or3A_1810, %add3A_1803 : vector<128x1024xi32>
      %add3A_1812 = arith.addi %add3A_1803, %xor3A_1811 : vector<128x1024xi32>
      %shift_left3A_1813 = arith.constant 29 : i32
      %shift_left3A_1814 = vector.broadcast %shift_left3A_1813 : i32 to vector<128x1024xi32>
      %shift_left3A_1815 = arith.shli %xor3A_1811, %shift_left3A_1814 : vector<128x1024xi32>
      %shift_right_logical3A_1816 = arith.constant 3 : i32
      %shift_right_logical3A_1817 = vector.broadcast %shift_right_logical3A_1816 : i32 to vector<128x1024xi32>
      %shift_right_logical3A_1818 = arith.shrui %xor3A_1811, %shift_right_logical3A_1817 : vector<128x1024xi32>
      %or3A_1819 = arith.ori %shift_left3A_1815, %shift_right_logical3A_1818 : vector<128x1024xi32>
      %xor3A_1820 = arith.xori %or3A_1819, %add3A_1812 : vector<128x1024xi32>
      %add3A_1821 = arith.addi %add3A_1812, %xor3A_1820 : vector<128x1024xi32>
      %shift_left3A_1822 = arith.constant 16 : i32
      %shift_left3A_1823 = vector.broadcast %shift_left3A_1822 : i32 to vector<128x1024xi32>
      %shift_left3A_1824 = arith.shli %xor3A_1820, %shift_left3A_1823 : vector<128x1024xi32>
      %shift_right_logical3A_1825 = arith.constant 16 : i32
      %shift_right_logical3A_1826 = vector.broadcast %shift_right_logical3A_1825 : i32 to vector<128x1024xi32>
      %shift_right_logical3A_1827 = arith.shrui %xor3A_1820, %shift_right_logical3A_1826 : vector<128x1024xi32>
      %or3A_1828 = arith.ori %shift_left3A_1824, %shift_right_logical3A_1827 : vector<128x1024xi32>
      %xor3A_1829 = arith.xori %or3A_1828, %add3A_1821 : vector<128x1024xi32>
      %add3A_1830 = arith.addi %add3A_1821, %xor3A_1829 : vector<128x1024xi32>
      %shift_left3A_1831 = arith.constant 24 : i32
      %shift_left3A_1832 = vector.broadcast %shift_left3A_1831 : i32 to vector<128x1024xi32>
      %shift_left3A_1833 = arith.shli %xor3A_1829, %shift_left3A_1832 : vector<128x1024xi32>
      %shift_right_logical3A_1834 = arith.constant 8 : i32
      %shift_right_logical3A_1835 = vector.broadcast %shift_right_logical3A_1834 : i32 to vector<128x1024xi32>
      %shift_right_logical3A_1836 = arith.shrui %xor3A_1829, %shift_right_logical3A_1835 : vector<128x1024xi32>
      %or3A_1837 = arith.ori %shift_left3A_1833, %shift_right_logical3A_1836 : vector<128x1024xi32>
      %xor3A_1838 = arith.xori %or3A_1837, %add3A_1830 : vector<128x1024xi32>
      %add3A_1839 = arith.constant 42 : i32
      %add3A_1840 = vector.broadcast %add3A_1839 : i32 to vector<128x1024xi32>
      %add3A_1841 = arith.addi %add3A_1830, %add3A_1840 : vector<128x1024xi32>
      %add3A_1842 = arith.constant 466689012 : i32
      %add3A_1843 = vector.broadcast %add3A_1842 : i32 to vector<128x1024xi32>
      %add3A_1844 = arith.addi %xor3A_1838, %add3A_1843 : vector<128x1024xi32>
      %add3A_1845 = arith.addi %add3A_1841, %add3A_1844 : vector<128x1024xi32>
      %shift_left3A_1846 = arith.constant 13 : i32
      %shift_left3A_1847 = vector.broadcast %shift_left3A_1846 : i32 to vector<128x1024xi32>
      %shift_left3A_1848 = arith.shli %add3A_1844, %shift_left3A_1847 : vector<128x1024xi32>
      %shift_right_logical3A_1849 = arith.constant 19 : i32
      %shift_right_logical3A_1850 = vector.broadcast %shift_right_logical3A_1849 : i32 to vector<128x1024xi32>
      %shift_right_logical3A_1851 = arith.shrui %add3A_1844, %shift_right_logical3A_1850 : vector<128x1024xi32>
      %or3A_1852 = arith.ori %shift_left3A_1848, %shift_right_logical3A_1851 : vector<128x1024xi32>
      %xor3A_1853 = arith.xori %or3A_1852, %add3A_1845 : vector<128x1024xi32>
      %add3A_1854 = arith.addi %add3A_1845, %xor3A_1853 : vector<128x1024xi32>
      %shift_left3A_1855 = arith.constant 15 : i32
      %shift_left3A_1856 = vector.broadcast %shift_left3A_1855 : i32 to vector<128x1024xi32>
      %shift_left3A_1857 = arith.shli %xor3A_1853, %shift_left3A_1856 : vector<128x1024xi32>
      %shift_right_logical3A_1858 = arith.constant 17 : i32
      %shift_right_logical3A_1859 = vector.broadcast %shift_right_logical3A_1858 : i32 to vector<128x1024xi32>
      %shift_right_logical3A_1860 = arith.shrui %xor3A_1853, %shift_right_logical3A_1859 : vector<128x1024xi32>
      %or3A_1861 = arith.ori %shift_left3A_1857, %shift_right_logical3A_1860 : vector<128x1024xi32>
      %xor3A_1862 = arith.xori %or3A_1861, %add3A_1854 : vector<128x1024xi32>
      %add3A_1863 = arith.addi %add3A_1854, %xor3A_1862 : vector<128x1024xi32>
      %shift_left3A_1864 = arith.constant 26 : i32
      %shift_left3A_1865 = vector.broadcast %shift_left3A_1864 : i32 to vector<128x1024xi32>
      %shift_left3A_1866 = arith.shli %xor3A_1862, %shift_left3A_1865 : vector<128x1024xi32>
      %shift_right_logical3A_1867 = arith.constant 6 : i32
      %shift_right_logical3A_1868 = vector.broadcast %shift_right_logical3A_1867 : i32 to vector<128x1024xi32>
      %shift_right_logical3A_1869 = arith.shrui %xor3A_1862, %shift_right_logical3A_1868 : vector<128x1024xi32>
      %or3A_1870 = arith.ori %shift_left3A_1866, %shift_right_logical3A_1869 : vector<128x1024xi32>
      %xor3A_1871 = arith.xori %or3A_1870, %add3A_1863 : vector<128x1024xi32>
      %add3A_1872 = arith.addi %add3A_1863, %xor3A_1871 : vector<128x1024xi32>
      %shift_left3A_1873 = arith.constant 6 : i32
      %shift_left3A_1874 = vector.broadcast %shift_left3A_1873 : i32 to vector<128x1024xi32>
      %shift_left3A_1875 = arith.shli %xor3A_1871, %shift_left3A_1874 : vector<128x1024xi32>
      %shift_right_logical3A_1876 = arith.constant 26 : i32
      %shift_right_logical3A_1877 = vector.broadcast %shift_right_logical3A_1876 : i32 to vector<128x1024xi32>
      %shift_right_logical3A_1878 = arith.shrui %xor3A_1871, %shift_right_logical3A_1877 : vector<128x1024xi32>
      %or3A_1879 = arith.ori %shift_left3A_1875, %shift_right_logical3A_1878 : vector<128x1024xi32>
      %xor3A_1880 = arith.xori %or3A_1879, %add3A_1872 : vector<128x1024xi32>
      %add3A_1881 = arith.constant 466689008 : i32
      %add3A_1882 = vector.broadcast %add3A_1881 : i32 to vector<128x1024xi32>
      %add3A_1883 = arith.addi %add3A_1872, %add3A_1882 : vector<128x1024xi32>
      %add3A_1884 = arith.constant 5 : i32
      %add3A_1885 = vector.broadcast %add3A_1884 : i32 to vector<128x1024xi32>
      %add3A_1886 = arith.addi %xor3A_1880, %add3A_1885 : vector<128x1024xi32>
      %xor3A_1887 = arith.xori %add3A_1883, %add3A_1886 : vector<128x1024xi32>
      %shift_right_logical3A_1888 = arith.constant 9 : i32
      %shift_right_logical3A_1889 = vector.broadcast %shift_right_logical3A_1888 : i32 to vector<128x1024xi32>
      %shift_right_logical3A_1890 = arith.shrui %xor3A_1887, %shift_right_logical3A_1889 : vector<128x1024xi32>
      %reduce_max3A_1891 = arith.constant dense<-2147483648> : vector<128xi32>
      %reduce_max3A_1892 = vector.multi_reduction <maxsi>, %shift_right_logical3A_1890, %reduce_max3A_1891 [1] : vector<128x1024xi32> to vector<128xi32>
      %broadcast_in_dim3A_1893 = vector.shape_cast %reduce_max3A_1892 : vector<128xi32> to vector<128x1xi32>
      %eq3A_1894 = vector.broadcast %broadcast_in_dim3A_1893 : vector<128x1xi32> to vector<128x1024xi32>
      %eq3A_1895 = arith.cmpi eq, %shift_right_logical3A_1890, %eq3A_1894 : vector<128x1024xi32>
      %jit3A_1896 = arith.constant 1024 : i32
      %broadcast_in_dim3A_1897 = vector.broadcast %jit3A_1896 : i32 to vector<128x1024xi32>
      %select_n3A_1898 = arith.select %eq3A_1895, %select_n3A, %broadcast_in_dim3A_1897 : vector<128x1024xi1>, vector<128x1024xi32>
      %reduce_min3A_1899 = arith.constant dense<2147483647> : vector<128xi32>
      %reduce_min3A_1900 = vector.multi_reduction <minsi>, %select_n3A_1898, %reduce_min3A_1899 [1] : vector<128x1024xi32> to vector<128xi32>
      %broadcast_in_dim3A_1901 = vector.shape_cast %reduce_min3A_1900 : vector<128xi32> to vector<128x1xi32>
      %eq3A_1902 = vector.broadcast %scan3A_1676 : i32 to vector<128x128xi32>
      %eq3A_1903 = arith.cmpi eq, %iota3A_43, %eq3A_1902 : vector<128x128xi32>
      %broadcast_in_dim3A_1904 = vector.shape_cast %broadcast_in_dim3A_1901 : vector<128x1xi32> to vector<128x1xi32>
      %broadcast_in_dim3A_1905 = vector.broadcast %broadcast_in_dim3A_1904 : vector<128x1xi32> to vector<128x128xi32>
      %select_n3A_1906 = arith.select %eq3A_1903, %broadcast_in_dim3A_1905, %select_n3A_1674 : vector<128x128xi1>, vector<128x128xi32>
      scf.yield %select_n3A_1906 : vector<128x128xi32>
    }
    %scan3A_50 = arith.constant 16 : i32
    %swap3A_51 = arith.constant 0 : index
    %swap3A_52 = arith.constant 0 : index
    %swap3A_53 = arith.constant 0 : index
    %swap3A_54 = vector.load %arg2[%swap3A_51, %swap3A_52, %swap3A_53] : memref<1x128x128xi32, #tpu.memory_space<vmem>>, vector<1x128x128xi32>
    %swap3A_55 = vector.shape_cast %swap3A_54 : vector<1x128x128xi32> to vector<128x128xi32>
    %swap3A_56 = vector.shape_cast %scan3A_49 : vector<128x128xi32> to vector<1x128x128xi32>
    tpu.vector_store %arg2[%swap3A_51, %swap3A_52, %swap3A_53], %swap3A_56 {strides = array<i32>} : memref<1x128x128xi32, #tpu.memory_space<vmem>>, vector<1x128x128xi32>,
    return
  }
  func.func @transform_0(%arg0: i32) -> (i32, i32) {
    %c0_i32 = arith.constant 0 : i32
    %c0_i32_0 = arith.constant 0 : i32
    %c0_i32_1 = arith.constant 0 : i32
    return %c0_i32, %c0_i32_0 : i32, i32
  }
  func.func @transform_1(%arg0: i32) -> (i32, i32, i32) {
    %c0_i32 = arith.constant 0 : i32
    %c0_i32_0 = arith.constant 0 : i32
    %c0_i32_1 = arith.constant 0 : i32
    return %arg0, %c0_i32, %c0_i32_0 : i32, i32, i32
  }
  func.func @transform_2(%arg0: i32) -> (i32, i32) {
    %c0_i32 = arith.constant 0 : i32
    %c0_i32_0 = arith.constant 0 : i32
    %c0_i32_1 = arith.constant 0 : i32
    return %c0_i32, %c0_i32_0 : i32, i32
  }
}

</mosaic_0001>

<sc_bundles>
// kernel: kernel.5.cloned.1.call-start
scs
__scs_entry_jumppad:
0x0: {  	(pc) =	sbr.rel $0x88, $3  }
0x1: {  	(tag) =	ssettag $0x0;
	lr =	simm.s32 $0x1  }
0x2: {  	[smem:$0x3FA0] =	sst lr;
	_ =	strace $0xD0000000  }
0x3: {  	_ = 	snop  }
0x4: {  	_ = 	snop  }
0x5: {  	_ = 	snop  }
0x6: {  	_ = 	snop  }
0x7: {  	_ = 	snop  }
__scs_overlays_trampoline_lowered:
0x8: {  	[smem:$0x3FAF] =	sst s0  }
0x9: {  	[smem:$0x3FB0] =	sst s1  }
0xa: {  	[smem:$0x3FB1] =	sst s2  }
0xb: {  	[smem:$0x3FB2] =	sst s3  }
0xc: {  	[smem:$0x3FB3] =	sst s4  }
0xd: {  	[smem:$0x3FB4] =	sst s5  }
0xe: {  	[smem:$0x3FB5] =	sst s6  }
0xf: {  	[smem:$0x3FB6] =	sst s7  }
0x10: {  	[smem:$0x3FB7] =	sst s8  }
0x11: {  	[smem:$0x3FB8] =	sst s9;
	s0 =	simm.s32 @!p0 $0x0  }
0x12: {  	s1 =	sld [smem:$0x3F9E];
	s0 =	simm.s32 @p0 $0x1  }
0x13: {  	[smem:$0x3FB9] =	sst s0;
	s0 =	simm.s32 @!p1 $0x0  }
0x14: {  	s2 =	sld [smem:$0x3F9D];
	s0 =	simm.s32 @p1 $0x1  }
0x15: {  	[smem:$0x3FBA] =	sst s0;
	s0 =	simm.s32 @!p2 $0x0  }
0x16: {  	s3 =	sld [smem:$0x3FDB];
	s0 =	simm.s32 @p2 $0x1  }
0x17: {  	s4 =	simm.s32 $0x1BF5;
	[smem:$0x3FBC] =	sst s0  }
0x18: {  	s0 =	sld [smem:$0x3F9F];
	_ =	swait.ge [sflag:s4], $0x0  }
0x19: {  	s7 =	sld [smem:$0x3FA0]  }
0x1a: {  	s8 =	sadd.s32 $0xFFFFE003, lr  }
0x1b: {  	s9 =	sadd.s32 $0xFFFFFEF7, lr;
	s5 =	simm.s32 $0xFFFFFFFF;
	p2 =	slt.u32 s8, $0xFFFFF086  }
0x1c: {  	p1 =	slt.u32 s9, $0xF7A;
	s5 =	simm.s32 @!p2 $0x0  }
0x1d: {  	s5 =	simm.s32 @p1 $0x1;
	p0 =	seq.s32 s7, s2  }
0x1e: {  	s7 =	smul.u32 @!p0 $0xF7A, s2;
	p2 =	seq.s32 @!p0 s5, $0x0  }
0x1f: {  	s9 =	smul.u32 $0xF7A, s1;
	s8 =	simm.s32 @!p0 $0x1BF5;
	p2 =	por !p2, p0  }
0x20: {  	[sflag:s8] =	ssyncset.s32 @!p0 $0xFFFFF086;
	s6 =	sadd.s32 @!p0 s3, s7;
	s7 =	simm.s32 @!p0 $0x108  }
0x21: {  	s3 =	sadd.s32 s3, s9;
	s6 =	sadd.s32 @!p0 $0x88, s6;
	s7 =	simm.s32 @p2 $0x1082  }
0x22: {  	[simem:s7], [sflag:s8] =	dma.local @!p0 [hbm:s6], $0xF7A  }
0x23: {  	s9 =	sor.u32 $0xD0000000, s2;
	s6 =	simm.s32 $0x108;
	_ =	swait.ge @!p0 [sflag:s8], $0x0  }
0x24: {  	s3 =	sadd.s32 $0x88, s3;
	s6 =	simm.s32 @!p1 $0x1082;
	[sflag:s4] =	ssyncset.s32 $0xFFFFF086  }
0x25: {  	[simem:s6], [sflag:s4] =	dma.local [hbm:s3], $0xF7A  }
0x26: {  	[smem:$0x3FA0] =	sst s1;
	(tag) =	ssettag s2;
	_ =	strace s9  }
0x27: {  	s1 =	sld [smem:$0x3FB0]  }
0x28: {  	s2 =	sld [smem:$0x3FB1]  }
0x29: {  	s4 =	sld [smem:$0x3FB3]  }
0x2a: {  	p0 =	seq.s32 s5, $0x0;
	s5 =	sld [smem:$0x3FB4]  }
0x2b: {  	s6 =	sld [smem:$0x3FB5]  }
0x2c: {  	s7 =	sld [smem:$0x3FB6]  }
0x2d: {  	s3 =	simm.s32 $0x108;
	s8 =	sld [smem:$0x3FB7]  }
0x2e: {  	s3 =	simm.s32 @!p0 $0x1082;
	s9 =	sld [smem:$0x3FB8]  }
0x2f: {  	lr =	sadd.s32 s0, s3;
	s0 =	sld [smem:$0x3FAF]  }
0x30: {  	s3 =	sld [smem:$0x3FB2]  }
0x31: {  	[smem:$0x3FBB] =	sst s10  }
0x32: {  	s10 =	sld [smem:$0x3FB9];
	_ =	sdelay $0x3  }
0x33: {  	p0 =	seq.s32 s10, $0x1;
	s10 =	sld [smem:$0x3FBB];
	_ =	sdelay $0x3  }
0x34: {  	[smem:$0x3FBB] =	sst s10  }
0x35: {  	s10 =	sld [smem:$0x3FBA];
	_ =	sdelay $0x3  }
0x36: {  	p1 =	seq.s32 s10, $0x1;
	s10 =	sld [smem:$0x3FBB];
	_ =	sdelay $0x3  }
0x37: {  	[smem:$0x3FBB] =	sst s10  }
0x38: {  	s10 =	sld [smem:$0x3FBC]  }
0x39: {  	_ = 	snop;
	(pc) =	sbr.ind lr, $3  }
0x3a: {  	_ = 	snop  }
0x3b: {  	_ = 	snop  }
0x3c: {  	p2 =	seq.s32 s10, $0x1;
	s10 =	sld [smem:$0x3FBB]  }
0x3d: {  	_ =	shalt  }
0x3e: {  	_ =	shalt  }
0x3f: {  	_ =	shalt  }
0x40: {  	_ =	shalt  }
0x41: {  	_ =	shalt  }
0x42: {  	_ =	shalt  }
0x43: {  	_ =	shalt  }
0x44: {  	_ =	shalt  }
0x45: {  	_ =	shalt  }
0x46: {  	_ =	shalt  }
0x47: {  	_ =	shalt  }
0x48: {  	_ =	shalt  }
0x49: {  	_ =	shalt  }
0x4a: {  	_ =	shalt  }
0x4b: {  	_ =	shalt  }
0x4c: {  	_ =	shalt  }
0x4d: {  	_ =	shalt  }
0x4e: {  	_ =	shalt  }
0x4f: {  	_ =	shalt  }
0x50: {  	_ =	shalt  }
0x51: {  	_ =	shalt  }
0x52: {  	_ =	shalt  }
0x53: {  	_ =	shalt  }
0x54: {  	_ =	shalt  }
0x55: {  	_ =	shalt  }
0x56: {  	_ =	shalt  }
0x57: {  	_ =	shalt  }
0x58: {  	_ =	shalt  }
0x59: {  	_ =	shalt  }
0x5a: {  	_ =	shalt  }
0x5b: {  	_ =	shalt  }
0x5c: {  	_ =	shalt  }
0x5d: {  	_ =	shalt  }
0x5e: {  	_ =	shalt  }
0x5f: {  	_ =	shalt  }
0x60: {  	_ =	shalt  }
0x61: {  	_ =	shalt  }
0x62: {  	_ =	shalt  }
0x63: {  	_ =	shalt  }
0x64: {  	_ =	shalt  }
0x65: {  	_ =	shalt  }
0x66: {  	_ =	shalt  }
0x67: {  	_ =	shalt  }
0x68: {  	_ =	shalt  }
0x69: {  	_ =	shalt  }
0x6a: {  	_ =	shalt  }
0x6b: {  	_ =	shalt  }
0x6c: {  	_ =	shalt  }
0x6d: {  	_ =	shalt  }
0x6e: {  	_ =	shalt  }
0x6f: {  	_ =	shalt  }
0x70: {  	_ =	shalt  }
0x71: {  	_ =	shalt  }
0x72: {  	_ =	shalt  }
0x73: {  	_ =	shalt  }
0x74: {  	_ =	shalt  }
0x75: {  	_ =	shalt  }
0x76: {  	_ =	shalt  }
0x77: {  	_ =	shalt  }
0x78: {  	_ =	shalt  }
0x79: {  	_ =	shalt  }
0x7a: {  	_ =	shalt  }
0x7b: {  	_ =	shalt  }
0x7c: {  	_ =	shalt  }
0x7d: {  	_ =	shalt  }
0x7e: {  	_ =	shalt  }
0x7f: {  	_ =	shalt  }
0x80: {  	_ =	shalt  }
0x81: {  	_ =	shalt  }
0x82: {  	_ =	shalt  }
0x83: {  	_ =	shalt  }
0x84: {  	_ =	shalt  }
0x85: {  	_ =	shalt  }
0x86: {  	_ =	shalt  }
0x87: {  	_ =	shalt  }
.Lfunc_end0:
.L_simem_size_0:
called_computation_lowered:
.L_overlay_start_0:
0x88: {  	s2 =	sld [smem:$0x3FD9]  }
0x89: {  	s3 =	sld [smem:$0x3FFE];
	_ =	sdelay $0x1  }
0x8a: {  	s1 =	srdreg.scid  }
0x8b: {  	s0 =	sand.u32 $0x1, s1  }
0x8c: {  	s15 =	sshll.u32 s0, $0xA;
	s2 =	sadd.s32 s3, s2  }
0x8d: {  	s2 =	sadd.s32 s2, s15  }
0x8e: {  	[smem:$0x3FC7] =	sst s2  }
0x8f: {  	_ = 	snop  }
0x90: {  	s2 =	sld [smem:$0x3FD0];
	_ =	sdelay $0x2  }
0x91: {  	s16 =	simm.s32 $0xA;
	s4 =	simm.s32 $0x10  }
0x92: {  	[smem:s4], [sflag:s16] =	dma.local [hbm:s2], $0x1  }
0x93: {  	_ =	swait.eq [sflag:s16], $0x1  }
0x94: {  	[sflag:s16] =	ssyncset.done $0x0  }
0x95: {  	[sflag:s16] =	ssyncadd.s32 $0xFFFFFFFF  }
0x96: {  	s17 =	sld [smem:$0x10];
	(tm) =	ssettm $0x1  }
0x97: {  	s18 =	sld [smem:$0x3FFB];
	_ =	sdelay $0x3  }
0x98: {  	_ =	strace s18  }
0x99: {  	s3 =	sld [smem:$0x3FFC];
	_ =	sdelay $0x3  }
0x9a: {  	_ =	strace s3  }
0x9b: {  	s3 =	sld [smem:$0x3FFD];
	_ =	sdelay $0x3  }
0x9c: {  	_ =	strace s3  }
0x9d: {  	_ =	strace $0x8FFFFFFF  }
0x9e: {  	s19 =	sld [smem:$0x3FDB];
	_ =	sdelay $0x1  }
0x9f: {  	s20 =	simm.s32 $_scs_section_size  }
0xa0: {  	s5 =	simm.s32 $_size__tile_overlayer_lowered;
	s6 =	simm.s32 $_tile_overlayer_lowered  }
0xa1: {  	s23 =	simm.s32 $0x1BFF;
	s22 =	sshll.u32 s6, $0x1;
	s3 =	sadd.s32 s20, s19  }
0xa2: {  	s7 =	simm.s32 $0x0;
	s21 =	sshll.u32 s5, $0x1;
	s5 =	sadd.s32 s22, s3  }
0xa3: {  	[timem:s7], [sflag:s23] =	dma.local [hbm:s5], s21  }
0xa4: {  	_ =	swait.ge [sflag:s23], s21  }
0xa5: {  	s4 =	ssub.s32 $0x0, s21;
	[sflag:s23] =	ssyncset.done $0x0  }
0xa6: {  	[sflag:s23] =	ssyncadd.s32 s4;
	_ =	sdelay $0x1  }
0xa7: {  	s24 =	simm.s32 $0x1B8B  }
0xa8: {  	_ =	swait.ge [sflag:s24], $0x1  }
0xa9: {  	[sflag:s24] =	ssyncset.done $0x0  }
0xaa: {  	s25 =	simm.s32 $0x1B8E;
	[sflag:s24] =	ssyncadd.s32 $0xFFFFFFFF  }
0xab: {  	s26 =	simm.s32 $execute0_lowered;
	[smem:$0x3FD2] =	sst s25  }
0xac: {  	s4 =	sshll.u32 s26, $0x1;
	_ =	strace $0x80000046;
	[dreg:$0x1] =	wrdreg $0xFFFFFFFF  }
0xad: {  	s28 =	simm.s32 $_size_execute0_lowered;
	s3 =	sadd.s32 s3, s4;
	[dreg:$0x0] =	wrdreg $0x0  }
0xae: {  	s4 =	sshll.u32 s28, $0x1;
	[dreg:$0x2] =	wrdreg s3  }
0xaf: {  	[dreg:$0x3] =	wrdreg s4  }
0xb0: {  	[dreg:$0x4] =	wrdreg $0xC0  }
0xb1: {  	_ =	task [dreg:s7], $0x5FFFF  }
0xb2: {  	[dreg:$0x1] =	wrdreg $0xFFFFFFFF  }
0xb3: {  	[dreg:$0x0] =	wrdreg $0x60  }
0xb4: {  	[dreg:$0x2] =	wrdreg s17  }
0xb5: {  	[dreg:$0x3] =	wrdreg $0x9  }
0xb6: {  	_ =	task.clear_ibuf [dreg:s7], $0x4FFFF;
	_ =	strace $0x90000046  }
0xb7: {  	s29 =	simm.s32 $0x9;
	_ =	strace $0x80000048  }
0xb8: {  	_ =	swait.ge [sflag:s29], $0x1  }
0xb9: {  	[sflag:s29] =	ssyncadd.s32 $0xFFFFFFFF  }
0xba: {  	_ =	strace $0x90000048  }
0xbb: {  	_ =	sfence  }
0xbc: {  	s30 =	sld [smem:$0x0];
	_ =	sdelay $0x2  }
0xbd: {  	s31 =	sshll.u32 s1, $0xD;
	s1 =	sshrl.u32 s1, $0x2  }
0xbe: {  	s3 =	sand.u32 $0x4000, s31;
	s1 =	sadd.s32 s1, s30  }
0xbf: {  	s0 =	sor.u32 s3, s0;
	s1 =	sshll.u32 s1, $0x11  }
0xc0: {  	s0 =	sor.u32 s1, s0  }
0xc1: {  	s0 =	sadd.s32 $0x8F2B, s0  }
0xc2: {  	[sflag:s0] =	ssyncadd.remote.s32 $0x1  }
0xc3: {  	_ =	sfence.sel $0xFFFF  }
0xc4: {  	[dreg:$0x0] =	wrdreg $0xFFFFFFFF;
	(pc) =	sbr.abs _section_cstart, $3  }
0xc5: {  	[dreg:$0x1] =	wrdreg $0xFFFFFFFF  }
0xc6: {  	_ =	task.clear_ibuf [dreg:s7], $0x2FFFF;
	_ =	strace $0x9FFFFFFF  }
0xc7: {  	(tm) =	ssettm $0x7FFFFFFF  }
tec
execute0_lowered:
.L_overlay_start_1:
0x0: {  	(tag) =	ssettag $0x1  }
0x1: {  	s4 =	rddreg [dreg:$0x0]  }
0x2: {  	s0 =	rddreg [dreg:$0x1]  }
0x3: {  	s2 =	simm.s32 $0x0;
	s3 =	srdreg.scid;
	s1 =	stileid.u32  }
0x4: {  	[smem:$0x7FF] =	sst s2;
	s3 =	sand.u32 $0x1, s3;
	s5 =	sshll.u32 s1, $0x1  }
0x5: {  	_ =	strace $0x80000047;
	s6 =	ssub.s32 $0x2, s3;
	s3 =	sor.u32 s3, s5  }
0x6: {  	s31 =	sshrl.u32 s6, $0x1;
	s7 =	sshll.u32 s3, $0x8;
	s8 =	sshll.u32 s3, $0x5  }
0x7: {  	s5 =	ssub.s32 s6, s31;
	s3 =	sor.u32 $0x6000, s7;
	s4 =	sadd.s32 s4, s8  }
0x8: {  	v0 =	vlaneseq.u32;
	s6 =	simm.s32 $0x1;
	s7 =	simm.s32 $0x0;
	s5 =	smax.u32 s5, $0x1  }
.LBB2_1:
0x9: {  	s8 =	simm.s32 $0x10;
	s9 =	simm.s32 $0x0  }
.LBB2_2:
0xa: {  	s10 =	sshll.u32 s9, $0x4  }
0xb: {  	v1 =	vimm.s32 $0x0;
	s11 =	smov.u32 s10  }
.LBB2_3:
0xc: {  	s12 =	sadd.s32 s11, s3  }
0xd: {  	s12 =	smul.u32 $0x3E8, s12  }
0xe: {  	s13 =	simm.s32 $0x10  }
0xf: {  	v6 =	vimm.s32 $0xFFFFFFFF;
	v5 =	vimm.s32 $0x40000000;
	s31 =	simm.s32 $0x20;
	s14 =	simm.s32 $0x0;
	v4 =	vor.u32 s13, v0;
	s12 =	sadd.s32 $0x2A, s12  }
0x10: {  	v2 =	vor.u32 s31, v0;
	v7 =	vor.u32 s14, v0;
	v3 =	vmov s12  }
0x11: {  	vm1 =	vlt.u32 v7, $0x3E8;
	vm0 =	vlt.u32 v4, $0x3E8;
	v8 =	vadd.s32 v3, v2  }
0x12: {  	v9 =	vadd.s32 v3, v4;
	v12 =	vadd.s32 v3, v7;
	v10 =	vshrl.u32 v8, $0x13  }
0x13: {  	v11 =	vshll.u32 v8, $0xD;
	v13 =	vshrl.u32 v9, $0x13;
	v14 =	vshll.u32 v12, $0xD  }
0x14: {  	v15 =	vshll.u32 v9, $0xD;
	v10 =	vor.u32 v10, v11;
	v11 =	vshrl.u32 v12, $0x13  }
0x15: {  	v13 =	vor.u32 v13, v15;
	v11 =	vor.u32 v11, v14;
	v10 =	vxor.u32 v8, v10  }
0x16: {  	v13 =	vxor.u32 v9, v13;
	v8 =	vadd.s32 v8, v10;
	v53 =	vshrl.u32 v10, $0x11  }
0x17: {  	v10 =	vshll.u32 v10, $0xF;
	v11 =	vxor.u32 v12, v11;
	v9 =	vadd.s32 v9, v13  }
0x18: {  	v54 =	vshrl.u32 v13, $0x11;
	v13 =	vshll.u32 v13, $0xF;
	v10 =	vor.u32 v53, v10  }
0x19: {  	v12 =	vadd.s32 v12, v11;
	v55 =	vshrl.u32 v11, $0x11;
	v11 =	vshll.u32 v11, $0xF  }
0x1a: {  	v13 =	vor.u32 v54, v13;
	v11 =	vor.u32 v55, v11;
	v10 =	vxor.u32 v8, v10  }
0x1b: {  	v13 =	vxor.u32 v9, v13;
	v8 =	vadd.s32 v8, v10;
	v56 =	vshrl.u32 v10, $0x6  }
0x1c: {  	v10 =	vshll.u32 v10, $0x1A;
	v11 =	vxor.u32 v12, v11;
	v9 =	vadd.s32 v9, v13  }
0x1d: {  	v57 =	vshrl.u32 v13, $0x6;
	v13 =	vshll.u32 v13, $0x1A;
	v10 =	vor.u32 v56, v10  }
0x1e: {  	v12 =	vadd.s32 v12, v11;
	v58 =	vshrl.u32 v11, $0x6;
	v11 =	vshll.u32 v11, $0x1A  }
0x1f: {  	v13 =	vor.u32 v57, v13;
	v11 =	vor.u32 v58, v11;
	v10 =	vxor.u32 v8, v10  }
0x20: {  	v13 =	vxor.u32 v9, v13;
	v8 =	vadd.s32 v8, v10;
	v59 =	vshrl.u32 v10, $0x1A  }
0x21: {  	v10 =	vshll.u32 v10, $0x6;
	v11 =	vxor.u32 v12, v11;
	v9 =	vadd.s32 v9, v13  }
0x22: {  	v60 =	vshrl.u32 v13, $0x1A;
	v13 =	vshll.u32 v13, $0x6;
	v10 =	vor.u32 v59, v10  }
0x23: {  	v12 =	vadd.s32 v12, v11;
	v61 =	vshrl.u32 v11, $0x1A;
	v11 =	vshll.u32 v11, $0x6  }
0x24: {  	v13 =	vor.u32 v60, v13;
	v11 =	vor.u32 v61, v11;
	v10 =	vxor.u32 v8, v10  }
0x25: {  	v13 =	vxor.u32 v9, v13;
	v11 =	vxor.u32 v12, v11;
	v10 =	vadd.s32 $0x1BD11BF1, v10  }
0x26: {  	v13 =	vadd.s32 $0x1BD11BF1, v13;
	v8 =	vadd.s32 v10, v8;
	v62 =	vshrl.u32 v10, $0xF  }
0x27: {  	v10 =	vshll.u32 v10, $0x11;
	v11 =	vadd.s32 $0x1BD11BF1, v11;
	v9 =	vadd.s32 v13, v9  }
0x28: {  	v63 =	vshrl.u32 v13, $0xF;
	v13 =	vshll.u32 v13, $0x11;
	v8 =	vadd.s32 $0x2A, v8  }
0x29: {  	v10 =	vor.u32 v62, v10;
	v12 =	vadd.s32 v11, v12;
	v16 =	vshrl.u32 v11, $0xF  }
0x2a: {  	v11 =	vshll.u32 v11, $0x11;
	v9 =	vadd.s32 $0x2A, v9;
	v13 =	vor.u32 v63, v13  }
0x2b: {  	v10 =	vxor.u32 v8, v10;
	v12 =	vadd.s32 $0x2A, v12;
	v11 =	vor.u32 v16, v11  }
0x2c: {  	v13 =	vxor.u32 v9, v13;
	v8 =	vadd.s32 v8, v10;
	v17 =	vshrl.u32 v10, $0x3  }
0x2d: {  	v10 =	vshll.u32 v10, $0x1D;
	v11 =	vxor.u32 v12, v11;
	v9 =	vadd.s32 v9, v13  }
0x2e: {  	v18 =	vshrl.u32 v13, $0x3;
	v13 =	vshll.u32 v13, $0x1D;
	v10 =	vor.u32 v17, v10  }
0x2f: {  	v12 =	vadd.s32 v12, v11;
	v19 =	vshrl.u32 v11, $0x3;
	v11 =	vshll.u32 v11, $0x1D  }
0x30: {  	v13 =	vor.u32 v18, v13;
	v11 =	vor.u32 v19, v11;
	v10 =	vxor.u32 v8, v10  }
0x31: {  	v13 =	vxor.u32 v9, v13;
	v8 =	vadd.s32 v8, v10;
	v20 =	vshrl.u32 v10, $0x10  }
0x32: {  	v10 =	vshll.u32 v10, $0x10;
	v11 =	vxor.u32 v12, v11;
	v9 =	vadd.s32 v9, v13  }
0x33: {  	v21 =	vshrl.u32 v13, $0x10;
	v13 =	vshll.u32 v13, $0x10;
	v10 =	vor.u32 v20, v10  }
0x34: {  	v12 =	vadd.s32 v12, v11;
	v22 =	vshrl.u32 v11, $0x10;
	v11 =	vshll.u32 v11, $0x10  }
0x35: {  	v13 =	vor.u32 v21, v13;
	v11 =	vor.u32 v22, v11;
	v10 =	vxor.u32 v8, v10  }
0x36: {  	v13 =	vxor.u32 v9, v13;
	v8 =	vadd.s32 v8, v10;
	v23 =	vshrl.u32 v10, $0x8  }
0x37: {  	v10 =	vshll.u32 v10, $0x18;
	v11 =	vxor.u32 v12, v11;
	v9 =	vadd.s32 v9, v13  }
0x38: {  	v24 =	vshrl.u32 v13, $0x8;
	v13 =	vshll.u32 v13, $0x18;
	v10 =	vor.u32 v23, v10  }
0x39: {  	v12 =	vadd.s32 v12, v11;
	v25 =	vshrl.u32 v11, $0x8;
	v11 =	vshll.u32 v11, $0x18  }
0x3a: {  	v13 =	vor.u32 v24, v13;
	v11 =	vor.u32 v25, v11;
	v10 =	vxor.u32 v8, v10  }
0x3b: {  	v13 =	vxor.u32 v9, v13;
	v11 =	vxor.u32 v12, v11;
	v10 =	vadd.s32 $0x2, v10  }
0x3c: {  	v13 =	vadd.s32 $0x2, v13;
	v8 =	vadd.s32 v10, v8;
	v26 =	vshrl.u32 v10, $0x13  }
0x3d: {  	v10 =	vshll.u32 v10, $0xD;
	v11 =	vadd.s32 $0x2, v11;
	v9 =	vadd.s32 v13, v9  }
0x3e: {  	v27 =	vshrl.u32 v13, $0x13;
	v13 =	vshll.u32 v13, $0xD;
	v8 =	vadd.s32 $0x1BD11BF0, v8  }
0x3f: {  	v10 =	vor.u32 v26, v10;
	v12 =	vadd.s32 v11, v12;
	v28 =	vshrl.u32 v11, $0x13  }
0x40: {  	v11 =	vshll.u32 v11, $0xD;
	v9 =	vadd.s32 $0x1BD11BF0, v9;
	v13 =	vor.u32 v27, v13  }
0x41: {  	v10 =	vxor.u32 v8, v10;
	v12 =	vadd.s32 $0x1BD11BF0, v12;
	v11 =	vor.u32 v28, v11  }
0x42: {  	v13 =	vxor.u32 v9, v13;
	v8 =	vadd.s32 v8, v10;
	v29 =	vshrl.u32 v10, $0x11  }
0x43: {  	v10 =	vshll.u32 v10, $0xF;
	v11 =	vxor.u32 v12, v11;
	v9 =	vadd.s32 v9, v13  }
0x44: {  	v30 =	vshrl.u32 v13, $0x11;
	v13 =	vshll.u32 v13, $0xF;
	v10 =	vor.u32 v29, v10  }
0x45: {  	v12 =	vadd.s32 v12, v11;
	v31 =	vshrl.u32 v11, $0x11;
	v11 =	vshll.u32 v11, $0xF  }
0x46: {  	v13 =	vor.u32 v30, v13;
	v11 =	vor.u32 v31, v11;
	v10 =	vxor.u32 v8, v10  }
0x47: {  	v13 =	vxor.u32 v9, v13;
	v8 =	vadd.s32 v8, v10;
	v32 =	vshrl.u32 v10, $0x6  }
0x48: {  	v10 =	vshll.u32 v10, $0x1A;
	v11 =	vxor.u32 v12, v11;
	v9 =	vadd.s32 v9, v13  }
0x49: {  	v33 =	vshrl.u32 v13, $0x6;
	v13 =	vshll.u32 v13, $0x1A;
	v10 =	vor.u32 v32, v10  }
0x4a: {  	v12 =	vadd.s32 v12, v11;
	v34 =	vshrl.u32 v11, $0x6;
	v11 =	vshll.u32 v11, $0x1A  }
0x4b: {  	v13 =	vor.u32 v33, v13;
	v11 =	vor.u32 v34, v11;
	v10 =	vxor.u32 v8, v10  }
0x4c: {  	v13 =	vxor.u32 v9, v13;
	v8 =	vadd.s32 v8, v10;
	v35 =	vshrl.u32 v10, $0x1A  }
0x4d: {  	v10 =	vshll.u32 v10, $0x6;
	v11 =	vxor.u32 v12, v11;
	v9 =	vadd.s32 v9, v13  }
0x4e: {  	v36 =	vshrl.u32 v13, $0x1A;
	v13 =	vshll.u32 v13, $0x6;
	v10 =	vor.u32 v35, v10  }
0x4f: {  	v12 =	vadd.s32 v12, v11;
	v37 =	vshrl.u32 v11, $0x1A;
	v11 =	vshll.u32 v11, $0x6  }
0x50: {  	v13 =	vor.u32 v36, v13;
	v11 =	vor.u32 v37, v11;
	v10 =	vxor.u32 v8, v10  }
0x51: {  	v13 =	vxor.u32 v9, v13;
	v11 =	vxor.u32 v12, v11;
	v10 =	vadd.s32 $0x2D, v10  }
0x52: {  	v13 =	vadd.s32 $0x2D, v13;
	v8 =	vadd.s32 v8, v10;
	v38 =	vshrl.u32 v10, $0xF  }
0x53: {  	v10 =	vshll.u32 v10, $0x11;
	v11 =	vadd.s32 $0x2D, v11;
	v9 =	vadd.s32 v9, v13  }
0x54: {  	v39 =	vshrl.u32 v13, $0xF;
	v13 =	vshll.u32 v13, $0x11;
	v10 =	vor.u32 v38, v10  }
0x55: {  	v12 =	vadd.s32 v12, v11;
	v40 =	vshrl.u32 v11, $0xF;
	v11 =	vshll.u32 v11, $0x11  }
0x56: {  	v13 =	vor.u32 v39, v13;
	v11 =	vor.u32 v40, v11;
	v10 =	vxor.u32 v8, v10  }
0x57: {  	v13 =	vxor.u32 v9, v13;
	v8 =	vadd.s32 v8, v10;
	v41 =	vshrl.u32 v10, $0x3  }
0x58: {  	v10 =	vshll.u32 v10, $0x1D;
	v11 =	vxor.u32 v12, v11;
	v9 =	vadd.s32 v9, v13  }
0x59: {  	v42 =	vshrl.u32 v13, $0x3;
	v13 =	vshll.u32 v13, $0x1D;
	v10 =	vor.u32 v41, v10  }
0x5a: {  	v12 =	vadd.s32 v12, v11;
	v43 =	vshrl.u32 v11, $0x3;
	v11 =	vshll.u32 v11, $0x1D  }
0x5b: {  	v13 =	vor.u32 v42, v13;
	v11 =	vor.u32 v43, v11;
	v10 =	vxor.u32 v8, v10  }
0x5c: {  	v13 =	vxor.u32 v9, v13;
	v8 =	vadd.s32 v8, v10;
	v44 =	vshrl.u32 v10, $0x10  }
0x5d: {  	v10 =	vshll.u32 v10, $0x10;
	v11 =	vxor.u32 v12, v11;
	v9 =	vadd.s32 v9, v13  }
0x5e: {  	v45 =	vshrl.u32 v13, $0x10;
	v13 =	vshll.u32 v13, $0x10;
	v10 =	vor.u32 v44, v10  }
0x5f: {  	v12 =	vadd.s32 v12, v11;
	v46 =	vshrl.u32 v11, $0x10;
	v11 =	vshll.u32 v11, $0x10  }
0x60: {  	v13 =	vor.u32 v45, v13;
	v11 =	vor.u32 v46, v11;
	v10 =	vxor.u32 v8, v10  }
0x61: {  	v13 =	vxor.u32 v9, v13;
	v8 =	vadd.s32 v8, v10;
	v47 =	vshrl.u32 v10, $0x8  }
0x62: {  	v10 =	vshll.u32 v10, $0x18;
	v11 =	vxor.u32 v12, v11;
	v9 =	vadd.s32 v9, v13  }
0x63: {  	v48 =	vshrl.u32 v13, $0x8;
	v13 =	vshll.u32 v13, $0x18;
	v10 =	vor.u32 v47, v10  }
0x64: {  	v12 =	vadd.s32 v12, v11;
	v49 =	vshrl.u32 v11, $0x8;
	v11 =	vshll.u32 v11, $0x18  }
0x65: {  	v13 =	vor.u32 v48, v13;
	v11 =	vor.u32 v49, v11;
	v10 =	vxor.u32 v8, v10  }
0x66: {  	v13 =	vxor.u32 v9, v13;
	v11 =	vxor.u32 v12, v11;
	v10 =	vadd.s32 $0x1BD11BF4, v10  }
0x67: {  	v13 =	vadd.s32 $0x1BD11BF4, v13;
	v8 =	vadd.s32 v10, v8;
	v50 =	vshrl.u32 v10, $0x13  }
0x68: {  	v10 =	vshll.u32 v10, $0xD;
	v11 =	vadd.s32 $0x1BD11BF4, v11;
	v9 =	vadd.s32 v13, v9  }
0x69: {  	v51 =	vshrl.u32 v13, $0x13;
	v13 =	vshll.u32 v13, $0xD;
	v8 =	vadd.s32 $0x2A, v8  }
0x6a: {  	v10 =	vor.u32 v50, v10;
	v12 =	vadd.s32 v11, v12;
	v52 =	vshrl.u32 v11, $0x13  }
0x6b: {  	v11 =	vshll.u32 v11, $0xD;
	v9 =	vadd.s32 $0x2A, v9;
	v13 =	vor.u32 v51, v13  }
0x6c: {  	v10 =	vxor.u32 v8, v10;
	v12 =	vadd.s32 $0x2A, v12;
	v11 =	vor.u32 v52, v11  }
0x6d: {  	v13 =	vxor.u32 v9, v13;
	v8 =	vadd.s32 v8, v10;
	v53 =	vshrl.u32 v10, $0x11  }
0x6e: {  	v10 =	vshll.u32 v10, $0xF;
	v11 =	vxor.u32 v12, v11;
	v9 =	vadd.s32 v9, v13  }
0x6f: {  	v54 =	vshrl.u32 v13, $0x11;
	v13 =	vshll.u32 v13, $0xF;
	v10 =	vor.u32 v53, v10  }
0x70: {  	v12 =	vadd.s32 v12, v11;
	v55 =	vshrl.u32 v11, $0x11;
	v11 =	vshll.u32 v11, $0xF  }
0x71: {  	v13 =	vor.u32 v54, v13;
	v11 =	vor.u32 v55, v11;
	v10 =	vxor.u32 v8, v10  }
0x72: {  	v13 =	vxor.u32 v9, v13;
	v8 =	vadd.s32 v8, v10;
	v56 =	vshrl.u32 v10, $0x6  }
0x73: {  	v10 =	vshll.u32 v10, $0x1A;
	v11 =	vxor.u32 v12, v11;
	v9 =	vadd.s32 v9, v13  }
0x74: {  	v57 =	vshrl.u32 v13, $0x6;
	v13 =	vshll.u32 v13, $0x1A;
	v10 =	vor.u32 v56, v10  }
0x75: {  	v12 =	vadd.s32 v12, v11;
	v58 =	vshrl.u32 v11, $0x6;
	v11 =	vshll.u32 v11, $0x1A  }
0x76: {  	v13 =	vor.u32 v57, v13;
	v11 =	vor.u32 v58, v11;
	v10 =	vxor.u32 v8, v10  }
0x77: {  	v13 =	vxor.u32 v9, v13;
	v8 =	vadd.s32 v8, v10;
	v59 =	vshrl.u32 v10, $0x1A  }
0x78: {  	v10 =	vshll.u32 v10, $0x6;
	v11 =	vxor.u32 v12, v11;
	v9 =	vadd.s32 v9, v13  }
0x79: {  	v62 =	vshrl.u32 v13, $0x1A;
	v16 =	vshrl.u32 v11, $0x1A;
	v17 =	vshll.u32 v11, $0x6  }
0x7a: {  	v13 =	vshll.u32 v13, $0x6;
	v11 =	vadd.s32 v12, v11;
	v61 =	vor.u32 v16, v17  }
0x7b: {  	v60 =	vadd.s32 $0x1BD11BF0, v8;
	v10 =	vor.u32 v59, v10;
	v12 =	vxor.u32 v11, v61  }
0x7c: {  	v13 =	vor.u32 v62, v13;
	v11 =	vadd.s32 $0x1BD11BF0, v11;
	v12 =	vadd.s32 $0x5, v12  }
0x7d: {  	v63 =	vxor.u32 v9, v13;
	v8 =	vxor.u32 v8, v10;
	v11 =	vxor.u32 v11, v12  }
0x7e: {  	v9 =	vadd.s32 $0x1BD11BF0, v9;
	v10 =	vshrl.u32 v11, $0x9;
	v11 =	vadd.s32 $0x5, v63  }
0x7f: {  	v8 =	vadd.s32 $0x5, v8;
	v10 =	vnsel vm1, $0xFFFFFFFF, v10;
	v9 =	vxor.u32 v9, v11  }
0x80: {  	v8 =	vxor.u32 v60, v8;
	vm1 =	vgt.s32 v10, v6;
	v9 =	vshrl.u32 v9, $0x9  }
0x81: {  	v6 =	vsel vm1, v10, v6;
	v5 =	vsel vm1, v7, v5;
	v7 =	vnsel vm0, $0xFFFFFFFF, v9  }
0x82: {  	s13 =	simm.s32 $0x50;
	s12 =	simm.s32 $0x0;
	v8 =	vshrl.u32 v8, $0x9;
	vm1 =	vlt.u32 v2, $0x3E8;
	vm0 =	vgt.s32 v7, v6  }
.LBB2_4:
0x83: {  	s14 =	sadd.s32 $0xFFFFFFF0, s13;
	v6 =	vsel vm0, v7, v6;
	v7 =	vsel vm0, v4, v5;
	v8 =	vnsel vm1, $0xFFFFFFFF, v8  }
0x84: {  	s15 =	sadd.s32 $0xFFFFFFE0, s13;
	v9 =	vor.u32 s13, v0;
	v4 =	vor.u32 s14, v0;
	vm0 =	vgt.s32 v8, v6  }
0x85: {  	v5 =	vor.u32 s15, v0;
	v6 =	vsel vm0, v8, v6;
	v7 =	vsel vm0, v2, v7;
	v2 =	vmovc v9  }
0x86: {  	vm1 =	vlt.u32 v5, $0x3E8;
	vm0 =	vlt.u32 v4, $0x3E8;
	v8 =	vadd.s32 v3, v2  }
0x87: {  	v9 =	vadd.s32 v3, v4;
	v10 =	vshrl.u32 v8, $0x13;
	v11 =	vshll.u32 v8, $0xD  }
0x88: {  	v12 =	vadd.s32 v3, v5;
	v13 =	vshrl.u32 v9, $0x13;
	v10 =	vor.u32 v10, v11  }
0x89: {  	v14 =	vshll.u32 v12, $0xD;
	v15 =	vshll.u32 v9, $0xD;
	v11 =	vshrl.u32 v12, $0x13  }
0x8a: {  	v13 =	vor.u32 v13, v15;
	v11 =	vor.u32 v11, v14;
	v10 =	vxor.u32 v8, v10  }
0x8b: {  	v8 =	vadd.s32 v8, v10;
	v14 =	vshrl.u32 v10, $0x11;
	v10 =	vshll.u32 v10, $0xF  }
0x8c: {  	v13 =	vxor.u32 v9, v13;
	v11 =	vxor.u32 v12, v11;
	v10 =	vor.u32 v14, v10  }
0x8d: {  	v9 =	vadd.s32 v9, v13;
	v14 =	vshrl.u32 v13, $0x11;
	v13 =	vshll.u32 v13, $0xF  }
0x8e: {  	v12 =	vadd.s32 v12, v11;
	v15 =	vshrl.u32 v11, $0x11;
	v11 =	vshll.u32 v11, $0xF  }
0x8f: {  	v11 =	vor.u32 v15, v11;
	v13 =	vor.u32 v14, v13;
	v10 =	vxor.u32 v8, v10  }
0x90: {  	v8 =	vadd.s32 v8, v10;
	v14 =	vshrl.u32 v10, $0x6;
	v10 =	vshll.u32 v10, $0x1A  }
0x91: {  	v11 =	vxor.u32 v12, v11;
	v13 =	vxor.u32 v9, v13;
	v10 =	vor.u32 v14, v10  }
0x92: {  	v9 =	vadd.s32 v9, v13;
	v14 =	vshrl.u32 v13, $0x6;
	v13 =	vshll.u32 v13, $0x1A  }
0x93: {  	v12 =	vadd.s32 v12, v11;
	v15 =	vshrl.u32 v11, $0x6;
	v11 =	vshll.u32 v11, $0x1A  }
0x94: {  	v11 =	vor.u32 v15, v11;
	v13 =	vor.u32 v14, v13;
	v10 =	vxor.u32 v8, v10  }
0x95: {  	v8 =	vadd.s32 v8, v10;
	v14 =	vshrl.u32 v10, $0x1A;
	v10 =	vshll.u32 v10, $0x6  }
0x96: {  	v11 =	vxor.u32 v12, v11;
	v13 =	vxor.u32 v9, v13;
	v10 =	vor.u32 v14, v10  }
0x97: {  	v9 =	vadd.s32 v9, v13;
	v14 =	vshrl.u32 v13, $0x1A;
	v13 =	vshll.u32 v13, $0x6  }
0x98: {  	v12 =	vadd.s32 v12, v11;
	v15 =	vshrl.u32 v11, $0x1A;
	v11 =	vshll.u32 v11, $0x6  }
0x99: {  	v11 =	vor.u32 v15, v11;
	v13 =	vor.u32 v14, v13;
	v10 =	vxor.u32 v8, v10  }
0x9a: {  	v11 =	vxor.u32 v12, v11;
	v13 =	vxor.u32 v9, v13;
	v10 =	vadd.s32 $0x1BD11BF1, v10  }
0x9b: {  	v8 =	vadd.s32 v10, v8;
	v14 =	vshrl.u32 v10, $0xF;
	v10 =	vshll.u32 v10, $0x11  }
0x9c: {  	v11 =	vadd.s32 $0x1BD11BF1, v11;
	v13 =	vadd.s32 $0x1BD11BF1, v13;
	v8 =	vadd.s32 $0x2A, v8  }
0x9d: {  	v9 =	vadd.s32 v13, v9;
	v15 =	vshrl.u32 v13, $0xF;
	v10 =	vor.u32 v14, v10  }
0x9e: {  	v12 =	vadd.s32 v11, v12;
	v14 =	vshrl.u32 v11, $0xF;
	v13 =	vshll.u32 v13, $0x11  }
0x9f: {  	v11 =	vshll.u32 v11, $0x11;
	v9 =	vadd.s32 $0x2A, v9;
	v10 =	vxor.u32 v8, v10  }
0xa0: {  	v12 =	vadd.s32 $0x2A, v12;
	v11 =	vor.u32 v14, v11;
	v13 =	vor.u32 v15, v13  }
0xa1: {  	v8 =	vadd.s32 v8, v10;
	v14 =	vshrl.u32 v10, $0x3;
	v10 =	vshll.u32 v10, $0x1D  }
0xa2: {  	v11 =	vxor.u32 v12, v11;
	v13 =	vxor.u32 v9, v13;
	v10 =	vor.u32 v14, v10  }
0xa3: {  	v9 =	vadd.s32 v9, v13;
	v14 =	vshrl.u32 v13, $0x3;
	v13 =	vshll.u32 v13, $0x1D  }
0xa4: {  	v12 =	vadd.s32 v12, v11;
	v15 =	vshrl.u32 v11, $0x3;
	v11 =	vshll.u32 v11, $0x1D  }
0xa5: {  	v11 =	vor.u32 v15, v11;
	v13 =	vor.u32 v14, v13;
	v10 =	vxor.u32 v8, v10  }
0xa6: {  	v8 =	vadd.s32 v8, v10;
	v14 =	vshrl.u32 v10, $0x10;
	v10 =	vshll.u32 v10, $0x10  }
0xa7: {  	v11 =	vxor.u32 v12, v11;
	v13 =	vxor.u32 v9, v13;
	v10 =	vor.u32 v14, v10  }
0xa8: {  	v9 =	vadd.s32 v9, v13;
	v14 =	vshrl.u32 v13, $0x10;
	v13 =	vshll.u32 v13, $0x10  }
0xa9: {  	v12 =	vadd.s32 v12, v11;
	v15 =	vshrl.u32 v11, $0x10;
	v11 =	vshll.u32 v11, $0x10  }
0xaa: {  	v11 =	vor.u32 v15, v11;
	v13 =	vor.u32 v14, v13;
	v10 =	vxor.u32 v8, v10  }
0xab: {  	v8 =	vadd.s32 v8, v10;
	v14 =	vshrl.u32 v10, $0x8;
	v10 =	vshll.u32 v10, $0x18  }
0xac: {  	v11 =	vxor.u32 v12, v11;
	v13 =	vxor.u32 v9, v13;
	v10 =	vor.u32 v14, v10  }
0xad: {  	v9 =	vadd.s32 v9, v13;
	v14 =	vshrl.u32 v13, $0x8;
	v13 =	vshll.u32 v13, $0x18  }
0xae: {  	s12 =	sadd.s32 $0x3, s12;
	v12 =	vadd.s32 v12, v11;
	v15 =	vshrl.u32 v11, $0x8;
	v11 =	vshll.u32 v11, $0x18  }
0xaf: {  	p0 =	slt.u32 s12, $0x3C;
	v11 =	vor.u32 v15, v11;
	v13 =	vor.u32 v14, v13;
	v10 =	vxor.u32 v8, v10  }
0xb0: {  	v11 =	vxor.u32 v12, v11;
	v13 =	vxor.u32 v9, v13;
	v10 =	vadd.s32 $0x2, v10  }
0xb1: {  	v8 =	vadd.s32 v10, v8;
	v14 =	vshrl.u32 v10, $0x13;
	v10 =	vshll.u32 v10, $0xD  }
0xb2: {  	v11 =	vadd.s32 $0x2, v11;
	v13 =	vadd.s32 $0x2, v13;
	v8 =	vadd.s32 $0x1BD11BF0, v8  }
0xb3: {  	v9 =	vadd.s32 v13, v9;
	v15 =	vshrl.u32 v13, $0x13;
	v10 =	vor.u32 v14, v10  }
0xb4: {  	v12 =	vadd.s32 v11, v12;
	v14 =	vshrl.u32 v11, $0x13;
	v13 =	vshll.u32 v13, $0xD  }
0xb5: {  	v11 =	vshll.u32 v11, $0xD;
	v9 =	vadd.s32 $0x1BD11BF0, v9;
	v10 =	vxor.u32 v8, v10  }
0xb6: {  	v12 =	vadd.s32 $0x1BD11BF0, v12;
	v11 =	vor.u32 v14, v11;
	v13 =	vor.u32 v15, v13  }
0xb7: {  	v8 =	vadd.s32 v8, v10;
	v14 =	vshrl.u32 v10, $0x11;
	v10 =	vshll.u32 v10, $0xF  }
0xb8: {  	v11 =	vxor.u32 v12, v11;
	v13 =	vxor.u32 v9, v13;
	v10 =	vor.u32 v14, v10  }
0xb9: {  	v9 =	vadd.s32 v9, v13;
	v14 =	vshrl.u32 v13, $0x11;
	v13 =	vshll.u32 v13, $0xF  }
0xba: {  	v12 =	vadd.s32 v12, v11;
	v15 =	vshrl.u32 v11, $0x11;
	v11 =	vshll.u32 v11, $0xF  }
0xbb: {  	v11 =	vor.u32 v15, v11;
	v13 =	vor.u32 v14, v13;
	v10 =	vxor.u32 v8, v10  }
0xbc: {  	v8 =	vadd.s32 v8, v10;
	v14 =	vshrl.u32 v10, $0x6;
	v10 =	vshll.u32 v10, $0x1A  }
0xbd: {  	v11 =	vxor.u32 v12, v11;
	v13 =	vxor.u32 v9, v13;
	v10 =	vor.u32 v14, v10  }
0xbe: {  	v9 =	vadd.s32 v9, v13;
	v14 =	vshrl.u32 v13, $0x6;
	v13 =	vshll.u32 v13, $0x1A  }
0xbf: {  	v12 =	vadd.s32 v12, v11;
	v15 =	vshrl.u32 v11, $0x6;
	v11 =	vshll.u32 v11, $0x1A  }
0xc0: {  	v11 =	vor.u32 v15, v11;
	v13 =	vor.u32 v14, v13;
	v10 =	vxor.u32 v8, v10  }
0xc1: {  	v8 =	vadd.s32 v8, v10;
	v14 =	vshrl.u32 v10, $0x1A;
	v10 =	vshll.u32 v10, $0x6  }
0xc2: {  	v11 =	vxor.u32 v12, v11;
	v13 =	vxor.u32 v9, v13;
	v10 =	vor.u32 v14, v10  }
0xc3: {  	v9 =	vadd.s32 v9, v13;
	v14 =	vshrl.u32 v13, $0x1A;
	v13 =	vshll.u32 v13, $0x6  }
0xc4: {  	v12 =	vadd.s32 v12, v11;
	v15 =	vshrl.u32 v11, $0x1A;
	v11 =	vshll.u32 v11, $0x6  }
0xc5: {  	v11 =	vor.u32 v15, v11;
	v13 =	vor.u32 v14, v13;
	v10 =	vxor.u32 v8, v10  }
0xc6: {  	v11 =	vxor.u32 v12, v11;
	v13 =	vxor.u32 v9, v13;
	v10 =	vadd.s32 $0x2D, v10  }
0xc7: {  	v8 =	vadd.s32 v8, v10;
	v14 =	vshrl.u32 v10, $0xF;
	v10 =	vshll.u32 v10, $0x11  }
0xc8: {  	v11 =	vadd.s32 $0x2D, v11;
	v13 =	vadd.s32 $0x2D, v13;
	v10 =	vor.u32 v14, v10  }
0xc9: {  	v9 =	vadd.s32 v9, v13;
	v14 =	vshrl.u32 v13, $0xF;
	v13 =	vshll.u32 v13, $0x11  }
0xca: {  	v12 =	vadd.s32 v12, v11;
	v15 =	vshrl.u32 v11, $0xF;
	v11 =	vshll.u32 v11, $0x11  }
0xcb: {  	v11 =	vor.u32 v15, v11;
	v13 =	vor.u32 v14, v13;
	v10 =	vxor.u32 v8, v10  }
0xcc: {  	v8 =	vadd.s32 v8, v10;
	v14 =	vshrl.u32 v10, $0x3;
	v10 =	vshll.u32 v10, $0x1D  }
0xcd: {  	v11 =	vxor.u32 v12, v11;
	v13 =	vxor.u32 v9, v13;
	v10 =	vor.u32 v14, v10  }
0xce: {  	v9 =	vadd.s32 v9, v13;
	v14 =	vshrl.u32 v13, $0x3;
	v13 =	vshll.u32 v13, $0x1D  }
0xcf: {  	v12 =	vadd.s32 v12, v11;
	v15 =	vshrl.u32 v11, $0x3;
	v11 =	vshll.u32 v11, $0x1D  }
0xd0: {  	v11 =	vor.u32 v15, v11;
	v13 =	vor.u32 v14, v13;
	v10 =	vxor.u32 v8, v10  }
0xd1: {  	v8 =	vadd.s32 v8, v10;
	v14 =	vshrl.u32 v10, $0x10;
	v10 =	vshll.u32 v10, $0x10  }
0xd2: {  	v11 =	vxor.u32 v12, v11;
	v13 =	vxor.u32 v9, v13;
	v10 =	vor.u32 v14, v10  }
0xd3: {  	v9 =	vadd.s32 v9, v13;
	v14 =	vshrl.u32 v13, $0x10;
	v13 =	vshll.u32 v13, $0x10  }
0xd4: {  	v12 =	vadd.s32 v12, v11;
	v15 =	vshrl.u32 v11, $0x10;
	v11 =	vshll.u32 v11, $0x10  }
0xd5: {  	v11 =	vor.u32 v15, v11;
	v13 =	vor.u32 v14, v13;
	v10 =	vxor.u32 v8, v10  }
0xd6: {  	v8 =	vadd.s32 v8, v10;
	v14 =	vshrl.u32 v10, $0x8;
	v10 =	vshll.u32 v10, $0x18  }
0xd7: {  	v11 =	vxor.u32 v12, v11;
	v13 =	vxor.u32 v9, v13;
	v10 =	vor.u32 v14, v10  }
0xd8: {  	v9 =	vadd.s32 v9, v13;
	v14 =	vshrl.u32 v13, $0x8;
	v13 =	vshll.u32 v13, $0x18  }
0xd9: {  	v12 =	vadd.s32 v12, v11;
	v15 =	vshrl.u32 v11, $0x8;
	v11 =	vshll.u32 v11, $0x18  }
0xda: {  	v11 =	vor.u32 v15, v11;
	v13 =	vor.u32 v14, v13;
	v10 =	vxor.u32 v8, v10  }
0xdb: {  	v11 =	vxor.u32 v12, v11;
	v13 =	vxor.u32 v9, v13;
	v10 =	vadd.s32 $0x1BD11BF4, v10  }
0xdc: {  	v8 =	vadd.s32 v10, v8;
	v14 =	vshrl.u32 v10, $0x13;
	v10 =	vshll.u32 v10, $0xD  }
0xdd: {  	v11 =	vadd.s32 $0x1BD11BF4, v11;
	v13 =	vadd.s32 $0x1BD11BF4, v13;
	v8 =	vadd.s32 $0x2A, v8  }
0xde: {  	v9 =	vadd.s32 v13, v9;
	v15 =	vshrl.u32 v13, $0x13;
	v10 =	vor.u32 v14, v10  }
0xdf: {  	v12 =	vadd.s32 v11, v12;
	v14 =	vshrl.u32 v11, $0x13;
	v13 =	vshll.u32 v13, $0xD  }
0xe0: {  	v11 =	vshll.u32 v11, $0xD;
	v9 =	vadd.s32 $0x2A, v9;
	v10 =	vxor.u32 v8, v10  }
0xe1: {  	v12 =	vadd.s32 $0x2A, v12;
	v11 =	vor.u32 v14, v11;
	v13 =	vor.u32 v15, v13  }
0xe2: {  	v8 =	vadd.s32 v8, v10;
	v14 =	vshrl.u32 v10, $0x11;
	v10 =	vshll.u32 v10, $0xF  }
0xe3: {  	v11 =	vxor.u32 v12, v11;
	v13 =	vxor.u32 v9, v13;
	v10 =	vor.u32 v14, v10  }
0xe4: {  	v9 =	vadd.s32 v9, v13;
	v14 =	vshrl.u32 v13, $0x11;
	v13 =	vshll.u32 v13, $0xF  }
0xe5: {  	v12 =	vadd.s32 v12, v11;
	v15 =	vshrl.u32 v11, $0x11;
	v11 =	vshll.u32 v11, $0xF  }
0xe6: {  	v11 =	vor.u32 v15, v11;
	v13 =	vor.u32 v14, v13;
	v10 =	vxor.u32 v8, v10  }
0xe7: {  	v8 =	vadd.s32 v8, v10;
	v14 =	vshrl.u32 v10, $0x6;
	v10 =	vshll.u32 v10, $0x1A  }
0xe8: {  	v11 =	vxor.u32 v12, v11;
	v13 =	vxor.u32 v9, v13;
	v10 =	vor.u32 v14, v10  }
0xe9: {  	v9 =	vadd.s32 v9, v13;
	v14 =	vshrl.u32 v13, $0x6;
	v13 =	vshll.u32 v13, $0x1A  }
0xea: {  	v12 =	vadd.s32 v12, v11;
	v15 =	vshrl.u32 v11, $0x6;
	v11 =	vshll.u32 v11, $0x1A  }
0xeb: {  	v11 =	vor.u32 v15, v11;
	v13 =	vor.u32 v14, v13;
	v10 =	vxor.u32 v8, v10  }
0xec: {  	v8 =	vadd.s32 v8, v10;
	v14 =	vshrl.u32 v10, $0x1A;
	v10 =	vshll.u32 v10, $0x6  }
0xed: {  	v11 =	vxor.u32 v12, v11;
	v13 =	vxor.u32 v9, v13;
	v15 =	vadd.s32 $0x1BD11BF0, v8  }
0xee: {  	v16 =	vshrl.u32 v11, $0x1A;
	v17 =	vshll.u32 v11, $0x6;
	v10 =	vor.u32 v14, v10  }
0xef: {  	v11 =	vadd.s32 v12, v11;
	v9 =	vadd.s32 v9, v13;
	v12 =	vor.u32 v16, v17  }
0xf0: {  	v14 =	vshrl.u32 v13, $0x1A;
	v13 =	vshll.u32 v13, $0x6;
	v12 =	vxor.u32 v11, v12  }
0xf1: {  	v13 =	vor.u32 v14, v13;
	v11 =	vadd.s32 $0x1BD11BF0, v11;
	v12 =	vadd.s32 $0x5, v12  }
0xf2: {  	v8 =	vxor.u32 v8, v10;
	v11 =	vxor.u32 v11, v12;
	v12 =	vxor.u32 v9, v13  }
.Ltmp0:
0xf3: {  	v9 =	vadd.s32 $0x1BD11BF0, v9;
	v10 =	vshrl.u32 v11, $0x9;
	v11 =	vadd.s32 $0x5, v12;
	(pc) =	sbr.rel @p0 .LBB2_4-.Ltmp0, $4  }
0xf4: {  	v8 =	vadd.s32 $0x5, v8;
	v10 =	vnsel vm1, $0xFFFFFFFF, v10;
	v9 =	vxor.u32 v9, v11  }
0xf5: {  	v8 =	vxor.u32 v15, v8;
	vm1 =	vgt.s32 v10, v6;
	v9 =	vshrl.u32 v9, $0x9  }
0xf6: {  	v6 =	vsel vm1, v10, v6;
	v5 =	vsel vm1, v5, v7;
	v7 =	vnsel vm0, $0xFFFFFFFF, v9  }
0xf7: {  	s13 =	sadd.s32 $0x30, s13;
	v8 =	vshrl.u32 v8, $0x9;
	vm1 =	vlt.u32 v2, $0x3E8;
	vm0 =	vgt.s32 v7, v6  }
0xf8: {  	v3 =	vsel vm0, v7, v6;
	v63 =	vnsel vm1, $0xFFFFFFFF, v8  }
0xf9: {  	vm1 =	vgt.s32 v63, v3  }
0xfa: {  	v3 =	vsel vm1, v63, v3  }
0xfb: {  	v6 =	vxor.u32 $0x80000000, v3  }
0xfc: {  	(xrf0) =	vmax.scan.msk.u32 $0xffff, v6;
	_ =	sdelay $0x5  }
0xfd: {  	v6, _, _ =	vpop (xrf0)  }
0xfe: {  	(v2sf) =	vpush v6, $0xF;
	_ =	sdelay $0xe  }
0xff: {  	v4 =	vsel vm0, v4, v5;
	s12 =	spop (v2sf)  }
0x100: {  	v2 =	vsel vm1, v2, v4;
	s12 =	sxor.u32 $0x80000000, s12  }
0x101: {  	v2 =	vxor.u32 $0x80000000, v2;
	vm14 =	veq.s32 v3, s12  }
0x102: {  	v2 =	vnsel vm14, $0xC0000000, v2  }
0x103: {  	(xrf0) =	vmin.scan.msk.u32 $0xffff, v2;
	_ =	sdelay $0x5  }
0x104: {  	v2, _, _ =	vpop (xrf0)  }
0x105: {  	(v2sf) =	vpush v2, $0xF;
	_ =	sdelay $0xa  }
0x106: {  	s30 =	sand.u32 $0xF, s11;
	s11 =	sadd.s32 $0x1, s11  }
0x107: {  	p0 =	sne.s32 s11, s8  }
.Ltmp1:
0x108: {  	_ = 	snop;
	(pc) =	sbr.rel @p0 .LBB2_3-.Ltmp1, $4  }
0x109: {  	_ = 	snop  }
0x10a: {  	v2 =	vmov s30;
	s13 =	spop (v2sf)  }
0x10b: {  	vm15 =	veq.s32 v2, v0;
	s31 =	sxor.u32 $0x80000000, s13  }
0x10c: {  	v1 =	vsel vm15, s31, v1  }
0x10d: {  	s9 =	sadd.s32 $0x1, s9  }
0x10e: {  	p0 =	sne.s32 s9, $0x10  }
.Ltmp2:
0x10f: {  	_ = 	snop;
	(pc) =	sbr.rel @p0 .LBB2_2-.Ltmp2, $2  }
0x110: {  	_ =	sdelay $0x2  }
0x111: {  	[tilespmem:s10+$0x0] =	vst v1;
	s8 =	sadd.s32 $0x10, s8  }
0x112: {  	s7 =	sadd.s32 $0x1, s7  }
0x113: {  	p0 =	sne.s32 s7, s5  }
.Ltmp3:
0x114: {  	_ = 	snop;
	(pc) =	sbr.rel @p0 .LBB2_1-.Ltmp3, $4  }
0x115: {  	[hbm4b:s4+s2] =	stream.linear.scatter [tilespmem:s2], [sflag:$0x1], $0x100, $0x38;
	[tilespmem:$0x100] =	vst v63  }
0x116: {  	_ =	swait.ge [sflag:s6], $0x100  }
0x117: {  	[sflag:s6] =	ssyncset.done $0x0  }
0x118: {  	[sflag:s6] =	ssyncadd.s32 $0xFFFFFF00  }
0x119: {  	_ =	sfence.sel $0x180000  }
0x11a: {  	[bflag:$0x0] =	sbarrier.arrive $0xFFFF  }
0x11b: {  	p0 =	sne.s32 s1, $0x0;
	_ =	strace $0x90000047  }
0x11c: {  	s0 =	sadd.s32 @!p0 $0x100000, s0;
	[bflag:$0x2] =	sbarrier.arrive $0xFFFF  }
0x11d: {  	[sflag:s0] =	ssyncadd.tile.s32 @!p0 $0x1;
	_ =	shalt  }
.Lfunc_end2:
_tile_overlayer_lowered:
.L_overlay_start_2:
0x11e: {  	(tag) =	ssettag $0x2  }
0x11f: {  	s0 =	rddreg [dreg:$0x0];
	s2 =	stileid.u32  }
0x120: {  	s1 =	rddreg [dreg:$0x1];
	p0 =	sne.s32 s2, $0x0  }
0x121: {  	s3 =	rddreg [dreg:$0x2];
	[bflag:$0x3] =	sbarrier.arrive $0xFFFF;
	s2 =	simm.s32 @!p0 $0x1C01  }
0x122: {  	[timem:s3], [sflag:s2] =	dma.local @!p0 [hbm:s0], s1  }
0x123: {  	s0 =	simm.s32 @!p0 $0x1  }
0x124: {  	_ =	swait.ge @!p0 [sflag:s0], s1  }
0x125: {  	s1 =	ssub.s32 @!p0 $0x0, s1;
	[sflag:s0] =	ssyncset.done @!p0 $0x0  }
0x126: {  	[sflag:s0] =	ssyncadd.s32 @!p0 s1  }
0x127: {  	[bflag:$0x3] =	sbarrier.arrive $0xFFFF  }
0x128: {  	_ =	shalt  }

// kernel: kernel.8.cloned.1.call-start
scs
__scs_entry_jumppad:
0x0: {  	(pc) =	sbr.rel $0x88, $3  }
0x1: {  	(tag) =	ssettag $0x0;
	lr =	simm.s32 $0x1  }
0x2: {  	[smem:$0x3FA0] =	sst lr;
	_ =	strace $0xD0000000  }
0x3: {  	_ = 	snop  }
0x4: {  	_ = 	snop  }
0x5: {  	_ = 	snop  }
0x6: {  	_ = 	snop  }
0x7: {  	_ = 	snop  }
__scs_overlays_trampoline_lowered:
0x8: {  	[smem:$0x3FAF] =	sst s0  }
0x9: {  	[smem:$0x3FB0] =	sst s1  }
0xa: {  	[smem:$0x3FB1] =	sst s2  }
0xb: {  	[smem:$0x3FB2] =	sst s3  }
0xc: {  	[smem:$0x3FB3] =	sst s4  }
0xd: {  	[smem:$0x3FB4] =	sst s5  }
0xe: {  	[smem:$0x3FB5] =	sst s6  }
0xf: {  	[smem:$0x3FB6] =	sst s7  }
0x10: {  	[smem:$0x3FB7] =	sst s8  }
0x11: {  	[smem:$0x3FB8] =	sst s9;
	s0 =	simm.s32 @!p0 $0x0  }
0x12: {  	s1 =	sld [smem:$0x3F9E];
	s0 =	simm.s32 @p0 $0x1  }
0x13: {  	[smem:$0x3FB9] =	sst s0;
	s0 =	simm.s32 @!p1 $0x0  }
0x14: {  	s2 =	sld [smem:$0x3F9D];
	s0 =	simm.s32 @p1 $0x1  }
0x15: {  	[smem:$0x3FBA] =	sst s0;
	s0 =	simm.s32 @!p2 $0x0  }
0x16: {  	s3 =	sld [smem:$0x3FDB];
	s0 =	simm.s32 @p2 $0x1  }
0x17: {  	s4 =	simm.s32 $0x1BF5;
	[smem:$0x3FBC] =	sst s0  }
0x18: {  	s0 =	sld [smem:$0x3F9F];
	_ =	swait.ge [sflag:s4], $0x0  }
0x19: {  	s7 =	sld [smem:$0x3FA0]  }
0x1a: {  	s8 =	sadd.s32 $0xFFFFE003, lr  }
0x1b: {  	s9 =	sadd.s32 $0xFFFFFEF7, lr;
	s5 =	simm.s32 $0xFFFFFFFF;
	p2 =	slt.u32 s8, $0xFFFFF086  }
0x1c: {  	p1 =	slt.u32 s9, $0xF7A;
	s5 =	simm.s32 @!p2 $0x0  }
0x1d: {  	s5 =	simm.s32 @p1 $0x1;
	p0 =	seq.s32 s7, s2  }
0x1e: {  	s7 =	smul.u32 @!p0 $0xF7A, s2;
	p2 =	seq.s32 @!p0 s5, $0x0  }
0x1f: {  	s9 =	smul.u32 $0xF7A, s1;
	s8 =	simm.s32 @!p0 $0x1BF5;
	p2 =	por !p2, p0  }
0x20: {  	[sflag:s8] =	ssyncset.s32 @!p0 $0xFFFFF086;
	s6 =	sadd.s32 @!p0 s3, s7;
	s7 =	simm.s32 @!p0 $0x108  }
0x21: {  	s3 =	sadd.s32 s3, s9;
	s6 =	sadd.s32 @!p0 $0x88, s6;
	s7 =	simm.s32 @p2 $0x1082  }
0x22: {  	[simem:s7], [sflag:s8] =	dma.local @!p0 [hbm:s6], $0xF7A  }
0x23: {  	s9 =	sor.u32 $0xD0000000, s2;
	s6 =	simm.s32 $0x108;
	_ =	swait.ge @!p0 [sflag:s8], $0x0  }
0x24: {  	s3 =	sadd.s32 $0x88, s3;
	s6 =	simm.s32 @!p1 $0x1082;
	[sflag:s4] =	ssyncset.s32 $0xFFFFF086  }
0x25: {  	[simem:s6], [sflag:s4] =	dma.local [hbm:s3], $0xF7A  }
0x26: {  	[smem:$0x3FA0] =	sst s1;
	(tag) =	ssettag s2;
	_ =	strace s9  }
0x27: {  	s1 =	sld [smem:$0x3FB0]  }
0x28: {  	s2 =	sld [smem:$0x3FB1]  }
0x29: {  	s4 =	sld [smem:$0x3FB3]  }
0x2a: {  	p0 =	seq.s32 s5, $0x0;
	s5 =	sld [smem:$0x3FB4]  }
0x2b: {  	s6 =	sld [smem:$0x3FB5]  }
0x2c: {  	s7 =	sld [smem:$0x3FB6]  }
0x2d: {  	s3 =	simm.s32 $0x108;
	s8 =	sld [smem:$0x3FB7]  }
0x2e: {  	s3 =	simm.s32 @!p0 $0x1082;
	s9 =	sld [smem:$0x3FB8]  }
0x2f: {  	lr =	sadd.s32 s0, s3;
	s0 =	sld [smem:$0x3FAF]  }
0x30: {  	s3 =	sld [smem:$0x3FB2]  }
0x31: {  	[smem:$0x3FBB] =	sst s10  }
0x32: {  	s10 =	sld [smem:$0x3FB9];
	_ =	sdelay $0x3  }
0x33: {  	p0 =	seq.s32 s10, $0x1;
	s10 =	sld [smem:$0x3FBB];
	_ =	sdelay $0x3  }
0x34: {  	[smem:$0x3FBB] =	sst s10  }
0x35: {  	s10 =	sld [smem:$0x3FBA];
	_ =	sdelay $0x3  }
0x36: {  	p1 =	seq.s32 s10, $0x1;
	s10 =	sld [smem:$0x3FBB];
	_ =	sdelay $0x3  }
0x37: {  	[smem:$0x3FBB] =	sst s10  }
0x38: {  	s10 =	sld [smem:$0x3FBC]  }
0x39: {  	_ = 	snop;
	(pc) =	sbr.ind lr, $3  }
0x3a: {  	_ = 	snop  }
0x3b: {  	_ = 	snop  }
0x3c: {  	p2 =	seq.s32 s10, $0x1;
	s10 =	sld [smem:$0x3FBB]  }
0x3d: {  	_ =	shalt  }
0x3e: {  	_ =	shalt  }
0x3f: {  	_ =	shalt  }
0x40: {  	_ =	shalt  }
0x41: {  	_ =	shalt  }
0x42: {  	_ =	shalt  }
0x43: {  	_ =	shalt  }
0x44: {  	_ =	shalt  }
0x45: {  	_ =	shalt  }
0x46: {  	_ =	shalt  }
0x47: {  	_ =	shalt  }
0x48: {  	_ =	shalt  }
0x49: {  	_ =	shalt  }
0x4a: {  	_ =	shalt  }
0x4b: {  	_ =	shalt  }
0x4c: {  	_ =	shalt  }
0x4d: {  	_ =	shalt  }
0x4e: {  	_ =	shalt  }
0x4f: {  	_ =	shalt  }
0x50: {  	_ =	shalt  }
0x51: {  	_ =	shalt  }
0x52: {  	_ =	shalt  }
0x53: {  	_ =	shalt  }
0x54: {  	_ =	shalt  }
0x55: {  	_ =	shalt  }
0x56: {  	_ =	shalt  }
0x57: {  	_ =	shalt  }
0x58: {  	_ =	shalt  }
0x59: {  	_ =	shalt  }
0x5a: {  	_ =	shalt  }
0x5b: {  	_ =	shalt  }
0x5c: {  	_ =	shalt  }
0x5d: {  	_ =	shalt  }
0x5e: {  	_ =	shalt  }
0x5f: {  	_ =	shalt  }
0x60: {  	_ =	shalt  }
0x61: {  	_ =	shalt  }
0x62: {  	_ =	shalt  }
0x63: {  	_ =	shalt  }
0x64: {  	_ =	shalt  }
0x65: {  	_ =	shalt  }
0x66: {  	_ =	shalt  }
0x67: {  	_ =	shalt  }
0x68: {  	_ =	shalt  }
0x69: {  	_ =	shalt  }
0x6a: {  	_ =	shalt  }
0x6b: {  	_ =	shalt  }
0x6c: {  	_ =	shalt  }
0x6d: {  	_ =	shalt  }
0x6e: {  	_ =	shalt  }
0x6f: {  	_ =	shalt  }
0x70: {  	_ =	shalt  }
0x71: {  	_ =	shalt  }
0x72: {  	_ =	shalt  }
0x73: {  	_ =	shalt  }
0x74: {  	_ =	shalt  }
0x75: {  	_ =	shalt  }
0x76: {  	_ =	shalt  }
0x77: {  	_ =	shalt  }
0x78: {  	_ =	shalt  }
0x79: {  	_ =	shalt  }
0x7a: {  	_ =	shalt  }
0x7b: {  	_ =	shalt  }
0x7c: {  	_ =	shalt  }
0x7d: {  	_ =	shalt  }
0x7e: {  	_ =	shalt  }
0x7f: {  	_ =	shalt  }
0x80: {  	_ =	shalt  }
0x81: {  	_ =	shalt  }
0x82: {  	_ =	shalt  }
0x83: {  	_ =	shalt  }
0x84: {  	_ =	shalt  }
0x85: {  	_ =	shalt  }
0x86: {  	_ =	shalt  }
0x87: {  	_ =	shalt  }
.Lfunc_end0:
.L_simem_size_0:
called_computation.1_lowered:
.L_overlay_start_0:
0x88: {  	s2 =	sld [smem:$0x3FD9]  }
0x89: {  	s3 =	sld [smem:$0x3FFE];
	_ =	sdelay $0x1  }
0x8a: {  	s1 =	srdreg.scid  }
0x8b: {  	s0 =	sand.u32 $0x1, s1  }
0x8c: {  	s14 =	sshll.u32 s0, $0xA;
	s2 =	sadd.s32 s3, s2  }
0x8d: {  	s2 =	sadd.s32 s2, s14  }
0x8e: {  	[smem:$0x3FC7] =	sst s2  }
0x8f: {  	_ = 	snop  }
0x90: {  	s2 =	sld [smem:$0x3FD0];
	_ =	sdelay $0x2  }
0x91: {  	s15 =	simm.s32 $0xA;
	s4 =	simm.s32 $0x10  }
0x92: {  	[smem:s4], [sflag:s15] =	dma.local [hbm:s2], $0x1  }
0x93: {  	_ =	swait.eq [sflag:s15], $0x1  }
0x94: {  	[sflag:s15] =	ssyncset.done $0x0  }
0x95: {  	[sflag:s15] =	ssyncadd.s32 $0xFFFFFFFF  }
0x96: {  	s16 =	sld [smem:$0x11];
	(tm) =	ssettm $0x1  }
0x97: {  	s17 =	sld [smem:$0x3FFB];
	_ =	sdelay $0x3  }
0x98: {  	_ =	strace s17  }
0x99: {  	s3 =	sld [smem:$0x3FFC];
	_ =	sdelay $0x3  }
0x9a: {  	_ =	strace s3  }
0x9b: {  	s3 =	sld [smem:$0x3FFD];
	_ =	sdelay $0x3  }
0x9c: {  	_ =	strace s3  }
0x9d: {  	_ =	strace $0x8FFFFFFF  }
0x9e: {  	s18 =	sld [smem:$0x3FDB];
	_ =	sdelay $0x1  }
0x9f: {  	s19 =	simm.s32 $_scs_section_size  }
0xa0: {  	s5 =	simm.s32 $_size__tile_overlayer_lowered;
	s6 =	simm.s32 $_tile_overlayer_lowered  }
0xa1: {  	s22 =	simm.s32 $0x1BFF;
	s21 =	sshll.u32 s6, $0x1;
	s3 =	sadd.s32 s19, s18  }
0xa2: {  	s7 =	simm.s32 $0x0;
	s20 =	sshll.u32 s5, $0x1;
	s5 =	sadd.s32 s21, s3  }
0xa3: {  	[timem:s7], [sflag:s22] =	dma.local [hbm:s5], s20  }
0xa4: {  	_ =	swait.ge [sflag:s22], s20  }
0xa5: {  	s4 =	ssub.s32 $0x0, s20;
	[sflag:s22] =	ssyncset.done $0x0  }
0xa6: {  	[sflag:s22] =	ssyncadd.s32 s4;
	_ =	sdelay $0x1  }
0xa7: {  	s23 =	simm.s32 $0x1B8B  }
0xa8: {  	_ =	swait.ge [sflag:s23], $0x1  }
0xa9: {  	[sflag:s23] =	ssyncset.done $0x0  }
0xaa: {  	s25 =	simm.s32 $0x1B8E;
	s24 =	sld [smem:$0x3FFE];
	[sflag:s23] =	ssyncadd.s32 $0xFFFFFFFF  }
0xab: {  	s26 =	simm.s32 $execute0_lowered;
	[smem:$0x3FD2] =	sst s25  }
0xac: {  	s5 =	sshll.u32 s26, $0x1;
	_ =	strace $0x80000049;
	[dreg:$0x1] =	wrdreg $0xFFFFFFFF  }
0xad: {  	s28 =	simm.s32 $_size_execute0_lowered;
	s3 =	sadd.s32 s3, s5;
	[dreg:$0x0] =	wrdreg $0x0  }
0xae: {  	s5 =	sshll.u32 s28, $0x1;
	[dreg:$0x2] =	wrdreg s3  }
0xaf: {  	[dreg:$0x3] =	wrdreg s5  }
0xb0: {  	[dreg:$0x4] =	wrdreg $0xC0  }
0xb1: {  	_ =	task [dreg:s7], $0x5FFFF  }
0xb2: {  	[dreg:$0x1] =	wrdreg $0xFFFFFFFF  }
0xb3: {  	[dreg:$0x0] =	wrdreg $0x60  }
0xb4: {  	[dreg:$0x2] =	wrdreg s16  }
0xb5: {  	[dreg:$0x3] =	wrdreg s24  }
0xb6: {  	[dreg:$0x4] =	wrdreg $0x9  }
0xb7: {  	_ =	task.clear_ibuf [dreg:s7], $0x5FFFF;
	_ =	strace $0x90000049  }
0xb8: {  	s29 =	simm.s32 $0x9;
	_ =	strace $0x8000004B  }
0xb9: {  	_ =	swait.ge [sflag:s29], $0x1  }
0xba: {  	[sflag:s29] =	ssyncadd.s32 $0xFFFFFFFF  }
0xbb: {  	_ =	strace $0x9000004B  }
0xbc: {  	_ =	sfence  }
0xbd: {  	s30 =	sld [smem:$0x0];
	_ =	sdelay $0x2  }
0xbe: {  	s31 =	sshll.u32 s1, $0xD;
	s1 =	sshrl.u32 s1, $0x2  }
0xbf: {  	s3 =	sand.u32 $0x4000, s31;
	s1 =	sadd.s32 s1, s30  }
0xc0: {  	s0 =	sor.u32 s3, s0;
	s1 =	sshll.u32 s1, $0x11  }
0xc1: {  	s0 =	sor.u32 s1, s0  }
0xc2: {  	s0 =	sadd.s32 $0x8F2B, s0  }
0xc3: {  	[sflag:s0] =	ssyncadd.remote.s32 $0x1  }
0xc4: {  	_ =	sfence.sel $0xFFFF  }
0xc5: {  	[dreg:$0x0] =	wrdreg $0xFFFFFFFF;
	(pc) =	sbr.abs _section_cstart, $3  }
0xc6: {  	[dreg:$0x1] =	wrdreg $0xFFFFFFFF  }
0xc7: {  	_ =	task.clear_ibuf [dreg:s7], $0x2FFFF;
	_ =	strace $0x9FFFFFFF  }
0xc8: {  	(tm) =	ssettm $0x7FFFFFFF  }
0xc9: {  	_ =	shalt  }
tec
execute0_lowered:
.L_overlay_start_1:
0x0: {  	(tag) =	ssettag $0x1  }
0x1: {  	s4 =	rddreg [dreg:$0x0]  }
0x2: {  	s5 =	rddreg [dreg:$0x1]  }
0x3: {  	s0 =	rddreg [dreg:$0x2];
	s2 =	simm.s32 $0x0;
	s3 =	srdreg.scid  }
0x4: {  	s1 =	stileid.u32;
	s9 =	simm.s32 $0x800;
	s3 =	sand.u32 $0x1, s3  }
0x5: {  	[smem:$0x7FF] =	sst s2;
	s6 =	sshll.u32 s1, $0x8;
	s7 =	sshll.u32 s3, $0x7  }
0x6: {  	s8 =	ssub.s32 $0x2, s3;
	_ =	strace $0x8000004A;
	s6 =	sor.u32 s7, s6  }
0x7: {  	s3 =	sadd.s32 $0xC00, s5;
	s31 =	sshrl.u32 s8, $0x1;
	s5 =	sadd.s32 s6, s5  }
0x8: {  	s7 =	ssub.s32 s8, s31;
	s4 =	sadd.s32 s4, s6;
	s8 =	simm.s32 $0x400  }
0x9: {  	s5 =	sadd.s32 $0xE00, s5;
	s6 =	smax.u32 s7, $0x1;
	s7 =	simm.s32 $0x1  }
.LBB2_1:
0xa: {  	[tilespmem:s2], [sflag:$0x1] =	stream.linear.gather [hbm4b:s4+s2], $0x400, $0x38;
	[tilespmem:$0xC00] =	vst v63  }
0xb: {  	_ =	swait.ge [sflag:s7], $0x400  }
0xc: {  	[sflag:s7] =	ssyncset.done $0x0  }
0xd: {  	[sflag:s7] =	ssyncadd.s32 $0xFFFFFC00  }
0xe: {  	[tilespmem:s8], [sflag:$0x1] =	stream.linear.gather [hbm4b:s3+s2], $0x400, $0x38;
	[tilespmem:$0xC00] =	vst v63  }
0xf: {  	_ =	swait.ge [sflag:s7], $0x400  }
0x10: {  	[sflag:s7] =	ssyncset.done $0x0  }
0x11: {  	[sflag:s7] =	ssyncadd.s32 $0xFFFFFC00  }
0x12: {  	v0 =	vld [tilespmem:$0x0];
	_ =	sdelay $0x5  }
0x13: {  	v1 =	vld [tilespmem:$0x10];
	_ =	sdelay $0x1  }
0x14: {  	v0 =	vld.idx.msk [tilespmem:v0+s8+$0x0], $0xffff;
	_ =	sdelay $0x3  }
0x15: {  	v2 =	vld [tilespmem:$0x20]  }
0x16: {  	[tilespmem:$0x800] =	vst v0  }
0x17: {  	v0 =	vld.idx.msk [tilespmem:v1+s8+$0x0], $0xffff;
	_ =	sdelay $0x3  }
0x18: {  	v63 =	vld [tilespmem:$0x30]  }
0x19: {  	[tilespmem:$0x810] =	vst v0  }
0x1a: {  	v0 =	vld.idx.msk [tilespmem:v2+s8+$0x0], $0xffff;
	_ =	sdelay $0x3  }
0x1b: {  	v4 =	vld [tilespmem:$0x40]  }
0x1c: {  	[tilespmem:$0x820] =	vst v0  }
0x1d: {  	v0 =	vld.idx.msk [tilespmem:v63+s8+$0x0], $0xffff;
	_ =	sdelay $0x3  }
0x1e: {  	v5 =	vld [tilespmem:$0x50]  }
0x1f: {  	[tilespmem:$0x830] =	vst v0  }
0x20: {  	v0 =	vld.idx.msk [tilespmem:v4+s8+$0x0], $0xffff;
	_ =	sdelay $0x3  }
0x21: {  	v6 =	vld [tilespmem:$0x60]  }
0x22: {  	[tilespmem:$0x840] =	vst v0  }
0x23: {  	v0 =	vld.idx.msk [tilespmem:v5+s8+$0x0], $0xffff;
	_ =	sdelay $0x3  }
0x24: {  	v7 =	vld [tilespmem:$0x70]  }
0x25: {  	[tilespmem:$0x850] =	vst v0  }
0x26: {  	v0 =	vld.idx.msk [tilespmem:v6+s8+$0x0], $0xffff;
	_ =	sdelay $0x3  }
0x27: {  	v8 =	vld [tilespmem:$0x80]  }
0x28: {  	[tilespmem:$0x860] =	vst v0  }
0x29: {  	v0 =	vld.idx.msk [tilespmem:v7+s8+$0x0], $0xffff;
	_ =	sdelay $0x3  }
0x2a: {  	v9 =	vld [tilespmem:$0x90]  }
0x2b: {  	[tilespmem:$0x870] =	vst v0  }
0x2c: {  	v0 =	vld.idx.msk [tilespmem:v8+s8+$0x0], $0xffff;
	_ =	sdelay $0x3  }
0x2d: {  	v10 =	vld [tilespmem:$0xA0]  }
0x2e: {  	[tilespmem:$0x880] =	vst v0  }
0x2f: {  	v0 =	vld.idx.msk [tilespmem:v9+s8+$0x0], $0xffff;
	_ =	sdelay $0x3  }
0x30: {  	v11 =	vld [tilespmem:$0xB0]  }
0x31: {  	[tilespmem:$0x890] =	vst v0  }
0x32: {  	v0 =	vld.idx.msk [tilespmem:v10+s8+$0x0], $0xffff;
	_ =	sdelay $0x3  }
0x33: {  	v12 =	vld [tilespmem:$0xC0]  }
0x34: {  	[tilespmem:$0x8A0] =	vst v0  }
0x35: {  	v0 =	vld.idx.msk [tilespmem:v11+s8+$0x0], $0xffff;
	_ =	sdelay $0x3  }
0x36: {  	v13 =	vld [tilespmem:$0xD0]  }
0x37: {  	[tilespmem:$0x8B0] =	vst v0  }
0x38: {  	v0 =	vld.idx.msk [tilespmem:v12+s8+$0x0], $0xffff;
	_ =	sdelay $0x3  }
0x39: {  	v14 =	vld [tilespmem:$0xE0]  }
0x3a: {  	[tilespmem:$0x8C0] =	vst v0  }
0x3b: {  	v0 =	vld.idx.msk [tilespmem:v13+s8+$0x0], $0xffff;
	_ =	sdelay $0x3  }
0x3c: {  	v15 =	vld [tilespmem:$0xF0]  }
0x3d: {  	[tilespmem:$0x8D0] =	vst v0  }
0x3e: {  	v0 =	vld.idx.msk [tilespmem:v14+s8+$0x0], $0xffff;
	_ =	sdelay $0x3  }
0x3f: {  	v16 =	vld [tilespmem:$0x100]  }
0x40: {  	[tilespmem:$0x8E0] =	vst v0  }
0x41: {  	v0 =	vld.idx.msk [tilespmem:v15+s8+$0x0], $0xffff;
	_ =	sdelay $0x3  }
0x42: {  	v17 =	vld [tilespmem:$0x110]  }
0x43: {  	[tilespmem:$0x8F0] =	vst v0  }
0x44: {  	v0 =	vld.idx.msk [tilespmem:v16+s8+$0x0], $0xffff;
	_ =	sdelay $0x3  }
0x45: {  	v18 =	vld [tilespmem:$0x120]  }
0x46: {  	[tilespmem:$0x900] =	vst v0  }
0x47: {  	v0 =	vld.idx.msk [tilespmem:v17+s8+$0x0], $0xffff;
	_ =	sdelay $0x3  }
0x48: {  	v19 =	vld [tilespmem:$0x130]  }
0x49: {  	[tilespmem:$0x910] =	vst v0  }
0x4a: {  	v0 =	vld.idx.msk [tilespmem:v18+s8+$0x0], $0xffff;
	_ =	sdelay $0x3  }
0x4b: {  	v20 =	vld [tilespmem:$0x140]  }
0x4c: {  	[tilespmem:$0x920] =	vst v0  }
0x4d: {  	v0 =	vld.idx.msk [tilespmem:v19+s8+$0x0], $0xffff;
	_ =	sdelay $0x3  }
0x4e: {  	v21 =	vld [tilespmem:$0x150]  }
0x4f: {  	[tilespmem:$0x930] =	vst v0  }
0x50: {  	v0 =	vld.idx.msk [tilespmem:v20+s8+$0x0], $0xffff;
	_ =	sdelay $0x3  }
0x51: {  	v22 =	vld [tilespmem:$0x160]  }
0x52: {  	[tilespmem:$0x940] =	vst v0  }
0x53: {  	v0 =	vld.idx.msk [tilespmem:v21+s8+$0x0], $0xffff;
	_ =	sdelay $0x3  }
0x54: {  	v23 =	vld [tilespmem:$0x170]  }
0x55: {  	[tilespmem:$0x950] =	vst v0  }
0x56: {  	v0 =	vld.idx.msk [tilespmem:v22+s8+$0x0], $0xffff;
	_ =	sdelay $0x3  }
0x57: {  	v24 =	vld [tilespmem:$0x180]  }
0x58: {  	[tilespmem:$0x960] =	vst v0  }
0x59: {  	v0 =	vld.idx.msk [tilespmem:v23+s8+$0x0], $0xffff;
	_ =	sdelay $0x3  }
0x5a: {  	v25 =	vld [tilespmem:$0x190]  }
0x5b: {  	[tilespmem:$0x970] =	vst v0  }
0x5c: {  	v0 =	vld.idx.msk [tilespmem:v24+s8+$0x0], $0xffff;
	_ =	sdelay $0x3  }
0x5d: {  	v26 =	vld [tilespmem:$0x1A0]  }
0x5e: {  	[tilespmem:$0x980] =	vst v0  }
0x5f: {  	v0 =	vld.idx.msk [tilespmem:v25+s8+$0x0], $0xffff;
	_ =	sdelay $0x3  }
0x60: {  	v27 =	vld [tilespmem:$0x1B0]  }
0x61: {  	[tilespmem:$0x990] =	vst v0  }
0x62: {  	v0 =	vld.idx.msk [tilespmem:v26+s8+$0x0], $0xffff;
	_ =	sdelay $0x3  }
0x63: {  	v28 =	vld [tilespmem:$0x1C0]  }
0x64: {  	[tilespmem:$0x9A0] =	vst v0  }
0x65: {  	v0 =	vld.idx.msk [tilespmem:v27+s8+$0x0], $0xffff;
	_ =	sdelay $0x3  }
0x66: {  	v29 =	vld [tilespmem:$0x1D0]  }
0x67: {  	[tilespmem:$0x9B0] =	vst v0  }
0x68: {  	v0 =	vld.idx.msk [tilespmem:v28+s8+$0x0], $0xffff;
	_ =	sdelay $0x3  }
0x69: {  	v30 =	vld [tilespmem:$0x1E0]  }
0x6a: {  	[tilespmem:$0x9C0] =	vst v0  }
0x6b: {  	v0 =	vld.idx.msk [tilespmem:v29+s8+$0x0], $0xffff;
	_ =	sdelay $0x3  }
0x6c: {  	v31 =	vld [tilespmem:$0x1F0]  }
0x6d: {  	[tilespmem:$0x9D0] =	vst v0  }
0x6e: {  	v0 =	vld.idx.msk [tilespmem:v30+s8+$0x0], $0xffff;
	_ =	sdelay $0x3  }
0x6f: {  	v32 =	vld [tilespmem:$0x200]  }
0x70: {  	[tilespmem:$0x9E0] =	vst v0  }
0x71: {  	v0 =	vld.idx.msk [tilespmem:v31+s8+$0x0], $0xffff;
	_ =	sdelay $0x3  }
0x72: {  	v33 =	vld [tilespmem:$0x210]  }
0x73: {  	[tilespmem:$0x9F0] =	vst v0  }
0x74: {  	v0 =	vld.idx.msk [tilespmem:v32+s8+$0x0], $0xffff;
	_ =	sdelay $0x3  }
0x75: {  	v34 =	vld [tilespmem:$0x220]  }
0x76: {  	[tilespmem:$0xA00] =	vst v0  }
0x77: {  	v0 =	vld.idx.msk [tilespmem:v33+s8+$0x0], $0xffff;
	_ =	sdelay $0x3  }
0x78: {  	v35 =	vld [tilespmem:$0x230]  }
0x79: {  	[tilespmem:$0xA10] =	vst v0  }
0x7a: {  	v0 =	vld.idx.msk [tilespmem:v34+s8+$0x0], $0xffff;
	_ =	sdelay $0x3  }
0x7b: {  	v36 =	vld [tilespmem:$0x240]  }
0x7c: {  	[tilespmem:$0xA20] =	vst v0  }
0x7d: {  	v0 =	vld.idx.msk [tilespmem:v35+s8+$0x0], $0xffff;
	_ =	sdelay $0x3  }
0x7e: {  	v37 =	vld [tilespmem:$0x250]  }
0x7f: {  	[tilespmem:$0xA30] =	vst v0  }
0x80: {  	v0 =	vld.idx.msk [tilespmem:v36+s8+$0x0], $0xffff;
	_ =	sdelay $0x3  }
0x81: {  	v38 =	vld [tilespmem:$0x260]  }
0x82: {  	[tilespmem:$0xA40] =	vst v0  }
0x83: {  	v0 =	vld.idx.msk [tilespmem:v37+s8+$0x0], $0xffff;
	_ =	sdelay $0x3  }
0x84: {  	v39 =	vld [tilespmem:$0x270]  }
0x85: {  	[tilespmem:$0xA50] =	vst v0  }
0x86: {  	v0 =	vld.idx.msk [tilespmem:v38+s8+$0x0], $0xffff;
	_ =	sdelay $0x3  }
0x87: {  	v40 =	vld [tilespmem:$0x280]  }
0x88: {  	[tilespmem:$0xA60] =	vst v0  }
0x89: {  	v0 =	vld.idx.msk [tilespmem:v39+s8+$0x0], $0xffff;
	_ =	sdelay $0x3  }
0x8a: {  	v41 =	vld [tilespmem:$0x290]  }
0x8b: {  	[tilespmem:$0xA70] =	vst v0  }
0x8c: {  	v0 =	vld.idx.msk [tilespmem:v40+s8+$0x0], $0xffff;
	_ =	sdelay $0x3  }
0x8d: {  	v42 =	vld [tilespmem:$0x2A0]  }
0x8e: {  	[tilespmem:$0xA80] =	vst v0  }
0x8f: {  	v0 =	vld.idx.msk [tilespmem:v41+s8+$0x0], $0xffff;
	_ =	sdelay $0x3  }
0x90: {  	v43 =	vld [tilespmem:$0x2B0]  }
0x91: {  	[tilespmem:$0xA90] =	vst v0  }
0x92: {  	v0 =	vld.idx.msk [tilespmem:v42+s8+$0x0], $0xffff;
	_ =	sdelay $0x3  }
0x93: {  	v44 =	vld [tilespmem:$0x2C0]  }
0x94: {  	[tilespmem:$0xAA0] =	vst v0  }
0x95: {  	v0 =	vld.idx.msk [tilespmem:v43+s8+$0x0], $0xffff;
	_ =	sdelay $0x3  }
0x96: {  	v45 =	vld [tilespmem:$0x2D0]  }
0x97: {  	[tilespmem:$0xAB0] =	vst v0  }
0x98: {  	v0 =	vld.idx.msk [tilespmem:v44+s8+$0x0], $0xffff;
	_ =	sdelay $0x3  }
0x99: {  	v46 =	vld [tilespmem:$0x2E0]  }
0x9a: {  	[tilespmem:$0xAC0] =	vst v0  }
0x9b: {  	v0 =	vld.idx.msk [tilespmem:v45+s8+$0x0], $0xffff;
	_ =	sdelay $0x3  }
0x9c: {  	v47 =	vld [tilespmem:$0x2F0]  }
0x9d: {  	[tilespmem:$0xAD0] =	vst v0  }
0x9e: {  	v0 =	vld.idx.msk [tilespmem:v46+s8+$0x0], $0xffff;
	_ =	sdelay $0x3  }
0x9f: {  	v48 =	vld [tilespmem:$0x300]  }
0xa0: {  	[tilespmem:$0xAE0] =	vst v0  }
0xa1: {  	v0 =	vld.idx.msk [tilespmem:v47+s8+$0x0], $0xffff;
	_ =	sdelay $0x3  }
0xa2: {  	v49 =	vld [tilespmem:$0x310]  }
0xa3: {  	[tilespmem:$0xAF0] =	vst v0  }
0xa4: {  	v0 =	vld.idx.msk [tilespmem:v48+s8+$0x0], $0xffff;
	_ =	sdelay $0x3  }
0xa5: {  	v50 =	vld [tilespmem:$0x320]  }
0xa6: {  	[tilespmem:$0xB00] =	vst v0  }
0xa7: {  	v0 =	vld.idx.msk [tilespmem:v49+s8+$0x0], $0xffff;
	_ =	sdelay $0x3  }
0xa8: {  	v51 =	vld [tilespmem:$0x330]  }
0xa9: {  	[tilespmem:$0xB10] =	vst v0  }
0xaa: {  	v0 =	vld.idx.msk [tilespmem:v50+s8+$0x0], $0xffff;
	_ =	sdelay $0x3  }
0xab: {  	v52 =	vld [tilespmem:$0x340]  }
0xac: {  	[tilespmem:$0xB20] =	vst v0  }
0xad: {  	v0 =	vld.idx.msk [tilespmem:v51+s8+$0x0], $0xffff;
	_ =	sdelay $0x3  }
0xae: {  	v53 =	vld [tilespmem:$0x350]  }
0xaf: {  	[tilespmem:$0xB30] =	vst v0  }
0xb0: {  	v0 =	vld.idx.msk [tilespmem:v52+s8+$0x0], $0xffff;
	_ =	sdelay $0x3  }
0xb1: {  	v54 =	vld [tilespmem:$0x360]  }
0xb2: {  	[tilespmem:$0xB40] =	vst v0  }
0xb3: {  	v0 =	vld.idx.msk [tilespmem:v53+s8+$0x0], $0xffff;
	_ =	sdelay $0x3  }
0xb4: {  	v55 =	vld [tilespmem:$0x370]  }
0xb5: {  	[tilespmem:$0xB50] =	vst v0  }
0xb6: {  	v0 =	vld.idx.msk [tilespmem:v54+s8+$0x0], $0xffff;
	_ =	sdelay $0x3  }
0xb7: {  	v56 =	vld [tilespmem:$0x380]  }
0xb8: {  	[tilespmem:$0xB60] =	vst v0  }
0xb9: {  	v0 =	vld.idx.msk [tilespmem:v55+s8+$0x0], $0xffff;
	_ =	sdelay $0x3  }
0xba: {  	v57 =	vld [tilespmem:$0x390]  }
0xbb: {  	[tilespmem:$0xB70] =	vst v0  }
0xbc: {  	v0 =	vld.idx.msk [tilespmem:v56+s8+$0x0], $0xffff;
	_ =	sdelay $0x3  }
0xbd: {  	v58 =	vld [tilespmem:$0x3A0]  }
0xbe: {  	[tilespmem:$0xB80] =	vst v0  }
0xbf: {  	v0 =	vld.idx.msk [tilespmem:v57+s8+$0x0], $0xffff;
	_ =	sdelay $0x3  }
0xc0: {  	v59 =	vld [tilespmem:$0x3B0]  }
0xc1: {  	[tilespmem:$0xB90] =	vst v0  }
0xc2: {  	v0 =	vld.idx.msk [tilespmem:v58+s8+$0x0], $0xffff;
	_ =	sdelay $0x3  }
0xc3: {  	v60 =	vld [tilespmem:$0x3C0]  }
0xc4: {  	[tilespmem:$0xBA0] =	vst v0  }
0xc5: {  	v0 =	vld.idx.msk [tilespmem:v59+s8+$0x0], $0xffff;
	_ =	sdelay $0x3  }
0xc6: {  	v61 =	vld [tilespmem:$0x3D0]  }
0xc7: {  	[tilespmem:$0xBB0] =	vst v0  }
0xc8: {  	v0 =	vld.idx.msk [tilespmem:v60+s8+$0x0], $0xffff;
	_ =	sdelay $0x3  }
0xc9: {  	v62 =	vld [tilespmem:$0x3E0]  }
0xca: {  	[tilespmem:$0xBC0] =	vst v0  }
0xcb: {  	v0 =	vld.idx.msk [tilespmem:v61+s8+$0x0], $0xffff;
	_ =	sdelay $0x3  }
0xcc: {  	v63 =	vld [tilespmem:$0x3F0]  }
0xcd: {  	[tilespmem:$0xBD0] =	vst v0  }
0xce: {  	v0 =	vld.idx.msk [tilespmem:v62+s8+$0x0], $0xffff;
	_ =	sdelay $0x4  }
0xcf: {  	[tilespmem:$0xBE0] =	vst v0  }
0xd0: {  	v0 =	vld.idx.msk [tilespmem:v63+s8+$0x0], $0xffff;
	_ =	sdelay $0x3  }
0xd1: {  	p0 =	sne.s32 s6, $0x1  }
.Ltmp0:
0xd2: {  	[tilespmem:$0xBF0] =	vst v0;
	(pc) =	sbr.rel @p0 .LBB2_1-.Ltmp0, $4  }
0xd3: {  	[hbm4b:s5+s2] =	stream.linear.scatter [tilespmem:s9], [sflag:$0x1], $0x400, $0x38;
	[tilespmem:$0xC00] =	vst v63  }
0xd4: {  	_ =	swait.ge [sflag:s7], $0x400  }
0xd5: {  	[sflag:s7] =	ssyncset.done $0x0  }
0xd6: {  	s6 =	sadd.s32 $0xFFFFFFFF, s6;
	[sflag:s7] =	ssyncadd.s32 $0xFFFFFC00  }
0xd7: {  	_ =	sfence.sel $0x180000  }
0xd8: {  	[bflag:$0x0] =	sbarrier.arrive $0xFFFF  }
0xd9: {  	p0 =	sne.s32 s1, $0x0;
	_ =	strace $0x9000004A  }
0xda: {  	s0 =	sadd.s32 @!p0 $0x100000, s0;
	[bflag:$0x2] =	sbarrier.arrive $0xFFFF  }
0xdb: {  	[sflag:s0] =	ssyncadd.tile.s32 @!p0 $0x1;
	_ =	shalt  }
.Lfunc_end2:
_tile_overlayer_lowered:
.L_overlay_start_2:
0xdc: {  	(tag) =	ssettag $0x2  }
0xdd: {  	s0 =	rddreg [dreg:$0x0];
	s2 =	stileid.u32  }
0xde: {  	s1 =	rddreg [dreg:$0x1];
	p0 =	sne.s32 s2, $0x0  }
0xdf: {  	s3 =	rddreg [dreg:$0x2];
	[bflag:$0x3] =	sbarrier.arrive $0xFFFF;
	s2 =	simm.s32 @!p0 $0x1C01  }
0xe0: {  	[timem:s3], [sflag:s2] =	dma.local @!p0 [hbm:s0], s1  }
0xe1: {  	s0 =	simm.s32 @!p0 $0x1  }
0xe2: {  	_ =	swait.ge @!p0 [sflag:s0], s1  }
0xe3: {  	s1 =	ssub.s32 @!p0 $0x0, s1;
	[sflag:s0] =	ssyncset.done @!p0 $0x0  }
0xe4: {  	[sflag:s0] =	ssyncadd.s32 @!p0 s1  }
0xe5: {  	[bflag:$0x3] =	sbarrier.arrive $0xFFFF  }
0xe6: {  	_ =	shalt  }

</sc_bundles>
